<compile_context>
chip_gen: v7x
topology: tpu7x:2x2x1
jax: 0.10.2.dev20260603
libtpu: 0.0.44.dev20260713+nightly
codegen_flags: <defaults>
</compile_context>

<pallas_src>
import functools

import jax
import jax.numpy as jnp
from jax import lax
from jax.experimental import pallas as pl
from jax.experimental.pallas import tpu as pltpu
from jax.experimental.pallas import tpu_sc as plsc

N_NODES = 10000
D = 128
E = 320000
LANES = 16
CHUNK = 128
GROUPS = CHUNK // LANES
NW = 32
E_PAD = 327680
N_ROWS = E_PAD // CHUNK
RPW = N_ROWS // NW


def _rsqrt_nr(p):
    i = lax.bitcast_convert_type(p, jnp.int32)
    i = jnp.int32(0x5F3759DF) - jnp.right_shift(i, jnp.full((LANES,), 1, jnp.int32))
    y = lax.bitcast_convert_type(i, jnp.float32)
    for _ in range(4):
        y = y * (jnp.float32(1.5) - jnp.float32(0.5) * p * y * y)
    return y


def _make_sc_kernel():
    mesh = plsc.VectorSubcoreMesh(core_axis_name="c", subcore_axis_name="s")

    @functools.partial(
        pl.kernel,
        mesh=mesh,
        compiler_params=pltpu.CompilerParams(needs_layout_passes=False),
        out_type=[
            jax.ShapeDtypeStruct((N_ROWS, CHUNK), jnp.float32),
            jax.ShapeDtypeStruct((N_ROWS, CHUNK), jnp.float32),
        ],
        scratch_types=[
            pltpu.VMEM((RPW, CHUNK), jnp.int32),
            pltpu.VMEM((RPW, CHUNK), jnp.int32),
            pltpu.VMEM((CHUNK, D), jnp.float32),
            pltpu.VMEM((CHUNK, D), jnp.float32),
            pltpu.VMEM((RPW, CHUNK), jnp.float32),
            pltpu.SemaphoreType.DMA,
            pltpu.SemaphoreType.DMA,
        ],
    )
    def link_pred(h_hbm, rs_hbm, rd_hbm, ns_hbm, nd_hbm,
                  out_r_hbm, out_n_hbm,
                  sidx, didx, srow, drow, outv, sem_s, sem_d):
        wid = lax.axis_index("s") * 2 + lax.axis_index("c")
        base = wid * RPW

        for s_hbm, d_hbm, o_hbm in ((rs_hbm, rd_hbm, out_r_hbm),
                                    (ns_hbm, nd_hbm, out_n_hbm)):
            pltpu.sync_copy(s_hbm.at[pl.ds(base, RPW)], sidx)
            pltpu.sync_copy(d_hbm.at[pl.ds(base, RPW)], didx)

            def chunk_body(k, _):
                cs = pltpu.async_copy(h_hbm.at[sidx.at[k]], srow, sem_s)
                cd = pltpu.async_copy(h_hbm.at[didx.at[k]], drow, sem_d)
                cs.wait()
                cd.wait()

                lane = lax.iota(jnp.int32, LANES)

                def group_body(g, _):
                    dotv = jnp.zeros((LANES,), jnp.float32)
                    av = jnp.zeros((LANES,), jnp.float32)
                    bv = jnp.zeros((LANES,), jnp.float32)
                    for u in range(LANES):
                        e = g * jnp.int32(LANES) + jnp.int32(u)
                        num = jnp.zeros((LANES,), jnp.float32)
                        na = jnp.zeros((LANES,), jnp.float32)
                        nb = jnp.zeros((LANES,), jnp.float32)
                        for b in range(D // LANES):
                            s = srow[e, pl.ds(b * LANES, LANES)]
                            t = drow[e, pl.ds(b * LANES, LANES)]
                            num = num + s * t
                            na = na + s * s
                            nb = nb + t * t
                        m = lane == jnp.int32(u)
                        dotv = jnp.where(m, jnp.full((LANES,), jnp.sum(num)), dotv)
                        av = jnp.where(m, jnp.full((LANES,), jnp.sum(na)), av)
                        bv = jnp.where(m, jnp.full((LANES,), jnp.sum(nb)), bv)
                    p = av * bv
                    eps2 = jnp.float32(1e-12)
                    sim = jnp.where(p < eps2,
                                    dotv * jnp.float32(1e6),
                                    dotv * _rsqrt_nr(p))
                    outv[k, pl.ds(g * LANES, LANES)] = sim
                    return 0

                lax.fori_loop(0, GROUPS, group_body, 0)
                return 0

            lax.fori_loop(0, RPW, chunk_body, 0)
            pltpu.sync_copy(outv, o_hbm.at[pl.ds(base, RPW)])

    return link_pred


_sc_kernel = _make_sc_kernel()


def kernel(H_t, real_edges_t, negative_edges_t):
    pad = E_PAD - E
    def prep(v):
        return jnp.pad(v, (0, pad)).reshape(N_ROWS, CHUNK)
    rs = prep(real_edges_t[0])
    rd = prep(real_edges_t[1])
    ns = prep(negative_edges_t[0])
    nd = prep(negative_edges_t[1])
    out_r, out_n = _sc_kernel(H_t, rs, rd, ns, nd)
    return out_r.reshape(-1)[:E], out_n.reshape(-1)[:E]

# --- scband reference (transcript-rebuilt; emitter-appended) ---
"""Pipeline reference for scband-link-predictor-75239237091510 (READ-ONLY COPY).

The authoritative reference and input builder live on the scoring server;
editing this copy changes nothing except your own understanding.
"""

import jax, jax.numpy as jnp
import numpy as np

N = 10000
D = 128
E = 320000


def setup_inputs(seed: int = 0) -> dict:
    key = jax.random.key(seed)
    k1, k2, k3 = jax.random.split(key, 3)
    H_t = jax.random.normal(k1, (N, D), dtype=jnp.float32)
    real_edges_t = jax.random.randint(k2, (2, E), 0, N, dtype=jnp.int32)
    negative_edges_t = jax.random.randint(k3, (2, E), 0, N, dtype=jnp.int32)
    return {"H_t": H_t, "real_edges_t": real_edges_t, "negative_edges_t": negative_edges_t}


def _cosine_sim(a, b, eps=1e-6):
    # matches torch.nn.CosineSimilarity(dim=1, eps=1e-6):
    # sim = (a . b) / max(||a||_2 * ||b||_2, eps)
    num = jnp.sum(a * b, axis=1)
    na = jnp.sqrt(jnp.sum(a * a, axis=1))
    nb = jnp.sqrt(jnp.sum(b * b, axis=1))
    den = jnp.maximum(na * nb, eps)
    return num / den


def reference(H_t, real_edges_t, negative_edges_t):
    # non-parametric branch (args=None): cosine similarity over gathered node embeddings
    real_src = jnp.take(H_t, real_edges_t[0], axis=0)
    real_dst = jnp.take(H_t, real_edges_t[1], axis=0)
    neg_src = jnp.take(H_t, negative_edges_t[0], axis=0)
    neg_dst = jnp.take(H_t, negative_edges_t[1], axis=0)
    real_sim = _cosine_sim(real_src, real_dst)
    ns_sim = _cosine_sim(neg_src, neg_dst)
    return (real_sim, ns_sim)

if __name__ == "__main__":
    import jax
    _d = setup_inputs()
    print(jax.jit(kernel)(*tuple(_d.values())))

</pallas_src>

<mosaic_0001>
#map = affine_map<(d0, d1) -> (0, 0)>
module attributes {stable_mosaic.version = 14 : i64} {
  func.func @link_pred(%arg0: i32, %arg1: i32, %arg2: memref<10000x128xf32, #tpu.memory_space<hbm>>, %arg3: memref<2560x128xi32, #tpu.memory_space<hbm>>, %arg4: memref<2560x128xi32, #tpu.memory_space<hbm>>, %arg5: memref<2560x128xi32, #tpu.memory_space<hbm>>, %arg6: memref<2560x128xi32, #tpu.memory_space<hbm>>, %arg7: memref<2560x128xf32, #tpu.memory_space<hbm>>, %arg8: memref<2560x128xf32, #tpu.memory_space<hbm>>, %arg9: memref<80x128xi32, #tpu.memory_space<vmem>>, %arg10: memref<80x128xi32, #tpu.memory_space<vmem>>, %arg11: memref<128x128xf32, #tpu.memory_space<vmem>>, %arg12: memref<128x128xf32, #tpu.memory_space<vmem>>, %arg13: memref<80x128xf32, #tpu.memory_space<vmem>>, %arg14: memref<!tpu.dma_semaphore, #tpu.memory_space<semaphore_mem>>, %arg15: memref<!tpu.dma_semaphore, #tpu.memory_space<semaphore_mem>>) attributes {dimension_semantics = [#tpu.dimension_semantics<core_parallel>, #tpu.dimension_semantics<subcore_parallel>], iteration_bounds = array<i64: 2, 16>, scalar_prefetch = 0 : i64, scratch_operands = 7 : i64, tpu.core_type = #tpu.core_type<sc_vector_subcore>, window_params = [{transform_indices = #map}, {transform_indices = #map}, {transform_indices = #map}, {transform_indices = #map}, {transform_indices = #map}, {transform_indices = #map}, {transform_indices = #map}]} {
    %mul3A = arith.constant 2 : i32
    %mul3A_0 = arith.muli %arg1, %mul3A : i32
    %add3A = arith.addi %mul3A_0, %arg0 : i32
    %mul3A_1 = arith.constant 80 : i32
    %mul3A_2 = arith.muli %add3A, %mul3A_1 : i32
    "tpu.region"() ({
      %run_scoped3A = tpu.sem_alloc : memref<!tpu.dma_semaphore, #tpu.memory_space<semaphore_mem>>
      %dma_start3A = arith.constant 0 : i32
      %dma_start3A_16 = tpu.memref_slice %arg3[%mul3A_2, %dma_start3A] : memref<2560x128xi32, #tpu.memory_space<hbm>> -> memref<80x128xi32, #tpu.memory_space<hbm>>
      %dma_start3A_17 = arith.constant 0 : i32
      %dma_start3A_18 = tpu.memref_slice %arg3[%mul3A_2, %dma_start3A_17] : memref<2560x128xi32, #tpu.memory_space<hbm>> -> memref<80x128xi32, #tpu.memory_space<hbm>>
      tpu.enqueue_dma source(%dma_start3A_18 : memref<80x128xi32, #tpu.memory_space<hbm>>) target(%arg9 : memref<80x128xi32, #tpu.memory_space<vmem>>) target_semaphore(%run_scoped3A : memref<!tpu.dma_semaphore, #tpu.memory_space<semaphore_mem>>)
      %dma_wait3A = arith.constant 0 : i32
      %dma_wait3A_19 = tpu.memref_slice %arg3[%mul3A_2, %dma_wait3A] : memref<2560x128xi32, #tpu.memory_space<hbm>> -> memref<80x128xi32, #tpu.memory_space<hbm>>
      %dma_wait3A_20 = arith.constant 0 : i32
      %dma_wait3A_21 = tpu.memref_slice %arg3[%mul3A_2, %dma_wait3A_20] : memref<2560x128xi32, #tpu.memory_space<hbm>> -> memref<80x128xi32, #tpu.memory_space<hbm>>
      tpu.wait_dma2 semaphore(%run_scoped3A : memref<!tpu.dma_semaphore, #tpu.memory_space<semaphore_mem>>) src(%dma_wait3A_21 : memref<80x128xi32, #tpu.memory_space<hbm>>) dst(%arg9 : memref<80x128xi32, #tpu.memory_space<vmem>>)
      tpu.yield
    }) : () -> ()
    "tpu.region"() ({
      %run_scoped3A = tpu.sem_alloc : memref<!tpu.dma_semaphore, #tpu.memory_space<semaphore_mem>>
      %dma_start3A = arith.constant 0 : i32
      %dma_start3A_16 = tpu.memref_slice %arg4[%mul3A_2, %dma_start3A] : memref<2560x128xi32, #tpu.memory_space<hbm>> -> memref<80x128xi32, #tpu.memory_space<hbm>>
      %dma_start3A_17 = arith.constant 0 : i32
      %dma_start3A_18 = tpu.memref_slice %arg4[%mul3A_2, %dma_start3A_17] : memref<2560x128xi32, #tpu.memory_space<hbm>> -> memref<80x128xi32, #tpu.memory_space<hbm>>
      tpu.enqueue_dma source(%dma_start3A_18 : memref<80x128xi32, #tpu.memory_space<hbm>>) target(%arg10 : memref<80x128xi32, #tpu.memory_space<vmem>>) target_semaphore(%run_scoped3A : memref<!tpu.dma_semaphore, #tpu.memory_space<semaphore_mem>>)
      %dma_wait3A = arith.constant 0 : i32
      %dma_wait3A_19 = tpu.memref_slice %arg4[%mul3A_2, %dma_wait3A] : memref<2560x128xi32, #tpu.memory_space<hbm>> -> memref<80x128xi32, #tpu.memory_space<hbm>>
      %dma_wait3A_20 = arith.constant 0 : i32
      %dma_wait3A_21 = tpu.memref_slice %arg4[%mul3A_2, %dma_wait3A_20] : memref<2560x128xi32, #tpu.memory_space<hbm>> -> memref<80x128xi32, #tpu.memory_space<hbm>>
      tpu.wait_dma2 semaphore(%run_scoped3A : memref<!tpu.dma_semaphore, #tpu.memory_space<semaphore_mem>>) src(%dma_wait3A_21 : memref<80x128xi32, #tpu.memory_space<hbm>>) dst(%arg10 : memref<80x128xi32, #tpu.memory_space<vmem>>)
      tpu.yield
    }) : () -> ()
    %scan3A = arith.constant 0 : i32
    %scan3A_3 = arith.constant 0 : i32
    %scan3A_4 = arith.constant 80 : i32
    %scan3A_5 = arith.addi %scan3A_3, %scan3A_4 : i32
    %scan3A_6 = arith.constant 1 : i32
    %scan3A_7 = scf.for %scan3A_16 = %scan3A_3 to %scan3A_5 step %scan3A_6 iter_args(%scan3A_17 = %scan3A) -> (i32)  : i32 {
      %dma_start3A = arith.constant 0 : i32
      %dma_start3A_18 = tpu.memref_slice %arg9[%scan3A_16, %dma_start3A] : memref<80x128xi32, #tpu.memory_space<vmem>> -> memref<1x128xi32, #tpu.memory_space<vmem>>
      %dma_start3A_19 = tpu.memref_squeeze %dma_start3A_18 : memref<1x128xi32, #tpu.memory_space<vmem>> -> memref<128xi32, #tpu.memory_space<vmem>>
      %dma_start3A_20 = arith.constant 0 : i32
      %dma_start3A_21 = arith.constant 0 : i32
      %dma_start3A_22 = tpu.memref_slice %arg2[%dma_start3A_20, %dma_start3A_21] : memref<10000x128xf32, #tpu.memory_space<hbm>> -> memref<10000x128xf32, #tpu.memory_space<hbm>>
      tpu.enqueue_indirect_dma source(%dma_start3A_22 : memref<10000x128xf32, #tpu.memory_space<hbm>>) target(%arg11 : memref<128x128xf32, #tpu.memory_space<vmem>>) offsets(%dma_start3A_19 : memref<128xi32, #tpu.memory_space<vmem>>) semaphore(%arg14 : memref<!tpu.dma_semaphore, #tpu.memory_space<semaphore_mem>>)
      %dma_start3A_23 = arith.constant 0 : i32
      %dma_start3A_24 = tpu.memref_slice %arg10[%scan3A_16, %dma_start3A_23] : memref<80x128xi32, #tpu.memory_space<vmem>> -> memref<1x128xi32, #tpu.memory_space<vmem>>
      %dma_start3A_25 = tpu.memref_squeeze %dma_start3A_24 : memref<1x128xi32, #tpu.memory_space<vmem>> -> memref<128xi32, #tpu.memory_space<vmem>>
      %dma_start3A_26 = arith.constant 0 : i32
      %dma_start3A_27 = arith.constant 0 : i32
      %dma_start3A_28 = tpu.memref_slice %arg2[%dma_start3A_26, %dma_start3A_27] : memref<10000x128xf32, #tpu.memory_space<hbm>> -> memref<10000x128xf32, #tpu.memory_space<hbm>>
      tpu.enqueue_indirect_dma source(%dma_start3A_28 : memref<10000x128xf32, #tpu.memory_space<hbm>>) target(%arg12 : memref<128x128xf32, #tpu.memory_space<vmem>>) offsets(%dma_start3A_25 : memref<128xi32, #tpu.memory_space<vmem>>) semaphore(%arg15 : memref<!tpu.dma_semaphore, #tpu.memory_space<semaphore_mem>>)
      %dma_wait3A = arith.constant 0 : i32
      %dma_wait3A_29 = tpu.memref_slice %arg9[%scan3A_16, %dma_wait3A] : memref<80x128xi32, #tpu.memory_space<vmem>> -> memref<1x128xi32, #tpu.memory_space<vmem>>
      %dma_wait3A_30 = tpu.memref_squeeze %dma_wait3A_29 : memref<1x128xi32, #tpu.memory_space<vmem>> -> memref<128xi32, #tpu.memory_space<vmem>>
      %dma_wait3A_31 = arith.constant 0 : i32
      %dma_wait3A_32 = arith.constant 0 : i32
      %dma_wait3A_33 = tpu.memref_slice %arg2[%dma_wait3A_31, %dma_wait3A_32] : memref<10000x128xf32, #tpu.memory_space<hbm>> -> memref<10000x128xf32, #tpu.memory_space<hbm>>
      tpu.wait_indirect_dma semaphore(%arg14 : memref<!tpu.dma_semaphore, #tpu.memory_space<semaphore_mem>>) src(%dma_wait3A_33 : memref<10000x128xf32, #tpu.memory_space<hbm>>) dst(%arg11 : memref<128x128xf32, #tpu.memory_space<vmem>>)
      %dma_wait3A_34 = arith.constant 0 : i32
      %dma_wait3A_35 = tpu.memref_slice %arg10[%scan3A_16, %dma_wait3A_34] : memref<80x128xi32, #tpu.memory_space<vmem>> -> memref<1x128xi32, #tpu.memory_space<vmem>>
      %dma_wait3A_36 = tpu.memref_squeeze %dma_wait3A_35 : memref<1x128xi32, #tpu.memory_space<vmem>> -> memref<128xi32, #tpu.memory_space<vmem>>
      %dma_wait3A_37 = arith.constant 0 : i32
      %dma_wait3A_38 = arith.constant 0 : i32
      %dma_wait3A_39 = tpu.memref_slice %arg2[%dma_wait3A_37, %dma_wait3A_38] : memref<10000x128xf32, #tpu.memory_space<hbm>> -> memref<10000x128xf32, #tpu.memory_space<hbm>>
      tpu.wait_indirect_dma semaphore(%arg15 : memref<!tpu.dma_semaphore, #tpu.memory_space<semaphore_mem>>) src(%dma_wait3A_39 : memref<10000x128xf32, #tpu.memory_space<hbm>>) dst(%arg12 : memref<128x128xf32, #tpu.memory_space<vmem>>)
      %iota3A = tpu.iota {dimensions = array<i32: 0>} : vector<16xi32>
      %scan3A_40 = arith.constant 0 : i32
      %scan3A_41 = arith.constant 0 : i32
      %scan3A_42 = arith.constant 8 : i32
      %scan3A_43 = arith.addi %scan3A_41, %scan3A_42 : i32
      %scan3A_44 = arith.constant 1 : i32
      %scan3A_45 = scf.for %scan3A_48 = %scan3A_41 to %scan3A_43 step %scan3A_44 iter_args(%scan3A_49 = %scan3A_40) -> (i32)  : i32 {
        %broadcast_in_dim3A = arith.constant 0.000000e+00 : f32
        %broadcast_in_dim3A_50 = vector.broadcast %broadcast_in_dim3A : f32 to vector<16xf32>
        %broadcast_in_dim3A_51 = arith.constant 0.000000e+00 : f32
        %broadcast_in_dim3A_52 = vector.broadcast %broadcast_in_dim3A_51 : f32 to vector<16xf32>
        %broadcast_in_dim3A_53 = arith.constant 0.000000e+00 : f32
        %broadcast_in_dim3A_54 = vector.broadcast %broadcast_in_dim3A_53 : f32 to vector<16xf32>
        %mul3A_55 = arith.constant 16 : i32
        %mul3A_56 = arith.muli %scan3A_48, %mul3A_55 : i32
        %add3A_57 = arith.constant 0 : i32
        %add3A_58 = arith.addi %mul3A_56, %add3A_57 : i32
        %broadcast_in_dim3A_59 = arith.constant 0.000000e+00 : f32
        %broadcast_in_dim3A_60 = vector.broadcast %broadcast_in_dim3A_59 : f32 to vector<16xf32>
        %broadcast_in_dim3A_61 = arith.constant 0.000000e+00 : f32
        %broadcast_in_dim3A_62 = vector.broadcast %broadcast_in_dim3A_61 : f32 to vector<16xf32>
        %broadcast_in_dim3A_63 = arith.constant 0.000000e+00 : f32
        %broadcast_in_dim3A_64 = vector.broadcast %broadcast_in_dim3A_63 : f32 to vector<16xf32>
        %get3A = arith.index_cast %add3A_58 : i32 to index
        %get3A_65 = arith.constant 0 : index
        %get3A_66 = tpu.vector_load %arg11[%get3A, %get3A_65] {strides = array<i32>} : memref<128x128xf32, #tpu.memory_space<vmem>>, vector<16xf32>,
        %get3A_67 = arith.index_cast %add3A_58 : i32 to index
        %get3A_68 = arith.constant 0 : index
        %get3A_69 = tpu.vector_load %arg12[%get3A_67, %get3A_68] {strides = array<i32>} : memref<128x128xf32, #tpu.memory_space<vmem>>, vector<16xf32>,
        %mul3A_70 = arith.mulf %get3A_66, %get3A_69 : vector<16xf32>
        %add3A_71 = arith.addf %broadcast_in_dim3A_60, %mul3A_70 : vector<16xf32>
        %mul3A_72 = arith.mulf %get3A_66, %get3A_66 : vector<16xf32>
        %add3A_73 = arith.addf %broadcast_in_dim3A_62, %mul3A_72 : vector<16xf32>
        %mul3A_74 = arith.mulf %get3A_69, %get3A_69 : vector<16xf32>
        %add3A_75 = arith.addf %broadcast_in_dim3A_64, %mul3A_74 : vector<16xf32>
        %get3A_76 = arith.index_cast %add3A_58 : i32 to index
        %get3A_77 = arith.constant 16 : index
        %get3A_78 = tpu.vector_load %arg11[%get3A_76, %get3A_77] {strides = array<i32>} : memref<128x128xf32, #tpu.memory_space<vmem>>, vector<16xf32>,
        %get3A_79 = arith.index_cast %add3A_58 : i32 to index
        %get3A_80 = arith.constant 16 : index
        %get3A_81 = tpu.vector_load %arg12[%get3A_79, %get3A_80] {strides = array<i32>} : memref<128x128xf32, #tpu.memory_space<vmem>>, vector<16xf32>,
        %mul3A_82 = arith.mulf %get3A_78, %get3A_81 : vector<16xf32>
        %add3A_83 = arith.addf %add3A_71, %mul3A_82 : vector<16xf32>
        %mul3A_84 = arith.mulf %get3A_78, %get3A_78 : vector<16xf32>
        %add3A_85 = arith.addf %add3A_73, %mul3A_84 : vector<16xf32>
        %mul3A_86 = arith.mulf %get3A_81, %get3A_81 : vector<16xf32>
        %add3A_87 = arith.addf %add3A_75, %mul3A_86 : vector<16xf32>
        %get3A_88 = arith.index_cast %add3A_58 : i32 to index
        %get3A_89 = arith.constant 32 : index
        %get3A_90 = tpu.vector_load %arg11[%get3A_88, %get3A_89] {strides = array<i32>} : memref<128x128xf32, #tpu.memory_space<vmem>>, vector<16xf32>,
        %get3A_91 = arith.index_cast %add3A_58 : i32 to index
        %get3A_92 = arith.constant 32 : index
        %get3A_93 = tpu.vector_load %arg12[%get3A_91, %get3A_92] {strides = array<i32>} : memref<128x128xf32, #tpu.memory_space<vmem>>, vector<16xf32>,
        %mul3A_94 = arith.mulf %get3A_90, %get3A_93 : vector<16xf32>
        %add3A_95 = arith.addf %add3A_83, %mul3A_94 : vector<16xf32>
        %mul3A_96 = arith.mulf %get3A_90, %get3A_90 : vector<16xf32>
        %add3A_97 = arith.addf %add3A_85, %mul3A_96 : vector<16xf32>
        %mul3A_98 = arith.mulf %get3A_93, %get3A_93 : vector<16xf32>
        %add3A_99 = arith.addf %add3A_87, %mul3A_98 : vector<16xf32>
        %get3A_100 = arith.index_cast %add3A_58 : i32 to index
        %get3A_101 = arith.constant 48 : index
        %get3A_102 = tpu.vector_load %arg11[%get3A_100, %get3A_101] {strides = array<i32>} : memref<128x128xf32, #tpu.memory_space<vmem>>, vector<16xf32>,
        %get3A_103 = arith.index_cast %add3A_58 : i32 to index
        %get3A_104 = arith.constant 48 : index
        %get3A_105 = tpu.vector_load %arg12[%get3A_103, %get3A_104] {strides = array<i32>} : memref<128x128xf32, #tpu.memory_space<vmem>>, vector<16xf32>,
        %mul3A_106 = arith.mulf %get3A_102, %get3A_105 : vector<16xf32>
        %add3A_107 = arith.addf %add3A_95, %mul3A_106 : vector<16xf32>
        %mul3A_108 = arith.mulf %get3A_102, %get3A_102 : vector<16xf32>
        %add3A_109 = arith.addf %add3A_97, %mul3A_108 : vector<16xf32>
        %mul3A_110 = arith.mulf %get3A_105, %get3A_105 : vector<16xf32>
        %add3A_111 = arith.addf %add3A_99, %mul3A_110 : vector<16xf32>
        %get3A_112 = arith.index_cast %add3A_58 : i32 to index
        %get3A_113 = arith.constant 64 : index
        %get3A_114 = tpu.vector_load %arg11[%get3A_112, %get3A_113] {strides = array<i32>} : memref<128x128xf32, #tpu.memory_space<vmem>>, vector<16xf32>,
        %get3A_115 = arith.index_cast %add3A_58 : i32 to index
        %get3A_116 = arith.constant 64 : index
        %get3A_117 = tpu.vector_load %arg12[%get3A_115, %get3A_116] {strides = array<i32>} : memref<128x128xf32, #tpu.memory_space<vmem>>, vector<16xf32>,
        %mul3A_118 = arith.mulf %get3A_114, %get3A_117 : vector<16xf32>
        %add3A_119 = arith.addf %add3A_107, %mul3A_118 : vector<16xf32>
        %mul3A_120 = arith.mulf %get3A_114, %get3A_114 : vector<16xf32>
        %add3A_121 = arith.addf %add3A_109, %mul3A_120 : vector<16xf32>
        %mul3A_122 = arith.mulf %get3A_117, %get3A_117 : vector<16xf32>
        %add3A_123 = arith.addf %add3A_111, %mul3A_122 : vector<16xf32>
        %get3A_124 = arith.index_cast %add3A_58 : i32 to index
        %get3A_125 = arith.constant 80 : index
        %get3A_126 = tpu.vector_load %arg11[%get3A_124, %get3A_125] {strides = array<i32>} : memref<128x128xf32, #tpu.memory_space<vmem>>, vector<16xf32>,
        %get3A_127 = arith.index_cast %add3A_58 : i32 to index
        %get3A_128 = arith.constant 80 : index
        %get3A_129 = tpu.vector_load %arg12[%get3A_127, %get3A_128] {strides = array<i32>} : memref<128x128xf32, #tpu.memory_space<vmem>>, vector<16xf32>,
        %mul3A_130 = arith.mulf %get3A_126, %get3A_129 : vector<16xf32>
        %add3A_131 = arith.addf %add3A_119, %mul3A_130 : vector<16xf32>
        %mul3A_132 = arith.mulf %get3A_126, %get3A_126 : vector<16xf32>
        %add3A_133 = arith.addf %add3A_121, %mul3A_132 : vector<16xf32>
        %mul3A_134 = arith.mulf %get3A_129, %get3A_129 : vector<16xf32>
        %add3A_135 = arith.addf %add3A_123, %mul3A_134 : vector<16xf32>
        %get3A_136 = arith.index_cast %add3A_58 : i32 to index
        %get3A_137 = arith.constant 96 : index
        %get3A_138 = tpu.vector_load %arg11[%get3A_136, %get3A_137] {strides = array<i32>} : memref<128x128xf32, #tpu.memory_space<vmem>>, vector<16xf32>,
        %get3A_139 = arith.index_cast %add3A_58 : i32 to index
        %get3A_140 = arith.constant 96 : index
        %get3A_141 = tpu.vector_load %arg12[%get3A_139, %get3A_140] {strides = array<i32>} : memref<128x128xf32, #tpu.memory_space<vmem>>, vector<16xf32>,
        %mul3A_142 = arith.mulf %get3A_138, %get3A_141 : vector<16xf32>
        %add3A_143 = arith.addf %add3A_131, %mul3A_142 : vector<16xf32>
        %mul3A_144 = arith.mulf %get3A_138, %get3A_138 : vector<16xf32>
        %add3A_145 = arith.addf %add3A_133, %mul3A_144 : vector<16xf32>
        %mul3A_146 = arith.mulf %get3A_141, %get3A_141 : vector<16xf32>
        %add3A_147 = arith.addf %add3A_135, %mul3A_146 : vector<16xf32>
        %get3A_148 = arith.index_cast %add3A_58 : i32 to index
        %get3A_149 = arith.constant 112 : index
        %get3A_150 = tpu.vector_load %arg11[%get3A_148, %get3A_149] {strides = array<i32>} : memref<128x128xf32, #tpu.memory_space<vmem>>, vector<16xf32>,
        %get3A_151 = arith.index_cast %add3A_58 : i32 to index
        %get3A_152 = arith.constant 112 : index
        %get3A_153 = tpu.vector_load %arg12[%get3A_151, %get3A_152] {strides = array<i32>} : memref<128x128xf32, #tpu.memory_space<vmem>>, vector<16xf32>,
        %mul3A_154 = arith.mulf %get3A_150, %get3A_153 : vector<16xf32>
        %add3A_155 = arith.addf %add3A_143, %mul3A_154 : vector<16xf32>
        %mul3A_156 = arith.mulf %get3A_150, %get3A_150 : vector<16xf32>
        %add3A_157 = arith.addf %add3A_145, %mul3A_156 : vector<16xf32>
        %mul3A_158 = arith.mulf %get3A_153, %get3A_153 : vector<16xf32>
        %add3A_159 = arith.addf %add3A_147, %mul3A_158 : vector<16xf32>
        %eq3A = arith.constant 0 : i32
        %eq3A_160 = vector.broadcast %eq3A : i32 to vector<16xi32>
        %eq3A_161 = arith.cmpi eq, %iota3A, %eq3A_160 : vector<16xi32>
        %reduce_sum3A = arith.constant true
        %reduce_sum3A_162 = vector.broadcast %reduce_sum3A : i1 to vector<16xi1>
        %reduce_sum3A_163 = tpu.scan <sum>, %add3A_155 masked %reduce_sum3A_162 : vector<16xf32>, vector<16xi1> -> vector<16xf32>
        %reduce_sum3A_164 = vector.extract %reduce_sum3A_163[15] : f32 from vector<16xf32>
        %broadcast_in_dim3A_165 = vector.broadcast %reduce_sum3A_164 : f32 to vector<16xf32>
        %select_n3A = arith.select %eq3A_161, %broadcast_in_dim3A_165, %broadcast_in_dim3A_50 : vector<16xi1>, vector<16xf32>
        %reduce_sum3A_166 = arith.constant true
        %reduce_sum3A_167 = vector.broadcast %reduce_sum3A_166 : i1 to vector<16xi1>
        %reduce_sum3A_168 = tpu.scan <sum>, %add3A_157 masked %reduce_sum3A_167 : vector<16xf32>, vector<16xi1> -> vector<16xf32>
        %reduce_sum3A_169 = vector.extract %reduce_sum3A_168[15] : f32 from vector<16xf32>
        %broadcast_in_dim3A_170 = vector.broadcast %reduce_sum3A_169 : f32 to vector<16xf32>
        %select_n3A_171 = arith.select %eq3A_161, %broadcast_in_dim3A_170, %broadcast_in_dim3A_52 : vector<16xi1>, vector<16xf32>
        %reduce_sum3A_172 = arith.constant true
        %reduce_sum3A_173 = vector.broadcast %reduce_sum3A_172 : i1 to vector<16xi1>
        %reduce_sum3A_174 = tpu.scan <sum>, %add3A_159 masked %reduce_sum3A_173 : vector<16xf32>, vector<16xi1> -> vector<16xf32>
        %reduce_sum3A_175 = vector.extract %reduce_sum3A_174[15] : f32 from vector<16xf32>
        %broadcast_in_dim3A_176 = vector.broadcast %reduce_sum3A_175 : f32 to vector<16xf32>
        %select_n3A_177 = arith.select %eq3A_161, %broadcast_in_dim3A_176, %broadcast_in_dim3A_54 : vector<16xi1>, vector<16xf32>
        %mul3A_178 = arith.constant 16 : i32
        %mul3A_179 = arith.muli %scan3A_48, %mul3A_178 : i32
        %add3A_180 = arith.constant 1 : i32
        %add3A_181 = arith.addi %mul3A_179, %add3A_180 : i32
        %broadcast_in_dim3A_182 = arith.constant 0.000000e+00 : f32
        %broadcast_in_dim3A_183 = vector.broadcast %broadcast_in_dim3A_182 : f32 to vector<16xf32>
        %broadcast_in_dim3A_184 = arith.constant 0.000000e+00 : f32
        %broadcast_in_dim3A_185 = vector.broadcast %broadcast_in_dim3A_184 : f32 to vector<16xf32>
        %broadcast_in_dim3A_186 = arith.constant 0.000000e+00 : f32
        %broadcast_in_dim3A_187 = vector.broadcast %broadcast_in_dim3A_186 : f32 to vector<16xf32>
        %get3A_188 = arith.index_cast %add3A_181 : i32 to index
        %get3A_189 = arith.constant 0 : index
        %get3A_190 = tpu.vector_load %arg11[%get3A_188, %get3A_189] {strides = array<i32>} : memref<128x128xf32, #tpu.memory_space<vmem>>, vector<16xf32>,
        %get3A_191 = arith.index_cast %add3A_181 : i32 to index
        %get3A_192 = arith.constant 0 : index
        %get3A_193 = tpu.vector_load %arg12[%get3A_191, %get3A_192] {strides = array<i32>} : memref<128x128xf32, #tpu.memory_space<vmem>>, vector<16xf32>,
        %mul3A_194 = arith.mulf %get3A_190, %get3A_193 : vector<16xf32>
        %add3A_195 = arith.addf %broadcast_in_dim3A_183, %mul3A_194 : vector<16xf32>
        %mul3A_196 = arith.mulf %get3A_190, %get3A_190 : vector<16xf32>
        %add3A_197 = arith.addf %broadcast_in_dim3A_185, %mul3A_196 : vector<16xf32>
        %mul3A_198 = arith.mulf %get3A_193, %get3A_193 : vector<16xf32>
        %add3A_199 = arith.addf %broadcast_in_dim3A_187, %mul3A_198 : vector<16xf32>
        %get3A_200 = arith.index_cast %add3A_181 : i32 to index
        %get3A_201 = arith.constant 16 : index
        %get3A_202 = tpu.vector_load %arg11[%get3A_200, %get3A_201] {strides = array<i32>} : memref<128x128xf32, #tpu.memory_space<vmem>>, vector<16xf32>,
        %get3A_203 = arith.index_cast %add3A_181 : i32 to index
        %get3A_204 = arith.constant 16 : index
        %get3A_205 = tpu.vector_load %arg12[%get3A_203, %get3A_204] {strides = array<i32>} : memref<128x128xf32, #tpu.memory_space<vmem>>, vector<16xf32>,
        %mul3A_206 = arith.mulf %get3A_202, %get3A_205 : vector<16xf32>
        %add3A_207 = arith.addf %add3A_195, %mul3A_206 : vector<16xf32>
        %mul3A_208 = arith.mulf %get3A_202, %get3A_202 : vector<16xf32>
        %add3A_209 = arith.addf %add3A_197, %mul3A_208 : vector<16xf32>
        %mul3A_210 = arith.mulf %get3A_205, %get3A_205 : vector<16xf32>
        %add3A_211 = arith.addf %add3A_199, %mul3A_210 : vector<16xf32>
        %get3A_212 = arith.index_cast %add3A_181 : i32 to index
        %get3A_213 = arith.constant 32 : index
        %get3A_214 = tpu.vector_load %arg11[%get3A_212, %get3A_213] {strides = array<i32>} : memref<128x128xf32, #tpu.memory_space<vmem>>, vector<16xf32>,
        %get3A_215 = arith.index_cast %add3A_181 : i32 to index
        %get3A_216 = arith.constant 32 : index
        %get3A_217 = tpu.vector_load %arg12[%get3A_215, %get3A_216] {strides = array<i32>} : memref<128x128xf32, #tpu.memory_space<vmem>>, vector<16xf32>,
        %mul3A_218 = arith.mulf %get3A_214, %get3A_217 : vector<16xf32>
        %add3A_219 = arith.addf %add3A_207, %mul3A_218 : vector<16xf32>
        %mul3A_220 = arith.mulf %get3A_214, %get3A_214 : vector<16xf32>
        %add3A_221 = arith.addf %add3A_209, %mul3A_220 : vector<16xf32>
        %mul3A_222 = arith.mulf %get3A_217, %get3A_217 : vector<16xf32>
        %add3A_223 = arith.addf %add3A_211, %mul3A_222 : vector<16xf32>
        %get3A_224 = arith.index_cast %add3A_181 : i32 to index
        %get3A_225 = arith.constant 48 : index
        %get3A_226 = tpu.vector_load %arg11[%get3A_224, %get3A_225] {strides = array<i32>} : memref<128x128xf32, #tpu.memory_space<vmem>>, vector<16xf32>,
        %get3A_227 = arith.index_cast %add3A_181 : i32 to index
        %get3A_228 = arith.constant 48 : index
        %get3A_229 = tpu.vector_load %arg12[%get3A_227, %get3A_228] {strides = array<i32>} : memref<128x128xf32, #tpu.memory_space<vmem>>, vector<16xf32>,
        %mul3A_230 = arith.mulf %get3A_226, %get3A_229 : vector<16xf32>
        %add3A_231 = arith.addf %add3A_219, %mul3A_230 : vector<16xf32>
        %mul3A_232 = arith.mulf %get3A_226, %get3A_226 : vector<16xf32>
        %add3A_233 = arith.addf %add3A_221, %mul3A_232 : vector<16xf32>
        %mul3A_234 = arith.mulf %get3A_229, %get3A_229 : vector<16xf32>
        %add3A_235 = arith.addf %add3A_223, %mul3A_234 : vector<16xf32>
        %get3A_236 = arith.index_cast %add3A_181 : i32 to index
        %get3A_237 = arith.constant 64 : index
        %get3A_238 = tpu.vector_load %arg11[%get3A_236, %get3A_237] {strides = array<i32>} : memref<128x128xf32, #tpu.memory_space<vmem>>, vector<16xf32>,
        %get3A_239 = arith.index_cast %add3A_181 : i32 to index
        %get3A_240 = arith.constant 64 : index
        %get3A_241 = tpu.vector_load %arg12[%get3A_239, %get3A_240] {strides = array<i32>} : memref<128x128xf32, #tpu.memory_space<vmem>>, vector<16xf32>,
        %mul3A_242 = arith.mulf %get3A_238, %get3A_241 : vector<16xf32>
        %add3A_243 = arith.addf %add3A_231, %mul3A_242 : vector<16xf32>
        %mul3A_244 = arith.mulf %get3A_238, %get3A_238 : vector<16xf32>
        %add3A_245 = arith.addf %add3A_233, %mul3A_244 : vector<16xf32>
        %mul3A_246 = arith.mulf %get3A_241, %get3A_241 : vector<16xf32>
        %add3A_247 = arith.addf %add3A_235, %mul3A_246 : vector<16xf32>
        %get3A_248 = arith.index_cast %add3A_181 : i32 to index
        %get3A_249 = arith.constant 80 : index
        %get3A_250 = tpu.vector_load %arg11[%get3A_248, %get3A_249] {strides = array<i32>} : memref<128x128xf32, #tpu.memory_space<vmem>>, vector<16xf32>,
        %get3A_251 = arith.index_cast %add3A_181 : i32 to index
        %get3A_252 = arith.constant 80 : index
        %get3A_253 = tpu.vector_load %arg12[%get3A_251, %get3A_252] {strides = array<i32>} : memref<128x128xf32, #tpu.memory_space<vmem>>, vector<16xf32>,
        %mul3A_254 = arith.mulf %get3A_250, %get3A_253 : vector<16xf32>
        %add3A_255 = arith.addf %add3A_243, %mul3A_254 : vector<16xf32>
        %mul3A_256 = arith.mulf %get3A_250, %get3A_250 : vector<16xf32>
        %add3A_257 = arith.addf %add3A_245, %mul3A_256 : vector<16xf32>
        %mul3A_258 = arith.mulf %get3A_253, %get3A_253 : vector<16xf32>
        %add3A_259 = arith.addf %add3A_247, %mul3A_258 : vector<16xf32>
        %get3A_260 = arith.index_cast %add3A_181 : i32 to index
        %get3A_261 = arith.constant 96 : index
        %get3A_262 = tpu.vector_load %arg11[%get3A_260, %get3A_261] {strides = array<i32>} : memref<128x128xf32, #tpu.memory_space<vmem>>, vector<16xf32>,
        %get3A_263 = arith.index_cast %add3A_181 : i32 to index
        %get3A_264 = arith.constant 96 : index
        %get3A_265 = tpu.vector_load %arg12[%get3A_263, %get3A_264] {strides = array<i32>} : memref<128x128xf32, #tpu.memory_space<vmem>>, vector<16xf32>,
        %mul3A_266 = arith.mulf %get3A_262, %get3A_265 : vector<16xf32>
        %add3A_267 = arith.addf %add3A_255, %mul3A_266 : vector<16xf32>
        %mul3A_268 = arith.mulf %get3A_262, %get3A_262 : vector<16xf32>
        %add3A_269 = arith.addf %add3A_257, %mul3A_268 : vector<16xf32>
        %mul3A_270 = arith.mulf %get3A_265, %get3A_265 : vector<16xf32>
        %add3A_271 = arith.addf %add3A_259, %mul3A_270 : vector<16xf32>
        %get3A_272 = arith.index_cast %add3A_181 : i32 to index
        %get3A_273 = arith.constant 112 : index
        %get3A_274 = tpu.vector_load %arg11[%get3A_272, %get3A_273] {strides = array<i32>} : memref<128x128xf32, #tpu.memory_space<vmem>>, vector<16xf32>,
        %get3A_275 = arith.index_cast %add3A_181 : i32 to index
        %get3A_276 = arith.constant 112 : index
        %get3A_277 = tpu.vector_load %arg12[%get3A_275, %get3A_276] {strides = array<i32>} : memref<128x128xf32, #tpu.memory_space<vmem>>, vector<16xf32>,
        %mul3A_278 = arith.mulf %get3A_274, %get3A_277 : vector<16xf32>
        %add3A_279 = arith.addf %add3A_267, %mul3A_278 : vector<16xf32>
        %mul3A_280 = arith.mulf %get3A_274, %get3A_274 : vector<16xf32>
        %add3A_281 = arith.addf %add3A_269, %mul3A_280 : vector<16xf32>
        %mul3A_282 = arith.mulf %get3A_277, %get3A_277 : vector<16xf32>
        %add3A_283 = arith.addf %add3A_271, %mul3A_282 : vector<16xf32>
        %eq3A_284 = arith.constant 1 : i32
        %eq3A_285 = vector.broadcast %eq3A_284 : i32 to vector<16xi32>
        %eq3A_286 = arith.cmpi eq, %iota3A, %eq3A_285 : vector<16xi32>
        %reduce_sum3A_287 = arith.constant true
        %reduce_sum3A_288 = vector.broadcast %reduce_sum3A_287 : i1 to vector<16xi1>
        %reduce_sum3A_289 = tpu.scan <sum>, %add3A_279 masked %reduce_sum3A_288 : vector<16xf32>, vector<16xi1> -> vector<16xf32>
        %reduce_sum3A_290 = vector.extract %reduce_sum3A_289[15] : f32 from vector<16xf32>
        %broadcast_in_dim3A_291 = vector.broadcast %reduce_sum3A_290 : f32 to vector<16xf32>
        %select_n3A_292 = arith.select %eq3A_286, %broadcast_in_dim3A_291, %select_n3A : vector<16xi1>, vector<16xf32>
        %reduce_sum3A_293 = arith.constant true
        %reduce_sum3A_294 = vector.broadcast %reduce_sum3A_293 : i1 to vector<16xi1>
        %reduce_sum3A_295 = tpu.scan <sum>, %add3A_281 masked %reduce_sum3A_294 : vector<16xf32>, vector<16xi1> -> vector<16xf32>
        %reduce_sum3A_296 = vector.extract %reduce_sum3A_295[15] : f32 from vector<16xf32>
        %broadcast_in_dim3A_297 = vector.broadcast %reduce_sum3A_296 : f32 to vector<16xf32>
        %select_n3A_298 = arith.select %eq3A_286, %broadcast_in_dim3A_297, %select_n3A_171 : vector<16xi1>, vector<16xf32>
        %reduce_sum3A_299 = arith.constant true
        %reduce_sum3A_300 = vector.broadcast %reduce_sum3A_299 : i1 to vector<16xi1>
        %reduce_sum3A_301 = tpu.scan <sum>, %add3A_283 masked %reduce_sum3A_300 : vector<16xf32>, vector<16xi1> -> vector<16xf32>
        %reduce_sum3A_302 = vector.extract %reduce_sum3A_301[15] : f32 from vector<16xf32>
        %broadcast_in_dim3A_303 = vector.broadcast %reduce_sum3A_302 : f32 to vector<16xf32>
        %select_n3A_304 = arith.select %eq3A_286, %broadcast_in_dim3A_303, %select_n3A_177 : vector<16xi1>, vector<16xf32>
        %mul3A_305 = arith.constant 16 : i32
        %mul3A_306 = arith.muli %scan3A_48, %mul3A_305 : i32
        %add3A_307 = arith.constant 2 : i32
        %add3A_308 = arith.addi %mul3A_306, %add3A_307 : i32
        %broadcast_in_dim3A_309 = arith.constant 0.000000e+00 : f32
        %broadcast_in_dim3A_310 = vector.broadcast %broadcast_in_dim3A_309 : f32 to vector<16xf32>
        %broadcast_in_dim3A_311 = arith.constant 0.000000e+00 : f32
        %broadcast_in_dim3A_312 = vector.broadcast %broadcast_in_dim3A_311 : f32 to vector<16xf32>
        %broadcast_in_dim3A_313 = arith.constant 0.000000e+00 : f32
        %broadcast_in_dim3A_314 = vector.broadcast %broadcast_in_dim3A_313 : f32 to vector<16xf32>
        %get3A_315 = arith.index_cast %add3A_308 : i32 to index
        %get3A_316 = arith.constant 0 : index
        %get3A_317 = tpu.vector_load %arg11[%get3A_315, %get3A_316] {strides = array<i32>} : memref<128x128xf32, #tpu.memory_space<vmem>>, vector<16xf32>,
        %get3A_318 = arith.index_cast %add3A_308 : i32 to index
        %get3A_319 = arith.constant 0 : index
        %get3A_320 = tpu.vector_load %arg12[%get3A_318, %get3A_319] {strides = array<i32>} : memref<128x128xf32, #tpu.memory_space<vmem>>, vector<16xf32>,
        %mul3A_321 = arith.mulf %get3A_317, %get3A_320 : vector<16xf32>
        %add3A_322 = arith.addf %broadcast_in_dim3A_310, %mul3A_321 : vector<16xf32>
        %mul3A_323 = arith.mulf %get3A_317, %get3A_317 : vector<16xf32>
        %add3A_324 = arith.addf %broadcast_in_dim3A_312, %mul3A_323 : vector<16xf32>
        %mul3A_325 = arith.mulf %get3A_320, %get3A_320 : vector<16xf32>
        %add3A_326 = arith.addf %broadcast_in_dim3A_314, %mul3A_325 : vector<16xf32>
        %get3A_327 = arith.index_cast %add3A_308 : i32 to index
        %get3A_328 = arith.constant 16 : index
        %get3A_329 = tpu.vector_load %arg11[%get3A_327, %get3A_328] {strides = array<i32>} : memref<128x128xf32, #tpu.memory_space<vmem>>, vector<16xf32>,
        %get3A_330 = arith.index_cast %add3A_308 : i32 to index
        %get3A_331 = arith.constant 16 : index
        %get3A_332 = tpu.vector_load %arg12[%get3A_330, %get3A_331] {strides = array<i32>} : memref<128x128xf32, #tpu.memory_space<vmem>>, vector<16xf32>,
        %mul3A_333 = arith.mulf %get3A_329, %get3A_332 : vector<16xf32>
        %add3A_334 = arith.addf %add3A_322, %mul3A_333 : vector<16xf32>
        %mul3A_335 = arith.mulf %get3A_329, %get3A_329 : vector<16xf32>
        %add3A_336 = arith.addf %add3A_324, %mul3A_335 : vector<16xf32>
        %mul3A_337 = arith.mulf %get3A_332, %get3A_332 : vector<16xf32>
        %add3A_338 = arith.addf %add3A_326, %mul3A_337 : vector<16xf32>
        %get3A_339 = arith.index_cast %add3A_308 : i32 to index
        %get3A_340 = arith.constant 32 : index
        %get3A_341 = tpu.vector_load %arg11[%get3A_339, %get3A_340] {strides = array<i32>} : memref<128x128xf32, #tpu.memory_space<vmem>>, vector<16xf32>,
        %get3A_342 = arith.index_cast %add3A_308 : i32 to index
        %get3A_343 = arith.constant 32 : index
        %get3A_344 = tpu.vector_load %arg12[%get3A_342, %get3A_343] {strides = array<i32>} : memref<128x128xf32, #tpu.memory_space<vmem>>, vector<16xf32>,
        %mul3A_345 = arith.mulf %get3A_341, %get3A_344 : vector<16xf32>
        %add3A_346 = arith.addf %add3A_334, %mul3A_345 : vector<16xf32>
        %mul3A_347 = arith.mulf %get3A_341, %get3A_341 : vector<16xf32>
        %add3A_348 = arith.addf %add3A_336, %mul3A_347 : vector<16xf32>
        %mul3A_349 = arith.mulf %get3A_344, %get3A_344 : vector<16xf32>
        %add3A_350 = arith.addf %add3A_338, %mul3A_349 : vector<16xf32>
        %get3A_351 = arith.index_cast %add3A_308 : i32 to index
        %get3A_352 = arith.constant 48 : index
        %get3A_353 = tpu.vector_load %arg11[%get3A_351, %get3A_352] {strides = array<i32>} : memref<128x128xf32, #tpu.memory_space<vmem>>, vector<16xf32>,
        %get3A_354 = arith.index_cast %add3A_308 : i32 to index
        %get3A_355 = arith.constant 48 : index
        %get3A_356 = tpu.vector_load %arg12[%get3A_354, %get3A_355] {strides = array<i32>} : memref<128x128xf32, #tpu.memory_space<vmem>>, vector<16xf32>,
        %mul3A_357 = arith.mulf %get3A_353, %get3A_356 : vector<16xf32>
        %add3A_358 = arith.addf %add3A_346, %mul3A_357 : vector<16xf32>
        %mul3A_359 = arith.mulf %get3A_353, %get3A_353 : vector<16xf32>
        %add3A_360 = arith.addf %add3A_348, %mul3A_359 : vector<16xf32>
        %mul3A_361 = arith.mulf %get3A_356, %get3A_356 : vector<16xf32>
        %add3A_362 = arith.addf %add3A_350, %mul3A_361 : vector<16xf32>
        %get3A_363 = arith.index_cast %add3A_308 : i32 to index
        %get3A_364 = arith.constant 64 : index
        %get3A_365 = tpu.vector_load %arg11[%get3A_363, %get3A_364] {strides = array<i32>} : memref<128x128xf32, #tpu.memory_space<vmem>>, vector<16xf32>,
        %get3A_366 = arith.index_cast %add3A_308 : i32 to index
        %get3A_367 = arith.constant 64 : index
        %get3A_368 = tpu.vector_load %arg12[%get3A_366, %get3A_367] {strides = array<i32>} : memref<128x128xf32, #tpu.memory_space<vmem>>, vector<16xf32>,
        %mul3A_369 = arith.mulf %get3A_365, %get3A_368 : vector<16xf32>
        %add3A_370 = arith.addf %add3A_358, %mul3A_369 : vector<16xf32>
        %mul3A_371 = arith.mulf %get3A_365, %get3A_365 : vector<16xf32>
        %add3A_372 = arith.addf %add3A_360, %mul3A_371 : vector<16xf32>
        %mul3A_373 = arith.mulf %get3A_368, %get3A_368 : vector<16xf32>
        %add3A_374 = arith.addf %add3A_362, %mul3A_373 : vector<16xf32>
        %get3A_375 = arith.index_cast %add3A_308 : i32 to index
        %get3A_376 = arith.constant 80 : index
        %get3A_377 = tpu.vector_load %arg11[%get3A_375, %get3A_376] {strides = array<i32>} : memref<128x128xf32, #tpu.memory_space<vmem>>, vector<16xf32>,
        %get3A_378 = arith.index_cast %add3A_308 : i32 to index
        %get3A_379 = arith.constant 80 : index
        %get3A_380 = tpu.vector_load %arg12[%get3A_378, %get3A_379] {strides = array<i32>} : memref<128x128xf32, #tpu.memory_space<vmem>>, vector<16xf32>,
        %mul3A_381 = arith.mulf %get3A_377, %get3A_380 : vector<16xf32>
        %add3A_382 = arith.addf %add3A_370, %mul3A_381 : vector<16xf32>
        %mul3A_383 = arith.mulf %get3A_377, %get3A_377 : vector<16xf32>
        %add3A_384 = arith.addf %add3A_372, %mul3A_383 : vector<16xf32>
        %mul3A_385 = arith.mulf %get3A_380, %get3A_380 : vector<16xf32>
        %add3A_386 = arith.addf %add3A_374, %mul3A_385 : vector<16xf32>
        %get3A_387 = arith.index_cast %add3A_308 : i32 to index
        %get3A_388 = arith.constant 96 : index
        %get3A_389 = tpu.vector_load %arg11[%get3A_387, %get3A_388] {strides = array<i32>} : memref<128x128xf32, #tpu.memory_space<vmem>>, vector<16xf32>,
        %get3A_390 = arith.index_cast %add3A_308 : i32 to index
        %get3A_391 = arith.constant 96 : index
        %get3A_392 = tpu.vector_load %arg12[%get3A_390, %get3A_391] {strides = array<i32>} : memref<128x128xf32, #tpu.memory_space<vmem>>, vector<16xf32>,
        %mul3A_393 = arith.mulf %get3A_389, %get3A_392 : vector<16xf32>
        %add3A_394 = arith.addf %add3A_382, %mul3A_393 : vector<16xf32>
        %mul3A_395 = arith.mulf %get3A_389, %get3A_389 : vector<16xf32>
        %add3A_396 = arith.addf %add3A_384, %mul3A_395 : vector<16xf32>
        %mul3A_397 = arith.mulf %get3A_392, %get3A_392 : vector<16xf32>
        %add3A_398 = arith.addf %add3A_386, %mul3A_397 : vector<16xf32>
        %get3A_399 = arith.index_cast %add3A_308 : i32 to index
        %get3A_400 = arith.constant 112 : index
        %get3A_401 = tpu.vector_load %arg11[%get3A_399, %get3A_400] {strides = array<i32>} : memref<128x128xf32, #tpu.memory_space<vmem>>, vector<16xf32>,
        %get3A_402 = arith.index_cast %add3A_308 : i32 to index
        %get3A_403 = arith.constant 112 : index
        %get3A_404 = tpu.vector_load %arg12[%get3A_402, %get3A_403] {strides = array<i32>} : memref<128x128xf32, #tpu.memory_space<vmem>>, vector<16xf32>,
        %mul3A_405 = arith.mulf %get3A_401, %get3A_404 : vector<16xf32>
        %add3A_406 = arith.addf %add3A_394, %mul3A_405 : vector<16xf32>
        %mul3A_407 = arith.mulf %get3A_401, %get3A_401 : vector<16xf32>
        %add3A_408 = arith.addf %add3A_396, %mul3A_407 : vector<16xf32>
        %mul3A_409 = arith.mulf %get3A_404, %get3A_404 : vector<16xf32>
        %add3A_410 = arith.addf %add3A_398, %mul3A_409 : vector<16xf32>
        %eq3A_411 = arith.constant 2 : i32
        %eq3A_412 = vector.broadcast %eq3A_411 : i32 to vector<16xi32>
        %eq3A_413 = arith.cmpi eq, %iota3A, %eq3A_412 : vector<16xi32>
        %reduce_sum3A_414 = arith.constant true
        %reduce_sum3A_415 = vector.broadcast %reduce_sum3A_414 : i1 to vector<16xi1>
        %reduce_sum3A_416 = tpu.scan <sum>, %add3A_406 masked %reduce_sum3A_415 : vector<16xf32>, vector<16xi1> -> vector<16xf32>
        %reduce_sum3A_417 = vector.extract %reduce_sum3A_416[15] : f32 from vector<16xf32>
        %broadcast_in_dim3A_418 = vector.broadcast %reduce_sum3A_417 : f32 to vector<16xf32>
        %select_n3A_419 = arith.select %eq3A_413, %broadcast_in_dim3A_418, %select_n3A_292 : vector<16xi1>, vector<16xf32>
        %reduce_sum3A_420 = arith.constant true
        %reduce_sum3A_421 = vector.broadcast %reduce_sum3A_420 : i1 to vector<16xi1>
        %reduce_sum3A_422 = tpu.scan <sum>, %add3A_408 masked %reduce_sum3A_421 : vector<16xf32>, vector<16xi1> -> vector<16xf32>
        %reduce_sum3A_423 = vector.extract %reduce_sum3A_422[15] : f32 from vector<16xf32>
        %broadcast_in_dim3A_424 = vector.broadcast %reduce_sum3A_423 : f32 to vector<16xf32>
        %select_n3A_425 = arith.select %eq3A_413, %broadcast_in_dim3A_424, %select_n3A_298 : vector<16xi1>, vector<16xf32>
        %reduce_sum3A_426 = arith.constant true
        %reduce_sum3A_427 = vector.broadcast %reduce_sum3A_426 : i1 to vector<16xi1>
        %reduce_sum3A_428 = tpu.scan <sum>, %add3A_410 masked %reduce_sum3A_427 : vector<16xf32>, vector<16xi1> -> vector<16xf32>
        %reduce_sum3A_429 = vector.extract %reduce_sum3A_428[15] : f32 from vector<16xf32>
        %broadcast_in_dim3A_430 = vector.broadcast %reduce_sum3A_429 : f32 to vector<16xf32>
        %select_n3A_431 = arith.select %eq3A_413, %broadcast_in_dim3A_430, %select_n3A_304 : vector<16xi1>, vector<16xf32>
        %mul3A_432 = arith.constant 16 : i32
        %mul3A_433 = arith.muli %scan3A_48, %mul3A_432 : i32
        %add3A_434 = arith.constant 3 : i32
        %add3A_435 = arith.addi %mul3A_433, %add3A_434 : i32
        %broadcast_in_dim3A_436 = arith.constant 0.000000e+00 : f32
        %broadcast_in_dim3A_437 = vector.broadcast %broadcast_in_dim3A_436 : f32 to vector<16xf32>
        %broadcast_in_dim3A_438 = arith.constant 0.000000e+00 : f32
        %broadcast_in_dim3A_439 = vector.broadcast %broadcast_in_dim3A_438 : f32 to vector<16xf32>
        %broadcast_in_dim3A_440 = arith.constant 0.000000e+00 : f32
        %broadcast_in_dim3A_441 = vector.broadcast %broadcast_in_dim3A_440 : f32 to vector<16xf32>
        %get3A_442 = arith.index_cast %add3A_435 : i32 to index
        %get3A_443 = arith.constant 0 : index
        %get3A_444 = tpu.vector_load %arg11[%get3A_442, %get3A_443] {strides = array<i32>} : memref<128x128xf32, #tpu.memory_space<vmem>>, vector<16xf32>,
        %get3A_445 = arith.index_cast %add3A_435 : i32 to index
        %get3A_446 = arith.constant 0 : index
        %get3A_447 = tpu.vector_load %arg12[%get3A_445, %get3A_446] {strides = array<i32>} : memref<128x128xf32, #tpu.memory_space<vmem>>, vector<16xf32>,
        %mul3A_448 = arith.mulf %get3A_444, %get3A_447 : vector<16xf32>
        %add3A_449 = arith.addf %broadcast_in_dim3A_437, %mul3A_448 : vector<16xf32>
        %mul3A_450 = arith.mulf %get3A_444, %get3A_444 : vector<16xf32>
        %add3A_451 = arith.addf %broadcast_in_dim3A_439, %mul3A_450 : vector<16xf32>
        %mul3A_452 = arith.mulf %get3A_447, %get3A_447 : vector<16xf32>
        %add3A_453 = arith.addf %broadcast_in_dim3A_441, %mul3A_452 : vector<16xf32>
        %get3A_454 = arith.index_cast %add3A_435 : i32 to index
        %get3A_455 = arith.constant 16 : index
        %get3A_456 = tpu.vector_load %arg11[%get3A_454, %get3A_455] {strides = array<i32>} : memref<128x128xf32, #tpu.memory_space<vmem>>, vector<16xf32>,
        %get3A_457 = arith.index_cast %add3A_435 : i32 to index
        %get3A_458 = arith.constant 16 : index
        %get3A_459 = tpu.vector_load %arg12[%get3A_457, %get3A_458] {strides = array<i32>} : memref<128x128xf32, #tpu.memory_space<vmem>>, vector<16xf32>,
        %mul3A_460 = arith.mulf %get3A_456, %get3A_459 : vector<16xf32>
        %add3A_461 = arith.addf %add3A_449, %mul3A_460 : vector<16xf32>
        %mul3A_462 = arith.mulf %get3A_456, %get3A_456 : vector<16xf32>
        %add3A_463 = arith.addf %add3A_451, %mul3A_462 : vector<16xf32>
        %mul3A_464 = arith.mulf %get3A_459, %get3A_459 : vector<16xf32>
        %add3A_465 = arith.addf %add3A_453, %mul3A_464 : vector<16xf32>
        %get3A_466 = arith.index_cast %add3A_435 : i32 to index
        %get3A_467 = arith.constant 32 : index
        %get3A_468 = tpu.vector_load %arg11[%get3A_466, %get3A_467] {strides = array<i32>} : memref<128x128xf32, #tpu.memory_space<vmem>>, vector<16xf32>,
        %get3A_469 = arith.index_cast %add3A_435 : i32 to index
        %get3A_470 = arith.constant 32 : index
        %get3A_471 = tpu.vector_load %arg12[%get3A_469, %get3A_470] {strides = array<i32>} : memref<128x128xf32, #tpu.memory_space<vmem>>, vector<16xf32>,
        %mul3A_472 = arith.mulf %get3A_468, %get3A_471 : vector<16xf32>
        %add3A_473 = arith.addf %add3A_461, %mul3A_472 : vector<16xf32>
        %mul3A_474 = arith.mulf %get3A_468, %get3A_468 : vector<16xf32>
        %add3A_475 = arith.addf %add3A_463, %mul3A_474 : vector<16xf32>
        %mul3A_476 = arith.mulf %get3A_471, %get3A_471 : vector<16xf32>
        %add3A_477 = arith.addf %add3A_465, %mul3A_476 : vector<16xf32>
        %get3A_478 = arith.index_cast %add3A_435 : i32 to index
        %get3A_479 = arith.constant 48 : index
        %get3A_480 = tpu.vector_load %arg11[%get3A_478, %get3A_479] {strides = array<i32>} : memref<128x128xf32, #tpu.memory_space<vmem>>, vector<16xf32>,
        %get3A_481 = arith.index_cast %add3A_435 : i32 to index
        %get3A_482 = arith.constant 48 : index
        %get3A_483 = tpu.vector_load %arg12[%get3A_481, %get3A_482] {strides = array<i32>} : memref<128x128xf32, #tpu.memory_space<vmem>>, vector<16xf32>,
        %mul3A_484 = arith.mulf %get3A_480, %get3A_483 : vector<16xf32>
        %add3A_485 = arith.addf %add3A_473, %mul3A_484 : vector<16xf32>
        %mul3A_486 = arith.mulf %get3A_480, %get3A_480 : vector<16xf32>
        %add3A_487 = arith.addf %add3A_475, %mul3A_486 : vector<16xf32>
        %mul3A_488 = arith.mulf %get3A_483, %get3A_483 : vector<16xf32>
        %add3A_489 = arith.addf %add3A_477, %mul3A_488 : vector<16xf32>
        %get3A_490 = arith.index_cast %add3A_435 : i32 to index
        %get3A_491 = arith.constant 64 : index
        %get3A_492 = tpu.vector_load %arg11[%get3A_490, %get3A_491] {strides = array<i32>} : memref<128x128xf32, #tpu.memory_space<vmem>>, vector<16xf32>,
        %get3A_493 = arith.index_cast %add3A_435 : i32 to index
        %get3A_494 = arith.constant 64 : index
        %get3A_495 = tpu.vector_load %arg12[%get3A_493, %get3A_494] {strides = array<i32>} : memref<128x128xf32, #tpu.memory_space<vmem>>, vector<16xf32>,
        %mul3A_496 = arith.mulf %get3A_492, %get3A_495 : vector<16xf32>
        %add3A_497 = arith.addf %add3A_485, %mul3A_496 : vector<16xf32>
        %mul3A_498 = arith.mulf %get3A_492, %get3A_492 : vector<16xf32>
        %add3A_499 = arith.addf %add3A_487, %mul3A_498 : vector<16xf32>
        %mul3A_500 = arith.mulf %get3A_495, %get3A_495 : vector<16xf32>
        %add3A_501 = arith.addf %add3A_489, %mul3A_500 : vector<16xf32>
        %get3A_502 = arith.index_cast %add3A_435 : i32 to index
        %get3A_503 = arith.constant 80 : index
        %get3A_504 = tpu.vector_load %arg11[%get3A_502, %get3A_503] {strides = array<i32>} : memref<128x128xf32, #tpu.memory_space<vmem>>, vector<16xf32>,
        %get3A_505 = arith.index_cast %add3A_435 : i32 to index
        %get3A_506 = arith.constant 80 : index
        %get3A_507 = tpu.vector_load %arg12[%get3A_505, %get3A_506] {strides = array<i32>} : memref<128x128xf32, #tpu.memory_space<vmem>>, vector<16xf32>,
        %mul3A_508 = arith.mulf %get3A_504, %get3A_507 : vector<16xf32>
        %add3A_509 = arith.addf %add3A_497, %mul3A_508 : vector<16xf32>
        %mul3A_510 = arith.mulf %get3A_504, %get3A_504 : vector<16xf32>
        %add3A_511 = arith.addf %add3A_499, %mul3A_510 : vector<16xf32>
        %mul3A_512 = arith.mulf %get3A_507, %get3A_507 : vector<16xf32>
        %add3A_513 = arith.addf %add3A_501, %mul3A_512 : vector<16xf32>
        %get3A_514 = arith.index_cast %add3A_435 : i32 to index
        %get3A_515 = arith.constant 96 : index
        %get3A_516 = tpu.vector_load %arg11[%get3A_514, %get3A_515] {strides = array<i32>} : memref<128x128xf32, #tpu.memory_space<vmem>>, vector<16xf32>,
        %get3A_517 = arith.index_cast %add3A_435 : i32 to index
        %get3A_518 = arith.constant 96 : index
        %get3A_519 = tpu.vector_load %arg12[%get3A_517, %get3A_518] {strides = array<i32>} : memref<128x128xf32, #tpu.memory_space<vmem>>, vector<16xf32>,
        %mul3A_520 = arith.mulf %get3A_516, %get3A_519 : vector<16xf32>
        %add3A_521 = arith.addf %add3A_509, %mul3A_520 : vector<16xf32>
        %mul3A_522 = arith.mulf %get3A_516, %get3A_516 : vector<16xf32>
        %add3A_523 = arith.addf %add3A_511, %mul3A_522 : vector<16xf32>
        %mul3A_524 = arith.mulf %get3A_519, %get3A_519 : vector<16xf32>
        %add3A_525 = arith.addf %add3A_513, %mul3A_524 : vector<16xf32>
        %get3A_526 = arith.index_cast %add3A_435 : i32 to index
        %get3A_527 = arith.constant 112 : index
        %get3A_528 = tpu.vector_load %arg11[%get3A_526, %get3A_527] {strides = array<i32>} : memref<128x128xf32, #tpu.memory_space<vmem>>, vector<16xf32>,
        %get3A_529 = arith.index_cast %add3A_435 : i32 to index
        %get3A_530 = arith.constant 112 : index
        %get3A_531 = tpu.vector_load %arg12[%get3A_529, %get3A_530] {strides = array<i32>} : memref<128x128xf32, #tpu.memory_space<vmem>>, vector<16xf32>,
        %mul3A_532 = arith.mulf %get3A_528, %get3A_531 : vector<16xf32>
        %add3A_533 = arith.addf %add3A_521, %mul3A_532 : vector<16xf32>
        %mul3A_534 = arith.mulf %get3A_528, %get3A_528 : vector<16xf32>
        %add3A_535 = arith.addf %add3A_523, %mul3A_534 : vector<16xf32>
        %mul3A_536 = arith.mulf %get3A_531, %get3A_531 : vector<16xf32>
        %add3A_537 = arith.addf %add3A_525, %mul3A_536 : vector<16xf32>
        %eq3A_538 = arith.constant 3 : i32
        %eq3A_539 = vector.broadcast %eq3A_538 : i32 to vector<16xi32>
        %eq3A_540 = arith.cmpi eq, %iota3A, %eq3A_539 : vector<16xi32>
        %reduce_sum3A_541 = arith.constant true
        %reduce_sum3A_542 = vector.broadcast %reduce_sum3A_541 : i1 to vector<16xi1>
        %reduce_sum3A_543 = tpu.scan <sum>, %add3A_533 masked %reduce_sum3A_542 : vector<16xf32>, vector<16xi1> -> vector<16xf32>
        %reduce_sum3A_544 = vector.extract %reduce_sum3A_543[15] : f32 from vector<16xf32>
        %broadcast_in_dim3A_545 = vector.broadcast %reduce_sum3A_544 : f32 to vector<16xf32>
        %select_n3A_546 = arith.select %eq3A_540, %broadcast_in_dim3A_545, %select_n3A_419 : vector<16xi1>, vector<16xf32>
        %reduce_sum3A_547 = arith.constant true
        %reduce_sum3A_548 = vector.broadcast %reduce_sum3A_547 : i1 to vector<16xi1>
        %reduce_sum3A_549 = tpu.scan <sum>, %add3A_535 masked %reduce_sum3A_548 : vector<16xf32>, vector<16xi1> -> vector<16xf32>
        %reduce_sum3A_550 = vector.extract %reduce_sum3A_549[15] : f32 from vector<16xf32>
        %broadcast_in_dim3A_551 = vector.broadcast %reduce_sum3A_550 : f32 to vector<16xf32>
        %select_n3A_552 = arith.select %eq3A_540, %broadcast_in_dim3A_551, %select_n3A_425 : vector<16xi1>, vector<16xf32>
        %reduce_sum3A_553 = arith.constant true
        %reduce_sum3A_554 = vector.broadcast %reduce_sum3A_553 : i1 to vector<16xi1>
        %reduce_sum3A_555 = tpu.scan <sum>, %add3A_537 masked %reduce_sum3A_554 : vector<16xf32>, vector<16xi1> -> vector<16xf32>
        %reduce_sum3A_556 = vector.extract %reduce_sum3A_555[15] : f32 from vector<16xf32>
        %broadcast_in_dim3A_557 = vector.broadcast %reduce_sum3A_556 : f32 to vector<16xf32>
        %select_n3A_558 = arith.select %eq3A_540, %broadcast_in_dim3A_557, %select_n3A_431 : vector<16xi1>, vector<16xf32>
        %mul3A_559 = arith.constant 16 : i32
        %mul3A_560 = arith.muli %scan3A_48, %mul3A_559 : i32
        %add3A_561 = arith.constant 4 : i32
        %add3A_562 = arith.addi %mul3A_560, %add3A_561 : i32
        %broadcast_in_dim3A_563 = arith.constant 0.000000e+00 : f32
        %broadcast_in_dim3A_564 = vector.broadcast %broadcast_in_dim3A_563 : f32 to vector<16xf32>
        %broadcast_in_dim3A_565 = arith.constant 0.000000e+00 : f32
        %broadcast_in_dim3A_566 = vector.broadcast %broadcast_in_dim3A_565 : f32 to vector<16xf32>
        %broadcast_in_dim3A_567 = arith.constant 0.000000e+00 : f32
        %broadcast_in_dim3A_568 = vector.broadcast %broadcast_in_dim3A_567 : f32 to vector<16xf32>
        %get3A_569 = arith.index_cast %add3A_562 : i32 to index
        %get3A_570 = arith.constant 0 : index
        %get3A_571 = tpu.vector_load %arg11[%get3A_569, %get3A_570] {strides = array<i32>} : memref<128x128xf32, #tpu.memory_space<vmem>>, vector<16xf32>,
        %get3A_572 = arith.index_cast %add3A_562 : i32 to index
        %get3A_573 = arith.constant 0 : index
        %get3A_574 = tpu.vector_load %arg12[%get3A_572, %get3A_573] {strides = array<i32>} : memref<128x128xf32, #tpu.memory_space<vmem>>, vector<16xf32>,
        %mul3A_575 = arith.mulf %get3A_571, %get3A_574 : vector<16xf32>
        %add3A_576 = arith.addf %broadcast_in_dim3A_564, %mul3A_575 : vector<16xf32>
        %mul3A_577 = arith.mulf %get3A_571, %get3A_571 : vector<16xf32>
        %add3A_578 = arith.addf %broadcast_in_dim3A_566, %mul3A_577 : vector<16xf32>
        %mul3A_579 = arith.mulf %get3A_574, %get3A_574 : vector<16xf32>
        %add3A_580 = arith.addf %broadcast_in_dim3A_568, %mul3A_579 : vector<16xf32>
        %get3A_581 = arith.index_cast %add3A_562 : i32 to index
        %get3A_582 = arith.constant 16 : index
        %get3A_583 = tpu.vector_load %arg11[%get3A_581, %get3A_582] {strides = array<i32>} : memref<128x128xf32, #tpu.memory_space<vmem>>, vector<16xf32>,
        %get3A_584 = arith.index_cast %add3A_562 : i32 to index
        %get3A_585 = arith.constant 16 : index
        %get3A_586 = tpu.vector_load %arg12[%get3A_584, %get3A_585] {strides = array<i32>} : memref<128x128xf32, #tpu.memory_space<vmem>>, vector<16xf32>,
        %mul3A_587 = arith.mulf %get3A_583, %get3A_586 : vector<16xf32>
        %add3A_588 = arith.addf %add3A_576, %mul3A_587 : vector<16xf32>
        %mul3A_589 = arith.mulf %get3A_583, %get3A_583 : vector<16xf32>
        %add3A_590 = arith.addf %add3A_578, %mul3A_589 : vector<16xf32>
        %mul3A_591 = arith.mulf %get3A_586, %get3A_586 : vector<16xf32>
        %add3A_592 = arith.addf %add3A_580, %mul3A_591 : vector<16xf32>
        %get3A_593 = arith.index_cast %add3A_562 : i32 to index
        %get3A_594 = arith.constant 32 : index
        %get3A_595 = tpu.vector_load %arg11[%get3A_593, %get3A_594] {strides = array<i32>} : memref<128x128xf32, #tpu.memory_space<vmem>>, vector<16xf32>,
        %get3A_596 = arith.index_cast %add3A_562 : i32 to index
        %get3A_597 = arith.constant 32 : index
        %get3A_598 = tpu.vector_load %arg12[%get3A_596, %get3A_597] {strides = array<i32>} : memref<128x128xf32, #tpu.memory_space<vmem>>, vector<16xf32>,
        %mul3A_599 = arith.mulf %get3A_595, %get3A_598 : vector<16xf32>
        %add3A_600 = arith.addf %add3A_588, %mul3A_599 : vector<16xf32>
        %mul3A_601 = arith.mulf %get3A_595, %get3A_595 : vector<16xf32>
        %add3A_602 = arith.addf %add3A_590, %mul3A_601 : vector<16xf32>
        %mul3A_603 = arith.mulf %get3A_598, %get3A_598 : vector<16xf32>
        %add3A_604 = arith.addf %add3A_592, %mul3A_603 : vector<16xf32>
        %get3A_605 = arith.index_cast %add3A_562 : i32 to index
        %get3A_606 = arith.constant 48 : index
        %get3A_607 = tpu.vector_load %arg11[%get3A_605, %get3A_606] {strides = array<i32>} : memref<128x128xf32, #tpu.memory_space<vmem>>, vector<16xf32>,
        %get3A_608 = arith.index_cast %add3A_562 : i32 to index
        %get3A_609 = arith.constant 48 : index
        %get3A_610 = tpu.vector_load %arg12[%get3A_608, %get3A_609] {strides = array<i32>} : memref<128x128xf32, #tpu.memory_space<vmem>>, vector<16xf32>,
        %mul3A_611 = arith.mulf %get3A_607, %get3A_610 : vector<16xf32>
        %add3A_612 = arith.addf %add3A_600, %mul3A_611 : vector<16xf32>
        %mul3A_613 = arith.mulf %get3A_607, %get3A_607 : vector<16xf32>
        %add3A_614 = arith.addf %add3A_602, %mul3A_613 : vector<16xf32>
        %mul3A_615 = arith.mulf %get3A_610, %get3A_610 : vector<16xf32>
        %add3A_616 = arith.addf %add3A_604, %mul3A_615 : vector<16xf32>
        %get3A_617 = arith.index_cast %add3A_562 : i32 to index
        %get3A_618 = arith.constant 64 : index
        %get3A_619 = tpu.vector_load %arg11[%get3A_617, %get3A_618] {strides = array<i32>} : memref<128x128xf32, #tpu.memory_space<vmem>>, vector<16xf32>,
        %get3A_620 = arith.index_cast %add3A_562 : i32 to index
        %get3A_621 = arith.constant 64 : index
        %get3A_622 = tpu.vector_load %arg12[%get3A_620, %get3A_621] {strides = array<i32>} : memref<128x128xf32, #tpu.memory_space<vmem>>, vector<16xf32>,
        %mul3A_623 = arith.mulf %get3A_619, %get3A_622 : vector<16xf32>
        %add3A_624 = arith.addf %add3A_612, %mul3A_623 : vector<16xf32>
        %mul3A_625 = arith.mulf %get3A_619, %get3A_619 : vector<16xf32>
        %add3A_626 = arith.addf %add3A_614, %mul3A_625 : vector<16xf32>
        %mul3A_627 = arith.mulf %get3A_622, %get3A_622 : vector<16xf32>
        %add3A_628 = arith.addf %add3A_616, %mul3A_627 : vector<16xf32>
        %get3A_629 = arith.index_cast %add3A_562 : i32 to index
        %get3A_630 = arith.constant 80 : index
        %get3A_631 = tpu.vector_load %arg11[%get3A_629, %get3A_630] {strides = array<i32>} : memref<128x128xf32, #tpu.memory_space<vmem>>, vector<16xf32>,
        %get3A_632 = arith.index_cast %add3A_562 : i32 to index
        %get3A_633 = arith.constant 80 : index
        %get3A_634 = tpu.vector_load %arg12[%get3A_632, %get3A_633] {strides = array<i32>} : memref<128x128xf32, #tpu.memory_space<vmem>>, vector<16xf32>,
        %mul3A_635 = arith.mulf %get3A_631, %get3A_634 : vector<16xf32>
        %add3A_636 = arith.addf %add3A_624, %mul3A_635 : vector<16xf32>
        %mul3A_637 = arith.mulf %get3A_631, %get3A_631 : vector<16xf32>
        %add3A_638 = arith.addf %add3A_626, %mul3A_637 : vector<16xf32>
        %mul3A_639 = arith.mulf %get3A_634, %get3A_634 : vector<16xf32>
        %add3A_640 = arith.addf %add3A_628, %mul3A_639 : vector<16xf32>
        %get3A_641 = arith.index_cast %add3A_562 : i32 to index
        %get3A_642 = arith.constant 96 : index
        %get3A_643 = tpu.vector_load %arg11[%get3A_641, %get3A_642] {strides = array<i32>} : memref<128x128xf32, #tpu.memory_space<vmem>>, vector<16xf32>,
        %get3A_644 = arith.index_cast %add3A_562 : i32 to index
        %get3A_645 = arith.constant 96 : index
        %get3A_646 = tpu.vector_load %arg12[%get3A_644, %get3A_645] {strides = array<i32>} : memref<128x128xf32, #tpu.memory_space<vmem>>, vector<16xf32>,
        %mul3A_647 = arith.mulf %get3A_643, %get3A_646 : vector<16xf32>
        %add3A_648 = arith.addf %add3A_636, %mul3A_647 : vector<16xf32>
        %mul3A_649 = arith.mulf %get3A_643, %get3A_643 : vector<16xf32>
        %add3A_650 = arith.addf %add3A_638, %mul3A_649 : vector<16xf32>
        %mul3A_651 = arith.mulf %get3A_646, %get3A_646 : vector<16xf32>
        %add3A_652 = arith.addf %add3A_640, %mul3A_651 : vector<16xf32>
        %get3A_653 = arith.index_cast %add3A_562 : i32 to index
        %get3A_654 = arith.constant 112 : index
        %get3A_655 = tpu.vector_load %arg11[%get3A_653, %get3A_654] {strides = array<i32>} : memref<128x128xf32, #tpu.memory_space<vmem>>, vector<16xf32>,
        %get3A_656 = arith.index_cast %add3A_562 : i32 to index
        %get3A_657 = arith.constant 112 : index
        %get3A_658 = tpu.vector_load %arg12[%get3A_656, %get3A_657] {strides = array<i32>} : memref<128x128xf32, #tpu.memory_space<vmem>>, vector<16xf32>,
        %mul3A_659 = arith.mulf %get3A_655, %get3A_658 : vector<16xf32>
        %add3A_660 = arith.addf %add3A_648, %mul3A_659 : vector<16xf32>
        %mul3A_661 = arith.mulf %get3A_655, %get3A_655 : vector<16xf32>
        %add3A_662 = arith.addf %add3A_650, %mul3A_661 : vector<16xf32>
        %mul3A_663 = arith.mulf %get3A_658, %get3A_658 : vector<16xf32>
        %add3A_664 = arith.addf %add3A_652, %mul3A_663 : vector<16xf32>
        %eq3A_665 = arith.constant 4 : i32
        %eq3A_666 = vector.broadcast %eq3A_665 : i32 to vector<16xi32>
        %eq3A_667 = arith.cmpi eq, %iota3A, %eq3A_666 : vector<16xi32>
        %reduce_sum3A_668 = arith.constant true
        %reduce_sum3A_669 = vector.broadcast %reduce_sum3A_668 : i1 to vector<16xi1>
        %reduce_sum3A_670 = tpu.scan <sum>, %add3A_660 masked %reduce_sum3A_669 : vector<16xf32>, vector<16xi1> -> vector<16xf32>
        %reduce_sum3A_671 = vector.extract %reduce_sum3A_670[15] : f32 from vector<16xf32>
        %broadcast_in_dim3A_672 = vector.broadcast %reduce_sum3A_671 : f32 to vector<16xf32>
        %select_n3A_673 = arith.select %eq3A_667, %broadcast_in_dim3A_672, %select_n3A_546 : vector<16xi1>, vector<16xf32>
        %reduce_sum3A_674 = arith.constant true
        %reduce_sum3A_675 = vector.broadcast %reduce_sum3A_674 : i1 to vector<16xi1>
        %reduce_sum3A_676 = tpu.scan <sum>, %add3A_662 masked %reduce_sum3A_675 : vector<16xf32>, vector<16xi1> -> vector<16xf32>
        %reduce_sum3A_677 = vector.extract %reduce_sum3A_676[15] : f32 from vector<16xf32>
        %broadcast_in_dim3A_678 = vector.broadcast %reduce_sum3A_677 : f32 to vector<16xf32>
        %select_n3A_679 = arith.select %eq3A_667, %broadcast_in_dim3A_678, %select_n3A_552 : vector<16xi1>, vector<16xf32>
        %reduce_sum3A_680 = arith.constant true
        %reduce_sum3A_681 = vector.broadcast %reduce_sum3A_680 : i1 to vector<16xi1>
        %reduce_sum3A_682 = tpu.scan <sum>, %add3A_664 masked %reduce_sum3A_681 : vector<16xf32>, vector<16xi1> -> vector<16xf32>
        %reduce_sum3A_683 = vector.extract %reduce_sum3A_682[15] : f32 from vector<16xf32>
        %broadcast_in_dim3A_684 = vector.broadcast %reduce_sum3A_683 : f32 to vector<16xf32>
        %select_n3A_685 = arith.select %eq3A_667, %broadcast_in_dim3A_684, %select_n3A_558 : vector<16xi1>, vector<16xf32>
        %mul3A_686 = arith.constant 16 : i32
        %mul3A_687 = arith.muli %scan3A_48, %mul3A_686 : i32
        %add3A_688 = arith.constant 5 : i32
        %add3A_689 = arith.addi %mul3A_687, %add3A_688 : i32
        %broadcast_in_dim3A_690 = arith.constant 0.000000e+00 : f32
        %broadcast_in_dim3A_691 = vector.broadcast %broadcast_in_dim3A_690 : f32 to vector<16xf32>
        %broadcast_in_dim3A_692 = arith.constant 0.000000e+00 : f32
        %broadcast_in_dim3A_693 = vector.broadcast %broadcast_in_dim3A_692 : f32 to vector<16xf32>
        %broadcast_in_dim3A_694 = arith.constant 0.000000e+00 : f32
        %broadcast_in_dim3A_695 = vector.broadcast %broadcast_in_dim3A_694 : f32 to vector<16xf32>
        %get3A_696 = arith.index_cast %add3A_689 : i32 to index
        %get3A_697 = arith.constant 0 : index
        %get3A_698 = tpu.vector_load %arg11[%get3A_696, %get3A_697] {strides = array<i32>} : memref<128x128xf32, #tpu.memory_space<vmem>>, vector<16xf32>,
        %get3A_699 = arith.index_cast %add3A_689 : i32 to index
        %get3A_700 = arith.constant 0 : index
        %get3A_701 = tpu.vector_load %arg12[%get3A_699, %get3A_700] {strides = array<i32>} : memref<128x128xf32, #tpu.memory_space<vmem>>, vector<16xf32>,
        %mul3A_702 = arith.mulf %get3A_698, %get3A_701 : vector<16xf32>
        %add3A_703 = arith.addf %broadcast_in_dim3A_691, %mul3A_702 : vector<16xf32>
        %mul3A_704 = arith.mulf %get3A_698, %get3A_698 : vector<16xf32>
        %add3A_705 = arith.addf %broadcast_in_dim3A_693, %mul3A_704 : vector<16xf32>
        %mul3A_706 = arith.mulf %get3A_701, %get3A_701 : vector<16xf32>
        %add3A_707 = arith.addf %broadcast_in_dim3A_695, %mul3A_706 : vector<16xf32>
        %get3A_708 = arith.index_cast %add3A_689 : i32 to index
        %get3A_709 = arith.constant 16 : index
        %get3A_710 = tpu.vector_load %arg11[%get3A_708, %get3A_709] {strides = array<i32>} : memref<128x128xf32, #tpu.memory_space<vmem>>, vector<16xf32>,
        %get3A_711 = arith.index_cast %add3A_689 : i32 to index
        %get3A_712 = arith.constant 16 : index
        %get3A_713 = tpu.vector_load %arg12[%get3A_711, %get3A_712] {strides = array<i32>} : memref<128x128xf32, #tpu.memory_space<vmem>>, vector<16xf32>,
        %mul3A_714 = arith.mulf %get3A_710, %get3A_713 : vector<16xf32>
        %add3A_715 = arith.addf %add3A_703, %mul3A_714 : vector<16xf32>
        %mul3A_716 = arith.mulf %get3A_710, %get3A_710 : vector<16xf32>
        %add3A_717 = arith.addf %add3A_705, %mul3A_716 : vector<16xf32>
        %mul3A_718 = arith.mulf %get3A_713, %get3A_713 : vector<16xf32>
        %add3A_719 = arith.addf %add3A_707, %mul3A_718 : vector<16xf32>
        %get3A_720 = arith.index_cast %add3A_689 : i32 to index
        %get3A_721 = arith.constant 32 : index
        %get3A_722 = tpu.vector_load %arg11[%get3A_720, %get3A_721] {strides = array<i32>} : memref<128x128xf32, #tpu.memory_space<vmem>>, vector<16xf32>,
        %get3A_723 = arith.index_cast %add3A_689 : i32 to index
        %get3A_724 = arith.constant 32 : index
        %get3A_725 = tpu.vector_load %arg12[%get3A_723, %get3A_724] {strides = array<i32>} : memref<128x128xf32, #tpu.memory_space<vmem>>, vector<16xf32>,
        %mul3A_726 = arith.mulf %get3A_722, %get3A_725 : vector<16xf32>
        %add3A_727 = arith.addf %add3A_715, %mul3A_726 : vector<16xf32>
        %mul3A_728 = arith.mulf %get3A_722, %get3A_722 : vector<16xf32>
        %add3A_729 = arith.addf %add3A_717, %mul3A_728 : vector<16xf32>
        %mul3A_730 = arith.mulf %get3A_725, %get3A_725 : vector<16xf32>
        %add3A_731 = arith.addf %add3A_719, %mul3A_730 : vector<16xf32>
        %get3A_732 = arith.index_cast %add3A_689 : i32 to index
        %get3A_733 = arith.constant 48 : index
        %get3A_734 = tpu.vector_load %arg11[%get3A_732, %get3A_733] {strides = array<i32>} : memref<128x128xf32, #tpu.memory_space<vmem>>, vector<16xf32>,
        %get3A_735 = arith.index_cast %add3A_689 : i32 to index
        %get3A_736 = arith.constant 48 : index
        %get3A_737 = tpu.vector_load %arg12[%get3A_735, %get3A_736] {strides = array<i32>} : memref<128x128xf32, #tpu.memory_space<vmem>>, vector<16xf32>,
        %mul3A_738 = arith.mulf %get3A_734, %get3A_737 : vector<16xf32>
        %add3A_739 = arith.addf %add3A_727, %mul3A_738 : vector<16xf32>
        %mul3A_740 = arith.mulf %get3A_734, %get3A_734 : vector<16xf32>
        %add3A_741 = arith.addf %add3A_729, %mul3A_740 : vector<16xf32>
        %mul3A_742 = arith.mulf %get3A_737, %get3A_737 : vector<16xf32>
        %add3A_743 = arith.addf %add3A_731, %mul3A_742 : vector<16xf32>
        %get3A_744 = arith.index_cast %add3A_689 : i32 to index
        %get3A_745 = arith.constant 64 : index
        %get3A_746 = tpu.vector_load %arg11[%get3A_744, %get3A_745] {strides = array<i32>} : memref<128x128xf32, #tpu.memory_space<vmem>>, vector<16xf32>,
        %get3A_747 = arith.index_cast %add3A_689 : i32 to index
        %get3A_748 = arith.constant 64 : index
        %get3A_749 = tpu.vector_load %arg12[%get3A_747, %get3A_748] {strides = array<i32>} : memref<128x128xf32, #tpu.memory_space<vmem>>, vector<16xf32>,
        %mul3A_750 = arith.mulf %get3A_746, %get3A_749 : vector<16xf32>
        %add3A_751 = arith.addf %add3A_739, %mul3A_750 : vector<16xf32>
        %mul3A_752 = arith.mulf %get3A_746, %get3A_746 : vector<16xf32>
        %add3A_753 = arith.addf %add3A_741, %mul3A_752 : vector<16xf32>
        %mul3A_754 = arith.mulf %get3A_749, %get3A_749 : vector<16xf32>
        %add3A_755 = arith.addf %add3A_743, %mul3A_754 : vector<16xf32>
        %get3A_756 = arith.index_cast %add3A_689 : i32 to index
        %get3A_757 = arith.constant 80 : index
        %get3A_758 = tpu.vector_load %arg11[%get3A_756, %get3A_757] {strides = array<i32>} : memref<128x128xf32, #tpu.memory_space<vmem>>, vector<16xf32>,
        %get3A_759 = arith.index_cast %add3A_689 : i32 to index
        %get3A_760 = arith.constant 80 : index
        %get3A_761 = tpu.vector_load %arg12[%get3A_759, %get3A_760] {strides = array<i32>} : memref<128x128xf32, #tpu.memory_space<vmem>>, vector<16xf32>,
        %mul3A_762 = arith.mulf %get3A_758, %get3A_761 : vector<16xf32>
        %add3A_763 = arith.addf %add3A_751, %mul3A_762 : vector<16xf32>
        %mul3A_764 = arith.mulf %get3A_758, %get3A_758 : vector<16xf32>
        %add3A_765 = arith.addf %add3A_753, %mul3A_764 : vector<16xf32>
        %mul3A_766 = arith.mulf %get3A_761, %get3A_761 : vector<16xf32>
        %add3A_767 = arith.addf %add3A_755, %mul3A_766 : vector<16xf32>
        %get3A_768 = arith.index_cast %add3A_689 : i32 to index
        %get3A_769 = arith.constant 96 : index
        %get3A_770 = tpu.vector_load %arg11[%get3A_768, %get3A_769] {strides = array<i32>} : memref<128x128xf32, #tpu.memory_space<vmem>>, vector<16xf32>,
        %get3A_771 = arith.index_cast %add3A_689 : i32 to index
        %get3A_772 = arith.constant 96 : index
        %get3A_773 = tpu.vector_load %arg12[%get3A_771, %get3A_772] {strides = array<i32>} : memref<128x128xf32, #tpu.memory_space<vmem>>, vector<16xf32>,
        %mul3A_774 = arith.mulf %get3A_770, %get3A_773 : vector<16xf32>
        %add3A_775 = arith.addf %add3A_763, %mul3A_774 : vector<16xf32>
        %mul3A_776 = arith.mulf %get3A_770, %get3A_770 : vector<16xf32>
        %add3A_777 = arith.addf %add3A_765, %mul3A_776 : vector<16xf32>
        %mul3A_778 = arith.mulf %get3A_773, %get3A_773 : vector<16xf32>
        %add3A_779 = arith.addf %add3A_767, %mul3A_778 : vector<16xf32>
        %get3A_780 = arith.index_cast %add3A_689 : i32 to index
        %get3A_781 = arith.constant 112 : index
        %get3A_782 = tpu.vector_load %arg11[%get3A_780, %get3A_781] {strides = array<i32>} : memref<128x128xf32, #tpu.memory_space<vmem>>, vector<16xf32>,
        %get3A_783 = arith.index_cast %add3A_689 : i32 to index
        %get3A_784 = arith.constant 112 : index
        %get3A_785 = tpu.vector_load %arg12[%get3A_783, %get3A_784] {strides = array<i32>} : memref<128x128xf32, #tpu.memory_space<vmem>>, vector<16xf32>,
        %mul3A_786 = arith.mulf %get3A_782, %get3A_785 : vector<16xf32>
        %add3A_787 = arith.addf %add3A_775, %mul3A_786 : vector<16xf32>
        %mul3A_788 = arith.mulf %get3A_782, %get3A_782 : vector<16xf32>
        %add3A_789 = arith.addf %add3A_777, %mul3A_788 : vector<16xf32>
        %mul3A_790 = arith.mulf %get3A_785, %get3A_785 : vector<16xf32>
        %add3A_791 = arith.addf %add3A_779, %mul3A_790 : vector<16xf32>
        %eq3A_792 = arith.constant 5 : i32
        %eq3A_793 = vector.broadcast %eq3A_792 : i32 to vector<16xi32>
        %eq3A_794 = arith.cmpi eq, %iota3A, %eq3A_793 : vector<16xi32>
        %reduce_sum3A_795 = arith.constant true
        %reduce_sum3A_796 = vector.broadcast %reduce_sum3A_795 : i1 to vector<16xi1>
        %reduce_sum3A_797 = tpu.scan <sum>, %add3A_787 masked %reduce_sum3A_796 : vector<16xf32>, vector<16xi1> -> vector<16xf32>
        %reduce_sum3A_798 = vector.extract %reduce_sum3A_797[15] : f32 from vector<16xf32>
        %broadcast_in_dim3A_799 = vector.broadcast %reduce_sum3A_798 : f32 to vector<16xf32>
        %select_n3A_800 = arith.select %eq3A_794, %broadcast_in_dim3A_799, %select_n3A_673 : vector<16xi1>, vector<16xf32>
        %reduce_sum3A_801 = arith.constant true
        %reduce_sum3A_802 = vector.broadcast %reduce_sum3A_801 : i1 to vector<16xi1>
        %reduce_sum3A_803 = tpu.scan <sum>, %add3A_789 masked %reduce_sum3A_802 : vector<16xf32>, vector<16xi1> -> vector<16xf32>
        %reduce_sum3A_804 = vector.extract %reduce_sum3A_803[15] : f32 from vector<16xf32>
        %broadcast_in_dim3A_805 = vector.broadcast %reduce_sum3A_804 : f32 to vector<16xf32>
        %select_n3A_806 = arith.select %eq3A_794, %broadcast_in_dim3A_805, %select_n3A_679 : vector<16xi1>, vector<16xf32>
        %reduce_sum3A_807 = arith.constant true
        %reduce_sum3A_808 = vector.broadcast %reduce_sum3A_807 : i1 to vector<16xi1>
        %reduce_sum3A_809 = tpu.scan <sum>, %add3A_791 masked %reduce_sum3A_808 : vector<16xf32>, vector<16xi1> -> vector<16xf32>
        %reduce_sum3A_810 = vector.extract %reduce_sum3A_809[15] : f32 from vector<16xf32>
        %broadcast_in_dim3A_811 = vector.broadcast %reduce_sum3A_810 : f32 to vector<16xf32>
        %select_n3A_812 = arith.select %eq3A_794, %broadcast_in_dim3A_811, %select_n3A_685 : vector<16xi1>, vector<16xf32>
        %mul3A_813 = arith.constant 16 : i32
        %mul3A_814 = arith.muli %scan3A_48, %mul3A_813 : i32
        %add3A_815 = arith.constant 6 : i32
        %add3A_816 = arith.addi %mul3A_814, %add3A_815 : i32
        %broadcast_in_dim3A_817 = arith.constant 0.000000e+00 : f32
        %broadcast_in_dim3A_818 = vector.broadcast %broadcast_in_dim3A_817 : f32 to vector<16xf32>
        %broadcast_in_dim3A_819 = arith.constant 0.000000e+00 : f32
        %broadcast_in_dim3A_820 = vector.broadcast %broadcast_in_dim3A_819 : f32 to vector<16xf32>
        %broadcast_in_dim3A_821 = arith.constant 0.000000e+00 : f32
        %broadcast_in_dim3A_822 = vector.broadcast %broadcast_in_dim3A_821 : f32 to vector<16xf32>
        %get3A_823 = arith.index_cast %add3A_816 : i32 to index
        %get3A_824 = arith.constant 0 : index
        %get3A_825 = tpu.vector_load %arg11[%get3A_823, %get3A_824] {strides = array<i32>} : memref<128x128xf32, #tpu.memory_space<vmem>>, vector<16xf32>,
        %get3A_826 = arith.index_cast %add3A_816 : i32 to index
        %get3A_827 = arith.constant 0 : index
        %get3A_828 = tpu.vector_load %arg12[%get3A_826, %get3A_827] {strides = array<i32>} : memref<128x128xf32, #tpu.memory_space<vmem>>, vector<16xf32>,
        %mul3A_829 = arith.mulf %get3A_825, %get3A_828 : vector<16xf32>
        %add3A_830 = arith.addf %broadcast_in_dim3A_818, %mul3A_829 : vector<16xf32>
        %mul3A_831 = arith.mulf %get3A_825, %get3A_825 : vector<16xf32>
        %add3A_832 = arith.addf %broadcast_in_dim3A_820, %mul3A_831 : vector<16xf32>
        %mul3A_833 = arith.mulf %get3A_828, %get3A_828 : vector<16xf32>
        %add3A_834 = arith.addf %broadcast_in_dim3A_822, %mul3A_833 : vector<16xf32>
        %get3A_835 = arith.index_cast %add3A_816 : i32 to index
        %get3A_836 = arith.constant 16 : index
        %get3A_837 = tpu.vector_load %arg11[%get3A_835, %get3A_836] {strides = array<i32>} : memref<128x128xf32, #tpu.memory_space<vmem>>, vector<16xf32>,
        %get3A_838 = arith.index_cast %add3A_816 : i32 to index
        %get3A_839 = arith.constant 16 : index
        %get3A_840 = tpu.vector_load %arg12[%get3A_838, %get3A_839] {strides = array<i32>} : memref<128x128xf32, #tpu.memory_space<vmem>>, vector<16xf32>,
        %mul3A_841 = arith.mulf %get3A_837, %get3A_840 : vector<16xf32>
        %add3A_842 = arith.addf %add3A_830, %mul3A_841 : vector<16xf32>
        %mul3A_843 = arith.mulf %get3A_837, %get3A_837 : vector<16xf32>
        %add3A_844 = arith.addf %add3A_832, %mul3A_843 : vector<16xf32>
        %mul3A_845 = arith.mulf %get3A_840, %get3A_840 : vector<16xf32>
        %add3A_846 = arith.addf %add3A_834, %mul3A_845 : vector<16xf32>
        %get3A_847 = arith.index_cast %add3A_816 : i32 to index
        %get3A_848 = arith.constant 32 : index
        %get3A_849 = tpu.vector_load %arg11[%get3A_847, %get3A_848] {strides = array<i32>} : memref<128x128xf32, #tpu.memory_space<vmem>>, vector<16xf32>,
        %get3A_850 = arith.index_cast %add3A_816 : i32 to index
        %get3A_851 = arith.constant 32 : index
        %get3A_852 = tpu.vector_load %arg12[%get3A_850, %get3A_851] {strides = array<i32>} : memref<128x128xf32, #tpu.memory_space<vmem>>, vector<16xf32>,
        %mul3A_853 = arith.mulf %get3A_849, %get3A_852 : vector<16xf32>
        %add3A_854 = arith.addf %add3A_842, %mul3A_853 : vector<16xf32>
        %mul3A_855 = arith.mulf %get3A_849, %get3A_849 : vector<16xf32>
        %add3A_856 = arith.addf %add3A_844, %mul3A_855 : vector<16xf32>
        %mul3A_857 = arith.mulf %get3A_852, %get3A_852 : vector<16xf32>
        %add3A_858 = arith.addf %add3A_846, %mul3A_857 : vector<16xf32>
        %get3A_859 = arith.index_cast %add3A_816 : i32 to index
        %get3A_860 = arith.constant 48 : index
        %get3A_861 = tpu.vector_load %arg11[%get3A_859, %get3A_860] {strides = array<i32>} : memref<128x128xf32, #tpu.memory_space<vmem>>, vector<16xf32>,
        %get3A_862 = arith.index_cast %add3A_816 : i32 to index
        %get3A_863 = arith.constant 48 : index
        %get3A_864 = tpu.vector_load %arg12[%get3A_862, %get3A_863] {strides = array<i32>} : memref<128x128xf32, #tpu.memory_space<vmem>>, vector<16xf32>,
        %mul3A_865 = arith.mulf %get3A_861, %get3A_864 : vector<16xf32>
        %add3A_866 = arith.addf %add3A_854, %mul3A_865 : vector<16xf32>
        %mul3A_867 = arith.mulf %get3A_861, %get3A_861 : vector<16xf32>
        %add3A_868 = arith.addf %add3A_856, %mul3A_867 : vector<16xf32>
        %mul3A_869 = arith.mulf %get3A_864, %get3A_864 : vector<16xf32>
        %add3A_870 = arith.addf %add3A_858, %mul3A_869 : vector<16xf32>
        %get3A_871 = arith.index_cast %add3A_816 : i32 to index
        %get3A_872 = arith.constant 64 : index
        %get3A_873 = tpu.vector_load %arg11[%get3A_871, %get3A_872] {strides = array<i32>} : memref<128x128xf32, #tpu.memory_space<vmem>>, vector<16xf32>,
        %get3A_874 = arith.index_cast %add3A_816 : i32 to index
        %get3A_875 = arith.constant 64 : index
        %get3A_876 = tpu.vector_load %arg12[%get3A_874, %get3A_875] {strides = array<i32>} : memref<128x128xf32, #tpu.memory_space<vmem>>, vector<16xf32>,
        %mul3A_877 = arith.mulf %get3A_873, %get3A_876 : vector<16xf32>
        %add3A_878 = arith.addf %add3A_866, %mul3A_877 : vector<16xf32>
        %mul3A_879 = arith.mulf %get3A_873, %get3A_873 : vector<16xf32>
        %add3A_880 = arith.addf %add3A_868, %mul3A_879 : vector<16xf32>
        %mul3A_881 = arith.mulf %get3A_876, %get3A_876 : vector<16xf32>
        %add3A_882 = arith.addf %add3A_870, %mul3A_881 : vector<16xf32>
        %get3A_883 = arith.index_cast %add3A_816 : i32 to index
        %get3A_884 = arith.constant 80 : index
        %get3A_885 = tpu.vector_load %arg11[%get3A_883, %get3A_884] {strides = array<i32>} : memref<128x128xf32, #tpu.memory_space<vmem>>, vector<16xf32>,
        %get3A_886 = arith.index_cast %add3A_816 : i32 to index
        %get3A_887 = arith.constant 80 : index
        %get3A_888 = tpu.vector_load %arg12[%get3A_886, %get3A_887] {strides = array<i32>} : memref<128x128xf32, #tpu.memory_space<vmem>>, vector<16xf32>,
        %mul3A_889 = arith.mulf %get3A_885, %get3A_888 : vector<16xf32>
        %add3A_890 = arith.addf %add3A_878, %mul3A_889 : vector<16xf32>
        %mul3A_891 = arith.mulf %get3A_885, %get3A_885 : vector<16xf32>
        %add3A_892 = arith.addf %add3A_880, %mul3A_891 : vector<16xf32>
        %mul3A_893 = arith.mulf %get3A_888, %get3A_888 : vector<16xf32>
        %add3A_894 = arith.addf %add3A_882, %mul3A_893 : vector<16xf32>
        %get3A_895 = arith.index_cast %add3A_816 : i32 to index
        %get3A_896 = arith.constant 96 : index
        %get3A_897 = tpu.vector_load %arg11[%get3A_895, %get3A_896] {strides = array<i32>} : memref<128x128xf32, #tpu.memory_space<vmem>>, vector<16xf32>,
        %get3A_898 = arith.index_cast %add3A_816 : i32 to index
        %get3A_899 = arith.constant 96 : index
        %get3A_900 = tpu.vector_load %arg12[%get3A_898, %get3A_899] {strides = array<i32>} : memref<128x128xf32, #tpu.memory_space<vmem>>, vector<16xf32>,
        %mul3A_901 = arith.mulf %get3A_897, %get3A_900 : vector<16xf32>
        %add3A_902 = arith.addf %add3A_890, %mul3A_901 : vector<16xf32>
        %mul3A_903 = arith.mulf %get3A_897, %get3A_897 : vector<16xf32>
        %add3A_904 = arith.addf %add3A_892, %mul3A_903 : vector<16xf32>
        %mul3A_905 = arith.mulf %get3A_900, %get3A_900 : vector<16xf32>
        %add3A_906 = arith.addf %add3A_894, %mul3A_905 : vector<16xf32>
        %get3A_907 = arith.index_cast %add3A_816 : i32 to index
        %get3A_908 = arith.constant 112 : index
        %get3A_909 = tpu.vector_load %arg11[%get3A_907, %get3A_908] {strides = array<i32>} : memref<128x128xf32, #tpu.memory_space<vmem>>, vector<16xf32>,
        %get3A_910 = arith.index_cast %add3A_816 : i32 to index
        %get3A_911 = arith.constant 112 : index
        %get3A_912 = tpu.vector_load %arg12[%get3A_910, %get3A_911] {strides = array<i32>} : memref<128x128xf32, #tpu.memory_space<vmem>>, vector<16xf32>,
        %mul3A_913 = arith.mulf %get3A_909, %get3A_912 : vector<16xf32>
        %add3A_914 = arith.addf %add3A_902, %mul3A_913 : vector<16xf32>
        %mul3A_915 = arith.mulf %get3A_909, %get3A_909 : vector<16xf32>
        %add3A_916 = arith.addf %add3A_904, %mul3A_915 : vector<16xf32>
        %mul3A_917 = arith.mulf %get3A_912, %get3A_912 : vector<16xf32>
        %add3A_918 = arith.addf %add3A_906, %mul3A_917 : vector<16xf32>
        %eq3A_919 = arith.constant 6 : i32
        %eq3A_920 = vector.broadcast %eq3A_919 : i32 to vector<16xi32>
        %eq3A_921 = arith.cmpi eq, %iota3A, %eq3A_920 : vector<16xi32>
        %reduce_sum3A_922 = arith.constant true
        %reduce_sum3A_923 = vector.broadcast %reduce_sum3A_922 : i1 to vector<16xi1>
        %reduce_sum3A_924 = tpu.scan <sum>, %add3A_914 masked %reduce_sum3A_923 : vector<16xf32>, vector<16xi1> -> vector<16xf32>
        %reduce_sum3A_925 = vector.extract %reduce_sum3A_924[15] : f32 from vector<16xf32>
        %broadcast_in_dim3A_926 = vector.broadcast %reduce_sum3A_925 : f32 to vector<16xf32>
        %select_n3A_927 = arith.select %eq3A_921, %broadcast_in_dim3A_926, %select_n3A_800 : vector<16xi1>, vector<16xf32>
        %reduce_sum3A_928 = arith.constant true
        %reduce_sum3A_929 = vector.broadcast %reduce_sum3A_928 : i1 to vector<16xi1>
        %reduce_sum3A_930 = tpu.scan <sum>, %add3A_916 masked %reduce_sum3A_929 : vector<16xf32>, vector<16xi1> -> vector<16xf32>
        %reduce_sum3A_931 = vector.extract %reduce_sum3A_930[15] : f32 from vector<16xf32>
        %broadcast_in_dim3A_932 = vector.broadcast %reduce_sum3A_931 : f32 to vector<16xf32>
        %select_n3A_933 = arith.select %eq3A_921, %broadcast_in_dim3A_932, %select_n3A_806 : vector<16xi1>, vector<16xf32>
        %reduce_sum3A_934 = arith.constant true
        %reduce_sum3A_935 = vector.broadcast %reduce_sum3A_934 : i1 to vector<16xi1>
        %reduce_sum3A_936 = tpu.scan <sum>, %add3A_918 masked %reduce_sum3A_935 : vector<16xf32>, vector<16xi1> -> vector<16xf32>
        %reduce_sum3A_937 = vector.extract %reduce_sum3A_936[15] : f32 from vector<16xf32>
        %broadcast_in_dim3A_938 = vector.broadcast %reduce_sum3A_937 : f32 to vector<16xf32>
        %select_n3A_939 = arith.select %eq3A_921, %broadcast_in_dim3A_938, %select_n3A_812 : vector<16xi1>, vector<16xf32>
        %mul3A_940 = arith.constant 16 : i32
        %mul3A_941 = arith.muli %scan3A_48, %mul3A_940 : i32
        %add3A_942 = arith.constant 7 : i32
        %add3A_943 = arith.addi %mul3A_941, %add3A_942 : i32
        %broadcast_in_dim3A_944 = arith.constant 0.000000e+00 : f32
        %broadcast_in_dim3A_945 = vector.broadcast %broadcast_in_dim3A_944 : f32 to vector<16xf32>
        %broadcast_in_dim3A_946 = arith.constant 0.000000e+00 : f32
        %broadcast_in_dim3A_947 = vector.broadcast %broadcast_in_dim3A_946 : f32 to vector<16xf32>
        %broadcast_in_dim3A_948 = arith.constant 0.000000e+00 : f32
        %broadcast_in_dim3A_949 = vector.broadcast %broadcast_in_dim3A_948 : f32 to vector<16xf32>
        %get3A_950 = arith.index_cast %add3A_943 : i32 to index
        %get3A_951 = arith.constant 0 : index
        %get3A_952 = tpu.vector_load %arg11[%get3A_950, %get3A_951] {strides = array<i32>} : memref<128x128xf32, #tpu.memory_space<vmem>>, vector<16xf32>,
        %get3A_953 = arith.index_cast %add3A_943 : i32 to index
        %get3A_954 = arith.constant 0 : index
        %get3A_955 = tpu.vector_load %arg12[%get3A_953, %get3A_954] {strides = array<i32>} : memref<128x128xf32, #tpu.memory_space<vmem>>, vector<16xf32>,
        %mul3A_956 = arith.mulf %get3A_952, %get3A_955 : vector<16xf32>
        %add3A_957 = arith.addf %broadcast_in_dim3A_945, %mul3A_956 : vector<16xf32>
        %mul3A_958 = arith.mulf %get3A_952, %get3A_952 : vector<16xf32>
        %add3A_959 = arith.addf %broadcast_in_dim3A_947, %mul3A_958 : vector<16xf32>
        %mul3A_960 = arith.mulf %get3A_955, %get3A_955 : vector<16xf32>
        %add3A_961 = arith.addf %broadcast_in_dim3A_949, %mul3A_960 : vector<16xf32>
        %get3A_962 = arith.index_cast %add3A_943 : i32 to index
        %get3A_963 = arith.constant 16 : index
        %get3A_964 = tpu.vector_load %arg11[%get3A_962, %get3A_963] {strides = array<i32>} : memref<128x128xf32, #tpu.memory_space<vmem>>, vector<16xf32>,
        %get3A_965 = arith.index_cast %add3A_943 : i32 to index
        %get3A_966 = arith.constant 16 : index
        %get3A_967 = tpu.vector_load %arg12[%get3A_965, %get3A_966] {strides = array<i32>} : memref<128x128xf32, #tpu.memory_space<vmem>>, vector<16xf32>,
        %mul3A_968 = arith.mulf %get3A_964, %get3A_967 : vector<16xf32>
        %add3A_969 = arith.addf %add3A_957, %mul3A_968 : vector<16xf32>
        %mul3A_970 = arith.mulf %get3A_964, %get3A_964 : vector<16xf32>
        %add3A_971 = arith.addf %add3A_959, %mul3A_970 : vector<16xf32>
        %mul3A_972 = arith.mulf %get3A_967, %get3A_967 : vector<16xf32>
        %add3A_973 = arith.addf %add3A_961, %mul3A_972 : vector<16xf32>
        %get3A_974 = arith.index_cast %add3A_943 : i32 to index
        %get3A_975 = arith.constant 32 : index
        %get3A_976 = tpu.vector_load %arg11[%get3A_974, %get3A_975] {strides = array<i32>} : memref<128x128xf32, #tpu.memory_space<vmem>>, vector<16xf32>,
        %get3A_977 = arith.index_cast %add3A_943 : i32 to index
        %get3A_978 = arith.constant 32 : index
        %get3A_979 = tpu.vector_load %arg12[%get3A_977, %get3A_978] {strides = array<i32>} : memref<128x128xf32, #tpu.memory_space<vmem>>, vector<16xf32>,
        %mul3A_980 = arith.mulf %get3A_976, %get3A_979 : vector<16xf32>
        %add3A_981 = arith.addf %add3A_969, %mul3A_980 : vector<16xf32>
        %mul3A_982 = arith.mulf %get3A_976, %get3A_976 : vector<16xf32>
        %add3A_983 = arith.addf %add3A_971, %mul3A_982 : vector<16xf32>
        %mul3A_984 = arith.mulf %get3A_979, %get3A_979 : vector<16xf32>
        %add3A_985 = arith.addf %add3A_973, %mul3A_984 : vector<16xf32>
        %get3A_986 = arith.index_cast %add3A_943 : i32 to index
        %get3A_987 = arith.constant 48 : index
        %get3A_988 = tpu.vector_load %arg11[%get3A_986, %get3A_987] {strides = array<i32>} : memref<128x128xf32, #tpu.memory_space<vmem>>, vector<16xf32>,
        %get3A_989 = arith.index_cast %add3A_943 : i32 to index
        %get3A_990 = arith.constant 48 : index
        %get3A_991 = tpu.vector_load %arg12[%get3A_989, %get3A_990] {strides = array<i32>} : memref<128x128xf32, #tpu.memory_space<vmem>>, vector<16xf32>,
        %mul3A_992 = arith.mulf %get3A_988, %get3A_991 : vector<16xf32>
        %add3A_993 = arith.addf %add3A_981, %mul3A_992 : vector<16xf32>
        %mul3A_994 = arith.mulf %get3A_988, %get3A_988 : vector<16xf32>
        %add3A_995 = arith.addf %add3A_983, %mul3A_994 : vector<16xf32>
        %mul3A_996 = arith.mulf %get3A_991, %get3A_991 : vector<16xf32>
        %add3A_997 = arith.addf %add3A_985, %mul3A_996 : vector<16xf32>
        %get3A_998 = arith.index_cast %add3A_943 : i32 to index
        %get3A_999 = arith.constant 64 : index
        %get3A_1000 = tpu.vector_load %arg11[%get3A_998, %get3A_999] {strides = array<i32>} : memref<128x128xf32, #tpu.memory_space<vmem>>, vector<16xf32>,
        %get3A_1001 = arith.index_cast %add3A_943 : i32 to index
        %get3A_1002 = arith.constant 64 : index
        %get3A_1003 = tpu.vector_load %arg12[%get3A_1001, %get3A_1002] {strides = array<i32>} : memref<128x128xf32, #tpu.memory_space<vmem>>, vector<16xf32>,
        %mul3A_1004 = arith.mulf %get3A_1000, %get3A_1003 : vector<16xf32>
        %add3A_1005 = arith.addf %add3A_993, %mul3A_1004 : vector<16xf32>
        %mul3A_1006 = arith.mulf %get3A_1000, %get3A_1000 : vector<16xf32>
        %add3A_1007 = arith.addf %add3A_995, %mul3A_1006 : vector<16xf32>
        %mul3A_1008 = arith.mulf %get3A_1003, %get3A_1003 : vector<16xf32>
        %add3A_1009 = arith.addf %add3A_997, %mul3A_1008 : vector<16xf32>
        %get3A_1010 = arith.index_cast %add3A_943 : i32 to index
        %get3A_1011 = arith.constant 80 : index
        %get3A_1012 = tpu.vector_load %arg11[%get3A_1010, %get3A_1011] {strides = array<i32>} : memref<128x128xf32, #tpu.memory_space<vmem>>, vector<16xf32>,
        %get3A_1013 = arith.index_cast %add3A_943 : i32 to index
        %get3A_1014 = arith.constant 80 : index
        %get3A_1015 = tpu.vector_load %arg12[%get3A_1013, %get3A_1014] {strides = array<i32>} : memref<128x128xf32, #tpu.memory_space<vmem>>, vector<16xf32>,
        %mul3A_1016 = arith.mulf %get3A_1012, %get3A_1015 : vector<16xf32>
        %add3A_1017 = arith.addf %add3A_1005, %mul3A_1016 : vector<16xf32>
        %mul3A_1018 = arith.mulf %get3A_1012, %get3A_1012 : vector<16xf32>
        %add3A_1019 = arith.addf %add3A_1007, %mul3A_1018 : vector<16xf32>
        %mul3A_1020 = arith.mulf %get3A_1015, %get3A_1015 : vector<16xf32>
        %add3A_1021 = arith.addf %add3A_1009, %mul3A_1020 : vector<16xf32>
        %get3A_1022 = arith.index_cast %add3A_943 : i32 to index
        %get3A_1023 = arith.constant 96 : index
        %get3A_1024 = tpu.vector_load %arg11[%get3A_1022, %get3A_1023] {strides = array<i32>} : memref<128x128xf32, #tpu.memory_space<vmem>>, vector<16xf32>,
        %get3A_1025 = arith.index_cast %add3A_943 : i32 to index
        %get3A_1026 = arith.constant 96 : index
        %get3A_1027 = tpu.vector_load %arg12[%get3A_1025, %get3A_1026] {strides = array<i32>} : memref<128x128xf32, #tpu.memory_space<vmem>>, vector<16xf32>,
        %mul3A_1028 = arith.mulf %get3A_1024, %get3A_1027 : vector<16xf32>
        %add3A_1029 = arith.addf %add3A_1017, %mul3A_1028 : vector<16xf32>
        %mul3A_1030 = arith.mulf %get3A_1024, %get3A_1024 : vector<16xf32>
        %add3A_1031 = arith.addf %add3A_1019, %mul3A_1030 : vector<16xf32>
        %mul3A_1032 = arith.mulf %get3A_1027, %get3A_1027 : vector<16xf32>
        %add3A_1033 = arith.addf %add3A_1021, %mul3A_1032 : vector<16xf32>
        %get3A_1034 = arith.index_cast %add3A_943 : i32 to index
        %get3A_1035 = arith.constant 112 : index
        %get3A_1036 = tpu.vector_load %arg11[%get3A_1034, %get3A_1035] {strides = array<i32>} : memref<128x128xf32, #tpu.memory_space<vmem>>, vector<16xf32>,
        %get3A_1037 = arith.index_cast %add3A_943 : i32 to index
        %get3A_1038 = arith.constant 112 : index
        %get3A_1039 = tpu.vector_load %arg12[%get3A_1037, %get3A_1038] {strides = array<i32>} : memref<128x128xf32, #tpu.memory_space<vmem>>, vector<16xf32>,
        %mul3A_1040 = arith.mulf %get3A_1036, %get3A_1039 : vector<16xf32>
        %add3A_1041 = arith.addf %add3A_1029, %mul3A_1040 : vector<16xf32>
        %mul3A_1042 = arith.mulf %get3A_1036, %get3A_1036 : vector<16xf32>
        %add3A_1043 = arith.addf %add3A_1031, %mul3A_1042 : vector<16xf32>
        %mul3A_1044 = arith.mulf %get3A_1039, %get3A_1039 : vector<16xf32>
        %add3A_1045 = arith.addf %add3A_1033, %mul3A_1044 : vector<16xf32>
        %eq3A_1046 = arith.constant 7 : i32
        %eq3A_1047 = vector.broadcast %eq3A_1046 : i32 to vector<16xi32>
        %eq3A_1048 = arith.cmpi eq, %iota3A, %eq3A_1047 : vector<16xi32>
        %reduce_sum3A_1049 = arith.constant true
        %reduce_sum3A_1050 = vector.broadcast %reduce_sum3A_1049 : i1 to vector<16xi1>
        %reduce_sum3A_1051 = tpu.scan <sum>, %add3A_1041 masked %reduce_sum3A_1050 : vector<16xf32>, vector<16xi1> -> vector<16xf32>
        %reduce_sum3A_1052 = vector.extract %reduce_sum3A_1051[15] : f32 from vector<16xf32>
        %broadcast_in_dim3A_1053 = vector.broadcast %reduce_sum3A_1052 : f32 to vector<16xf32>
        %select_n3A_1054 = arith.select %eq3A_1048, %broadcast_in_dim3A_1053, %select_n3A_927 : vector<16xi1>, vector<16xf32>
        %reduce_sum3A_1055 = arith.constant true
        %reduce_sum3A_1056 = vector.broadcast %reduce_sum3A_1055 : i1 to vector<16xi1>
        %reduce_sum3A_1057 = tpu.scan <sum>, %add3A_1043 masked %reduce_sum3A_1056 : vector<16xf32>, vector<16xi1> -> vector<16xf32>
        %reduce_sum3A_1058 = vector.extract %reduce_sum3A_1057[15] : f32 from vector<16xf32>
        %broadcast_in_dim3A_1059 = vector.broadcast %reduce_sum3A_1058 : f32 to vector<16xf32>
        %select_n3A_1060 = arith.select %eq3A_1048, %broadcast_in_dim3A_1059, %select_n3A_933 : vector<16xi1>, vector<16xf32>
        %reduce_sum3A_1061 = arith.constant true
        %reduce_sum3A_1062 = vector.broadcast %reduce_sum3A_1061 : i1 to vector<16xi1>
        %reduce_sum3A_1063 = tpu.scan <sum>, %add3A_1045 masked %reduce_sum3A_1062 : vector<16xf32>, vector<16xi1> -> vector<16xf32>
        %reduce_sum3A_1064 = vector.extract %reduce_sum3A_1063[15] : f32 from vector<16xf32>
        %broadcast_in_dim3A_1065 = vector.broadcast %reduce_sum3A_1064 : f32 to vector<16xf32>
        %select_n3A_1066 = arith.select %eq3A_1048, %broadcast_in_dim3A_1065, %select_n3A_939 : vector<16xi1>, vector<16xf32>
        %mul3A_1067 = arith.constant 16 : i32
        %mul3A_1068 = arith.muli %scan3A_48, %mul3A_1067 : i32
        %add3A_1069 = arith.constant 8 : i32
        %add3A_1070 = arith.addi %mul3A_1068, %add3A_1069 : i32
        %broadcast_in_dim3A_1071 = arith.constant 0.000000e+00 : f32
        %broadcast_in_dim3A_1072 = vector.broadcast %broadcast_in_dim3A_1071 : f32 to vector<16xf32>
        %broadcast_in_dim3A_1073 = arith.constant 0.000000e+00 : f32
        %broadcast_in_dim3A_1074 = vector.broadcast %broadcast_in_dim3A_1073 : f32 to vector<16xf32>
        %broadcast_in_dim3A_1075 = arith.constant 0.000000e+00 : f32
        %broadcast_in_dim3A_1076 = vector.broadcast %broadcast_in_dim3A_1075 : f32 to vector<16xf32>
        %get3A_1077 = arith.index_cast %add3A_1070 : i32 to index
        %get3A_1078 = arith.constant 0 : index
        %get3A_1079 = tpu.vector_load %arg11[%get3A_1077, %get3A_1078] {strides = array<i32>} : memref<128x128xf32, #tpu.memory_space<vmem>>, vector<16xf32>,
        %get3A_1080 = arith.index_cast %add3A_1070 : i32 to index
        %get3A_1081 = arith.constant 0 : index
        %get3A_1082 = tpu.vector_load %arg12[%get3A_1080, %get3A_1081] {strides = array<i32>} : memref<128x128xf32, #tpu.memory_space<vmem>>, vector<16xf32>,
        %mul3A_1083 = arith.mulf %get3A_1079, %get3A_1082 : vector<16xf32>
        %add3A_1084 = arith.addf %broadcast_in_dim3A_1072, %mul3A_1083 : vector<16xf32>
        %mul3A_1085 = arith.mulf %get3A_1079, %get3A_1079 : vector<16xf32>
        %add3A_1086 = arith.addf %broadcast_in_dim3A_1074, %mul3A_1085 : vector<16xf32>
        %mul3A_1087 = arith.mulf %get3A_1082, %get3A_1082 : vector<16xf32>
        %add3A_1088 = arith.addf %broadcast_in_dim3A_1076, %mul3A_1087 : vector<16xf32>
        %get3A_1089 = arith.index_cast %add3A_1070 : i32 to index
        %get3A_1090 = arith.constant 16 : index
        %get3A_1091 = tpu.vector_load %arg11[%get3A_1089, %get3A_1090] {strides = array<i32>} : memref<128x128xf32, #tpu.memory_space<vmem>>, vector<16xf32>,
        %get3A_1092 = arith.index_cast %add3A_1070 : i32 to index
        %get3A_1093 = arith.constant 16 : index
        %get3A_1094 = tpu.vector_load %arg12[%get3A_1092, %get3A_1093] {strides = array<i32>} : memref<128x128xf32, #tpu.memory_space<vmem>>, vector<16xf32>,
        %mul3A_1095 = arith.mulf %get3A_1091, %get3A_1094 : vector<16xf32>
        %add3A_1096 = arith.addf %add3A_1084, %mul3A_1095 : vector<16xf32>
        %mul3A_1097 = arith.mulf %get3A_1091, %get3A_1091 : vector<16xf32>
        %add3A_1098 = arith.addf %add3A_1086, %mul3A_1097 : vector<16xf32>
        %mul3A_1099 = arith.mulf %get3A_1094, %get3A_1094 : vector<16xf32>
        %add3A_1100 = arith.addf %add3A_1088, %mul3A_1099 : vector<16xf32>
        %get3A_1101 = arith.index_cast %add3A_1070 : i32 to index
        %get3A_1102 = arith.constant 32 : index
        %get3A_1103 = tpu.vector_load %arg11[%get3A_1101, %get3A_1102] {strides = array<i32>} : memref<128x128xf32, #tpu.memory_space<vmem>>, vector<16xf32>,
        %get3A_1104 = arith.index_cast %add3A_1070 : i32 to index
        %get3A_1105 = arith.constant 32 : index
        %get3A_1106 = tpu.vector_load %arg12[%get3A_1104, %get3A_1105] {strides = array<i32>} : memref<128x128xf32, #tpu.memory_space<vmem>>, vector<16xf32>,
        %mul3A_1107 = arith.mulf %get3A_1103, %get3A_1106 : vector<16xf32>
        %add3A_1108 = arith.addf %add3A_1096, %mul3A_1107 : vector<16xf32>
        %mul3A_1109 = arith.mulf %get3A_1103, %get3A_1103 : vector<16xf32>
        %add3A_1110 = arith.addf %add3A_1098, %mul3A_1109 : vector<16xf32>
        %mul3A_1111 = arith.mulf %get3A_1106, %get3A_1106 : vector<16xf32>
        %add3A_1112 = arith.addf %add3A_1100, %mul3A_1111 : vector<16xf32>
        %get3A_1113 = arith.index_cast %add3A_1070 : i32 to index
        %get3A_1114 = arith.constant 48 : index
        %get3A_1115 = tpu.vector_load %arg11[%get3A_1113, %get3A_1114] {strides = array<i32>} : memref<128x128xf32, #tpu.memory_space<vmem>>, vector<16xf32>,
        %get3A_1116 = arith.index_cast %add3A_1070 : i32 to index
        %get3A_1117 = arith.constant 48 : index
        %get3A_1118 = tpu.vector_load %arg12[%get3A_1116, %get3A_1117] {strides = array<i32>} : memref<128x128xf32, #tpu.memory_space<vmem>>, vector<16xf32>,
        %mul3A_1119 = arith.mulf %get3A_1115, %get3A_1118 : vector<16xf32>
        %add3A_1120 = arith.addf %add3A_1108, %mul3A_1119 : vector<16xf32>
        %mul3A_1121 = arith.mulf %get3A_1115, %get3A_1115 : vector<16xf32>
        %add3A_1122 = arith.addf %add3A_1110, %mul3A_1121 : vector<16xf32>
        %mul3A_1123 = arith.mulf %get3A_1118, %get3A_1118 : vector<16xf32>
        %add3A_1124 = arith.addf %add3A_1112, %mul3A_1123 : vector<16xf32>
        %get3A_1125 = arith.index_cast %add3A_1070 : i32 to index
        %get3A_1126 = arith.constant 64 : index
        %get3A_1127 = tpu.vector_load %arg11[%get3A_1125, %get3A_1126] {strides = array<i32>} : memref<128x128xf32, #tpu.memory_space<vmem>>, vector<16xf32>,
        %get3A_1128 = arith.index_cast %add3A_1070 : i32 to index
        %get3A_1129 = arith.constant 64 : index
        %get3A_1130 = tpu.vector_load %arg12[%get3A_1128, %get3A_1129] {strides = array<i32>} : memref<128x128xf32, #tpu.memory_space<vmem>>, vector<16xf32>,
        %mul3A_1131 = arith.mulf %get3A_1127, %get3A_1130 : vector<16xf32>
        %add3A_1132 = arith.addf %add3A_1120, %mul3A_1131 : vector<16xf32>
        %mul3A_1133 = arith.mulf %get3A_1127, %get3A_1127 : vector<16xf32>
        %add3A_1134 = arith.addf %add3A_1122, %mul3A_1133 : vector<16xf32>
        %mul3A_1135 = arith.mulf %get3A_1130, %get3A_1130 : vector<16xf32>
        %add3A_1136 = arith.addf %add3A_1124, %mul3A_1135 : vector<16xf32>
        %get3A_1137 = arith.index_cast %add3A_1070 : i32 to index
        %get3A_1138 = arith.constant 80 : index
        %get3A_1139 = tpu.vector_load %arg11[%get3A_1137, %get3A_1138] {strides = array<i32>} : memref<128x128xf32, #tpu.memory_space<vmem>>, vector<16xf32>,
        %get3A_1140 = arith.index_cast %add3A_1070 : i32 to index
        %get3A_1141 = arith.constant 80 : index
        %get3A_1142 = tpu.vector_load %arg12[%get3A_1140, %get3A_1141] {strides = array<i32>} : memref<128x128xf32, #tpu.memory_space<vmem>>, vector<16xf32>,
        %mul3A_1143 = arith.mulf %get3A_1139, %get3A_1142 : vector<16xf32>
        %add3A_1144 = arith.addf %add3A_1132, %mul3A_1143 : vector<16xf32>
        %mul3A_1145 = arith.mulf %get3A_1139, %get3A_1139 : vector<16xf32>
        %add3A_1146 = arith.addf %add3A_1134, %mul3A_1145 : vector<16xf32>
        %mul3A_1147 = arith.mulf %get3A_1142, %get3A_1142 : vector<16xf32>
        %add3A_1148 = arith.addf %add3A_1136, %mul3A_1147 : vector<16xf32>
        %get3A_1149 = arith.index_cast %add3A_1070 : i32 to index
        %get3A_1150 = arith.constant 96 : index
        %get3A_1151 = tpu.vector_load %arg11[%get3A_1149, %get3A_1150] {strides = array<i32>} : memref<128x128xf32, #tpu.memory_space<vmem>>, vector<16xf32>,
        %get3A_1152 = arith.index_cast %add3A_1070 : i32 to index
        %get3A_1153 = arith.constant 96 : index
        %get3A_1154 = tpu.vector_load %arg12[%get3A_1152, %get3A_1153] {strides = array<i32>} : memref<128x128xf32, #tpu.memory_space<vmem>>, vector<16xf32>,
        %mul3A_1155 = arith.mulf %get3A_1151, %get3A_1154 : vector<16xf32>
        %add3A_1156 = arith.addf %add3A_1144, %mul3A_1155 : vector<16xf32>
        %mul3A_1157 = arith.mulf %get3A_1151, %get3A_1151 : vector<16xf32>
        %add3A_1158 = arith.addf %add3A_1146, %mul3A_1157 : vector<16xf32>
        %mul3A_1159 = arith.mulf %get3A_1154, %get3A_1154 : vector<16xf32>
        %add3A_1160 = arith.addf %add3A_1148, %mul3A_1159 : vector<16xf32>
        %get3A_1161 = arith.index_cast %add3A_1070 : i32 to index
        %get3A_1162 = arith.constant 112 : index
        %get3A_1163 = tpu.vector_load %arg11[%get3A_1161, %get3A_1162] {strides = array<i32>} : memref<128x128xf32, #tpu.memory_space<vmem>>, vector<16xf32>,
        %get3A_1164 = arith.index_cast %add3A_1070 : i32 to index
        %get3A_1165 = arith.constant 112 : index
        %get3A_1166 = tpu.vector_load %arg12[%get3A_1164, %get3A_1165] {strides = array<i32>} : memref<128x128xf32, #tpu.memory_space<vmem>>, vector<16xf32>,
        %mul3A_1167 = arith.mulf %get3A_1163, %get3A_1166 : vector<16xf32>
        %add3A_1168 = arith.addf %add3A_1156, %mul3A_1167 : vector<16xf32>
        %mul3A_1169 = arith.mulf %get3A_1163, %get3A_1163 : vector<16xf32>
        %add3A_1170 = arith.addf %add3A_1158, %mul3A_1169 : vector<16xf32>
        %mul3A_1171 = arith.mulf %get3A_1166, %get3A_1166 : vector<16xf32>
        %add3A_1172 = arith.addf %add3A_1160, %mul3A_1171 : vector<16xf32>
        %eq3A_1173 = arith.constant 8 : i32
        %eq3A_1174 = vector.broadcast %eq3A_1173 : i32 to vector<16xi32>
        %eq3A_1175 = arith.cmpi eq, %iota3A, %eq3A_1174 : vector<16xi32>
        %reduce_sum3A_1176 = arith.constant true
        %reduce_sum3A_1177 = vector.broadcast %reduce_sum3A_1176 : i1 to vector<16xi1>
        %reduce_sum3A_1178 = tpu.scan <sum>, %add3A_1168 masked %reduce_sum3A_1177 : vector<16xf32>, vector<16xi1> -> vector<16xf32>
        %reduce_sum3A_1179 = vector.extract %reduce_sum3A_1178[15] : f32 from vector<16xf32>
        %broadcast_in_dim3A_1180 = vector.broadcast %reduce_sum3A_1179 : f32 to vector<16xf32>
        %select_n3A_1181 = arith.select %eq3A_1175, %broadcast_in_dim3A_1180, %select_n3A_1054 : vector<16xi1>, vector<16xf32>
        %reduce_sum3A_1182 = arith.constant true
        %reduce_sum3A_1183 = vector.broadcast %reduce_sum3A_1182 : i1 to vector<16xi1>
        %reduce_sum3A_1184 = tpu.scan <sum>, %add3A_1170 masked %reduce_sum3A_1183 : vector<16xf32>, vector<16xi1> -> vector<16xf32>
        %reduce_sum3A_1185 = vector.extract %reduce_sum3A_1184[15] : f32 from vector<16xf32>
        %broadcast_in_dim3A_1186 = vector.broadcast %reduce_sum3A_1185 : f32 to vector<16xf32>
        %select_n3A_1187 = arith.select %eq3A_1175, %broadcast_in_dim3A_1186, %select_n3A_1060 : vector<16xi1>, vector<16xf32>
        %reduce_sum3A_1188 = arith.constant true
        %reduce_sum3A_1189 = vector.broadcast %reduce_sum3A_1188 : i1 to vector<16xi1>
        %reduce_sum3A_1190 = tpu.scan <sum>, %add3A_1172 masked %reduce_sum3A_1189 : vector<16xf32>, vector<16xi1> -> vector<16xf32>
        %reduce_sum3A_1191 = vector.extract %reduce_sum3A_1190[15] : f32 from vector<16xf32>
        %broadcast_in_dim3A_1192 = vector.broadcast %reduce_sum3A_1191 : f32 to vector<16xf32>
        %select_n3A_1193 = arith.select %eq3A_1175, %broadcast_in_dim3A_1192, %select_n3A_1066 : vector<16xi1>, vector<16xf32>
        %mul3A_1194 = arith.constant 16 : i32
        %mul3A_1195 = arith.muli %scan3A_48, %mul3A_1194 : i32
        %add3A_1196 = arith.constant 9 : i32
        %add3A_1197 = arith.addi %mul3A_1195, %add3A_1196 : i32
        %broadcast_in_dim3A_1198 = arith.constant 0.000000e+00 : f32
        %broadcast_in_dim3A_1199 = vector.broadcast %broadcast_in_dim3A_1198 : f32 to vector<16xf32>
        %broadcast_in_dim3A_1200 = arith.constant 0.000000e+00 : f32
        %broadcast_in_dim3A_1201 = vector.broadcast %broadcast_in_dim3A_1200 : f32 to vector<16xf32>
        %broadcast_in_dim3A_1202 = arith.constant 0.000000e+00 : f32
        %broadcast_in_dim3A_1203 = vector.broadcast %broadcast_in_dim3A_1202 : f32 to vector<16xf32>
        %get3A_1204 = arith.index_cast %add3A_1197 : i32 to index
        %get3A_1205 = arith.constant 0 : index
        %get3A_1206 = tpu.vector_load %arg11[%get3A_1204, %get3A_1205] {strides = array<i32>} : memref<128x128xf32, #tpu.memory_space<vmem>>, vector<16xf32>,
        %get3A_1207 = arith.index_cast %add3A_1197 : i32 to index
        %get3A_1208 = arith.constant 0 : index
        %get3A_1209 = tpu.vector_load %arg12[%get3A_1207, %get3A_1208] {strides = array<i32>} : memref<128x128xf32, #tpu.memory_space<vmem>>, vector<16xf32>,
        %mul3A_1210 = arith.mulf %get3A_1206, %get3A_1209 : vector<16xf32>
        %add3A_1211 = arith.addf %broadcast_in_dim3A_1199, %mul3A_1210 : vector<16xf32>
        %mul3A_1212 = arith.mulf %get3A_1206, %get3A_1206 : vector<16xf32>
        %add3A_1213 = arith.addf %broadcast_in_dim3A_1201, %mul3A_1212 : vector<16xf32>
        %mul3A_1214 = arith.mulf %get3A_1209, %get3A_1209 : vector<16xf32>
        %add3A_1215 = arith.addf %broadcast_in_dim3A_1203, %mul3A_1214 : vector<16xf32>
        %get3A_1216 = arith.index_cast %add3A_1197 : i32 to index
        %get3A_1217 = arith.constant 16 : index
        %get3A_1218 = tpu.vector_load %arg11[%get3A_1216, %get3A_1217] {strides = array<i32>} : memref<128x128xf32, #tpu.memory_space<vmem>>, vector<16xf32>,
        %get3A_1219 = arith.index_cast %add3A_1197 : i32 to index
        %get3A_1220 = arith.constant 16 : index
        %get3A_1221 = tpu.vector_load %arg12[%get3A_1219, %get3A_1220] {strides = array<i32>} : memref<128x128xf32, #tpu.memory_space<vmem>>, vector<16xf32>,
        %mul3A_1222 = arith.mulf %get3A_1218, %get3A_1221 : vector<16xf32>
        %add3A_1223 = arith.addf %add3A_1211, %mul3A_1222 : vector<16xf32>
        %mul3A_1224 = arith.mulf %get3A_1218, %get3A_1218 : vector<16xf32>
        %add3A_1225 = arith.addf %add3A_1213, %mul3A_1224 : vector<16xf32>
        %mul3A_1226 = arith.mulf %get3A_1221, %get3A_1221 : vector<16xf32>
        %add3A_1227 = arith.addf %add3A_1215, %mul3A_1226 : vector<16xf32>
        %get3A_1228 = arith.index_cast %add3A_1197 : i32 to index
        %get3A_1229 = arith.constant 32 : index
        %get3A_1230 = tpu.vector_load %arg11[%get3A_1228, %get3A_1229] {strides = array<i32>} : memref<128x128xf32, #tpu.memory_space<vmem>>, vector<16xf32>,
        %get3A_1231 = arith.index_cast %add3A_1197 : i32 to index
        %get3A_1232 = arith.constant 32 : index
        %get3A_1233 = tpu.vector_load %arg12[%get3A_1231, %get3A_1232] {strides = array<i32>} : memref<128x128xf32, #tpu.memory_space<vmem>>, vector<16xf32>,
        %mul3A_1234 = arith.mulf %get3A_1230, %get3A_1233 : vector<16xf32>
        %add3A_1235 = arith.addf %add3A_1223, %mul3A_1234 : vector<16xf32>
        %mul3A_1236 = arith.mulf %get3A_1230, %get3A_1230 : vector<16xf32>
        %add3A_1237 = arith.addf %add3A_1225, %mul3A_1236 : vector<16xf32>
        %mul3A_1238 = arith.mulf %get3A_1233, %get3A_1233 : vector<16xf32>
        %add3A_1239 = arith.addf %add3A_1227, %mul3A_1238 : vector<16xf32>
        %get3A_1240 = arith.index_cast %add3A_1197 : i32 to index
        %get3A_1241 = arith.constant 48 : index
        %get3A_1242 = tpu.vector_load %arg11[%get3A_1240, %get3A_1241] {strides = array<i32>} : memref<128x128xf32, #tpu.memory_space<vmem>>, vector<16xf32>,
        %get3A_1243 = arith.index_cast %add3A_1197 : i32 to index
        %get3A_1244 = arith.constant 48 : index
        %get3A_1245 = tpu.vector_load %arg12[%get3A_1243, %get3A_1244] {strides = array<i32>} : memref<128x128xf32, #tpu.memory_space<vmem>>, vector<16xf32>,
        %mul3A_1246 = arith.mulf %get3A_1242, %get3A_1245 : vector<16xf32>
        %add3A_1247 = arith.addf %add3A_1235, %mul3A_1246 : vector<16xf32>
        %mul3A_1248 = arith.mulf %get3A_1242, %get3A_1242 : vector<16xf32>
        %add3A_1249 = arith.addf %add3A_1237, %mul3A_1248 : vector<16xf32>
        %mul3A_1250 = arith.mulf %get3A_1245, %get3A_1245 : vector<16xf32>
        %add3A_1251 = arith.addf %add3A_1239, %mul3A_1250 : vector<16xf32>
        %get3A_1252 = arith.index_cast %add3A_1197 : i32 to index
        %get3A_1253 = arith.constant 64 : index
        %get3A_1254 = tpu.vector_load %arg11[%get3A_1252, %get3A_1253] {strides = array<i32>} : memref<128x128xf32, #tpu.memory_space<vmem>>, vector<16xf32>,
        %get3A_1255 = arith.index_cast %add3A_1197 : i32 to index
        %get3A_1256 = arith.constant 64 : index
        %get3A_1257 = tpu.vector_load %arg12[%get3A_1255, %get3A_1256] {strides = array<i32>} : memref<128x128xf32, #tpu.memory_space<vmem>>, vector<16xf32>,
        %mul3A_1258 = arith.mulf %get3A_1254, %get3A_1257 : vector<16xf32>
        %add3A_1259 = arith.addf %add3A_1247, %mul3A_1258 : vector<16xf32>
        %mul3A_1260 = arith.mulf %get3A_1254, %get3A_1254 : vector<16xf32>
        %add3A_1261 = arith.addf %add3A_1249, %mul3A_1260 : vector<16xf32>
        %mul3A_1262 = arith.mulf %get3A_1257, %get3A_1257 : vector<16xf32>
        %add3A_1263 = arith.addf %add3A_1251, %mul3A_1262 : vector<16xf32>
        %get3A_1264 = arith.index_cast %add3A_1197 : i32 to index
        %get3A_1265 = arith.constant 80 : index
        %get3A_1266 = tpu.vector_load %arg11[%get3A_1264, %get3A_1265] {strides = array<i32>} : memref<128x128xf32, #tpu.memory_space<vmem>>, vector<16xf32>,
        %get3A_1267 = arith.index_cast %add3A_1197 : i32 to index
        %get3A_1268 = arith.constant 80 : index
        %get3A_1269 = tpu.vector_load %arg12[%get3A_1267, %get3A_1268] {strides = array<i32>} : memref<128x128xf32, #tpu.memory_space<vmem>>, vector<16xf32>,
        %mul3A_1270 = arith.mulf %get3A_1266, %get3A_1269 : vector<16xf32>
        %add3A_1271 = arith.addf %add3A_1259, %mul3A_1270 : vector<16xf32>
        %mul3A_1272 = arith.mulf %get3A_1266, %get3A_1266 : vector<16xf32>
        %add3A_1273 = arith.addf %add3A_1261, %mul3A_1272 : vector<16xf32>
        %mul3A_1274 = arith.mulf %get3A_1269, %get3A_1269 : vector<16xf32>
        %add3A_1275 = arith.addf %add3A_1263, %mul3A_1274 : vector<16xf32>
        %get3A_1276 = arith.index_cast %add3A_1197 : i32 to index
        %get3A_1277 = arith.constant 96 : index
        %get3A_1278 = tpu.vector_load %arg11[%get3A_1276, %get3A_1277] {strides = array<i32>} : memref<128x128xf32, #tpu.memory_space<vmem>>, vector<16xf32>,
        %get3A_1279 = arith.index_cast %add3A_1197 : i32 to index
        %get3A_1280 = arith.constant 96 : index
        %get3A_1281 = tpu.vector_load %arg12[%get3A_1279, %get3A_1280] {strides = array<i32>} : memref<128x128xf32, #tpu.memory_space<vmem>>, vector<16xf32>,
        %mul3A_1282 = arith.mulf %get3A_1278, %get3A_1281 : vector<16xf32>
        %add3A_1283 = arith.addf %add3A_1271, %mul3A_1282 : vector<16xf32>
        %mul3A_1284 = arith.mulf %get3A_1278, %get3A_1278 : vector<16xf32>
        %add3A_1285 = arith.addf %add3A_1273, %mul3A_1284 : vector<16xf32>
        %mul3A_1286 = arith.mulf %get3A_1281, %get3A_1281 : vector<16xf32>
        %add3A_1287 = arith.addf %add3A_1275, %mul3A_1286 : vector<16xf32>
        %get3A_1288 = arith.index_cast %add3A_1197 : i32 to index
        %get3A_1289 = arith.constant 112 : index
        %get3A_1290 = tpu.vector_load %arg11[%get3A_1288, %get3A_1289] {strides = array<i32>} : memref<128x128xf32, #tpu.memory_space<vmem>>, vector<16xf32>,
        %get3A_1291 = arith.index_cast %add3A_1197 : i32 to index
        %get3A_1292 = arith.constant 112 : index
        %get3A_1293 = tpu.vector_load %arg12[%get3A_1291, %get3A_1292] {strides = array<i32>} : memref<128x128xf32, #tpu.memory_space<vmem>>, vector<16xf32>,
        %mul3A_1294 = arith.mulf %get3A_1290, %get3A_1293 : vector<16xf32>
        %add3A_1295 = arith.addf %add3A_1283, %mul3A_1294 : vector<16xf32>
        %mul3A_1296 = arith.mulf %get3A_1290, %get3A_1290 : vector<16xf32>
        %add3A_1297 = arith.addf %add3A_1285, %mul3A_1296 : vector<16xf32>
        %mul3A_1298 = arith.mulf %get3A_1293, %get3A_1293 : vector<16xf32>
        %add3A_1299 = arith.addf %add3A_1287, %mul3A_1298 : vector<16xf32>
        %eq3A_1300 = arith.constant 9 : i32
        %eq3A_1301 = vector.broadcast %eq3A_1300 : i32 to vector<16xi32>
        %eq3A_1302 = arith.cmpi eq, %iota3A, %eq3A_1301 : vector<16xi32>
        %reduce_sum3A_1303 = arith.constant true
        %reduce_sum3A_1304 = vector.broadcast %reduce_sum3A_1303 : i1 to vector<16xi1>
        %reduce_sum3A_1305 = tpu.scan <sum>, %add3A_1295 masked %reduce_sum3A_1304 : vector<16xf32>, vector<16xi1> -> vector<16xf32>
        %reduce_sum3A_1306 = vector.extract %reduce_sum3A_1305[15] : f32 from vector<16xf32>
        %broadcast_in_dim3A_1307 = vector.broadcast %reduce_sum3A_1306 : f32 to vector<16xf32>
        %select_n3A_1308 = arith.select %eq3A_1302, %broadcast_in_dim3A_1307, %select_n3A_1181 : vector<16xi1>, vector<16xf32>
        %reduce_sum3A_1309 = arith.constant true
        %reduce_sum3A_1310 = vector.broadcast %reduce_sum3A_1309 : i1 to vector<16xi1>
        %reduce_sum3A_1311 = tpu.scan <sum>, %add3A_1297 masked %reduce_sum3A_1310 : vector<16xf32>, vector<16xi1> -> vector<16xf32>
        %reduce_sum3A_1312 = vector.extract %reduce_sum3A_1311[15] : f32 from vector<16xf32>
        %broadcast_in_dim3A_1313 = vector.broadcast %reduce_sum3A_1312 : f32 to vector<16xf32>
        %select_n3A_1314 = arith.select %eq3A_1302, %broadcast_in_dim3A_1313, %select_n3A_1187 : vector<16xi1>, vector<16xf32>
        %reduce_sum3A_1315 = arith.constant true
        %reduce_sum3A_1316 = vector.broadcast %reduce_sum3A_1315 : i1 to vector<16xi1>
        %reduce_sum3A_1317 = tpu.scan <sum>, %add3A_1299 masked %reduce_sum3A_1316 : vector<16xf32>, vector<16xi1> -> vector<16xf32>
        %reduce_sum3A_1318 = vector.extract %reduce_sum3A_1317[15] : f32 from vector<16xf32>
        %broadcast_in_dim3A_1319 = vector.broadcast %reduce_sum3A_1318 : f32 to vector<16xf32>
        %select_n3A_1320 = arith.select %eq3A_1302, %broadcast_in_dim3A_1319, %select_n3A_1193 : vector<16xi1>, vector<16xf32>
        %mul3A_1321 = arith.constant 16 : i32
        %mul3A_1322 = arith.muli %scan3A_48, %mul3A_1321 : i32
        %add3A_1323 = arith.constant 10 : i32
        %add3A_1324 = arith.addi %mul3A_1322, %add3A_1323 : i32
        %broadcast_in_dim3A_1325 = arith.constant 0.000000e+00 : f32
        %broadcast_in_dim3A_1326 = vector.broadcast %broadcast_in_dim3A_1325 : f32 to vector<16xf32>
        %broadcast_in_dim3A_1327 = arith.constant 0.000000e+00 : f32
        %broadcast_in_dim3A_1328 = vector.broadcast %broadcast_in_dim3A_1327 : f32 to vector<16xf32>
        %broadcast_in_dim3A_1329 = arith.constant 0.000000e+00 : f32
        %broadcast_in_dim3A_1330 = vector.broadcast %broadcast_in_dim3A_1329 : f32 to vector<16xf32>
        %get3A_1331 = arith.index_cast %add3A_1324 : i32 to index
        %get3A_1332 = arith.constant 0 : index
        %get3A_1333 = tpu.vector_load %arg11[%get3A_1331, %get3A_1332] {strides = array<i32>} : memref<128x128xf32, #tpu.memory_space<vmem>>, vector<16xf32>,
        %get3A_1334 = arith.index_cast %add3A_1324 : i32 to index
        %get3A_1335 = arith.constant 0 : index
        %get3A_1336 = tpu.vector_load %arg12[%get3A_1334, %get3A_1335] {strides = array<i32>} : memref<128x128xf32, #tpu.memory_space<vmem>>, vector<16xf32>,
        %mul3A_1337 = arith.mulf %get3A_1333, %get3A_1336 : vector<16xf32>
        %add3A_1338 = arith.addf %broadcast_in_dim3A_1326, %mul3A_1337 : vector<16xf32>
        %mul3A_1339 = arith.mulf %get3A_1333, %get3A_1333 : vector<16xf32>
        %add3A_1340 = arith.addf %broadcast_in_dim3A_1328, %mul3A_1339 : vector<16xf32>
        %mul3A_1341 = arith.mulf %get3A_1336, %get3A_1336 : vector<16xf32>
        %add3A_1342 = arith.addf %broadcast_in_dim3A_1330, %mul3A_1341 : vector<16xf32>
        %get3A_1343 = arith.index_cast %add3A_1324 : i32 to index
        %get3A_1344 = arith.constant 16 : index
        %get3A_1345 = tpu.vector_load %arg11[%get3A_1343, %get3A_1344] {strides = array<i32>} : memref<128x128xf32, #tpu.memory_space<vmem>>, vector<16xf32>,
        %get3A_1346 = arith.index_cast %add3A_1324 : i32 to index
        %get3A_1347 = arith.constant 16 : index
        %get3A_1348 = tpu.vector_load %arg12[%get3A_1346, %get3A_1347] {strides = array<i32>} : memref<128x128xf32, #tpu.memory_space<vmem>>, vector<16xf32>,
        %mul3A_1349 = arith.mulf %get3A_1345, %get3A_1348 : vector<16xf32>
        %add3A_1350 = arith.addf %add3A_1338, %mul3A_1349 : vector<16xf32>
        %mul3A_1351 = arith.mulf %get3A_1345, %get3A_1345 : vector<16xf32>
        %add3A_1352 = arith.addf %add3A_1340, %mul3A_1351 : vector<16xf32>
        %mul3A_1353 = arith.mulf %get3A_1348, %get3A_1348 : vector<16xf32>
        %add3A_1354 = arith.addf %add3A_1342, %mul3A_1353 : vector<16xf32>
        %get3A_1355 = arith.index_cast %add3A_1324 : i32 to index
        %get3A_1356 = arith.constant 32 : index
        %get3A_1357 = tpu.vector_load %arg11[%get3A_1355, %get3A_1356] {strides = array<i32>} : memref<128x128xf32, #tpu.memory_space<vmem>>, vector<16xf32>,
        %get3A_1358 = arith.index_cast %add3A_1324 : i32 to index
        %get3A_1359 = arith.constant 32 : index
        %get3A_1360 = tpu.vector_load %arg12[%get3A_1358, %get3A_1359] {strides = array<i32>} : memref<128x128xf32, #tpu.memory_space<vmem>>, vector<16xf32>,
        %mul3A_1361 = arith.mulf %get3A_1357, %get3A_1360 : vector<16xf32>
        %add3A_1362 = arith.addf %add3A_1350, %mul3A_1361 : vector<16xf32>
        %mul3A_1363 = arith.mulf %get3A_1357, %get3A_1357 : vector<16xf32>
        %add3A_1364 = arith.addf %add3A_1352, %mul3A_1363 : vector<16xf32>
        %mul3A_1365 = arith.mulf %get3A_1360, %get3A_1360 : vector<16xf32>
        %add3A_1366 = arith.addf %add3A_1354, %mul3A_1365 : vector<16xf32>
        %get3A_1367 = arith.index_cast %add3A_1324 : i32 to index
        %get3A_1368 = arith.constant 48 : index
        %get3A_1369 = tpu.vector_load %arg11[%get3A_1367, %get3A_1368] {strides = array<i32>} : memref<128x128xf32, #tpu.memory_space<vmem>>, vector<16xf32>,
        %get3A_1370 = arith.index_cast %add3A_1324 : i32 to index
        %get3A_1371 = arith.constant 48 : index
        %get3A_1372 = tpu.vector_load %arg12[%get3A_1370, %get3A_1371] {strides = array<i32>} : memref<128x128xf32, #tpu.memory_space<vmem>>, vector<16xf32>,
        %mul3A_1373 = arith.mulf %get3A_1369, %get3A_1372 : vector<16xf32>
        %add3A_1374 = arith.addf %add3A_1362, %mul3A_1373 : vector<16xf32>
        %mul3A_1375 = arith.mulf %get3A_1369, %get3A_1369 : vector<16xf32>
        %add3A_1376 = arith.addf %add3A_1364, %mul3A_1375 : vector<16xf32>
        %mul3A_1377 = arith.mulf %get3A_1372, %get3A_1372 : vector<16xf32>
        %add3A_1378 = arith.addf %add3A_1366, %mul3A_1377 : vector<16xf32>
        %get3A_1379 = arith.index_cast %add3A_1324 : i32 to index
        %get3A_1380 = arith.constant 64 : index
        %get3A_1381 = tpu.vector_load %arg11[%get3A_1379, %get3A_1380] {strides = array<i32>} : memref<128x128xf32, #tpu.memory_space<vmem>>, vector<16xf32>,
        %get3A_1382 = arith.index_cast %add3A_1324 : i32 to index
        %get3A_1383 = arith.constant 64 : index
        %get3A_1384 = tpu.vector_load %arg12[%get3A_1382, %get3A_1383] {strides = array<i32>} : memref<128x128xf32, #tpu.memory_space<vmem>>, vector<16xf32>,
        %mul3A_1385 = arith.mulf %get3A_1381, %get3A_1384 : vector<16xf32>
        %add3A_1386 = arith.addf %add3A_1374, %mul3A_1385 : vector<16xf32>
        %mul3A_1387 = arith.mulf %get3A_1381, %get3A_1381 : vector<16xf32>
        %add3A_1388 = arith.addf %add3A_1376, %mul3A_1387 : vector<16xf32>
        %mul3A_1389 = arith.mulf %get3A_1384, %get3A_1384 : vector<16xf32>
        %add3A_1390 = arith.addf %add3A_1378, %mul3A_1389 : vector<16xf32>
        %get3A_1391 = arith.index_cast %add3A_1324 : i32 to index
        %get3A_1392 = arith.constant 80 : index
        %get3A_1393 = tpu.vector_load %arg11[%get3A_1391, %get3A_1392] {strides = array<i32>} : memref<128x128xf32, #tpu.memory_space<vmem>>, vector<16xf32>,
        %get3A_1394 = arith.index_cast %add3A_1324 : i32 to index
        %get3A_1395 = arith.constant 80 : index
        %get3A_1396 = tpu.vector_load %arg12[%get3A_1394, %get3A_1395] {strides = array<i32>} : memref<128x128xf32, #tpu.memory_space<vmem>>, vector<16xf32>,
        %mul3A_1397 = arith.mulf %get3A_1393, %get3A_1396 : vector<16xf32>
        %add3A_1398 = arith.addf %add3A_1386, %mul3A_1397 : vector<16xf32>
        %mul3A_1399 = arith.mulf %get3A_1393, %get3A_1393 : vector<16xf32>
        %add3A_1400 = arith.addf %add3A_1388, %mul3A_1399 : vector<16xf32>
        %mul3A_1401 = arith.mulf %get3A_1396, %get3A_1396 : vector<16xf32>
        %add3A_1402 = arith.addf %add3A_1390, %mul3A_1401 : vector<16xf32>
        %get3A_1403 = arith.index_cast %add3A_1324 : i32 to index
        %get3A_1404 = arith.constant 96 : index
        %get3A_1405 = tpu.vector_load %arg11[%get3A_1403, %get3A_1404] {strides = array<i32>} : memref<128x128xf32, #tpu.memory_space<vmem>>, vector<16xf32>,
        %get3A_1406 = arith.index_cast %add3A_1324 : i32 to index
        %get3A_1407 = arith.constant 96 : index
        %get3A_1408 = tpu.vector_load %arg12[%get3A_1406, %get3A_1407] {strides = array<i32>} : memref<128x128xf32, #tpu.memory_space<vmem>>, vector<16xf32>,
        %mul3A_1409 = arith.mulf %get3A_1405, %get3A_1408 : vector<16xf32>
        %add3A_1410 = arith.addf %add3A_1398, %mul3A_1409 : vector<16xf32>
        %mul3A_1411 = arith.mulf %get3A_1405, %get3A_1405 : vector<16xf32>
        %add3A_1412 = arith.addf %add3A_1400, %mul3A_1411 : vector<16xf32>
        %mul3A_1413 = arith.mulf %get3A_1408, %get3A_1408 : vector<16xf32>
        %add3A_1414 = arith.addf %add3A_1402, %mul3A_1413 : vector<16xf32>
        %get3A_1415 = arith.index_cast %add3A_1324 : i32 to index
        %get3A_1416 = arith.constant 112 : index
        %get3A_1417 = tpu.vector_load %arg11[%get3A_1415, %get3A_1416] {strides = array<i32>} : memref<128x128xf32, #tpu.memory_space<vmem>>, vector<16xf32>,
        %get3A_1418 = arith.index_cast %add3A_1324 : i32 to index
        %get3A_1419 = arith.constant 112 : index
        %get3A_1420 = tpu.vector_load %arg12[%get3A_1418, %get3A_1419] {strides = array<i32>} : memref<128x128xf32, #tpu.memory_space<vmem>>, vector<16xf32>,
        %mul3A_1421 = arith.mulf %get3A_1417, %get3A_1420 : vector<16xf32>
        %add3A_1422 = arith.addf %add3A_1410, %mul3A_1421 : vector<16xf32>
        %mul3A_1423 = arith.mulf %get3A_1417, %get3A_1417 : vector<16xf32>
        %add3A_1424 = arith.addf %add3A_1412, %mul3A_1423 : vector<16xf32>
        %mul3A_1425 = arith.mulf %get3A_1420, %get3A_1420 : vector<16xf32>
        %add3A_1426 = arith.addf %add3A_1414, %mul3A_1425 : vector<16xf32>
        %eq3A_1427 = arith.constant 10 : i32
        %eq3A_1428 = vector.broadcast %eq3A_1427 : i32 to vector<16xi32>
        %eq3A_1429 = arith.cmpi eq, %iota3A, %eq3A_1428 : vector<16xi32>
        %reduce_sum3A_1430 = arith.constant true
        %reduce_sum3A_1431 = vector.broadcast %reduce_sum3A_1430 : i1 to vector<16xi1>
        %reduce_sum3A_1432 = tpu.scan <sum>, %add3A_1422 masked %reduce_sum3A_1431 : vector<16xf32>, vector<16xi1> -> vector<16xf32>
        %reduce_sum3A_1433 = vector.extract %reduce_sum3A_1432[15] : f32 from vector<16xf32>
        %broadcast_in_dim3A_1434 = vector.broadcast %reduce_sum3A_1433 : f32 to vector<16xf32>
        %select_n3A_1435 = arith.select %eq3A_1429, %broadcast_in_dim3A_1434, %select_n3A_1308 : vector<16xi1>, vector<16xf32>
        %reduce_sum3A_1436 = arith.constant true
        %reduce_sum3A_1437 = vector.broadcast %reduce_sum3A_1436 : i1 to vector<16xi1>
        %reduce_sum3A_1438 = tpu.scan <sum>, %add3A_1424 masked %reduce_sum3A_1437 : vector<16xf32>, vector<16xi1> -> vector<16xf32>
        %reduce_sum3A_1439 = vector.extract %reduce_sum3A_1438[15] : f32 from vector<16xf32>
        %broadcast_in_dim3A_1440 = vector.broadcast %reduce_sum3A_1439 : f32 to vector<16xf32>
        %select_n3A_1441 = arith.select %eq3A_1429, %broadcast_in_dim3A_1440, %select_n3A_1314 : vector<16xi1>, vector<16xf32>
        %reduce_sum3A_1442 = arith.constant true
        %reduce_sum3A_1443 = vector.broadcast %reduce_sum3A_1442 : i1 to vector<16xi1>
        %reduce_sum3A_1444 = tpu.scan <sum>, %add3A_1426 masked %reduce_sum3A_1443 : vector<16xf32>, vector<16xi1> -> vector<16xf32>
        %reduce_sum3A_1445 = vector.extract %reduce_sum3A_1444[15] : f32 from vector<16xf32>
        %broadcast_in_dim3A_1446 = vector.broadcast %reduce_sum3A_1445 : f32 to vector<16xf32>
        %select_n3A_1447 = arith.select %eq3A_1429, %broadcast_in_dim3A_1446, %select_n3A_1320 : vector<16xi1>, vector<16xf32>
        %mul3A_1448 = arith.constant 16 : i32
        %mul3A_1449 = arith.muli %scan3A_48, %mul3A_1448 : i32
        %add3A_1450 = arith.constant 11 : i32
        %add3A_1451 = arith.addi %mul3A_1449, %add3A_1450 : i32
        %broadcast_in_dim3A_1452 = arith.constant 0.000000e+00 : f32
        %broadcast_in_dim3A_1453 = vector.broadcast %broadcast_in_dim3A_1452 : f32 to vector<16xf32>
        %broadcast_in_dim3A_1454 = arith.constant 0.000000e+00 : f32
        %broadcast_in_dim3A_1455 = vector.broadcast %broadcast_in_dim3A_1454 : f32 to vector<16xf32>
        %broadcast_in_dim3A_1456 = arith.constant 0.000000e+00 : f32
        %broadcast_in_dim3A_1457 = vector.broadcast %broadcast_in_dim3A_1456 : f32 to vector<16xf32>
        %get3A_1458 = arith.index_cast %add3A_1451 : i32 to index
        %get3A_1459 = arith.constant 0 : index
        %get3A_1460 = tpu.vector_load %arg11[%get3A_1458, %get3A_1459] {strides = array<i32>} : memref<128x128xf32, #tpu.memory_space<vmem>>, vector<16xf32>,
        %get3A_1461 = arith.index_cast %add3A_1451 : i32 to index
        %get3A_1462 = arith.constant 0 : index
        %get3A_1463 = tpu.vector_load %arg12[%get3A_1461, %get3A_1462] {strides = array<i32>} : memref<128x128xf32, #tpu.memory_space<vmem>>, vector<16xf32>,
        %mul3A_1464 = arith.mulf %get3A_1460, %get3A_1463 : vector<16xf32>
        %add3A_1465 = arith.addf %broadcast_in_dim3A_1453, %mul3A_1464 : vector<16xf32>
        %mul3A_1466 = arith.mulf %get3A_1460, %get3A_1460 : vector<16xf32>
        %add3A_1467 = arith.addf %broadcast_in_dim3A_1455, %mul3A_1466 : vector<16xf32>
        %mul3A_1468 = arith.mulf %get3A_1463, %get3A_1463 : vector<16xf32>
        %add3A_1469 = arith.addf %broadcast_in_dim3A_1457, %mul3A_1468 : vector<16xf32>
        %get3A_1470 = arith.index_cast %add3A_1451 : i32 to index
        %get3A_1471 = arith.constant 16 : index
        %get3A_1472 = tpu.vector_load %arg11[%get3A_1470, %get3A_1471] {strides = array<i32>} : memref<128x128xf32, #tpu.memory_space<vmem>>, vector<16xf32>,
        %get3A_1473 = arith.index_cast %add3A_1451 : i32 to index
        %get3A_1474 = arith.constant 16 : index
        %get3A_1475 = tpu.vector_load %arg12[%get3A_1473, %get3A_1474] {strides = array<i32>} : memref<128x128xf32, #tpu.memory_space<vmem>>, vector<16xf32>,
        %mul3A_1476 = arith.mulf %get3A_1472, %get3A_1475 : vector<16xf32>
        %add3A_1477 = arith.addf %add3A_1465, %mul3A_1476 : vector<16xf32>
        %mul3A_1478 = arith.mulf %get3A_1472, %get3A_1472 : vector<16xf32>
        %add3A_1479 = arith.addf %add3A_1467, %mul3A_1478 : vector<16xf32>
        %mul3A_1480 = arith.mulf %get3A_1475, %get3A_1475 : vector<16xf32>
        %add3A_1481 = arith.addf %add3A_1469, %mul3A_1480 : vector<16xf32>
        %get3A_1482 = arith.index_cast %add3A_1451 : i32 to index
        %get3A_1483 = arith.constant 32 : index
        %get3A_1484 = tpu.vector_load %arg11[%get3A_1482, %get3A_1483] {strides = array<i32>} : memref<128x128xf32, #tpu.memory_space<vmem>>, vector<16xf32>,
        %get3A_1485 = arith.index_cast %add3A_1451 : i32 to index
        %get3A_1486 = arith.constant 32 : index
        %get3A_1487 = tpu.vector_load %arg12[%get3A_1485, %get3A_1486] {strides = array<i32>} : memref<128x128xf32, #tpu.memory_space<vmem>>, vector<16xf32>,
        %mul3A_1488 = arith.mulf %get3A_1484, %get3A_1487 : vector<16xf32>
        %add3A_1489 = arith.addf %add3A_1477, %mul3A_1488 : vector<16xf32>
        %mul3A_1490 = arith.mulf %get3A_1484, %get3A_1484 : vector<16xf32>
        %add3A_1491 = arith.addf %add3A_1479, %mul3A_1490 : vector<16xf32>
        %mul3A_1492 = arith.mulf %get3A_1487, %get3A_1487 : vector<16xf32>
        %add3A_1493 = arith.addf %add3A_1481, %mul3A_1492 : vector<16xf32>
        %get3A_1494 = arith.index_cast %add3A_1451 : i32 to index
        %get3A_1495 = arith.constant 48 : index
        %get3A_1496 = tpu.vector_load %arg11[%get3A_1494, %get3A_1495] {strides = array<i32>} : memref<128x128xf32, #tpu.memory_space<vmem>>, vector<16xf32>,
        %get3A_1497 = arith.index_cast %add3A_1451 : i32 to index
        %get3A_1498 = arith.constant 48 : index
        %get3A_1499 = tpu.vector_load %arg12[%get3A_1497, %get3A_1498] {strides = array<i32>} : memref<128x128xf32, #tpu.memory_space<vmem>>, vector<16xf32>,
        %mul3A_1500 = arith.mulf %get3A_1496, %get3A_1499 : vector<16xf32>
        %add3A_1501 = arith.addf %add3A_1489, %mul3A_1500 : vector<16xf32>
        %mul3A_1502 = arith.mulf %get3A_1496, %get3A_1496 : vector<16xf32>
        %add3A_1503 = arith.addf %add3A_1491, %mul3A_1502 : vector<16xf32>
        %mul3A_1504 = arith.mulf %get3A_1499, %get3A_1499 : vector<16xf32>
        %add3A_1505 = arith.addf %add3A_1493, %mul3A_1504 : vector<16xf32>
        %get3A_1506 = arith.index_cast %add3A_1451 : i32 to index
        %get3A_1507 = arith.constant 64 : index
        %get3A_1508 = tpu.vector_load %arg11[%get3A_1506, %get3A_1507] {strides = array<i32>} : memref<128x128xf32, #tpu.memory_space<vmem>>, vector<16xf32>,
        %get3A_1509 = arith.index_cast %add3A_1451 : i32 to index
        %get3A_1510 = arith.constant 64 : index
        %get3A_1511 = tpu.vector_load %arg12[%get3A_1509, %get3A_1510] {strides = array<i32>} : memref<128x128xf32, #tpu.memory_space<vmem>>, vector<16xf32>,
        %mul3A_1512 = arith.mulf %get3A_1508, %get3A_1511 : vector<16xf32>
        %add3A_1513 = arith.addf %add3A_1501, %mul3A_1512 : vector<16xf32>
        %mul3A_1514 = arith.mulf %get3A_1508, %get3A_1508 : vector<16xf32>
        %add3A_1515 = arith.addf %add3A_1503, %mul3A_1514 : vector<16xf32>
        %mul3A_1516 = arith.mulf %get3A_1511, %get3A_1511 : vector<16xf32>
        %add3A_1517 = arith.addf %add3A_1505, %mul3A_1516 : vector<16xf32>
        %get3A_1518 = arith.index_cast %add3A_1451 : i32 to index
        %get3A_1519 = arith.constant 80 : index
        %get3A_1520 = tpu.vector_load %arg11[%get3A_1518, %get3A_1519] {strides = array<i32>} : memref<128x128xf32, #tpu.memory_space<vmem>>, vector<16xf32>,
        %get3A_1521 = arith.index_cast %add3A_1451 : i32 to index
        %get3A_1522 = arith.constant 80 : index
        %get3A_1523 = tpu.vector_load %arg12[%get3A_1521, %get3A_1522] {strides = array<i32>} : memref<128x128xf32, #tpu.memory_space<vmem>>, vector<16xf32>,
        %mul3A_1524 = arith.mulf %get3A_1520, %get3A_1523 : vector<16xf32>
        %add3A_1525 = arith.addf %add3A_1513, %mul3A_1524 : vector<16xf32>
        %mul3A_1526 = arith.mulf %get3A_1520, %get3A_1520 : vector<16xf32>
        %add3A_1527 = arith.addf %add3A_1515, %mul3A_1526 : vector<16xf32>
        %mul3A_1528 = arith.mulf %get3A_1523, %get3A_1523 : vector<16xf32>
        %add3A_1529 = arith.addf %add3A_1517, %mul3A_1528 : vector<16xf32>
        %get3A_1530 = arith.index_cast %add3A_1451 : i32 to index
        %get3A_1531 = arith.constant 96 : index
        %get3A_1532 = tpu.vector_load %arg11[%get3A_1530, %get3A_1531] {strides = array<i32>} : memref<128x128xf32, #tpu.memory_space<vmem>>, vector<16xf32>,
        %get3A_1533 = arith.index_cast %add3A_1451 : i32 to index
        %get3A_1534 = arith.constant 96 : index
        %get3A_1535 = tpu.vector_load %arg12[%get3A_1533, %get3A_1534] {strides = array<i32>} : memref<128x128xf32, #tpu.memory_space<vmem>>, vector<16xf32>,
        %mul3A_1536 = arith.mulf %get3A_1532, %get3A_1535 : vector<16xf32>
        %add3A_1537 = arith.addf %add3A_1525, %mul3A_1536 : vector<16xf32>
        %mul3A_1538 = arith.mulf %get3A_1532, %get3A_1532 : vector<16xf32>
        %add3A_1539 = arith.addf %add3A_1527, %mul3A_1538 : vector<16xf32>
        %mul3A_1540 = arith.mulf %get3A_1535, %get3A_1535 : vector<16xf32>
        %add3A_1541 = arith.addf %add3A_1529, %mul3A_1540 : vector<16xf32>
        %get3A_1542 = arith.index_cast %add3A_1451 : i32 to index
        %get3A_1543 = arith.constant 112 : index
        %get3A_1544 = tpu.vector_load %arg11[%get3A_1542, %get3A_1543] {strides = array<i32>} : memref<128x128xf32, #tpu.memory_space<vmem>>, vector<16xf32>,
        %get3A_1545 = arith.index_cast %add3A_1451 : i32 to index
        %get3A_1546 = arith.constant 112 : index
        %get3A_1547 = tpu.vector_load %arg12[%get3A_1545, %get3A_1546] {strides = array<i32>} : memref<128x128xf32, #tpu.memory_space<vmem>>, vector<16xf32>,
        %mul3A_1548 = arith.mulf %get3A_1544, %get3A_1547 : vector<16xf32>
        %add3A_1549 = arith.addf %add3A_1537, %mul3A_1548 : vector<16xf32>
        %mul3A_1550 = arith.mulf %get3A_1544, %get3A_1544 : vector<16xf32>
        %add3A_1551 = arith.addf %add3A_1539, %mul3A_1550 : vector<16xf32>
        %mul3A_1552 = arith.mulf %get3A_1547, %get3A_1547 : vector<16xf32>
        %add3A_1553 = arith.addf %add3A_1541, %mul3A_1552 : vector<16xf32>
        %eq3A_1554 = arith.constant 11 : i32
        %eq3A_1555 = vector.broadcast %eq3A_1554 : i32 to vector<16xi32>
        %eq3A_1556 = arith.cmpi eq, %iota3A, %eq3A_1555 : vector<16xi32>
        %reduce_sum3A_1557 = arith.constant true
        %reduce_sum3A_1558 = vector.broadcast %reduce_sum3A_1557 : i1 to vector<16xi1>
        %reduce_sum3A_1559 = tpu.scan <sum>, %add3A_1549 masked %reduce_sum3A_1558 : vector<16xf32>, vector<16xi1> -> vector<16xf32>
        %reduce_sum3A_1560 = vector.extract %reduce_sum3A_1559[15] : f32 from vector<16xf32>
        %broadcast_in_dim3A_1561 = vector.broadcast %reduce_sum3A_1560 : f32 to vector<16xf32>
        %select_n3A_1562 = arith.select %eq3A_1556, %broadcast_in_dim3A_1561, %select_n3A_1435 : vector<16xi1>, vector<16xf32>
        %reduce_sum3A_1563 = arith.constant true
        %reduce_sum3A_1564 = vector.broadcast %reduce_sum3A_1563 : i1 to vector<16xi1>
        %reduce_sum3A_1565 = tpu.scan <sum>, %add3A_1551 masked %reduce_sum3A_1564 : vector<16xf32>, vector<16xi1> -> vector<16xf32>
        %reduce_sum3A_1566 = vector.extract %reduce_sum3A_1565[15] : f32 from vector<16xf32>
        %broadcast_in_dim3A_1567 = vector.broadcast %reduce_sum3A_1566 : f32 to vector<16xf32>
        %select_n3A_1568 = arith.select %eq3A_1556, %broadcast_in_dim3A_1567, %select_n3A_1441 : vector<16xi1>, vector<16xf32>
        %reduce_sum3A_1569 = arith.constant true
        %reduce_sum3A_1570 = vector.broadcast %reduce_sum3A_1569 : i1 to vector<16xi1>
        %reduce_sum3A_1571 = tpu.scan <sum>, %add3A_1553 masked %reduce_sum3A_1570 : vector<16xf32>, vector<16xi1> -> vector<16xf32>
        %reduce_sum3A_1572 = vector.extract %reduce_sum3A_1571[15] : f32 from vector<16xf32>
        %broadcast_in_dim3A_1573 = vector.broadcast %reduce_sum3A_1572 : f32 to vector<16xf32>
        %select_n3A_1574 = arith.select %eq3A_1556, %broadcast_in_dim3A_1573, %select_n3A_1447 : vector<16xi1>, vector<16xf32>
        %mul3A_1575 = arith.constant 16 : i32
        %mul3A_1576 = arith.muli %scan3A_48, %mul3A_1575 : i32
        %add3A_1577 = arith.constant 12 : i32
        %add3A_1578 = arith.addi %mul3A_1576, %add3A_1577 : i32
        %broadcast_in_dim3A_1579 = arith.constant 0.000000e+00 : f32
        %broadcast_in_dim3A_1580 = vector.broadcast %broadcast_in_dim3A_1579 : f32 to vector<16xf32>
        %broadcast_in_dim3A_1581 = arith.constant 0.000000e+00 : f32
        %broadcast_in_dim3A_1582 = vector.broadcast %broadcast_in_dim3A_1581 : f32 to vector<16xf32>
        %broadcast_in_dim3A_1583 = arith.constant 0.000000e+00 : f32
        %broadcast_in_dim3A_1584 = vector.broadcast %broadcast_in_dim3A_1583 : f32 to vector<16xf32>
        %get3A_1585 = arith.index_cast %add3A_1578 : i32 to index
        %get3A_1586 = arith.constant 0 : index
        %get3A_1587 = tpu.vector_load %arg11[%get3A_1585, %get3A_1586] {strides = array<i32>} : memref<128x128xf32, #tpu.memory_space<vmem>>, vector<16xf32>,
        %get3A_1588 = arith.index_cast %add3A_1578 : i32 to index
        %get3A_1589 = arith.constant 0 : index
        %get3A_1590 = tpu.vector_load %arg12[%get3A_1588, %get3A_1589] {strides = array<i32>} : memref<128x128xf32, #tpu.memory_space<vmem>>, vector<16xf32>,
        %mul3A_1591 = arith.mulf %get3A_1587, %get3A_1590 : vector<16xf32>
        %add3A_1592 = arith.addf %broadcast_in_dim3A_1580, %mul3A_1591 : vector<16xf32>
        %mul3A_1593 = arith.mulf %get3A_1587, %get3A_1587 : vector<16xf32>
        %add3A_1594 = arith.addf %broadcast_in_dim3A_1582, %mul3A_1593 : vector<16xf32>
        %mul3A_1595 = arith.mulf %get3A_1590, %get3A_1590 : vector<16xf32>
        %add3A_1596 = arith.addf %broadcast_in_dim3A_1584, %mul3A_1595 : vector<16xf32>
        %get3A_1597 = arith.index_cast %add3A_1578 : i32 to index
        %get3A_1598 = arith.constant 16 : index
        %get3A_1599 = tpu.vector_load %arg11[%get3A_1597, %get3A_1598] {strides = array<i32>} : memref<128x128xf32, #tpu.memory_space<vmem>>, vector<16xf32>,
        %get3A_1600 = arith.index_cast %add3A_1578 : i32 to index
        %get3A_1601 = arith.constant 16 : index
        %get3A_1602 = tpu.vector_load %arg12[%get3A_1600, %get3A_1601] {strides = array<i32>} : memref<128x128xf32, #tpu.memory_space<vmem>>, vector<16xf32>,
        %mul3A_1603 = arith.mulf %get3A_1599, %get3A_1602 : vector<16xf32>
        %add3A_1604 = arith.addf %add3A_1592, %mul3A_1603 : vector<16xf32>
        %mul3A_1605 = arith.mulf %get3A_1599, %get3A_1599 : vector<16xf32>
        %add3A_1606 = arith.addf %add3A_1594, %mul3A_1605 : vector<16xf32>
        %mul3A_1607 = arith.mulf %get3A_1602, %get3A_1602 : vector<16xf32>
        %add3A_1608 = arith.addf %add3A_1596, %mul3A_1607 : vector<16xf32>
        %get3A_1609 = arith.index_cast %add3A_1578 : i32 to index
        %get3A_1610 = arith.constant 32 : index
        %get3A_1611 = tpu.vector_load %arg11[%get3A_1609, %get3A_1610] {strides = array<i32>} : memref<128x128xf32, #tpu.memory_space<vmem>>, vector<16xf32>,
        %get3A_1612 = arith.index_cast %add3A_1578 : i32 to index
        %get3A_1613 = arith.constant 32 : index
        %get3A_1614 = tpu.vector_load %arg12[%get3A_1612, %get3A_1613] {strides = array<i32>} : memref<128x128xf32, #tpu.memory_space<vmem>>, vector<16xf32>,
        %mul3A_1615 = arith.mulf %get3A_1611, %get3A_1614 : vector<16xf32>
        %add3A_1616 = arith.addf %add3A_1604, %mul3A_1615 : vector<16xf32>
        %mul3A_1617 = arith.mulf %get3A_1611, %get3A_1611 : vector<16xf32>
        %add3A_1618 = arith.addf %add3A_1606, %mul3A_1617 : vector<16xf32>
        %mul3A_1619 = arith.mulf %get3A_1614, %get3A_1614 : vector<16xf32>
        %add3A_1620 = arith.addf %add3A_1608, %mul3A_1619 : vector<16xf32>
        %get3A_1621 = arith.index_cast %add3A_1578 : i32 to index
        %get3A_1622 = arith.constant 48 : index
        %get3A_1623 = tpu.vector_load %arg11[%get3A_1621, %get3A_1622] {strides = array<i32>} : memref<128x128xf32, #tpu.memory_space<vmem>>, vector<16xf32>,
        %get3A_1624 = arith.index_cast %add3A_1578 : i32 to index
        %get3A_1625 = arith.constant 48 : index
        %get3A_1626 = tpu.vector_load %arg12[%get3A_1624, %get3A_1625] {strides = array<i32>} : memref<128x128xf32, #tpu.memory_space<vmem>>, vector<16xf32>,
        %mul3A_1627 = arith.mulf %get3A_1623, %get3A_1626 : vector<16xf32>
        %add3A_1628 = arith.addf %add3A_1616, %mul3A_1627 : vector<16xf32>
        %mul3A_1629 = arith.mulf %get3A_1623, %get3A_1623 : vector<16xf32>
        %add3A_1630 = arith.addf %add3A_1618, %mul3A_1629 : vector<16xf32>
        %mul3A_1631 = arith.mulf %get3A_1626, %get3A_1626 : vector<16xf32>
        %add3A_1632 = arith.addf %add3A_1620, %mul3A_1631 : vector<16xf32>
        %get3A_1633 = arith.index_cast %add3A_1578 : i32 to index
        %get3A_1634 = arith.constant 64 : index
        %get3A_1635 = tpu.vector_load %arg11[%get3A_1633, %get3A_1634] {strides = array<i32>} : memref<128x128xf32, #tpu.memory_space<vmem>>, vector<16xf32>,
        %get3A_1636 = arith.index_cast %add3A_1578 : i32 to index
        %get3A_1637 = arith.constant 64 : index
        %get3A_1638 = tpu.vector_load %arg12[%get3A_1636, %get3A_1637] {strides = array<i32>} : memref<128x128xf32, #tpu.memory_space<vmem>>, vector<16xf32>,
        %mul3A_1639 = arith.mulf %get3A_1635, %get3A_1638 : vector<16xf32>
        %add3A_1640 = arith.addf %add3A_1628, %mul3A_1639 : vector<16xf32>
        %mul3A_1641 = arith.mulf %get3A_1635, %get3A_1635 : vector<16xf32>
        %add3A_1642 = arith.addf %add3A_1630, %mul3A_1641 : vector<16xf32>
        %mul3A_1643 = arith.mulf %get3A_1638, %get3A_1638 : vector<16xf32>
        %add3A_1644 = arith.addf %add3A_1632, %mul3A_1643 : vector<16xf32>
        %get3A_1645 = arith.index_cast %add3A_1578 : i32 to index
        %get3A_1646 = arith.constant 80 : index
        %get3A_1647 = tpu.vector_load %arg11[%get3A_1645, %get3A_1646] {strides = array<i32>} : memref<128x128xf32, #tpu.memory_space<vmem>>, vector<16xf32>,
        %get3A_1648 = arith.index_cast %add3A_1578 : i32 to index
        %get3A_1649 = arith.constant 80 : index
        %get3A_1650 = tpu.vector_load %arg12[%get3A_1648, %get3A_1649] {strides = array<i32>} : memref<128x128xf32, #tpu.memory_space<vmem>>, vector<16xf32>,
        %mul3A_1651 = arith.mulf %get3A_1647, %get3A_1650 : vector<16xf32>
        %add3A_1652 = arith.addf %add3A_1640, %mul3A_1651 : vector<16xf32>
        %mul3A_1653 = arith.mulf %get3A_1647, %get3A_1647 : vector<16xf32>
        %add3A_1654 = arith.addf %add3A_1642, %mul3A_1653 : vector<16xf32>
        %mul3A_1655 = arith.mulf %get3A_1650, %get3A_1650 : vector<16xf32>
        %add3A_1656 = arith.addf %add3A_1644, %mul3A_1655 : vector<16xf32>
        %get3A_1657 = arith.index_cast %add3A_1578 : i32 to index
        %get3A_1658 = arith.constant 96 : index
        %get3A_1659 = tpu.vector_load %arg11[%get3A_1657, %get3A_1658] {strides = array<i32>} : memref<128x128xf32, #tpu.memory_space<vmem>>, vector<16xf32>,
        %get3A_1660 = arith.index_cast %add3A_1578 : i32 to index
        %get3A_1661 = arith.constant 96 : index
        %get3A_1662 = tpu.vector_load %arg12[%get3A_1660, %get3A_1661] {strides = array<i32>} : memref<128x128xf32, #tpu.memory_space<vmem>>, vector<16xf32>,
        %mul3A_1663 = arith.mulf %get3A_1659, %get3A_1662 : vector<16xf32>
        %add3A_1664 = arith.addf %add3A_1652, %mul3A_1663 : vector<16xf32>
        %mul3A_1665 = arith.mulf %get3A_1659, %get3A_1659 : vector<16xf32>
        %add3A_1666 = arith.addf %add3A_1654, %mul3A_1665 : vector<16xf32>
        %mul3A_1667 = arith.mulf %get3A_1662, %get3A_1662 : vector<16xf32>
        %add3A_1668 = arith.addf %add3A_1656, %mul3A_1667 : vector<16xf32>
        %get3A_1669 = arith.index_cast %add3A_1578 : i32 to index
        %get3A_1670 = arith.constant 112 : index
        %get3A_1671 = tpu.vector_load %arg11[%get3A_1669, %get3A_1670] {strides = array<i32>} : memref<128x128xf32, #tpu.memory_space<vmem>>, vector<16xf32>,
        %get3A_1672 = arith.index_cast %add3A_1578 : i32 to index
        %get3A_1673 = arith.constant 112 : index
        %get3A_1674 = tpu.vector_load %arg12[%get3A_1672, %get3A_1673] {strides = array<i32>} : memref<128x128xf32, #tpu.memory_space<vmem>>, vector<16xf32>,
        %mul3A_1675 = arith.mulf %get3A_1671, %get3A_1674 : vector<16xf32>
        %add3A_1676 = arith.addf %add3A_1664, %mul3A_1675 : vector<16xf32>
        %mul3A_1677 = arith.mulf %get3A_1671, %get3A_1671 : vector<16xf32>
        %add3A_1678 = arith.addf %add3A_1666, %mul3A_1677 : vector<16xf32>
        %mul3A_1679 = arith.mulf %get3A_1674, %get3A_1674 : vector<16xf32>
        %add3A_1680 = arith.addf %add3A_1668, %mul3A_1679 : vector<16xf32>
        %eq3A_1681 = arith.constant 12 : i32
        %eq3A_1682 = vector.broadcast %eq3A_1681 : i32 to vector<16xi32>
        %eq3A_1683 = arith.cmpi eq, %iota3A, %eq3A_1682 : vector<16xi32>
        %reduce_sum3A_1684 = arith.constant true
        %reduce_sum3A_1685 = vector.broadcast %reduce_sum3A_1684 : i1 to vector<16xi1>
        %reduce_sum3A_1686 = tpu.scan <sum>, %add3A_1676 masked %reduce_sum3A_1685 : vector<16xf32>, vector<16xi1> -> vector<16xf32>
        %reduce_sum3A_1687 = vector.extract %reduce_sum3A_1686[15] : f32 from vector<16xf32>
        %broadcast_in_dim3A_1688 = vector.broadcast %reduce_sum3A_1687 : f32 to vector<16xf32>
        %select_n3A_1689 = arith.select %eq3A_1683, %broadcast_in_dim3A_1688, %select_n3A_1562 : vector<16xi1>, vector<16xf32>
        %reduce_sum3A_1690 = arith.constant true
        %reduce_sum3A_1691 = vector.broadcast %reduce_sum3A_1690 : i1 to vector<16xi1>
        %reduce_sum3A_1692 = tpu.scan <sum>, %add3A_1678 masked %reduce_sum3A_1691 : vector<16xf32>, vector<16xi1> -> vector<16xf32>
        %reduce_sum3A_1693 = vector.extract %reduce_sum3A_1692[15] : f32 from vector<16xf32>
        %broadcast_in_dim3A_1694 = vector.broadcast %reduce_sum3A_1693 : f32 to vector<16xf32>
        %select_n3A_1695 = arith.select %eq3A_1683, %broadcast_in_dim3A_1694, %select_n3A_1568 : vector<16xi1>, vector<16xf32>
        %reduce_sum3A_1696 = arith.constant true
        %reduce_sum3A_1697 = vector.broadcast %reduce_sum3A_1696 : i1 to vector<16xi1>
        %reduce_sum3A_1698 = tpu.scan <sum>, %add3A_1680 masked %reduce_sum3A_1697 : vector<16xf32>, vector<16xi1> -> vector<16xf32>
        %reduce_sum3A_1699 = vector.extract %reduce_sum3A_1698[15] : f32 from vector<16xf32>
        %broadcast_in_dim3A_1700 = vector.broadcast %reduce_sum3A_1699 : f32 to vector<16xf32>
        %select_n3A_1701 = arith.select %eq3A_1683, %broadcast_in_dim3A_1700, %select_n3A_1574 : vector<16xi1>, vector<16xf32>
        %mul3A_1702 = arith.constant 16 : i32
        %mul3A_1703 = arith.muli %scan3A_48, %mul3A_1702 : i32
        %add3A_1704 = arith.constant 13 : i32
        %add3A_1705 = arith.addi %mul3A_1703, %add3A_1704 : i32
        %broadcast_in_dim3A_1706 = arith.constant 0.000000e+00 : f32
        %broadcast_in_dim3A_1707 = vector.broadcast %broadcast_in_dim3A_1706 : f32 to vector<16xf32>
        %broadcast_in_dim3A_1708 = arith.constant 0.000000e+00 : f32
        %broadcast_in_dim3A_1709 = vector.broadcast %broadcast_in_dim3A_1708 : f32 to vector<16xf32>
        %broadcast_in_dim3A_1710 = arith.constant 0.000000e+00 : f32
        %broadcast_in_dim3A_1711 = vector.broadcast %broadcast_in_dim3A_1710 : f32 to vector<16xf32>
        %get3A_1712 = arith.index_cast %add3A_1705 : i32 to index
        %get3A_1713 = arith.constant 0 : index
        %get3A_1714 = tpu.vector_load %arg11[%get3A_1712, %get3A_1713] {strides = array<i32>} : memref<128x128xf32, #tpu.memory_space<vmem>>, vector<16xf32>,
        %get3A_1715 = arith.index_cast %add3A_1705 : i32 to index
        %get3A_1716 = arith.constant 0 : index
        %get3A_1717 = tpu.vector_load %arg12[%get3A_1715, %get3A_1716] {strides = array<i32>} : memref<128x128xf32, #tpu.memory_space<vmem>>, vector<16xf32>,
        %mul3A_1718 = arith.mulf %get3A_1714, %get3A_1717 : vector<16xf32>
        %add3A_1719 = arith.addf %broadcast_in_dim3A_1707, %mul3A_1718 : vector<16xf32>
        %mul3A_1720 = arith.mulf %get3A_1714, %get3A_1714 : vector<16xf32>
        %add3A_1721 = arith.addf %broadcast_in_dim3A_1709, %mul3A_1720 : vector<16xf32>
        %mul3A_1722 = arith.mulf %get3A_1717, %get3A_1717 : vector<16xf32>
        %add3A_1723 = arith.addf %broadcast_in_dim3A_1711, %mul3A_1722 : vector<16xf32>
        %get3A_1724 = arith.index_cast %add3A_1705 : i32 to index
        %get3A_1725 = arith.constant 16 : index
        %get3A_1726 = tpu.vector_load %arg11[%get3A_1724, %get3A_1725] {strides = array<i32>} : memref<128x128xf32, #tpu.memory_space<vmem>>, vector<16xf32>,
        %get3A_1727 = arith.index_cast %add3A_1705 : i32 to index
        %get3A_1728 = arith.constant 16 : index
        %get3A_1729 = tpu.vector_load %arg12[%get3A_1727, %get3A_1728] {strides = array<i32>} : memref<128x128xf32, #tpu.memory_space<vmem>>, vector<16xf32>,
        %mul3A_1730 = arith.mulf %get3A_1726, %get3A_1729 : vector<16xf32>
        %add3A_1731 = arith.addf %add3A_1719, %mul3A_1730 : vector<16xf32>
        %mul3A_1732 = arith.mulf %get3A_1726, %get3A_1726 : vector<16xf32>
        %add3A_1733 = arith.addf %add3A_1721, %mul3A_1732 : vector<16xf32>
        %mul3A_1734 = arith.mulf %get3A_1729, %get3A_1729 : vector<16xf32>
        %add3A_1735 = arith.addf %add3A_1723, %mul3A_1734 : vector<16xf32>
        %get3A_1736 = arith.index_cast %add3A_1705 : i32 to index
        %get3A_1737 = arith.constant 32 : index
        %get3A_1738 = tpu.vector_load %arg11[%get3A_1736, %get3A_1737] {strides = array<i32>} : memref<128x128xf32, #tpu.memory_space<vmem>>, vector<16xf32>,
        %get3A_1739 = arith.index_cast %add3A_1705 : i32 to index
        %get3A_1740 = arith.constant 32 : index
        %get3A_1741 = tpu.vector_load %arg12[%get3A_1739, %get3A_1740] {strides = array<i32>} : memref<128x128xf32, #tpu.memory_space<vmem>>, vector<16xf32>,
        %mul3A_1742 = arith.mulf %get3A_1738, %get3A_1741 : vector<16xf32>
        %add3A_1743 = arith.addf %add3A_1731, %mul3A_1742 : vector<16xf32>
        %mul3A_1744 = arith.mulf %get3A_1738, %get3A_1738 : vector<16xf32>
        %add3A_1745 = arith.addf %add3A_1733, %mul3A_1744 : vector<16xf32>
        %mul3A_1746 = arith.mulf %get3A_1741, %get3A_1741 : vector<16xf32>
        %add3A_1747 = arith.addf %add3A_1735, %mul3A_1746 : vector<16xf32>
        %get3A_1748 = arith.index_cast %add3A_1705 : i32 to index
        %get3A_1749 = arith.constant 48 : index
        %get3A_1750 = tpu.vector_load %arg11[%get3A_1748, %get3A_1749] {strides = array<i32>} : memref<128x128xf32, #tpu.memory_space<vmem>>, vector<16xf32>,
        %get3A_1751 = arith.index_cast %add3A_1705 : i32 to index
        %get3A_1752 = arith.constant 48 : index
        %get3A_1753 = tpu.vector_load %arg12[%get3A_1751, %get3A_1752] {strides = array<i32>} : memref<128x128xf32, #tpu.memory_space<vmem>>, vector<16xf32>,
        %mul3A_1754 = arith.mulf %get3A_1750, %get3A_1753 : vector<16xf32>
        %add3A_1755 = arith.addf %add3A_1743, %mul3A_1754 : vector<16xf32>
        %mul3A_1756 = arith.mulf %get3A_1750, %get3A_1750 : vector<16xf32>
        %add3A_1757 = arith.addf %add3A_1745, %mul3A_1756 : vector<16xf32>
        %mul3A_1758 = arith.mulf %get3A_1753, %get3A_1753 : vector<16xf32>
        %add3A_1759 = arith.addf %add3A_1747, %mul3A_1758 : vector<16xf32>
        %get3A_1760 = arith.index_cast %add3A_1705 : i32 to index
        %get3A_1761 = arith.constant 64 : index
        %get3A_1762 = tpu.vector_load %arg11[%get3A_1760, %get3A_1761] {strides = array<i32>} : memref<128x128xf32, #tpu.memory_space<vmem>>, vector<16xf32>,
        %get3A_1763 = arith.index_cast %add3A_1705 : i32 to index
        %get3A_1764 = arith.constant 64 : index
        %get3A_1765 = tpu.vector_load %arg12[%get3A_1763, %get3A_1764] {strides = array<i32>} : memref<128x128xf32, #tpu.memory_space<vmem>>, vector<16xf32>,
        %mul3A_1766 = arith.mulf %get3A_1762, %get3A_1765 : vector<16xf32>
        %add3A_1767 = arith.addf %add3A_1755, %mul3A_1766 : vector<16xf32>
        %mul3A_1768 = arith.mulf %get3A_1762, %get3A_1762 : vector<16xf32>
        %add3A_1769 = arith.addf %add3A_1757, %mul3A_1768 : vector<16xf32>
        %mul3A_1770 = arith.mulf %get3A_1765, %get3A_1765 : vector<16xf32>
        %add3A_1771 = arith.addf %add3A_1759, %mul3A_1770 : vector<16xf32>
        %get3A_1772 = arith.index_cast %add3A_1705 : i32 to index
        %get3A_1773 = arith.constant 80 : index
        %get3A_1774 = tpu.vector_load %arg11[%get3A_1772, %get3A_1773] {strides = array<i32>} : memref<128x128xf32, #tpu.memory_space<vmem>>, vector<16xf32>,
        %get3A_1775 = arith.index_cast %add3A_1705 : i32 to index
        %get3A_1776 = arith.constant 80 : index
        %get3A_1777 = tpu.vector_load %arg12[%get3A_1775, %get3A_1776] {strides = array<i32>} : memref<128x128xf32, #tpu.memory_space<vmem>>, vector<16xf32>,
        %mul3A_1778 = arith.mulf %get3A_1774, %get3A_1777 : vector<16xf32>
        %add3A_1779 = arith.addf %add3A_1767, %mul3A_1778 : vector<16xf32>
        %mul3A_1780 = arith.mulf %get3A_1774, %get3A_1774 : vector<16xf32>
        %add3A_1781 = arith.addf %add3A_1769, %mul3A_1780 : vector<16xf32>
        %mul3A_1782 = arith.mulf %get3A_1777, %get3A_1777 : vector<16xf32>
        %add3A_1783 = arith.addf %add3A_1771, %mul3A_1782 : vector<16xf32>
        %get3A_1784 = arith.index_cast %add3A_1705 : i32 to index
        %get3A_1785 = arith.constant 96 : index
        %get3A_1786 = tpu.vector_load %arg11[%get3A_1784, %get3A_1785] {strides = array<i32>} : memref<128x128xf32, #tpu.memory_space<vmem>>, vector<16xf32>,
        %get3A_1787 = arith.index_cast %add3A_1705 : i32 to index
        %get3A_1788 = arith.constant 96 : index
        %get3A_1789 = tpu.vector_load %arg12[%get3A_1787, %get3A_1788] {strides = array<i32>} : memref<128x128xf32, #tpu.memory_space<vmem>>, vector<16xf32>,
        %mul3A_1790 = arith.mulf %get3A_1786, %get3A_1789 : vector<16xf32>
        %add3A_1791 = arith.addf %add3A_1779, %mul3A_1790 : vector<16xf32>
        %mul3A_1792 = arith.mulf %get3A_1786, %get3A_1786 : vector<16xf32>
        %add3A_1793 = arith.addf %add3A_1781, %mul3A_1792 : vector<16xf32>
        %mul3A_1794 = arith.mulf %get3A_1789, %get3A_1789 : vector<16xf32>
        %add3A_1795 = arith.addf %add3A_1783, %mul3A_1794 : vector<16xf32>
        %get3A_1796 = arith.index_cast %add3A_1705 : i32 to index
        %get3A_1797 = arith.constant 112 : index
        %get3A_1798 = tpu.vector_load %arg11[%get3A_1796, %get3A_1797] {strides = array<i32>} : memref<128x128xf32, #tpu.memory_space<vmem>>, vector<16xf32>,
        %get3A_1799 = arith.index_cast %add3A_1705 : i32 to index
        %get3A_1800 = arith.constant 112 : index
        %get3A_1801 = tpu.vector_load %arg12[%get3A_1799, %get3A_1800] {strides = array<i32>} : memref<128x128xf32, #tpu.memory_space<vmem>>, vector<16xf32>,
        %mul3A_1802 = arith.mulf %get3A_1798, %get3A_1801 : vector<16xf32>
        %add3A_1803 = arith.addf %add3A_1791, %mul3A_1802 : vector<16xf32>
        %mul3A_1804 = arith.mulf %get3A_1798, %get3A_1798 : vector<16xf32>
        %add3A_1805 = arith.addf %add3A_1793, %mul3A_1804 : vector<16xf32>
        %mul3A_1806 = arith.mulf %get3A_1801, %get3A_1801 : vector<16xf32>
        %add3A_1807 = arith.addf %add3A_1795, %mul3A_1806 : vector<16xf32>
        %eq3A_1808 = arith.constant 13 : i32
        %eq3A_1809 = vector.broadcast %eq3A_1808 : i32 to vector<16xi32>
        %eq3A_1810 = arith.cmpi eq, %iota3A, %eq3A_1809 : vector<16xi32>
        %reduce_sum3A_1811 = arith.constant true
        %reduce_sum3A_1812 = vector.broadcast %reduce_sum3A_1811 : i1 to vector<16xi1>
        %reduce_sum3A_1813 = tpu.scan <sum>, %add3A_1803 masked %reduce_sum3A_1812 : vector<16xf32>, vector<16xi1> -> vector<16xf32>
        %reduce_sum3A_1814 = vector.extract %reduce_sum3A_1813[15] : f32 from vector<16xf32>
        %broadcast_in_dim3A_1815 = vector.broadcast %reduce_sum3A_1814 : f32 to vector<16xf32>
        %select_n3A_1816 = arith.select %eq3A_1810, %broadcast_in_dim3A_1815, %select_n3A_1689 : vector<16xi1>, vector<16xf32>
        %reduce_sum3A_1817 = arith.constant true
        %reduce_sum3A_1818 = vector.broadcast %reduce_sum3A_1817 : i1 to vector<16xi1>
        %reduce_sum3A_1819 = tpu.scan <sum>, %add3A_1805 masked %reduce_sum3A_1818 : vector<16xf32>, vector<16xi1> -> vector<16xf32>
        %reduce_sum3A_1820 = vector.extract %reduce_sum3A_1819[15] : f32 from vector<16xf32>
        %broadcast_in_dim3A_1821 = vector.broadcast %reduce_sum3A_1820 : f32 to vector<16xf32>
        %select_n3A_1822 = arith.select %eq3A_1810, %broadcast_in_dim3A_1821, %select_n3A_1695 : vector<16xi1>, vector<16xf32>
        %reduce_sum3A_1823 = arith.constant true
        %reduce_sum3A_1824 = vector.broadcast %reduce_sum3A_1823 : i1 to vector<16xi1>
        %reduce_sum3A_1825 = tpu.scan <sum>, %add3A_1807 masked %reduce_sum3A_1824 : vector<16xf32>, vector<16xi1> -> vector<16xf32>
        %reduce_sum3A_1826 = vector.extract %reduce_sum3A_1825[15] : f32 from vector<16xf32>
        %broadcast_in_dim3A_1827 = vector.broadcast %reduce_sum3A_1826 : f32 to vector<16xf32>
        %select_n3A_1828 = arith.select %eq3A_1810, %broadcast_in_dim3A_1827, %select_n3A_1701 : vector<16xi1>, vector<16xf32>
        %mul3A_1829 = arith.constant 16 : i32
        %mul3A_1830 = arith.muli %scan3A_48, %mul3A_1829 : i32
        %add3A_1831 = arith.constant 14 : i32
        %add3A_1832 = arith.addi %mul3A_1830, %add3A_1831 : i32
        %broadcast_in_dim3A_1833 = arith.constant 0.000000e+00 : f32
        %broadcast_in_dim3A_1834 = vector.broadcast %broadcast_in_dim3A_1833 : f32 to vector<16xf32>
        %broadcast_in_dim3A_1835 = arith.constant 0.000000e+00 : f32
        %broadcast_in_dim3A_1836 = vector.broadcast %broadcast_in_dim3A_1835 : f32 to vector<16xf32>
        %broadcast_in_dim3A_1837 = arith.constant 0.000000e+00 : f32
        %broadcast_in_dim3A_1838 = vector.broadcast %broadcast_in_dim3A_1837 : f32 to vector<16xf32>
        %get3A_1839 = arith.index_cast %add3A_1832 : i32 to index
        %get3A_1840 = arith.constant 0 : index
        %get3A_1841 = tpu.vector_load %arg11[%get3A_1839, %get3A_1840] {strides = array<i32>} : memref<128x128xf32, #tpu.memory_space<vmem>>, vector<16xf32>,
        %get3A_1842 = arith.index_cast %add3A_1832 : i32 to index
        %get3A_1843 = arith.constant 0 : index
        %get3A_1844 = tpu.vector_load %arg12[%get3A_1842, %get3A_1843] {strides = array<i32>} : memref<128x128xf32, #tpu.memory_space<vmem>>, vector<16xf32>,
        %mul3A_1845 = arith.mulf %get3A_1841, %get3A_1844 : vector<16xf32>
        %add3A_1846 = arith.addf %broadcast_in_dim3A_1834, %mul3A_1845 : vector<16xf32>
        %mul3A_1847 = arith.mulf %get3A_1841, %get3A_1841 : vector<16xf32>
        %add3A_1848 = arith.addf %broadcast_in_dim3A_1836, %mul3A_1847 : vector<16xf32>
        %mul3A_1849 = arith.mulf %get3A_1844, %get3A_1844 : vector<16xf32>
        %add3A_1850 = arith.addf %broadcast_in_dim3A_1838, %mul3A_1849 : vector<16xf32>
        %get3A_1851 = arith.index_cast %add3A_1832 : i32 to index
        %get3A_1852 = arith.constant 16 : index
        %get3A_1853 = tpu.vector_load %arg11[%get3A_1851, %get3A_1852] {strides = array<i32>} : memref<128x128xf32, #tpu.memory_space<vmem>>, vector<16xf32>,
        %get3A_1854 = arith.index_cast %add3A_1832 : i32 to index
        %get3A_1855 = arith.constant 16 : index
        %get3A_1856 = tpu.vector_load %arg12[%get3A_1854, %get3A_1855] {strides = array<i32>} : memref<128x128xf32, #tpu.memory_space<vmem>>, vector<16xf32>,
        %mul3A_1857 = arith.mulf %get3A_1853, %get3A_1856 : vector<16xf32>
        %add3A_1858 = arith.addf %add3A_1846, %mul3A_1857 : vector<16xf32>
        %mul3A_1859 = arith.mulf %get3A_1853, %get3A_1853 : vector<16xf32>
        %add3A_1860 = arith.addf %add3A_1848, %mul3A_1859 : vector<16xf32>
        %mul3A_1861 = arith.mulf %get3A_1856, %get3A_1856 : vector<16xf32>
        %add3A_1862 = arith.addf %add3A_1850, %mul3A_1861 : vector<16xf32>
        %get3A_1863 = arith.index_cast %add3A_1832 : i32 to index
        %get3A_1864 = arith.constant 32 : index
        %get3A_1865 = tpu.vector_load %arg11[%get3A_1863, %get3A_1864] {strides = array<i32>} : memref<128x128xf32, #tpu.memory_space<vmem>>, vector<16xf32>,
        %get3A_1866 = arith.index_cast %add3A_1832 : i32 to index
        %get3A_1867 = arith.constant 32 : index
        %get3A_1868 = tpu.vector_load %arg12[%get3A_1866, %get3A_1867] {strides = array<i32>} : memref<128x128xf32, #tpu.memory_space<vmem>>, vector<16xf32>,
        %mul3A_1869 = arith.mulf %get3A_1865, %get3A_1868 : vector<16xf32>
        %add3A_1870 = arith.addf %add3A_1858, %mul3A_1869 : vector<16xf32>
        %mul3A_1871 = arith.mulf %get3A_1865, %get3A_1865 : vector<16xf32>
        %add3A_1872 = arith.addf %add3A_1860, %mul3A_1871 : vector<16xf32>
        %mul3A_1873 = arith.mulf %get3A_1868, %get3A_1868 : vector<16xf32>
        %add3A_1874 = arith.addf %add3A_1862, %mul3A_1873 : vector<16xf32>
        %get3A_1875 = arith.index_cast %add3A_1832 : i32 to index
        %get3A_1876 = arith.constant 48 : index
        %get3A_1877 = tpu.vector_load %arg11[%get3A_1875, %get3A_1876] {strides = array<i32>} : memref<128x128xf32, #tpu.memory_space<vmem>>, vector<16xf32>,
        %get3A_1878 = arith.index_cast %add3A_1832 : i32 to index
        %get3A_1879 = arith.constant 48 : index
        %get3A_1880 = tpu.vector_load %arg12[%get3A_1878, %get3A_1879] {strides = array<i32>} : memref<128x128xf32, #tpu.memory_space<vmem>>, vector<16xf32>,
        %mul3A_1881 = arith.mulf %get3A_1877, %get3A_1880 : vector<16xf32>
        %add3A_1882 = arith.addf %add3A_1870, %mul3A_1881 : vector<16xf32>
        %mul3A_1883 = arith.mulf %get3A_1877, %get3A_1877 : vector<16xf32>
        %add3A_1884 = arith.addf %add3A_1872, %mul3A_1883 : vector<16xf32>
        %mul3A_1885 = arith.mulf %get3A_1880, %get3A_1880 : vector<16xf32>
        %add3A_1886 = arith.addf %add3A_1874, %mul3A_1885 : vector<16xf32>
        %get3A_1887 = arith.index_cast %add3A_1832 : i32 to index
        %get3A_1888 = arith.constant 64 : index
        %get3A_1889 = tpu.vector_load %arg11[%get3A_1887, %get3A_1888] {strides = array<i32>} : memref<128x128xf32, #tpu.memory_space<vmem>>, vector<16xf32>,
        %get3A_1890 = arith.index_cast %add3A_1832 : i32 to index
        %get3A_1891 = arith.constant 64 : index
        %get3A_1892 = tpu.vector_load %arg12[%get3A_1890, %get3A_1891] {strides = array<i32>} : memref<128x128xf32, #tpu.memory_space<vmem>>, vector<16xf32>,
        %mul3A_1893 = arith.mulf %get3A_1889, %get3A_1892 : vector<16xf32>
        %add3A_1894 = arith.addf %add3A_1882, %mul3A_1893 : vector<16xf32>
        %mul3A_1895 = arith.mulf %get3A_1889, %get3A_1889 : vector<16xf32>
        %add3A_1896 = arith.addf %add3A_1884, %mul3A_1895 : vector<16xf32>
        %mul3A_1897 = arith.mulf %get3A_1892, %get3A_1892 : vector<16xf32>
        %add3A_1898 = arith.addf %add3A_1886, %mul3A_1897 : vector<16xf32>
        %get3A_1899 = arith.index_cast %add3A_1832 : i32 to index
        %get3A_1900 = arith.constant 80 : index
        %get3A_1901 = tpu.vector_load %arg11[%get3A_1899, %get3A_1900] {strides = array<i32>} : memref<128x128xf32, #tpu.memory_space<vmem>>, vector<16xf32>,
        %get3A_1902 = arith.index_cast %add3A_1832 : i32 to index
        %get3A_1903 = arith.constant 80 : index
        %get3A_1904 = tpu.vector_load %arg12[%get3A_1902, %get3A_1903] {strides = array<i32>} : memref<128x128xf32, #tpu.memory_space<vmem>>, vector<16xf32>,
        %mul3A_1905 = arith.mulf %get3A_1901, %get3A_1904 : vector<16xf32>
        %add3A_1906 = arith.addf %add3A_1894, %mul3A_1905 : vector<16xf32>
        %mul3A_1907 = arith.mulf %get3A_1901, %get3A_1901 : vector<16xf32>
        %add3A_1908 = arith.addf %add3A_1896, %mul3A_1907 : vector<16xf32>
        %mul3A_1909 = arith.mulf %get3A_1904, %get3A_1904 : vector<16xf32>
        %add3A_1910 = arith.addf %add3A_1898, %mul3A_1909 : vector<16xf32>
        %get3A_1911 = arith.index_cast %add3A_1832 : i32 to index
        %get3A_1912 = arith.constant 96 : index
        %get3A_1913 = tpu.vector_load %arg11[%get3A_1911, %get3A_1912] {strides = array<i32>} : memref<128x128xf32, #tpu.memory_space<vmem>>, vector<16xf32>,
        %get3A_1914 = arith.index_cast %add3A_1832 : i32 to index
        %get3A_1915 = arith.constant 96 : index
        %get3A_1916 = tpu.vector_load %arg12[%get3A_1914, %get3A_1915] {strides = array<i32>} : memref<128x128xf32, #tpu.memory_space<vmem>>, vector<16xf32>,
        %mul3A_1917 = arith.mulf %get3A_1913, %get3A_1916 : vector<16xf32>
        %add3A_1918 = arith.addf %add3A_1906, %mul3A_1917 : vector<16xf32>
        %mul3A_1919 = arith.mulf %get3A_1913, %get3A_1913 : vector<16xf32>
        %add3A_1920 = arith.addf %add3A_1908, %mul3A_1919 : vector<16xf32>
        %mul3A_1921 = arith.mulf %get3A_1916, %get3A_1916 : vector<16xf32>
        %add3A_1922 = arith.addf %add3A_1910, %mul3A_1921 : vector<16xf32>
        %get3A_1923 = arith.index_cast %add3A_1832 : i32 to index
        %get3A_1924 = arith.constant 112 : index
        %get3A_1925 = tpu.vector_load %arg11[%get3A_1923, %get3A_1924] {strides = array<i32>} : memref<128x128xf32, #tpu.memory_space<vmem>>, vector<16xf32>,
        %get3A_1926 = arith.index_cast %add3A_1832 : i32 to index
        %get3A_1927 = arith.constant 112 : index
        %get3A_1928 = tpu.vector_load %arg12[%get3A_1926, %get3A_1927] {strides = array<i32>} : memref<128x128xf32, #tpu.memory_space<vmem>>, vector<16xf32>,
        %mul3A_1929 = arith.mulf %get3A_1925, %get3A_1928 : vector<16xf32>
        %add3A_1930 = arith.addf %add3A_1918, %mul3A_1929 : vector<16xf32>
        %mul3A_1931 = arith.mulf %get3A_1925, %get3A_1925 : vector<16xf32>
        %add3A_1932 = arith.addf %add3A_1920, %mul3A_1931 : vector<16xf32>
        %mul3A_1933 = arith.mulf %get3A_1928, %get3A_1928 : vector<16xf32>
        %add3A_1934 = arith.addf %add3A_1922, %mul3A_1933 : vector<16xf32>
        %eq3A_1935 = arith.constant 14 : i32
        %eq3A_1936 = vector.broadcast %eq3A_1935 : i32 to vector<16xi32>
        %eq3A_1937 = arith.cmpi eq, %iota3A, %eq3A_1936 : vector<16xi32>
        %reduce_sum3A_1938 = arith.constant true
        %reduce_sum3A_1939 = vector.broadcast %reduce_sum3A_1938 : i1 to vector<16xi1>
        %reduce_sum3A_1940 = tpu.scan <sum>, %add3A_1930 masked %reduce_sum3A_1939 : vector<16xf32>, vector<16xi1> -> vector<16xf32>
        %reduce_sum3A_1941 = vector.extract %reduce_sum3A_1940[15] : f32 from vector<16xf32>
        %broadcast_in_dim3A_1942 = vector.broadcast %reduce_sum3A_1941 : f32 to vector<16xf32>
        %select_n3A_1943 = arith.select %eq3A_1937, %broadcast_in_dim3A_1942, %select_n3A_1816 : vector<16xi1>, vector<16xf32>
        %reduce_sum3A_1944 = arith.constant true
        %reduce_sum3A_1945 = vector.broadcast %reduce_sum3A_1944 : i1 to vector<16xi1>
        %reduce_sum3A_1946 = tpu.scan <sum>, %add3A_1932 masked %reduce_sum3A_1945 : vector<16xf32>, vector<16xi1> -> vector<16xf32>
        %reduce_sum3A_1947 = vector.extract %reduce_sum3A_1946[15] : f32 from vector<16xf32>
        %broadcast_in_dim3A_1948 = vector.broadcast %reduce_sum3A_1947 : f32 to vector<16xf32>
        %select_n3A_1949 = arith.select %eq3A_1937, %broadcast_in_dim3A_1948, %select_n3A_1822 : vector<16xi1>, vector<16xf32>
        %reduce_sum3A_1950 = arith.constant true
        %reduce_sum3A_1951 = vector.broadcast %reduce_sum3A_1950 : i1 to vector<16xi1>
        %reduce_sum3A_1952 = tpu.scan <sum>, %add3A_1934 masked %reduce_sum3A_1951 : vector<16xf32>, vector<16xi1> -> vector<16xf32>
        %reduce_sum3A_1953 = vector.extract %reduce_sum3A_1952[15] : f32 from vector<16xf32>
        %broadcast_in_dim3A_1954 = vector.broadcast %reduce_sum3A_1953 : f32 to vector<16xf32>
        %select_n3A_1955 = arith.select %eq3A_1937, %broadcast_in_dim3A_1954, %select_n3A_1828 : vector<16xi1>, vector<16xf32>
        %mul3A_1956 = arith.constant 16 : i32
        %mul3A_1957 = arith.muli %scan3A_48, %mul3A_1956 : i32
        %add3A_1958 = arith.constant 15 : i32
        %add3A_1959 = arith.addi %mul3A_1957, %add3A_1958 : i32
        %broadcast_in_dim3A_1960 = arith.constant 0.000000e+00 : f32
        %broadcast_in_dim3A_1961 = vector.broadcast %broadcast_in_dim3A_1960 : f32 to vector<16xf32>
        %broadcast_in_dim3A_1962 = arith.constant 0.000000e+00 : f32
        %broadcast_in_dim3A_1963 = vector.broadcast %broadcast_in_dim3A_1962 : f32 to vector<16xf32>
        %broadcast_in_dim3A_1964 = arith.constant 0.000000e+00 : f32
        %broadcast_in_dim3A_1965 = vector.broadcast %broadcast_in_dim3A_1964 : f32 to vector<16xf32>
        %get3A_1966 = arith.index_cast %add3A_1959 : i32 to index
        %get3A_1967 = arith.constant 0 : index
        %get3A_1968 = tpu.vector_load %arg11[%get3A_1966, %get3A_1967] {strides = array<i32>} : memref<128x128xf32, #tpu.memory_space<vmem>>, vector<16xf32>,
        %get3A_1969 = arith.index_cast %add3A_1959 : i32 to index
        %get3A_1970 = arith.constant 0 : index
        %get3A_1971 = tpu.vector_load %arg12[%get3A_1969, %get3A_1970] {strides = array<i32>} : memref<128x128xf32, #tpu.memory_space<vmem>>, vector<16xf32>,
        %mul3A_1972 = arith.mulf %get3A_1968, %get3A_1971 : vector<16xf32>
        %add3A_1973 = arith.addf %broadcast_in_dim3A_1961, %mul3A_1972 : vector<16xf32>
        %mul3A_1974 = arith.mulf %get3A_1968, %get3A_1968 : vector<16xf32>
        %add3A_1975 = arith.addf %broadcast_in_dim3A_1963, %mul3A_1974 : vector<16xf32>
        %mul3A_1976 = arith.mulf %get3A_1971, %get3A_1971 : vector<16xf32>
        %add3A_1977 = arith.addf %broadcast_in_dim3A_1965, %mul3A_1976 : vector<16xf32>
        %get3A_1978 = arith.index_cast %add3A_1959 : i32 to index
        %get3A_1979 = arith.constant 16 : index
        %get3A_1980 = tpu.vector_load %arg11[%get3A_1978, %get3A_1979] {strides = array<i32>} : memref<128x128xf32, #tpu.memory_space<vmem>>, vector<16xf32>,
        %get3A_1981 = arith.index_cast %add3A_1959 : i32 to index
        %get3A_1982 = arith.constant 16 : index
        %get3A_1983 = tpu.vector_load %arg12[%get3A_1981, %get3A_1982] {strides = array<i32>} : memref<128x128xf32, #tpu.memory_space<vmem>>, vector<16xf32>,
        %mul3A_1984 = arith.mulf %get3A_1980, %get3A_1983 : vector<16xf32>
        %add3A_1985 = arith.addf %add3A_1973, %mul3A_1984 : vector<16xf32>
        %mul3A_1986 = arith.mulf %get3A_1980, %get3A_1980 : vector<16xf32>
        %add3A_1987 = arith.addf %add3A_1975, %mul3A_1986 : vector<16xf32>
        %mul3A_1988 = arith.mulf %get3A_1983, %get3A_1983 : vector<16xf32>
        %add3A_1989 = arith.addf %add3A_1977, %mul3A_1988 : vector<16xf32>
        %get3A_1990 = arith.index_cast %add3A_1959 : i32 to index
        %get3A_1991 = arith.constant 32 : index
        %get3A_1992 = tpu.vector_load %arg11[%get3A_1990, %get3A_1991] {strides = array<i32>} : memref<128x128xf32, #tpu.memory_space<vmem>>, vector<16xf32>,
        %get3A_1993 = arith.index_cast %add3A_1959 : i32 to index
        %get3A_1994 = arith.constant 32 : index
        %get3A_1995 = tpu.vector_load %arg12[%get3A_1993, %get3A_1994] {strides = array<i32>} : memref<128x128xf32, #tpu.memory_space<vmem>>, vector<16xf32>,
        %mul3A_1996 = arith.mulf %get3A_1992, %get3A_1995 : vector<16xf32>
        %add3A_1997 = arith.addf %add3A_1985, %mul3A_1996 : vector<16xf32>
        %mul3A_1998 = arith.mulf %get3A_1992, %get3A_1992 : vector<16xf32>
        %add3A_1999 = arith.addf %add3A_1987, %mul3A_1998 : vector<16xf32>
        %mul3A_2000 = arith.mulf %get3A_1995, %get3A_1995 : vector<16xf32>
        %add3A_2001 = arith.addf %add3A_1989, %mul3A_2000 : vector<16xf32>
        %get3A_2002 = arith.index_cast %add3A_1959 : i32 to index
        %get3A_2003 = arith.constant 48 : index
        %get3A_2004 = tpu.vector_load %arg11[%get3A_2002, %get3A_2003] {strides = array<i32>} : memref<128x128xf32, #tpu.memory_space<vmem>>, vector<16xf32>,
        %get3A_2005 = arith.index_cast %add3A_1959 : i32 to index
        %get3A_2006 = arith.constant 48 : index
        %get3A_2007 = tpu.vector_load %arg12[%get3A_2005, %get3A_2006] {strides = array<i32>} : memref<128x128xf32, #tpu.memory_space<vmem>>, vector<16xf32>,
        %mul3A_2008 = arith.mulf %get3A_2004, %get3A_2007 : vector<16xf32>
        %add3A_2009 = arith.addf %add3A_1997, %mul3A_2008 : vector<16xf32>
        %mul3A_2010 = arith.mulf %get3A_2004, %get3A_2004 : vector<16xf32>
        %add3A_2011 = arith.addf %add3A_1999, %mul3A_2010 : vector<16xf32>
        %mul3A_2012 = arith.mulf %get3A_2007, %get3A_2007 : vector<16xf32>
        %add3A_2013 = arith.addf %add3A_2001, %mul3A_2012 : vector<16xf32>
        %get3A_2014 = arith.index_cast %add3A_1959 : i32 to index
        %get3A_2015 = arith.constant 64 : index
        %get3A_2016 = tpu.vector_load %arg11[%get3A_2014, %get3A_2015] {strides = array<i32>} : memref<128x128xf32, #tpu.memory_space<vmem>>, vector<16xf32>,
        %get3A_2017 = arith.index_cast %add3A_1959 : i32 to index
        %get3A_2018 = arith.constant 64 : index
        %get3A_2019 = tpu.vector_load %arg12[%get3A_2017, %get3A_2018] {strides = array<i32>} : memref<128x128xf32, #tpu.memory_space<vmem>>, vector<16xf32>,
        %mul3A_2020 = arith.mulf %get3A_2016, %get3A_2019 : vector<16xf32>
        %add3A_2021 = arith.addf %add3A_2009, %mul3A_2020 : vector<16xf32>
        %mul3A_2022 = arith.mulf %get3A_2016, %get3A_2016 : vector<16xf32>
        %add3A_2023 = arith.addf %add3A_2011, %mul3A_2022 : vector<16xf32>
        %mul3A_2024 = arith.mulf %get3A_2019, %get3A_2019 : vector<16xf32>
        %add3A_2025 = arith.addf %add3A_2013, %mul3A_2024 : vector<16xf32>
        %get3A_2026 = arith.index_cast %add3A_1959 : i32 to index
        %get3A_2027 = arith.constant 80 : index
        %get3A_2028 = tpu.vector_load %arg11[%get3A_2026, %get3A_2027] {strides = array<i32>} : memref<128x128xf32, #tpu.memory_space<vmem>>, vector<16xf32>,
        %get3A_2029 = arith.index_cast %add3A_1959 : i32 to index
        %get3A_2030 = arith.constant 80 : index
        %get3A_2031 = tpu.vector_load %arg12[%get3A_2029, %get3A_2030] {strides = array<i32>} : memref<128x128xf32, #tpu.memory_space<vmem>>, vector<16xf32>,
        %mul3A_2032 = arith.mulf %get3A_2028, %get3A_2031 : vector<16xf32>
        %add3A_2033 = arith.addf %add3A_2021, %mul3A_2032 : vector<16xf32>
        %mul3A_2034 = arith.mulf %get3A_2028, %get3A_2028 : vector<16xf32>
        %add3A_2035 = arith.addf %add3A_2023, %mul3A_2034 : vector<16xf32>
        %mul3A_2036 = arith.mulf %get3A_2031, %get3A_2031 : vector<16xf32>
        %add3A_2037 = arith.addf %add3A_2025, %mul3A_2036 : vector<16xf32>
        %get3A_2038 = arith.index_cast %add3A_1959 : i32 to index
        %get3A_2039 = arith.constant 96 : index
        %get3A_2040 = tpu.vector_load %arg11[%get3A_2038, %get3A_2039] {strides = array<i32>} : memref<128x128xf32, #tpu.memory_space<vmem>>, vector<16xf32>,
        %get3A_2041 = arith.index_cast %add3A_1959 : i32 to index
        %get3A_2042 = arith.constant 96 : index
        %get3A_2043 = tpu.vector_load %arg12[%get3A_2041, %get3A_2042] {strides = array<i32>} : memref<128x128xf32, #tpu.memory_space<vmem>>, vector<16xf32>,
        %mul3A_2044 = arith.mulf %get3A_2040, %get3A_2043 : vector<16xf32>
        %add3A_2045 = arith.addf %add3A_2033, %mul3A_2044 : vector<16xf32>
        %mul3A_2046 = arith.mulf %get3A_2040, %get3A_2040 : vector<16xf32>
        %add3A_2047 = arith.addf %add3A_2035, %mul3A_2046 : vector<16xf32>
        %mul3A_2048 = arith.mulf %get3A_2043, %get3A_2043 : vector<16xf32>
        %add3A_2049 = arith.addf %add3A_2037, %mul3A_2048 : vector<16xf32>
        %get3A_2050 = arith.index_cast %add3A_1959 : i32 to index
        %get3A_2051 = arith.constant 112 : index
        %get3A_2052 = tpu.vector_load %arg11[%get3A_2050, %get3A_2051] {strides = array<i32>} : memref<128x128xf32, #tpu.memory_space<vmem>>, vector<16xf32>,
        %get3A_2053 = arith.index_cast %add3A_1959 : i32 to index
        %get3A_2054 = arith.constant 112 : index
        %get3A_2055 = tpu.vector_load %arg12[%get3A_2053, %get3A_2054] {strides = array<i32>} : memref<128x128xf32, #tpu.memory_space<vmem>>, vector<16xf32>,
        %mul3A_2056 = arith.mulf %get3A_2052, %get3A_2055 : vector<16xf32>
        %add3A_2057 = arith.addf %add3A_2045, %mul3A_2056 : vector<16xf32>
        %mul3A_2058 = arith.mulf %get3A_2052, %get3A_2052 : vector<16xf32>
        %add3A_2059 = arith.addf %add3A_2047, %mul3A_2058 : vector<16xf32>
        %mul3A_2060 = arith.mulf %get3A_2055, %get3A_2055 : vector<16xf32>
        %add3A_2061 = arith.addf %add3A_2049, %mul3A_2060 : vector<16xf32>
        %eq3A_2062 = arith.constant 15 : i32
        %eq3A_2063 = vector.broadcast %eq3A_2062 : i32 to vector<16xi32>
        %eq3A_2064 = arith.cmpi eq, %iota3A, %eq3A_2063 : vector<16xi32>
        %reduce_sum3A_2065 = arith.constant true
        %reduce_sum3A_2066 = vector.broadcast %reduce_sum3A_2065 : i1 to vector<16xi1>
        %reduce_sum3A_2067 = tpu.scan <sum>, %add3A_2057 masked %reduce_sum3A_2066 : vector<16xf32>, vector<16xi1> -> vector<16xf32>
        %reduce_sum3A_2068 = vector.extract %reduce_sum3A_2067[15] : f32 from vector<16xf32>
        %broadcast_in_dim3A_2069 = vector.broadcast %reduce_sum3A_2068 : f32 to vector<16xf32>
        %select_n3A_2070 = arith.select %eq3A_2064, %broadcast_in_dim3A_2069, %select_n3A_1943 : vector<16xi1>, vector<16xf32>
        %reduce_sum3A_2071 = arith.constant true
        %reduce_sum3A_2072 = vector.broadcast %reduce_sum3A_2071 : i1 to vector<16xi1>
        %reduce_sum3A_2073 = tpu.scan <sum>, %add3A_2059 masked %reduce_sum3A_2072 : vector<16xf32>, vector<16xi1> -> vector<16xf32>
        %reduce_sum3A_2074 = vector.extract %reduce_sum3A_2073[15] : f32 from vector<16xf32>
        %broadcast_in_dim3A_2075 = vector.broadcast %reduce_sum3A_2074 : f32 to vector<16xf32>
        %select_n3A_2076 = arith.select %eq3A_2064, %broadcast_in_dim3A_2075, %select_n3A_1949 : vector<16xi1>, vector<16xf32>
        %reduce_sum3A_2077 = arith.constant true
        %reduce_sum3A_2078 = vector.broadcast %reduce_sum3A_2077 : i1 to vector<16xi1>
        %reduce_sum3A_2079 = tpu.scan <sum>, %add3A_2061 masked %reduce_sum3A_2078 : vector<16xf32>, vector<16xi1> -> vector<16xf32>
        %reduce_sum3A_2080 = vector.extract %reduce_sum3A_2079[15] : f32 from vector<16xf32>
        %broadcast_in_dim3A_2081 = vector.broadcast %reduce_sum3A_2080 : f32 to vector<16xf32>
        %select_n3A_2082 = arith.select %eq3A_2064, %broadcast_in_dim3A_2081, %select_n3A_1955 : vector<16xi1>, vector<16xf32>
        %mul3A_2083 = arith.mulf %select_n3A_2076, %select_n3A_2082 : vector<16xf32>
        %lt3A = arith.constant 9.99999996E-13 : f32
        %lt3A_2084 = vector.broadcast %lt3A : f32 to vector<16xf32>
        %lt3A_2085 = arith.cmpf olt, %mul3A_2083, %lt3A_2084 : vector<16xf32>
        %mul3A_2086 = arith.constant 1.000000e+06 : f32
        %mul3A_2087 = vector.broadcast %mul3A_2086 : f32 to vector<16xf32>
        %mul3A_2088 = arith.mulf %select_n3A_2070, %mul3A_2087 : vector<16xf32>
        %bitcast_convert_type3A = tpu.bitcast %mul3A_2083 : vector<16xf32> -> vector<16xi32>
        %broadcast_in_dim3A_2089 = arith.constant 1 : i32
        %broadcast_in_dim3A_2090 = vector.broadcast %broadcast_in_dim3A_2089 : i32 to vector<16xi32>
        %shift_right_arithmetic3A = arith.shrsi %bitcast_convert_type3A, %broadcast_in_dim3A_2090 : vector<16xi32>
        %sub3A = arith.constant 1597463007 : i32
        %sub3A_2091 = vector.broadcast %sub3A : i32 to vector<16xi32>
        %sub3A_2092 = arith.subi %sub3A_2091, %shift_right_arithmetic3A : vector<16xi32>
        %bitcast_convert_type3A_2093 = tpu.bitcast %sub3A_2092 : vector<16xi32> -> vector<16xf32>
        %mul3A_2094 = arith.constant 5.000000e-01 : f32
        %mul3A_2095 = vector.broadcast %mul3A_2094 : f32 to vector<16xf32>
        %mul3A_2096 = arith.mulf %mul3A_2095, %mul3A_2083 : vector<16xf32>
        %mul3A_2097 = arith.mulf %mul3A_2096, %bitcast_convert_type3A_2093 : vector<16xf32>
        %mul3A_2098 = arith.mulf %mul3A_2097, %bitcast_convert_type3A_2093 : vector<16xf32>
        %sub3A_2099 = arith.constant 1.500000e+00 : f32
        %sub3A_2100 = vector.broadcast %sub3A_2099 : f32 to vector<16xf32>
        %sub3A_2101 = arith.subf %sub3A_2100, %mul3A_2098 : vector<16xf32>
        %mul3A_2102 = arith.mulf %bitcast_convert_type3A_2093, %sub3A_2101 : vector<16xf32>
        %mul3A_2103 = arith.constant 5.000000e-01 : f32
        %mul3A_2104 = vector.broadcast %mul3A_2103 : f32 to vector<16xf32>
        %mul3A_2105 = arith.mulf %mul3A_2104, %mul3A_2083 : vector<16xf32>
        %mul3A_2106 = arith.mulf %mul3A_2105, %mul3A_2102 : vector<16xf32>
        %mul3A_2107 = arith.mulf %mul3A_2106, %mul3A_2102 : vector<16xf32>
        %sub3A_2108 = arith.constant 1.500000e+00 : f32
        %sub3A_2109 = vector.broadcast %sub3A_2108 : f32 to vector<16xf32>
        %sub3A_2110 = arith.subf %sub3A_2109, %mul3A_2107 : vector<16xf32>
        %mul3A_2111 = arith.mulf %mul3A_2102, %sub3A_2110 : vector<16xf32>
        %mul3A_2112 = arith.constant 5.000000e-01 : f32
        %mul3A_2113 = vector.broadcast %mul3A_2112 : f32 to vector<16xf32>
        %mul3A_2114 = arith.mulf %mul3A_2113, %mul3A_2083 : vector<16xf32>
        %mul3A_2115 = arith.mulf %mul3A_2114, %mul3A_2111 : vector<16xf32>
        %mul3A_2116 = arith.mulf %mul3A_2115, %mul3A_2111 : vector<16xf32>
        %sub3A_2117 = arith.constant 1.500000e+00 : f32
        %sub3A_2118 = vector.broadcast %sub3A_2117 : f32 to vector<16xf32>
        %sub3A_2119 = arith.subf %sub3A_2118, %mul3A_2116 : vector<16xf32>
        %mul3A_2120 = arith.mulf %mul3A_2111, %sub3A_2119 : vector<16xf32>
        %mul3A_2121 = arith.constant 5.000000e-01 : f32
        %mul3A_2122 = vector.broadcast %mul3A_2121 : f32 to vector<16xf32>
        %mul3A_2123 = arith.mulf %mul3A_2122, %mul3A_2083 : vector<16xf32>
        %mul3A_2124 = arith.mulf %mul3A_2123, %mul3A_2120 : vector<16xf32>
        %mul3A_2125 = arith.mulf %mul3A_2124, %mul3A_2120 : vector<16xf32>
        %sub3A_2126 = arith.constant 1.500000e+00 : f32
        %sub3A_2127 = vector.broadcast %sub3A_2126 : f32 to vector<16xf32>
        %sub3A_2128 = arith.subf %sub3A_2127, %mul3A_2125 : vector<16xf32>
        %mul3A_2129 = arith.mulf %mul3A_2120, %sub3A_2128 : vector<16xf32>
        %mul3A_2130 = arith.mulf %select_n3A_2070, %mul3A_2129 : vector<16xf32>
        %select_n3A_2131 = arith.select %lt3A_2085, %mul3A_2088, %mul3A_2130 : vector<16xi1>, vector<16xf32>
        %mul3A_2132 = arith.constant 16 : i32
        %mul3A_2133 = arith.muli %scan3A_48, %mul3A_2132 : i32
        %swap3A = arith.index_cast %scan3A_16 : i32 to index
        %swap3A_2134 = arith.index_cast %mul3A_2133 : i32 to index
        %swap3A_2135 = tpu.vector_load %arg13[%swap3A, %swap3A_2134] {strides = array<i32>} : memref<80x128xf32, #tpu.memory_space<vmem>>, vector<16xf32>,
        tpu.vector_store %arg13[%swap3A, %swap3A_2134], %select_n3A_2131 {strides = array<i32>} : memref<80x128xf32, #tpu.memory_space<vmem>>, vector<16xf32>,
        %scan3A_2136 = arith.constant 0 : i32
        scf.yield %scan3A_2136 : i32
      }
      %scan3A_46 = arith.constant 8 : i32
      %scan3A_47 = arith.constant 0 : i32
      scf.yield %scan3A_47 : i32
    }
    %scan3A_8 = arith.constant 80 : i32
    "tpu.region"() ({
      %run_scoped3A = tpu.sem_alloc : memref<!tpu.dma_semaphore, #tpu.memory_space<semaphore_mem>>
      %dma_start3A = arith.constant 0 : i32
      %dma_start3A_16 = tpu.memref_slice %arg7[%mul3A_2, %dma_start3A] : memref<2560x128xf32, #tpu.memory_space<hbm>> -> memref<80x128xf32, #tpu.memory_space<hbm>>
      %dma_start3A_17 = arith.constant 0 : i32
      %dma_start3A_18 = tpu.memref_slice %arg7[%mul3A_2, %dma_start3A_17] : memref<2560x128xf32, #tpu.memory_space<hbm>> -> memref<80x128xf32, #tpu.memory_space<hbm>>
      tpu.enqueue_dma source(%arg13 : memref<80x128xf32, #tpu.memory_space<vmem>>) target(%dma_start3A_18 : memref<80x128xf32, #tpu.memory_space<hbm>>) target_semaphore(%run_scoped3A : memref<!tpu.dma_semaphore, #tpu.memory_space<semaphore_mem>>)
      %dma_wait3A = arith.constant 0 : i32
      %dma_wait3A_19 = tpu.memref_slice %arg7[%mul3A_2, %dma_wait3A] : memref<2560x128xf32, #tpu.memory_space<hbm>> -> memref<80x128xf32, #tpu.memory_space<hbm>>
      %dma_wait3A_20 = arith.constant 0 : i32
      %dma_wait3A_21 = tpu.memref_slice %arg7[%mul3A_2, %dma_wait3A_20] : memref<2560x128xf32, #tpu.memory_space<hbm>> -> memref<80x128xf32, #tpu.memory_space<hbm>>
      tpu.wait_dma2 semaphore(%run_scoped3A : memref<!tpu.dma_semaphore, #tpu.memory_space<semaphore_mem>>) src(%arg13 : memref<80x128xf32, #tpu.memory_space<vmem>>) dst(%dma_wait3A_21 : memref<80x128xf32, #tpu.memory_space<hbm>>)
      tpu.yield
    }) : () -> ()
    "tpu.region"() ({
      %run_scoped3A = tpu.sem_alloc : memref<!tpu.dma_semaphore, #tpu.memory_space<semaphore_mem>>
      %dma_start3A = arith.constant 0 : i32
      %dma_start3A_16 = tpu.memref_slice %arg5[%mul3A_2, %dma_start3A] : memref<2560x128xi32, #tpu.memory_space<hbm>> -> memref<80x128xi32, #tpu.memory_space<hbm>>
      %dma_start3A_17 = arith.constant 0 : i32
      %dma_start3A_18 = tpu.memref_slice %arg5[%mul3A_2, %dma_start3A_17] : memref<2560x128xi32, #tpu.memory_space<hbm>> -> memref<80x128xi32, #tpu.memory_space<hbm>>
      tpu.enqueue_dma source(%dma_start3A_18 : memref<80x128xi32, #tpu.memory_space<hbm>>) target(%arg9 : memref<80x128xi32, #tpu.memory_space<vmem>>) target_semaphore(%run_scoped3A : memref<!tpu.dma_semaphore, #tpu.memory_space<semaphore_mem>>)
      %dma_wait3A = arith.constant 0 : i32
      %dma_wait3A_19 = tpu.memref_slice %arg5[%mul3A_2, %dma_wait3A] : memref<2560x128xi32, #tpu.memory_space<hbm>> -> memref<80x128xi32, #tpu.memory_space<hbm>>
      %dma_wait3A_20 = arith.constant 0 : i32
      %dma_wait3A_21 = tpu.memref_slice %arg5[%mul3A_2, %dma_wait3A_20] : memref<2560x128xi32, #tpu.memory_space<hbm>> -> memref<80x128xi32, #tpu.memory_space<hbm>>
      tpu.wait_dma2 semaphore(%run_scoped3A : memref<!tpu.dma_semaphore, #tpu.memory_space<semaphore_mem>>) src(%dma_wait3A_21 : memref<80x128xi32, #tpu.memory_space<hbm>>) dst(%arg9 : memref<80x128xi32, #tpu.memory_space<vmem>>)
      tpu.yield
    }) : () -> ()
    "tpu.region"() ({
      %run_scoped3A = tpu.sem_alloc : memref<!tpu.dma_semaphore, #tpu.memory_space<semaphore_mem>>
      %dma_start3A = arith.constant 0 : i32
      %dma_start3A_16 = tpu.memref_slice %arg6[%mul3A_2, %dma_start3A] : memref<2560x128xi32, #tpu.memory_space<hbm>> -> memref<80x128xi32, #tpu.memory_space<hbm>>
      %dma_start3A_17 = arith.constant 0 : i32
      %dma_start3A_18 = tpu.memref_slice %arg6[%mul3A_2, %dma_start3A_17] : memref<2560x128xi32, #tpu.memory_space<hbm>> -> memref<80x128xi32, #tpu.memory_space<hbm>>
      tpu.enqueue_dma source(%dma_start3A_18 : memref<80x128xi32, #tpu.memory_space<hbm>>) target(%arg10 : memref<80x128xi32, #tpu.memory_space<vmem>>) target_semaphore(%run_scoped3A : memref<!tpu.dma_semaphore, #tpu.memory_space<semaphore_mem>>)
      %dma_wait3A = arith.constant 0 : i32
      %dma_wait3A_19 = tpu.memref_slice %arg6[%mul3A_2, %dma_wait3A] : memref<2560x128xi32, #tpu.memory_space<hbm>> -> memref<80x128xi32, #tpu.memory_space<hbm>>
      %dma_wait3A_20 = arith.constant 0 : i32
      %dma_wait3A_21 = tpu.memref_slice %arg6[%mul3A_2, %dma_wait3A_20] : memref<2560x128xi32, #tpu.memory_space<hbm>> -> memref<80x128xi32, #tpu.memory_space<hbm>>
      tpu.wait_dma2 semaphore(%run_scoped3A : memref<!tpu.dma_semaphore, #tpu.memory_space<semaphore_mem>>) src(%dma_wait3A_21 : memref<80x128xi32, #tpu.memory_space<hbm>>) dst(%arg10 : memref<80x128xi32, #tpu.memory_space<vmem>>)
      tpu.yield
    }) : () -> ()
    %scan3A_9 = arith.constant 0 : i32
    %scan3A_10 = arith.constant 0 : i32
    %scan3A_11 = arith.constant 80 : i32
    %scan3A_12 = arith.addi %scan3A_10, %scan3A_11 : i32
    %scan3A_13 = arith.constant 1 : i32
    %scan3A_14 = scf.for %scan3A_16 = %scan3A_10 to %scan3A_12 step %scan3A_13 iter_args(%scan3A_17 = %scan3A_9) -> (i32)  : i32 {
      %dma_start3A = arith.constant 0 : i32
      %dma_start3A_18 = tpu.memref_slice %arg9[%scan3A_16, %dma_start3A] : memref<80x128xi32, #tpu.memory_space<vmem>> -> memref<1x128xi32, #tpu.memory_space<vmem>>
      %dma_start3A_19 = tpu.memref_squeeze %dma_start3A_18 : memref<1x128xi32, #tpu.memory_space<vmem>> -> memref<128xi32, #tpu.memory_space<vmem>>
      %dma_start3A_20 = arith.constant 0 : i32
      %dma_start3A_21 = arith.constant 0 : i32
      %dma_start3A_22 = tpu.memref_slice %arg2[%dma_start3A_20, %dma_start3A_21] : memref<10000x128xf32, #tpu.memory_space<hbm>> -> memref<10000x128xf32, #tpu.memory_space<hbm>>
      tpu.enqueue_indirect_dma source(%dma_start3A_22 : memref<10000x128xf32, #tpu.memory_space<hbm>>) target(%arg11 : memref<128x128xf32, #tpu.memory_space<vmem>>) offsets(%dma_start3A_19 : memref<128xi32, #tpu.memory_space<vmem>>) semaphore(%arg14 : memref<!tpu.dma_semaphore, #tpu.memory_space<semaphore_mem>>)
      %dma_start3A_23 = arith.constant 0 : i32
      %dma_start3A_24 = tpu.memref_slice %arg10[%scan3A_16, %dma_start3A_23] : memref<80x128xi32, #tpu.memory_space<vmem>> -> memref<1x128xi32, #tpu.memory_space<vmem>>
      %dma_start3A_25 = tpu.memref_squeeze %dma_start3A_24 : memref<1x128xi32, #tpu.memory_space<vmem>> -> memref<128xi32, #tpu.memory_space<vmem>>
      %dma_start3A_26 = arith.constant 0 : i32
      %dma_start3A_27 = arith.constant 0 : i32
      %dma_start3A_28 = tpu.memref_slice %arg2[%dma_start3A_26, %dma_start3A_27] : memref<10000x128xf32, #tpu.memory_space<hbm>> -> memref<10000x128xf32, #tpu.memory_space<hbm>>
      tpu.enqueue_indirect_dma source(%dma_start3A_28 : memref<10000x128xf32, #tpu.memory_space<hbm>>) target(%arg12 : memref<128x128xf32, #tpu.memory_space<vmem>>) offsets(%dma_start3A_25 : memref<128xi32, #tpu.memory_space<vmem>>) semaphore(%arg15 : memref<!tpu.dma_semaphore, #tpu.memory_space<semaphore_mem>>)
      %dma_wait3A = arith.constant 0 : i32
      %dma_wait3A_29 = tpu.memref_slice %arg9[%scan3A_16, %dma_wait3A] : memref<80x128xi32, #tpu.memory_space<vmem>> -> memref<1x128xi32, #tpu.memory_space<vmem>>
      %dma_wait3A_30 = tpu.memref_squeeze %dma_wait3A_29 : memref<1x128xi32, #tpu.memory_space<vmem>> -> memref<128xi32, #tpu.memory_space<vmem>>
      %dma_wait3A_31 = arith.constant 0 : i32
      %dma_wait3A_32 = arith.constant 0 : i32
      %dma_wait3A_33 = tpu.memref_slice %arg2[%dma_wait3A_31, %dma_wait3A_32] : memref<10000x128xf32, #tpu.memory_space<hbm>> -> memref<10000x128xf32, #tpu.memory_space<hbm>>
      tpu.wait_indirect_dma semaphore(%arg14 : memref<!tpu.dma_semaphore, #tpu.memory_space<semaphore_mem>>) src(%dma_wait3A_33 : memref<10000x128xf32, #tpu.memory_space<hbm>>) dst(%arg11 : memref<128x128xf32, #tpu.memory_space<vmem>>)
      %dma_wait3A_34 = arith.constant 0 : i32
      %dma_wait3A_35 = tpu.memref_slice %arg10[%scan3A_16, %dma_wait3A_34] : memref<80x128xi32, #tpu.memory_space<vmem>> -> memref<1x128xi32, #tpu.memory_space<vmem>>
      %dma_wait3A_36 = tpu.memref_squeeze %dma_wait3A_35 : memref<1x128xi32, #tpu.memory_space<vmem>> -> memref<128xi32, #tpu.memory_space<vmem>>
      %dma_wait3A_37 = arith.constant 0 : i32
      %dma_wait3A_38 = arith.constant 0 : i32
      %dma_wait3A_39 = tpu.memref_slice %arg2[%dma_wait3A_37, %dma_wait3A_38] : memref<10000x128xf32, #tpu.memory_space<hbm>> -> memref<10000x128xf32, #tpu.memory_space<hbm>>
      tpu.wait_indirect_dma semaphore(%arg15 : memref<!tpu.dma_semaphore, #tpu.memory_space<semaphore_mem>>) src(%dma_wait3A_39 : memref<10000x128xf32, #tpu.memory_space<hbm>>) dst(%arg12 : memref<128x128xf32, #tpu.memory_space<vmem>>)
      %iota3A = tpu.iota {dimensions = array<i32: 0>} : vector<16xi32>
      %scan3A_40 = arith.constant 0 : i32
      %scan3A_41 = arith.constant 0 : i32
      %scan3A_42 = arith.constant 8 : i32
      %scan3A_43 = arith.addi %scan3A_41, %scan3A_42 : i32
      %scan3A_44 = arith.constant 1 : i32
      %scan3A_45 = scf.for %scan3A_48 = %scan3A_41 to %scan3A_43 step %scan3A_44 iter_args(%scan3A_49 = %scan3A_40) -> (i32)  : i32 {
        %broadcast_in_dim3A = arith.constant 0.000000e+00 : f32
        %broadcast_in_dim3A_50 = vector.broadcast %broadcast_in_dim3A : f32 to vector<16xf32>
        %broadcast_in_dim3A_51 = arith.constant 0.000000e+00 : f32
        %broadcast_in_dim3A_52 = vector.broadcast %broadcast_in_dim3A_51 : f32 to vector<16xf32>
        %broadcast_in_dim3A_53 = arith.constant 0.000000e+00 : f32
        %broadcast_in_dim3A_54 = vector.broadcast %broadcast_in_dim3A_53 : f32 to vector<16xf32>
        %mul3A_55 = arith.constant 16 : i32
        %mul3A_56 = arith.muli %scan3A_48, %mul3A_55 : i32
        %add3A_57 = arith.constant 0 : i32
        %add3A_58 = arith.addi %mul3A_56, %add3A_57 : i32
        %broadcast_in_dim3A_59 = arith.constant 0.000000e+00 : f32
        %broadcast_in_dim3A_60 = vector.broadcast %broadcast_in_dim3A_59 : f32 to vector<16xf32>
        %broadcast_in_dim3A_61 = arith.constant 0.000000e+00 : f32
        %broadcast_in_dim3A_62 = vector.broadcast %broadcast_in_dim3A_61 : f32 to vector<16xf32>
        %broadcast_in_dim3A_63 = arith.constant 0.000000e+00 : f32
        %broadcast_in_dim3A_64 = vector.broadcast %broadcast_in_dim3A_63 : f32 to vector<16xf32>
        %get3A = arith.index_cast %add3A_58 : i32 to index
        %get3A_65 = arith.constant 0 : index
        %get3A_66 = tpu.vector_load %arg11[%get3A, %get3A_65] {strides = array<i32>} : memref<128x128xf32, #tpu.memory_space<vmem>>, vector<16xf32>,
        %get3A_67 = arith.index_cast %add3A_58 : i32 to index
        %get3A_68 = arith.constant 0 : index
        %get3A_69 = tpu.vector_load %arg12[%get3A_67, %get3A_68] {strides = array<i32>} : memref<128x128xf32, #tpu.memory_space<vmem>>, vector<16xf32>,
        %mul3A_70 = arith.mulf %get3A_66, %get3A_69 : vector<16xf32>
        %add3A_71 = arith.addf %broadcast_in_dim3A_60, %mul3A_70 : vector<16xf32>
        %mul3A_72 = arith.mulf %get3A_66, %get3A_66 : vector<16xf32>
        %add3A_73 = arith.addf %broadcast_in_dim3A_62, %mul3A_72 : vector<16xf32>
        %mul3A_74 = arith.mulf %get3A_69, %get3A_69 : vector<16xf32>
        %add3A_75 = arith.addf %broadcast_in_dim3A_64, %mul3A_74 : vector<16xf32>
        %get3A_76 = arith.index_cast %add3A_58 : i32 to index
        %get3A_77 = arith.constant 16 : index
        %get3A_78 = tpu.vector_load %arg11[%get3A_76, %get3A_77] {strides = array<i32>} : memref<128x128xf32, #tpu.memory_space<vmem>>, vector<16xf32>,
        %get3A_79 = arith.index_cast %add3A_58 : i32 to index
        %get3A_80 = arith.constant 16 : index
        %get3A_81 = tpu.vector_load %arg12[%get3A_79, %get3A_80] {strides = array<i32>} : memref<128x128xf32, #tpu.memory_space<vmem>>, vector<16xf32>,
        %mul3A_82 = arith.mulf %get3A_78, %get3A_81 : vector<16xf32>
        %add3A_83 = arith.addf %add3A_71, %mul3A_82 : vector<16xf32>
        %mul3A_84 = arith.mulf %get3A_78, %get3A_78 : vector<16xf32>
        %add3A_85 = arith.addf %add3A_73, %mul3A_84 : vector<16xf32>
        %mul3A_86 = arith.mulf %get3A_81, %get3A_81 : vector<16xf32>
        %add3A_87 = arith.addf %add3A_75, %mul3A_86 : vector<16xf32>
        %get3A_88 = arith.index_cast %add3A_58 : i32 to index
        %get3A_89 = arith.constant 32 : index
        %get3A_90 = tpu.vector_load %arg11[%get3A_88, %get3A_89] {strides = array<i32>} : memref<128x128xf32, #tpu.memory_space<vmem>>, vector<16xf32>,
        %get3A_91 = arith.index_cast %add3A_58 : i32 to index
        %get3A_92 = arith.constant 32 : index
        %get3A_93 = tpu.vector_load %arg12[%get3A_91, %get3A_92] {strides = array<i32>} : memref<128x128xf32, #tpu.memory_space<vmem>>, vector<16xf32>,
        %mul3A_94 = arith.mulf %get3A_90, %get3A_93 : vector<16xf32>
        %add3A_95 = arith.addf %add3A_83, %mul3A_94 : vector<16xf32>
        %mul3A_96 = arith.mulf %get3A_90, %get3A_90 : vector<16xf32>
        %add3A_97 = arith.addf %add3A_85, %mul3A_96 : vector<16xf32>
        %mul3A_98 = arith.mulf %get3A_93, %get3A_93 : vector<16xf32>
        %add3A_99 = arith.addf %add3A_87, %mul3A_98 : vector<16xf32>
        %get3A_100 = arith.index_cast %add3A_58 : i32 to index
        %get3A_101 = arith.constant 48 : index
        %get3A_102 = tpu.vector_load %arg11[%get3A_100, %get3A_101] {strides = array<i32>} : memref<128x128xf32, #tpu.memory_space<vmem>>, vector<16xf32>,
        %get3A_103 = arith.index_cast %add3A_58 : i32 to index
        %get3A_104 = arith.constant 48 : index
        %get3A_105 = tpu.vector_load %arg12[%get3A_103, %get3A_104] {strides = array<i32>} : memref<128x128xf32, #tpu.memory_space<vmem>>, vector<16xf32>,
        %mul3A_106 = arith.mulf %get3A_102, %get3A_105 : vector<16xf32>
        %add3A_107 = arith.addf %add3A_95, %mul3A_106 : vector<16xf32>
        %mul3A_108 = arith.mulf %get3A_102, %get3A_102 : vector<16xf32>
        %add3A_109 = arith.addf %add3A_97, %mul3A_108 : vector<16xf32>
        %mul3A_110 = arith.mulf %get3A_105, %get3A_105 : vector<16xf32>
        %add3A_111 = arith.addf %add3A_99, %mul3A_110 : vector<16xf32>
        %get3A_112 = arith.index_cast %add3A_58 : i32 to index
        %get3A_113 = arith.constant 64 : index
        %get3A_114 = tpu.vector_load %arg11[%get3A_112, %get3A_113] {strides = array<i32>} : memref<128x128xf32, #tpu.memory_space<vmem>>, vector<16xf32>,
        %get3A_115 = arith.index_cast %add3A_58 : i32 to index
        %get3A_116 = arith.constant 64 : index
        %get3A_117 = tpu.vector_load %arg12[%get3A_115, %get3A_116] {strides = array<i32>} : memref<128x128xf32, #tpu.memory_space<vmem>>, vector<16xf32>,
        %mul3A_118 = arith.mulf %get3A_114, %get3A_117 : vector<16xf32>
        %add3A_119 = arith.addf %add3A_107, %mul3A_118 : vector<16xf32>
        %mul3A_120 = arith.mulf %get3A_114, %get3A_114 : vector<16xf32>
        %add3A_121 = arith.addf %add3A_109, %mul3A_120 : vector<16xf32>
        %mul3A_122 = arith.mulf %get3A_117, %get3A_117 : vector<16xf32>
        %add3A_123 = arith.addf %add3A_111, %mul3A_122 : vector<16xf32>
        %get3A_124 = arith.index_cast %add3A_58 : i32 to index
        %get3A_125 = arith.constant 80 : index
        %get3A_126 = tpu.vector_load %arg11[%get3A_124, %get3A_125] {strides = array<i32>} : memref<128x128xf32, #tpu.memory_space<vmem>>, vector<16xf32>,
        %get3A_127 = arith.index_cast %add3A_58 : i32 to index
        %get3A_128 = arith.constant 80 : index
        %get3A_129 = tpu.vector_load %arg12[%get3A_127, %get3A_128] {strides = array<i32>} : memref<128x128xf32, #tpu.memory_space<vmem>>, vector<16xf32>,
        %mul3A_130 = arith.mulf %get3A_126, %get3A_129 : vector<16xf32>
        %add3A_131 = arith.addf %add3A_119, %mul3A_130 : vector<16xf32>
        %mul3A_132 = arith.mulf %get3A_126, %get3A_126 : vector<16xf32>
        %add3A_133 = arith.addf %add3A_121, %mul3A_132 : vector<16xf32>
        %mul3A_134 = arith.mulf %get3A_129, %get3A_129 : vector<16xf32>
        %add3A_135 = arith.addf %add3A_123, %mul3A_134 : vector<16xf32>
        %get3A_136 = arith.index_cast %add3A_58 : i32 to index
        %get3A_137 = arith.constant 96 : index
        %get3A_138 = tpu.vector_load %arg11[%get3A_136, %get3A_137] {strides = array<i32>} : memref<128x128xf32, #tpu.memory_space<vmem>>, vector<16xf32>,
        %get3A_139 = arith.index_cast %add3A_58 : i32 to index
        %get3A_140 = arith.constant 96 : index
        %get3A_141 = tpu.vector_load %arg12[%get3A_139, %get3A_140] {strides = array<i32>} : memref<128x128xf32, #tpu.memory_space<vmem>>, vector<16xf32>,
        %mul3A_142 = arith.mulf %get3A_138, %get3A_141 : vector<16xf32>
        %add3A_143 = arith.addf %add3A_131, %mul3A_142 : vector<16xf32>
        %mul3A_144 = arith.mulf %get3A_138, %get3A_138 : vector<16xf32>
        %add3A_145 = arith.addf %add3A_133, %mul3A_144 : vector<16xf32>
        %mul3A_146 = arith.mulf %get3A_141, %get3A_141 : vector<16xf32>
        %add3A_147 = arith.addf %add3A_135, %mul3A_146 : vector<16xf32>
        %get3A_148 = arith.index_cast %add3A_58 : i32 to index
        %get3A_149 = arith.constant 112 : index
        %get3A_150 = tpu.vector_load %arg11[%get3A_148, %get3A_149] {strides = array<i32>} : memref<128x128xf32, #tpu.memory_space<vmem>>, vector<16xf32>,
        %get3A_151 = arith.index_cast %add3A_58 : i32 to index
        %get3A_152 = arith.constant 112 : index
        %get3A_153 = tpu.vector_load %arg12[%get3A_151, %get3A_152] {strides = array<i32>} : memref<128x128xf32, #tpu.memory_space<vmem>>, vector<16xf32>,
        %mul3A_154 = arith.mulf %get3A_150, %get3A_153 : vector<16xf32>
        %add3A_155 = arith.addf %add3A_143, %mul3A_154 : vector<16xf32>
        %mul3A_156 = arith.mulf %get3A_150, %get3A_150 : vector<16xf32>
        %add3A_157 = arith.addf %add3A_145, %mul3A_156 : vector<16xf32>
        %mul3A_158 = arith.mulf %get3A_153, %get3A_153 : vector<16xf32>
        %add3A_159 = arith.addf %add3A_147, %mul3A_158 : vector<16xf32>
        %eq3A = arith.constant 0 : i32
        %eq3A_160 = vector.broadcast %eq3A : i32 to vector<16xi32>
        %eq3A_161 = arith.cmpi eq, %iota3A, %eq3A_160 : vector<16xi32>
        %reduce_sum3A = arith.constant true
        %reduce_sum3A_162 = vector.broadcast %reduce_sum3A : i1 to vector<16xi1>
        %reduce_sum3A_163 = tpu.scan <sum>, %add3A_155 masked %reduce_sum3A_162 : vector<16xf32>, vector<16xi1> -> vector<16xf32>
        %reduce_sum3A_164 = vector.extract %reduce_sum3A_163[15] : f32 from vector<16xf32>
        %broadcast_in_dim3A_165 = vector.broadcast %reduce_sum3A_164 : f32 to vector<16xf32>
        %select_n3A = arith.select %eq3A_161, %broadcast_in_dim3A_165, %broadcast_in_dim3A_50 : vector<16xi1>, vector<16xf32>
        %reduce_sum3A_166 = arith.constant true
        %reduce_sum3A_167 = vector.broadcast %reduce_sum3A_166 : i1 to vector<16xi1>
        %reduce_sum3A_168 = tpu.scan <sum>, %add3A_157 masked %reduce_sum3A_167 : vector<16xf32>, vector<16xi1> -> vector<16xf32>
        %reduce_sum3A_169 = vector.extract %reduce_sum3A_168[15] : f32 from vector<16xf32>
        %broadcast_in_dim3A_170 = vector.broadcast %reduce_sum3A_169 : f32 to vector<16xf32>
        %select_n3A_171 = arith.select %eq3A_161, %broadcast_in_dim3A_170, %broadcast_in_dim3A_52 : vector<16xi1>, vector<16xf32>
        %reduce_sum3A_172 = arith.constant true
        %reduce_sum3A_173 = vector.broadcast %reduce_sum3A_172 : i1 to vector<16xi1>
        %reduce_sum3A_174 = tpu.scan <sum>, %add3A_159 masked %reduce_sum3A_173 : vector<16xf32>, vector<16xi1> -> vector<16xf32>
        %reduce_sum3A_175 = vector.extract %reduce_sum3A_174[15] : f32 from vector<16xf32>
        %broadcast_in_dim3A_176 = vector.broadcast %reduce_sum3A_175 : f32 to vector<16xf32>
        %select_n3A_177 = arith.select %eq3A_161, %broadcast_in_dim3A_176, %broadcast_in_dim3A_54 : vector<16xi1>, vector<16xf32>
        %mul3A_178 = arith.constant 16 : i32
        %mul3A_179 = arith.muli %scan3A_48, %mul3A_178 : i32
        %add3A_180 = arith.constant 1 : i32
        %add3A_181 = arith.addi %mul3A_179, %add3A_180 : i32
        %broadcast_in_dim3A_182 = arith.constant 0.000000e+00 : f32
        %broadcast_in_dim3A_183 = vector.broadcast %broadcast_in_dim3A_182 : f32 to vector<16xf32>
        %broadcast_in_dim3A_184 = arith.constant 0.000000e+00 : f32
        %broadcast_in_dim3A_185 = vector.broadcast %broadcast_in_dim3A_184 : f32 to vector<16xf32>
        %broadcast_in_dim3A_186 = arith.constant 0.000000e+00 : f32
        %broadcast_in_dim3A_187 = vector.broadcast %broadcast_in_dim3A_186 : f32 to vector<16xf32>
        %get3A_188 = arith.index_cast %add3A_181 : i32 to index
        %get3A_189 = arith.constant 0 : index
        %get3A_190 = tpu.vector_load %arg11[%get3A_188, %get3A_189] {strides = array<i32>} : memref<128x128xf32, #tpu.memory_space<vmem>>, vector<16xf32>,
        %get3A_191 = arith.index_cast %add3A_181 : i32 to index
        %get3A_192 = arith.constant 0 : index
        %get3A_193 = tpu.vector_load %arg12[%get3A_191, %get3A_192] {strides = array<i32>} : memref<128x128xf32, #tpu.memory_space<vmem>>, vector<16xf32>,
        %mul3A_194 = arith.mulf %get3A_190, %get3A_193 : vector<16xf32>
        %add3A_195 = arith.addf %broadcast_in_dim3A_183, %mul3A_194 : vector<16xf32>
        %mul3A_196 = arith.mulf %get3A_190, %get3A_190 : vector<16xf32>
        %add3A_197 = arith.addf %broadcast_in_dim3A_185, %mul3A_196 : vector<16xf32>
        %mul3A_198 = arith.mulf %get3A_193, %get3A_193 : vector<16xf32>
        %add3A_199 = arith.addf %broadcast_in_dim3A_187, %mul3A_198 : vector<16xf32>
        %get3A_200 = arith.index_cast %add3A_181 : i32 to index
        %get3A_201 = arith.constant 16 : index
        %get3A_202 = tpu.vector_load %arg11[%get3A_200, %get3A_201] {strides = array<i32>} : memref<128x128xf32, #tpu.memory_space<vmem>>, vector<16xf32>,
        %get3A_203 = arith.index_cast %add3A_181 : i32 to index
        %get3A_204 = arith.constant 16 : index
        %get3A_205 = tpu.vector_load %arg12[%get3A_203, %get3A_204] {strides = array<i32>} : memref<128x128xf32, #tpu.memory_space<vmem>>, vector<16xf32>,
        %mul3A_206 = arith.mulf %get3A_202, %get3A_205 : vector<16xf32>
        %add3A_207 = arith.addf %add3A_195, %mul3A_206 : vector<16xf32>
        %mul3A_208 = arith.mulf %get3A_202, %get3A_202 : vector<16xf32>
        %add3A_209 = arith.addf %add3A_197, %mul3A_208 : vector<16xf32>
        %mul3A_210 = arith.mulf %get3A_205, %get3A_205 : vector<16xf32>
        %add3A_211 = arith.addf %add3A_199, %mul3A_210 : vector<16xf32>
        %get3A_212 = arith.index_cast %add3A_181 : i32 to index
        %get3A_213 = arith.constant 32 : index
        %get3A_214 = tpu.vector_load %arg11[%get3A_212, %get3A_213] {strides = array<i32>} : memref<128x128xf32, #tpu.memory_space<vmem>>, vector<16xf32>,
        %get3A_215 = arith.index_cast %add3A_181 : i32 to index
        %get3A_216 = arith.constant 32 : index
        %get3A_217 = tpu.vector_load %arg12[%get3A_215, %get3A_216] {strides = array<i32>} : memref<128x128xf32, #tpu.memory_space<vmem>>, vector<16xf32>,
        %mul3A_218 = arith.mulf %get3A_214, %get3A_217 : vector<16xf32>
        %add3A_219 = arith.addf %add3A_207, %mul3A_218 : vector<16xf32>
        %mul3A_220 = arith.mulf %get3A_214, %get3A_214 : vector<16xf32>
        %add3A_221 = arith.addf %add3A_209, %mul3A_220 : vector<16xf32>
        %mul3A_222 = arith.mulf %get3A_217, %get3A_217 : vector<16xf32>
        %add3A_223 = arith.addf %add3A_211, %mul3A_222 : vector<16xf32>
        %get3A_224 = arith.index_cast %add3A_181 : i32 to index
        %get3A_225 = arith.constant 48 : index
        %get3A_226 = tpu.vector_load %arg11[%get3A_224, %get3A_225] {strides = array<i32>} : memref<128x128xf32, #tpu.memory_space<vmem>>, vector<16xf32>,
        %get3A_227 = arith.index_cast %add3A_181 : i32 to index
        %get3A_228 = arith.constant 48 : index
        %get3A_229 = tpu.vector_load %arg12[%get3A_227, %get3A_228] {strides = array<i32>} : memref<128x128xf32, #tpu.memory_space<vmem>>, vector<16xf32>,
        %mul3A_230 = arith.mulf %get3A_226, %get3A_229 : vector<16xf32>
        %add3A_231 = arith.addf %add3A_219, %mul3A_230 : vector<16xf32>
        %mul3A_232 = arith.mulf %get3A_226, %get3A_226 : vector<16xf32>
        %add3A_233 = arith.addf %add3A_221, %mul3A_232 : vector<16xf32>
        %mul3A_234 = arith.mulf %get3A_229, %get3A_229 : vector<16xf32>
        %add3A_235 = arith.addf %add3A_223, %mul3A_234 : vector<16xf32>
        %get3A_236 = arith.index_cast %add3A_181 : i32 to index
        %get3A_237 = arith.constant 64 : index
        %get3A_238 = tpu.vector_load %arg11[%get3A_236, %get3A_237] {strides = array<i32>} : memref<128x128xf32, #tpu.memory_space<vmem>>, vector<16xf32>,
        %get3A_239 = arith.index_cast %add3A_181 : i32 to index
        %get3A_240 = arith.constant 64 : index
        %get3A_241 = tpu.vector_load %arg12[%get3A_239, %get3A_240] {strides = array<i32>} : memref<128x128xf32, #tpu.memory_space<vmem>>, vector<16xf32>,
        %mul3A_242 = arith.mulf %get3A_238, %get3A_241 : vector<16xf32>
        %add3A_243 = arith.addf %add3A_231, %mul3A_242 : vector<16xf32>
        %mul3A_244 = arith.mulf %get3A_238, %get3A_238 : vector<16xf32>
        %add3A_245 = arith.addf %add3A_233, %mul3A_244 : vector<16xf32>
        %mul3A_246 = arith.mulf %get3A_241, %get3A_241 : vector<16xf32>
        %add3A_247 = arith.addf %add3A_235, %mul3A_246 : vector<16xf32>
        %get3A_248 = arith.index_cast %add3A_181 : i32 to index
        %get3A_249 = arith.constant 80 : index
        %get3A_250 = tpu.vector_load %arg11[%get3A_248, %get3A_249] {strides = array<i32>} : memref<128x128xf32, #tpu.memory_space<vmem>>, vector<16xf32>,
        %get3A_251 = arith.index_cast %add3A_181 : i32 to index
        %get3A_252 = arith.constant 80 : index
        %get3A_253 = tpu.vector_load %arg12[%get3A_251, %get3A_252] {strides = array<i32>} : memref<128x128xf32, #tpu.memory_space<vmem>>, vector<16xf32>,
        %mul3A_254 = arith.mulf %get3A_250, %get3A_253 : vector<16xf32>
        %add3A_255 = arith.addf %add3A_243, %mul3A_254 : vector<16xf32>
        %mul3A_256 = arith.mulf %get3A_250, %get3A_250 : vector<16xf32>
        %add3A_257 = arith.addf %add3A_245, %mul3A_256 : vector<16xf32>
        %mul3A_258 = arith.mulf %get3A_253, %get3A_253 : vector<16xf32>
        %add3A_259 = arith.addf %add3A_247, %mul3A_258 : vector<16xf32>
        %get3A_260 = arith.index_cast %add3A_181 : i32 to index
        %get3A_261 = arith.constant 96 : index
        %get3A_262 = tpu.vector_load %arg11[%get3A_260, %get3A_261] {strides = array<i32>} : memref<128x128xf32, #tpu.memory_space<vmem>>, vector<16xf32>,
        %get3A_263 = arith.index_cast %add3A_181 : i32 to index
        %get3A_264 = arith.constant 96 : index
        %get3A_265 = tpu.vector_load %arg12[%get3A_263, %get3A_264] {strides = array<i32>} : memref<128x128xf32, #tpu.memory_space<vmem>>, vector<16xf32>,
        %mul3A_266 = arith.mulf %get3A_262, %get3A_265 : vector<16xf32>
        %add3A_267 = arith.addf %add3A_255, %mul3A_266 : vector<16xf32>
        %mul3A_268 = arith.mulf %get3A_262, %get3A_262 : vector<16xf32>
        %add3A_269 = arith.addf %add3A_257, %mul3A_268 : vector<16xf32>
        %mul3A_270 = arith.mulf %get3A_265, %get3A_265 : vector<16xf32>
        %add3A_271 = arith.addf %add3A_259, %mul3A_270 : vector<16xf32>
        %get3A_272 = arith.index_cast %add3A_181 : i32 to index
        %get3A_273 = arith.constant 112 : index
        %get3A_274 = tpu.vector_load %arg11[%get3A_272, %get3A_273] {strides = array<i32>} : memref<128x128xf32, #tpu.memory_space<vmem>>, vector<16xf32>,
        %get3A_275 = arith.index_cast %add3A_181 : i32 to index
        %get3A_276 = arith.constant 112 : index
        %get3A_277 = tpu.vector_load %arg12[%get3A_275, %get3A_276] {strides = array<i32>} : memref<128x128xf32, #tpu.memory_space<vmem>>, vector<16xf32>,
        %mul3A_278 = arith.mulf %get3A_274, %get3A_277 : vector<16xf32>
        %add3A_279 = arith.addf %add3A_267, %mul3A_278 : vector<16xf32>
        %mul3A_280 = arith.mulf %get3A_274, %get3A_274 : vector<16xf32>
        %add3A_281 = arith.addf %add3A_269, %mul3A_280 : vector<16xf32>
        %mul3A_282 = arith.mulf %get3A_277, %get3A_277 : vector<16xf32>
        %add3A_283 = arith.addf %add3A_271, %mul3A_282 : vector<16xf32>
        %eq3A_284 = arith.constant 1 : i32
        %eq3A_285 = vector.broadcast %eq3A_284 : i32 to vector<16xi32>
        %eq3A_286 = arith.cmpi eq, %iota3A, %eq3A_285 : vector<16xi32>
        %reduce_sum3A_287 = arith.constant true
        %reduce_sum3A_288 = vector.broadcast %reduce_sum3A_287 : i1 to vector<16xi1>
        %reduce_sum3A_289 = tpu.scan <sum>, %add3A_279 masked %reduce_sum3A_288 : vector<16xf32>, vector<16xi1> -> vector<16xf32>
        %reduce_sum3A_290 = vector.extract %reduce_sum3A_289[15] : f32 from vector<16xf32>
        %broadcast_in_dim3A_291 = vector.broadcast %reduce_sum3A_290 : f32 to vector<16xf32>
        %select_n3A_292 = arith.select %eq3A_286, %broadcast_in_dim3A_291, %select_n3A : vector<16xi1>, vector<16xf32>
        %reduce_sum3A_293 = arith.constant true
        %reduce_sum3A_294 = vector.broadcast %reduce_sum3A_293 : i1 to vector<16xi1>
        %reduce_sum3A_295 = tpu.scan <sum>, %add3A_281 masked %reduce_sum3A_294 : vector<16xf32>, vector<16xi1> -> vector<16xf32>
        %reduce_sum3A_296 = vector.extract %reduce_sum3A_295[15] : f32 from vector<16xf32>
        %broadcast_in_dim3A_297 = vector.broadcast %reduce_sum3A_296 : f32 to vector<16xf32>
        %select_n3A_298 = arith.select %eq3A_286, %broadcast_in_dim3A_297, %select_n3A_171 : vector<16xi1>, vector<16xf32>
        %reduce_sum3A_299 = arith.constant true
        %reduce_sum3A_300 = vector.broadcast %reduce_sum3A_299 : i1 to vector<16xi1>
        %reduce_sum3A_301 = tpu.scan <sum>, %add3A_283 masked %reduce_sum3A_300 : vector<16xf32>, vector<16xi1> -> vector<16xf32>
        %reduce_sum3A_302 = vector.extract %reduce_sum3A_301[15] : f32 from vector<16xf32>
        %broadcast_in_dim3A_303 = vector.broadcast %reduce_sum3A_302 : f32 to vector<16xf32>
        %select_n3A_304 = arith.select %eq3A_286, %broadcast_in_dim3A_303, %select_n3A_177 : vector<16xi1>, vector<16xf32>
        %mul3A_305 = arith.constant 16 : i32
        %mul3A_306 = arith.muli %scan3A_48, %mul3A_305 : i32
        %add3A_307 = arith.constant 2 : i32
        %add3A_308 = arith.addi %mul3A_306, %add3A_307 : i32
        %broadcast_in_dim3A_309 = arith.constant 0.000000e+00 : f32
        %broadcast_in_dim3A_310 = vector.broadcast %broadcast_in_dim3A_309 : f32 to vector<16xf32>
        %broadcast_in_dim3A_311 = arith.constant 0.000000e+00 : f32
        %broadcast_in_dim3A_312 = vector.broadcast %broadcast_in_dim3A_311 : f32 to vector<16xf32>
        %broadcast_in_dim3A_313 = arith.constant 0.000000e+00 : f32
        %broadcast_in_dim3A_314 = vector.broadcast %broadcast_in_dim3A_313 : f32 to vector<16xf32>
        %get3A_315 = arith.index_cast %add3A_308 : i32 to index
        %get3A_316 = arith.constant 0 : index
        %get3A_317 = tpu.vector_load %arg11[%get3A_315, %get3A_316] {strides = array<i32>} : memref<128x128xf32, #tpu.memory_space<vmem>>, vector<16xf32>,
        %get3A_318 = arith.index_cast %add3A_308 : i32 to index
        %get3A_319 = arith.constant 0 : index
        %get3A_320 = tpu.vector_load %arg12[%get3A_318, %get3A_319] {strides = array<i32>} : memref<128x128xf32, #tpu.memory_space<vmem>>, vector<16xf32>,
        %mul3A_321 = arith.mulf %get3A_317, %get3A_320 : vector<16xf32>
        %add3A_322 = arith.addf %broadcast_in_dim3A_310, %mul3A_321 : vector<16xf32>
        %mul3A_323 = arith.mulf %get3A_317, %get3A_317 : vector<16xf32>
        %add3A_324 = arith.addf %broadcast_in_dim3A_312, %mul3A_323 : vector<16xf32>
        %mul3A_325 = arith.mulf %get3A_320, %get3A_320 : vector<16xf32>
        %add3A_326 = arith.addf %broadcast_in_dim3A_314, %mul3A_325 : vector<16xf32>
        %get3A_327 = arith.index_cast %add3A_308 : i32 to index
        %get3A_328 = arith.constant 16 : index
        %get3A_329 = tpu.vector_load %arg11[%get3A_327, %get3A_328] {strides = array<i32>} : memref<128x128xf32, #tpu.memory_space<vmem>>, vector<16xf32>,
        %get3A_330 = arith.index_cast %add3A_308 : i32 to index
        %get3A_331 = arith.constant 16 : index
        %get3A_332 = tpu.vector_load %arg12[%get3A_330, %get3A_331] {strides = array<i32>} : memref<128x128xf32, #tpu.memory_space<vmem>>, vector<16xf32>,
        %mul3A_333 = arith.mulf %get3A_329, %get3A_332 : vector<16xf32>
        %add3A_334 = arith.addf %add3A_322, %mul3A_333 : vector<16xf32>
        %mul3A_335 = arith.mulf %get3A_329, %get3A_329 : vector<16xf32>
        %add3A_336 = arith.addf %add3A_324, %mul3A_335 : vector<16xf32>
        %mul3A_337 = arith.mulf %get3A_332, %get3A_332 : vector<16xf32>
        %add3A_338 = arith.addf %add3A_326, %mul3A_337 : vector<16xf32>
        %get3A_339 = arith.index_cast %add3A_308 : i32 to index
        %get3A_340 = arith.constant 32 : index
        %get3A_341 = tpu.vector_load %arg11[%get3A_339, %get3A_340] {strides = array<i32>} : memref<128x128xf32, #tpu.memory_space<vmem>>, vector<16xf32>,
        %get3A_342 = arith.index_cast %add3A_308 : i32 to index
        %get3A_343 = arith.constant 32 : index
        %get3A_344 = tpu.vector_load %arg12[%get3A_342, %get3A_343] {strides = array<i32>} : memref<128x128xf32, #tpu.memory_space<vmem>>, vector<16xf32>,
        %mul3A_345 = arith.mulf %get3A_341, %get3A_344 : vector<16xf32>
        %add3A_346 = arith.addf %add3A_334, %mul3A_345 : vector<16xf32>
        %mul3A_347 = arith.mulf %get3A_341, %get3A_341 : vector<16xf32>
        %add3A_348 = arith.addf %add3A_336, %mul3A_347 : vector<16xf32>
        %mul3A_349 = arith.mulf %get3A_344, %get3A_344 : vector<16xf32>
        %add3A_350 = arith.addf %add3A_338, %mul3A_349 : vector<16xf32>
        %get3A_351 = arith.index_cast %add3A_308 : i32 to index
        %get3A_352 = arith.constant 48 : index
        %get3A_353 = tpu.vector_load %arg11[%get3A_351, %get3A_352] {strides = array<i32>} : memref<128x128xf32, #tpu.memory_space<vmem>>, vector<16xf32>,
        %get3A_354 = arith.index_cast %add3A_308 : i32 to index
        %get3A_355 = arith.constant 48 : index
        %get3A_356 = tpu.vector_load %arg12[%get3A_354, %get3A_355] {strides = array<i32>} : memref<128x128xf32, #tpu.memory_space<vmem>>, vector<16xf32>,
        %mul3A_357 = arith.mulf %get3A_353, %get3A_356 : vector<16xf32>
        %add3A_358 = arith.addf %add3A_346, %mul3A_357 : vector<16xf32>
        %mul3A_359 = arith.mulf %get3A_353, %get3A_353 : vector<16xf32>
        %add3A_360 = arith.addf %add3A_348, %mul3A_359 : vector<16xf32>
        %mul3A_361 = arith.mulf %get3A_356, %get3A_356 : vector<16xf32>
        %add3A_362 = arith.addf %add3A_350, %mul3A_361 : vector<16xf32>
        %get3A_363 = arith.index_cast %add3A_308 : i32 to index
        %get3A_364 = arith.constant 64 : index
        %get3A_365 = tpu.vector_load %arg11[%get3A_363, %get3A_364] {strides = array<i32>} : memref<128x128xf32, #tpu.memory_space<vmem>>, vector<16xf32>,
        %get3A_366 = arith.index_cast %add3A_308 : i32 to index
        %get3A_367 = arith.constant 64 : index
        %get3A_368 = tpu.vector_load %arg12[%get3A_366, %get3A_367] {strides = array<i32>} : memref<128x128xf32, #tpu.memory_space<vmem>>, vector<16xf32>,
        %mul3A_369 = arith.mulf %get3A_365, %get3A_368 : vector<16xf32>
        %add3A_370 = arith.addf %add3A_358, %mul3A_369 : vector<16xf32>
        %mul3A_371 = arith.mulf %get3A_365, %get3A_365 : vector<16xf32>
        %add3A_372 = arith.addf %add3A_360, %mul3A_371 : vector<16xf32>
        %mul3A_373 = arith.mulf %get3A_368, %get3A_368 : vector<16xf32>
        %add3A_374 = arith.addf %add3A_362, %mul3A_373 : vector<16xf32>
        %get3A_375 = arith.index_cast %add3A_308 : i32 to index
        %get3A_376 = arith.constant 80 : index
        %get3A_377 = tpu.vector_load %arg11[%get3A_375, %get3A_376] {strides = array<i32>} : memref<128x128xf32, #tpu.memory_space<vmem>>, vector<16xf32>,
        %get3A_378 = arith.index_cast %add3A_308 : i32 to index
        %get3A_379 = arith.constant 80 : index
        %get3A_380 = tpu.vector_load %arg12[%get3A_378, %get3A_379] {strides = array<i32>} : memref<128x128xf32, #tpu.memory_space<vmem>>, vector<16xf32>,
        %mul3A_381 = arith.mulf %get3A_377, %get3A_380 : vector<16xf32>
        %add3A_382 = arith.addf %add3A_370, %mul3A_381 : vector<16xf32>
        %mul3A_383 = arith.mulf %get3A_377, %get3A_377 : vector<16xf32>
        %add3A_384 = arith.addf %add3A_372, %mul3A_383 : vector<16xf32>
        %mul3A_385 = arith.mulf %get3A_380, %get3A_380 : vector<16xf32>
        %add3A_386 = arith.addf %add3A_374, %mul3A_385 : vector<16xf32>
        %get3A_387 = arith.index_cast %add3A_308 : i32 to index
        %get3A_388 = arith.constant 96 : index
        %get3A_389 = tpu.vector_load %arg11[%get3A_387, %get3A_388] {strides = array<i32>} : memref<128x128xf32, #tpu.memory_space<vmem>>, vector<16xf32>,
        %get3A_390 = arith.index_cast %add3A_308 : i32 to index
        %get3A_391 = arith.constant 96 : index
        %get3A_392 = tpu.vector_load %arg12[%get3A_390, %get3A_391] {strides = array<i32>} : memref<128x128xf32, #tpu.memory_space<vmem>>, vector<16xf32>,
        %mul3A_393 = arith.mulf %get3A_389, %get3A_392 : vector<16xf32>
        %add3A_394 = arith.addf %add3A_382, %mul3A_393 : vector<16xf32>
        %mul3A_395 = arith.mulf %get3A_389, %get3A_389 : vector<16xf32>
        %add3A_396 = arith.addf %add3A_384, %mul3A_395 : vector<16xf32>
        %mul3A_397 = arith.mulf %get3A_392, %get3A_392 : vector<16xf32>
        %add3A_398 = arith.addf %add3A_386, %mul3A_397 : vector<16xf32>
        %get3A_399 = arith.index_cast %add3A_308 : i32 to index
        %get3A_400 = arith.constant 112 : index
        %get3A_401 = tpu.vector_load %arg11[%get3A_399, %get3A_400] {strides = array<i32>} : memref<128x128xf32, #tpu.memory_space<vmem>>, vector<16xf32>,
        %get3A_402 = arith.index_cast %add3A_308 : i32 to index
        %get3A_403 = arith.constant 112 : index
        %get3A_404 = tpu.vector_load %arg12[%get3A_402, %get3A_403] {strides = array<i32>} : memref<128x128xf32, #tpu.memory_space<vmem>>, vector<16xf32>,
        %mul3A_405 = arith.mulf %get3A_401, %get3A_404 : vector<16xf32>
        %add3A_406 = arith.addf %add3A_394, %mul3A_405 : vector<16xf32>
        %mul3A_407 = arith.mulf %get3A_401, %get3A_401 : vector<16xf32>
        %add3A_408 = arith.addf %add3A_396, %mul3A_407 : vector<16xf32>
        %mul3A_409 = arith.mulf %get3A_404, %get3A_404 : vector<16xf32>
        %add3A_410 = arith.addf %add3A_398, %mul3A_409 : vector<16xf32>
        %eq3A_411 = arith.constant 2 : i32
        %eq3A_412 = vector.broadcast %eq3A_411 : i32 to vector<16xi32>
        %eq3A_413 = arith.cmpi eq, %iota3A, %eq3A_412 : vector<16xi32>
        %reduce_sum3A_414 = arith.constant true
        %reduce_sum3A_415 = vector.broadcast %reduce_sum3A_414 : i1 to vector<16xi1>
        %reduce_sum3A_416 = tpu.scan <sum>, %add3A_406 masked %reduce_sum3A_415 : vector<16xf32>, vector<16xi1> -> vector<16xf32>
        %reduce_sum3A_417 = vector.extract %reduce_sum3A_416[15] : f32 from vector<16xf32>
        %broadcast_in_dim3A_418 = vector.broadcast %reduce_sum3A_417 : f32 to vector<16xf32>
        %select_n3A_419 = arith.select %eq3A_413, %broadcast_in_dim3A_418, %select_n3A_292 : vector<16xi1>, vector<16xf32>
        %reduce_sum3A_420 = arith.constant true
        %reduce_sum3A_421 = vector.broadcast %reduce_sum3A_420 : i1 to vector<16xi1>
        %reduce_sum3A_422 = tpu.scan <sum>, %add3A_408 masked %reduce_sum3A_421 : vector<16xf32>, vector<16xi1> -> vector<16xf32>
        %reduce_sum3A_423 = vector.extract %reduce_sum3A_422[15] : f32 from vector<16xf32>
        %broadcast_in_dim3A_424 = vector.broadcast %reduce_sum3A_423 : f32 to vector<16xf32>
        %select_n3A_425 = arith.select %eq3A_413, %broadcast_in_dim3A_424, %select_n3A_298 : vector<16xi1>, vector<16xf32>
        %reduce_sum3A_426 = arith.constant true
        %reduce_sum3A_427 = vector.broadcast %reduce_sum3A_426 : i1 to vector<16xi1>
        %reduce_sum3A_428 = tpu.scan <sum>, %add3A_410 masked %reduce_sum3A_427 : vector<16xf32>, vector<16xi1> -> vector<16xf32>
        %reduce_sum3A_429 = vector.extract %reduce_sum3A_428[15] : f32 from vector<16xf32>
        %broadcast_in_dim3A_430 = vector.broadcast %reduce_sum3A_429 : f32 to vector<16xf32>
        %select_n3A_431 = arith.select %eq3A_413, %broadcast_in_dim3A_430, %select_n3A_304 : vector<16xi1>, vector<16xf32>
        %mul3A_432 = arith.constant 16 : i32
        %mul3A_433 = arith.muli %scan3A_48, %mul3A_432 : i32
        %add3A_434 = arith.constant 3 : i32
        %add3A_435 = arith.addi %mul3A_433, %add3A_434 : i32
        %broadcast_in_dim3A_436 = arith.constant 0.000000e+00 : f32
        %broadcast_in_dim3A_437 = vector.broadcast %broadcast_in_dim3A_436 : f32 to vector<16xf32>
        %broadcast_in_dim3A_438 = arith.constant 0.000000e+00 : f32
        %broadcast_in_dim3A_439 = vector.broadcast %broadcast_in_dim3A_438 : f32 to vector<16xf32>
        %broadcast_in_dim3A_440 = arith.constant 0.000000e+00 : f32
        %broadcast_in_dim3A_441 = vector.broadcast %broadcast_in_dim3A_440 : f32 to vector<16xf32>
        %get3A_442 = arith.index_cast %add3A_435 : i32 to index
        %get3A_443 = arith.constant 0 : index
        %get3A_444 = tpu.vector_load %arg11[%get3A_442, %get3A_443] {strides = array<i32>} : memref<128x128xf32, #tpu.memory_space<vmem>>, vector<16xf32>,
        %get3A_445 = arith.index_cast %add3A_435 : i32 to index
        %get3A_446 = arith.constant 0 : index
        %get3A_447 = tpu.vector_load %arg12[%get3A_445, %get3A_446] {strides = array<i32>} : memref<128x128xf32, #tpu.memory_space<vmem>>, vector<16xf32>,
        %mul3A_448 = arith.mulf %get3A_444, %get3A_447 : vector<16xf32>
        %add3A_449 = arith.addf %broadcast_in_dim3A_437, %mul3A_448 : vector<16xf32>
        %mul3A_450 = arith.mulf %get3A_444, %get3A_444 : vector<16xf32>
        %add3A_451 = arith.addf %broadcast_in_dim3A_439, %mul3A_450 : vector<16xf32>
        %mul3A_452 = arith.mulf %get3A_447, %get3A_447 : vector<16xf32>
        %add3A_453 = arith.addf %broadcast_in_dim3A_441, %mul3A_452 : vector<16xf32>
        %get3A_454 = arith.index_cast %add3A_435 : i32 to index
        %get3A_455 = arith.constant 16 : index
        %get3A_456 = tpu.vector_load %arg11[%get3A_454, %get3A_455] {strides = array<i32>} : memref<128x128xf32, #tpu.memory_space<vmem>>, vector<16xf32>,
        %get3A_457 = arith.index_cast %add3A_435 : i32 to index
        %get3A_458 = arith.constant 16 : index
        %get3A_459 = tpu.vector_load %arg12[%get3A_457, %get3A_458] {strides = array<i32>} : memref<128x128xf32, #tpu.memory_space<vmem>>, vector<16xf32>,
        %mul3A_460 = arith.mulf %get3A_456, %get3A_459 : vector<16xf32>
        %add3A_461 = arith.addf %add3A_449, %mul3A_460 : vector<16xf32>
        %mul3A_462 = arith.mulf %get3A_456, %get3A_456 : vector<16xf32>
        %add3A_463 = arith.addf %add3A_451, %mul3A_462 : vector<16xf32>
        %mul3A_464 = arith.mulf %get3A_459, %get3A_459 : vector<16xf32>
        %add3A_465 = arith.addf %add3A_453, %mul3A_464 : vector<16xf32>
        %get3A_466 = arith.index_cast %add3A_435 : i32 to index
        %get3A_467 = arith.constant 32 : index
        %get3A_468 = tpu.vector_load %arg11[%get3A_466, %get3A_467] {strides = array<i32>} : memref<128x128xf32, #tpu.memory_space<vmem>>, vector<16xf32>,
        %get3A_469 = arith.index_cast %add3A_435 : i32 to index
        %get3A_470 = arith.constant 32 : index
        %get3A_471 = tpu.vector_load %arg12[%get3A_469, %get3A_470] {strides = array<i32>} : memref<128x128xf32, #tpu.memory_space<vmem>>, vector<16xf32>,
        %mul3A_472 = arith.mulf %get3A_468, %get3A_471 : vector<16xf32>
        %add3A_473 = arith.addf %add3A_461, %mul3A_472 : vector<16xf32>
        %mul3A_474 = arith.mulf %get3A_468, %get3A_468 : vector<16xf32>
        %add3A_475 = arith.addf %add3A_463, %mul3A_474 : vector<16xf32>
        %mul3A_476 = arith.mulf %get3A_471, %get3A_471 : vector<16xf32>
        %add3A_477 = arith.addf %add3A_465, %mul3A_476 : vector<16xf32>
        %get3A_478 = arith.index_cast %add3A_435 : i32 to index
        %get3A_479 = arith.constant 48 : index
        %get3A_480 = tpu.vector_load %arg11[%get3A_478, %get3A_479] {strides = array<i32>} : memref<128x128xf32, #tpu.memory_space<vmem>>, vector<16xf32>,
        %get3A_481 = arith.index_cast %add3A_435 : i32 to index
        %get3A_482 = arith.constant 48 : index
        %get3A_483 = tpu.vector_load %arg12[%get3A_481, %get3A_482] {strides = array<i32>} : memref<128x128xf32, #tpu.memory_space<vmem>>, vector<16xf32>,
        %mul3A_484 = arith.mulf %get3A_480, %get3A_483 : vector<16xf32>
        %add3A_485 = arith.addf %add3A_473, %mul3A_484 : vector<16xf32>
        %mul3A_486 = arith.mulf %get3A_480, %get3A_480 : vector<16xf32>
        %add3A_487 = arith.addf %add3A_475, %mul3A_486 : vector<16xf32>
        %mul3A_488 = arith.mulf %get3A_483, %get3A_483 : vector<16xf32>
        %add3A_489 = arith.addf %add3A_477, %mul3A_488 : vector<16xf32>
        %get3A_490 = arith.index_cast %add3A_435 : i32 to index
        %get3A_491 = arith.constant 64 : index
        %get3A_492 = tpu.vector_load %arg11[%get3A_490, %get3A_491] {strides = array<i32>} : memref<128x128xf32, #tpu.memory_space<vmem>>, vector<16xf32>,
        %get3A_493 = arith.index_cast %add3A_435 : i32 to index
        %get3A_494 = arith.constant 64 : index
        %get3A_495 = tpu.vector_load %arg12[%get3A_493, %get3A_494] {strides = array<i32>} : memref<128x128xf32, #tpu.memory_space<vmem>>, vector<16xf32>,
        %mul3A_496 = arith.mulf %get3A_492, %get3A_495 : vector<16xf32>
        %add3A_497 = arith.addf %add3A_485, %mul3A_496 : vector<16xf32>
        %mul3A_498 = arith.mulf %get3A_492, %get3A_492 : vector<16xf32>
        %add3A_499 = arith.addf %add3A_487, %mul3A_498 : vector<16xf32>
        %mul3A_500 = arith.mulf %get3A_495, %get3A_495 : vector<16xf32>
        %add3A_501 = arith.addf %add3A_489, %mul3A_500 : vector<16xf32>
        %get3A_502 = arith.index_cast %add3A_435 : i32 to index
        %get3A_503 = arith.constant 80 : index
        %get3A_504 = tpu.vector_load %arg11[%get3A_502, %get3A_503] {strides = array<i32>} : memref<128x128xf32, #tpu.memory_space<vmem>>, vector<16xf32>,
        %get3A_505 = arith.index_cast %add3A_435 : i32 to index
        %get3A_506 = arith.constant 80 : index
        %get3A_507 = tpu.vector_load %arg12[%get3A_505, %get3A_506] {strides = array<i32>} : memref<128x128xf32, #tpu.memory_space<vmem>>, vector<16xf32>,
        %mul3A_508 = arith.mulf %get3A_504, %get3A_507 : vector<16xf32>
        %add3A_509 = arith.addf %add3A_497, %mul3A_508 : vector<16xf32>
        %mul3A_510 = arith.mulf %get3A_504, %get3A_504 : vector<16xf32>
        %add3A_511 = arith.addf %add3A_499, %mul3A_510 : vector<16xf32>
        %mul3A_512 = arith.mulf %get3A_507, %get3A_507 : vector<16xf32>
        %add3A_513 = arith.addf %add3A_501, %mul3A_512 : vector<16xf32>
        %get3A_514 = arith.index_cast %add3A_435 : i32 to index
        %get3A_515 = arith.constant 96 : index
        %get3A_516 = tpu.vector_load %arg11[%get3A_514, %get3A_515] {strides = array<i32>} : memref<128x128xf32, #tpu.memory_space<vmem>>, vector<16xf32>,
        %get3A_517 = arith.index_cast %add3A_435 : i32 to index
        %get3A_518 = arith.constant 96 : index
        %get3A_519 = tpu.vector_load %arg12[%get3A_517, %get3A_518] {strides = array<i32>} : memref<128x128xf32, #tpu.memory_space<vmem>>, vector<16xf32>,
        %mul3A_520 = arith.mulf %get3A_516, %get3A_519 : vector<16xf32>
        %add3A_521 = arith.addf %add3A_509, %mul3A_520 : vector<16xf32>
        %mul3A_522 = arith.mulf %get3A_516, %get3A_516 : vector<16xf32>
        %add3A_523 = arith.addf %add3A_511, %mul3A_522 : vector<16xf32>
        %mul3A_524 = arith.mulf %get3A_519, %get3A_519 : vector<16xf32>
        %add3A_525 = arith.addf %add3A_513, %mul3A_524 : vector<16xf32>
        %get3A_526 = arith.index_cast %add3A_435 : i32 to index
        %get3A_527 = arith.constant 112 : index
        %get3A_528 = tpu.vector_load %arg11[%get3A_526, %get3A_527] {strides = array<i32>} : memref<128x128xf32, #tpu.memory_space<vmem>>, vector<16xf32>,
        %get3A_529 = arith.index_cast %add3A_435 : i32 to index
        %get3A_530 = arith.constant 112 : index
        %get3A_531 = tpu.vector_load %arg12[%get3A_529, %get3A_530] {strides = array<i32>} : memref<128x128xf32, #tpu.memory_space<vmem>>, vector<16xf32>,
        %mul3A_532 = arith.mulf %get3A_528, %get3A_531 : vector<16xf32>
        %add3A_533 = arith.addf %add3A_521, %mul3A_532 : vector<16xf32>
        %mul3A_534 = arith.mulf %get3A_528, %get3A_528 : vector<16xf32>
        %add3A_535 = arith.addf %add3A_523, %mul3A_534 : vector<16xf32>
        %mul3A_536 = arith.mulf %get3A_531, %get3A_531 : vector<16xf32>
        %add3A_537 = arith.addf %add3A_525, %mul3A_536 : vector<16xf32>
        %eq3A_538 = arith.constant 3 : i32
        %eq3A_539 = vector.broadcast %eq3A_538 : i32 to vector<16xi32>
        %eq3A_540 = arith.cmpi eq, %iota3A, %eq3A_539 : vector<16xi32>
        %reduce_sum3A_541 = arith.constant true
        %reduce_sum3A_542 = vector.broadcast %reduce_sum3A_541 : i1 to vector<16xi1>
        %reduce_sum3A_543 = tpu.scan <sum>, %add3A_533 masked %reduce_sum3A_542 : vector<16xf32>, vector<16xi1> -> vector<16xf32>
        %reduce_sum3A_544 = vector.extract %reduce_sum3A_543[15] : f32 from vector<16xf32>
        %broadcast_in_dim3A_545 = vector.broadcast %reduce_sum3A_544 : f32 to vector<16xf32>
        %select_n3A_546 = arith.select %eq3A_540, %broadcast_in_dim3A_545, %select_n3A_419 : vector<16xi1>, vector<16xf32>
        %reduce_sum3A_547 = arith.constant true
        %reduce_sum3A_548 = vector.broadcast %reduce_sum3A_547 : i1 to vector<16xi1>
        %reduce_sum3A_549 = tpu.scan <sum>, %add3A_535 masked %reduce_sum3A_548 : vector<16xf32>, vector<16xi1> -> vector<16xf32>
        %reduce_sum3A_550 = vector.extract %reduce_sum3A_549[15] : f32 from vector<16xf32>
        %broadcast_in_dim3A_551 = vector.broadcast %reduce_sum3A_550 : f32 to vector<16xf32>
        %select_n3A_552 = arith.select %eq3A_540, %broadcast_in_dim3A_551, %select_n3A_425 : vector<16xi1>, vector<16xf32>
        %reduce_sum3A_553 = arith.constant true
        %reduce_sum3A_554 = vector.broadcast %reduce_sum3A_553 : i1 to vector<16xi1>
        %reduce_sum3A_555 = tpu.scan <sum>, %add3A_537 masked %reduce_sum3A_554 : vector<16xf32>, vector<16xi1> -> vector<16xf32>
        %reduce_sum3A_556 = vector.extract %reduce_sum3A_555[15] : f32 from vector<16xf32>
        %broadcast_in_dim3A_557 = vector.broadcast %reduce_sum3A_556 : f32 to vector<16xf32>
        %select_n3A_558 = arith.select %eq3A_540, %broadcast_in_dim3A_557, %select_n3A_431 : vector<16xi1>, vector<16xf32>
        %mul3A_559 = arith.constant 16 : i32
        %mul3A_560 = arith.muli %scan3A_48, %mul3A_559 : i32
        %add3A_561 = arith.constant 4 : i32
        %add3A_562 = arith.addi %mul3A_560, %add3A_561 : i32
        %broadcast_in_dim3A_563 = arith.constant 0.000000e+00 : f32
        %broadcast_in_dim3A_564 = vector.broadcast %broadcast_in_dim3A_563 : f32 to vector<16xf32>
        %broadcast_in_dim3A_565 = arith.constant 0.000000e+00 : f32
        %broadcast_in_dim3A_566 = vector.broadcast %broadcast_in_dim3A_565 : f32 to vector<16xf32>
        %broadcast_in_dim3A_567 = arith.constant 0.000000e+00 : f32
        %broadcast_in_dim3A_568 = vector.broadcast %broadcast_in_dim3A_567 : f32 to vector<16xf32>
        %get3A_569 = arith.index_cast %add3A_562 : i32 to index
        %get3A_570 = arith.constant 0 : index
        %get3A_571 = tpu.vector_load %arg11[%get3A_569, %get3A_570] {strides = array<i32>} : memref<128x128xf32, #tpu.memory_space<vmem>>, vector<16xf32>,
        %get3A_572 = arith.index_cast %add3A_562 : i32 to index
        %get3A_573 = arith.constant 0 : index
        %get3A_574 = tpu.vector_load %arg12[%get3A_572, %get3A_573] {strides = array<i32>} : memref<128x128xf32, #tpu.memory_space<vmem>>, vector<16xf32>,
        %mul3A_575 = arith.mulf %get3A_571, %get3A_574 : vector<16xf32>
        %add3A_576 = arith.addf %broadcast_in_dim3A_564, %mul3A_575 : vector<16xf32>
        %mul3A_577 = arith.mulf %get3A_571, %get3A_571 : vector<16xf32>
        %add3A_578 = arith.addf %broadcast_in_dim3A_566, %mul3A_577 : vector<16xf32>
        %mul3A_579 = arith.mulf %get3A_574, %get3A_574 : vector<16xf32>
        %add3A_580 = arith.addf %broadcast_in_dim3A_568, %mul3A_579 : vector<16xf32>
        %get3A_581 = arith.index_cast %add3A_562 : i32 to index
        %get3A_582 = arith.constant 16 : index
        %get3A_583 = tpu.vector_load %arg11[%get3A_581, %get3A_582] {strides = array<i32>} : memref<128x128xf32, #tpu.memory_space<vmem>>, vector<16xf32>,
        %get3A_584 = arith.index_cast %add3A_562 : i32 to index
        %get3A_585 = arith.constant 16 : index
        %get3A_586 = tpu.vector_load %arg12[%get3A_584, %get3A_585] {strides = array<i32>} : memref<128x128xf32, #tpu.memory_space<vmem>>, vector<16xf32>,
        %mul3A_587 = arith.mulf %get3A_583, %get3A_586 : vector<16xf32>
        %add3A_588 = arith.addf %add3A_576, %mul3A_587 : vector<16xf32>
        %mul3A_589 = arith.mulf %get3A_583, %get3A_583 : vector<16xf32>
        %add3A_590 = arith.addf %add3A_578, %mul3A_589 : vector<16xf32>
        %mul3A_591 = arith.mulf %get3A_586, %get3A_586 : vector<16xf32>
        %add3A_592 = arith.addf %add3A_580, %mul3A_591 : vector<16xf32>
        %get3A_593 = arith.index_cast %add3A_562 : i32 to index
        %get3A_594 = arith.constant 32 : index
        %get3A_595 = tpu.vector_load %arg11[%get3A_593, %get3A_594] {strides = array<i32>} : memref<128x128xf32, #tpu.memory_space<vmem>>, vector<16xf32>,
        %get3A_596 = arith.index_cast %add3A_562 : i32 to index
        %get3A_597 = arith.constant 32 : index
        %get3A_598 = tpu.vector_load %arg12[%get3A_596, %get3A_597] {strides = array<i32>} : memref<128x128xf32, #tpu.memory_space<vmem>>, vector<16xf32>,
        %mul3A_599 = arith.mulf %get3A_595, %get3A_598 : vector<16xf32>
        %add3A_600 = arith.addf %add3A_588, %mul3A_599 : vector<16xf32>
        %mul3A_601 = arith.mulf %get3A_595, %get3A_595 : vector<16xf32>
        %add3A_602 = arith.addf %add3A_590, %mul3A_601 : vector<16xf32>
        %mul3A_603 = arith.mulf %get3A_598, %get3A_598 : vector<16xf32>
        %add3A_604 = arith.addf %add3A_592, %mul3A_603 : vector<16xf32>
        %get3A_605 = arith.index_cast %add3A_562 : i32 to index
        %get3A_606 = arith.constant 48 : index
        %get3A_607 = tpu.vector_load %arg11[%get3A_605, %get3A_606] {strides = array<i32>} : memref<128x128xf32, #tpu.memory_space<vmem>>, vector<16xf32>,
        %get3A_608 = arith.index_cast %add3A_562 : i32 to index
        %get3A_609 = arith.constant 48 : index
        %get3A_610 = tpu.vector_load %arg12[%get3A_608, %get3A_609] {strides = array<i32>} : memref<128x128xf32, #tpu.memory_space<vmem>>, vector<16xf32>,
        %mul3A_611 = arith.mulf %get3A_607, %get3A_610 : vector<16xf32>
        %add3A_612 = arith.addf %add3A_600, %mul3A_611 : vector<16xf32>
        %mul3A_613 = arith.mulf %get3A_607, %get3A_607 : vector<16xf32>
        %add3A_614 = arith.addf %add3A_602, %mul3A_613 : vector<16xf32>
        %mul3A_615 = arith.mulf %get3A_610, %get3A_610 : vector<16xf32>
        %add3A_616 = arith.addf %add3A_604, %mul3A_615 : vector<16xf32>
        %get3A_617 = arith.index_cast %add3A_562 : i32 to index
        %get3A_618 = arith.constant 64 : index
        %get3A_619 = tpu.vector_load %arg11[%get3A_617, %get3A_618] {strides = array<i32>} : memref<128x128xf32, #tpu.memory_space<vmem>>, vector<16xf32>,
        %get3A_620 = arith.index_cast %add3A_562 : i32 to index
        %get3A_621 = arith.constant 64 : index
        %get3A_622 = tpu.vector_load %arg12[%get3A_620, %get3A_621] {strides = array<i32>} : memref<128x128xf32, #tpu.memory_space<vmem>>, vector<16xf32>,
        %mul3A_623 = arith.mulf %get3A_619, %get3A_622 : vector<16xf32>
        %add3A_624 = arith.addf %add3A_612, %mul3A_623 : vector<16xf32>
        %mul3A_625 = arith.mulf %get3A_619, %get3A_619 : vector<16xf32>
        %add3A_626 = arith.addf %add3A_614, %mul3A_625 : vector<16xf32>
        %mul3A_627 = arith.mulf %get3A_622, %get3A_622 : vector<16xf32>
        %add3A_628 = arith.addf %add3A_616, %mul3A_627 : vector<16xf32>
        %get3A_629 = arith.index_cast %add3A_562 : i32 to index
        %get3A_630 = arith.constant 80 : index
        %get3A_631 = tpu.vector_load %arg11[%get3A_629, %get3A_630] {strides = array<i32>} : memref<128x128xf32, #tpu.memory_space<vmem>>, vector<16xf32>,
        %get3A_632 = arith.index_cast %add3A_562 : i32 to index
        %get3A_633 = arith.constant 80 : index
        %get3A_634 = tpu.vector_load %arg12[%get3A_632, %get3A_633] {strides = array<i32>} : memref<128x128xf32, #tpu.memory_space<vmem>>, vector<16xf32>,
        %mul3A_635 = arith.mulf %get3A_631, %get3A_634 : vector<16xf32>
        %add3A_636 = arith.addf %add3A_624, %mul3A_635 : vector<16xf32>
        %mul3A_637 = arith.mulf %get3A_631, %get3A_631 : vector<16xf32>
        %add3A_638 = arith.addf %add3A_626, %mul3A_637 : vector<16xf32>
        %mul3A_639 = arith.mulf %get3A_634, %get3A_634 : vector<16xf32>
        %add3A_640 = arith.addf %add3A_628, %mul3A_639 : vector<16xf32>
        %get3A_641 = arith.index_cast %add3A_562 : i32 to index
        %get3A_642 = arith.constant 96 : index
        %get3A_643 = tpu.vector_load %arg11[%get3A_641, %get3A_642] {strides = array<i32>} : memref<128x128xf32, #tpu.memory_space<vmem>>, vector<16xf32>,
        %get3A_644 = arith.index_cast %add3A_562 : i32 to index
        %get3A_645 = arith.constant 96 : index
        %get3A_646 = tpu.vector_load %arg12[%get3A_644, %get3A_645] {strides = array<i32>} : memref<128x128xf32, #tpu.memory_space<vmem>>, vector<16xf32>,
        %mul3A_647 = arith.mulf %get3A_643, %get3A_646 : vector<16xf32>
        %add3A_648 = arith.addf %add3A_636, %mul3A_647 : vector<16xf32>
        %mul3A_649 = arith.mulf %get3A_643, %get3A_643 : vector<16xf32>
        %add3A_650 = arith.addf %add3A_638, %mul3A_649 : vector<16xf32>
        %mul3A_651 = arith.mulf %get3A_646, %get3A_646 : vector<16xf32>
        %add3A_652 = arith.addf %add3A_640, %mul3A_651 : vector<16xf32>
        %get3A_653 = arith.index_cast %add3A_562 : i32 to index
        %get3A_654 = arith.constant 112 : index
        %get3A_655 = tpu.vector_load %arg11[%get3A_653, %get3A_654] {strides = array<i32>} : memref<128x128xf32, #tpu.memory_space<vmem>>, vector<16xf32>,
        %get3A_656 = arith.index_cast %add3A_562 : i32 to index
        %get3A_657 = arith.constant 112 : index
        %get3A_658 = tpu.vector_load %arg12[%get3A_656, %get3A_657] {strides = array<i32>} : memref<128x128xf32, #tpu.memory_space<vmem>>, vector<16xf32>,
        %mul3A_659 = arith.mulf %get3A_655, %get3A_658 : vector<16xf32>
        %add3A_660 = arith.addf %add3A_648, %mul3A_659 : vector<16xf32>
        %mul3A_661 = arith.mulf %get3A_655, %get3A_655 : vector<16xf32>
        %add3A_662 = arith.addf %add3A_650, %mul3A_661 : vector<16xf32>
        %mul3A_663 = arith.mulf %get3A_658, %get3A_658 : vector<16xf32>
        %add3A_664 = arith.addf %add3A_652, %mul3A_663 : vector<16xf32>
        %eq3A_665 = arith.constant 4 : i32
        %eq3A_666 = vector.broadcast %eq3A_665 : i32 to vector<16xi32>
        %eq3A_667 = arith.cmpi eq, %iota3A, %eq3A_666 : vector<16xi32>
        %reduce_sum3A_668 = arith.constant true
        %reduce_sum3A_669 = vector.broadcast %reduce_sum3A_668 : i1 to vector<16xi1>
        %reduce_sum3A_670 = tpu.scan <sum>, %add3A_660 masked %reduce_sum3A_669 : vector<16xf32>, vector<16xi1> -> vector<16xf32>
        %reduce_sum3A_671 = vector.extract %reduce_sum3A_670[15] : f32 from vector<16xf32>
        %broadcast_in_dim3A_672 = vector.broadcast %reduce_sum3A_671 : f32 to vector<16xf32>
        %select_n3A_673 = arith.select %eq3A_667, %broadcast_in_dim3A_672, %select_n3A_546 : vector<16xi1>, vector<16xf32>
        %reduce_sum3A_674 = arith.constant true
        %reduce_sum3A_675 = vector.broadcast %reduce_sum3A_674 : i1 to vector<16xi1>
        %reduce_sum3A_676 = tpu.scan <sum>, %add3A_662 masked %reduce_sum3A_675 : vector<16xf32>, vector<16xi1> -> vector<16xf32>
        %reduce_sum3A_677 = vector.extract %reduce_sum3A_676[15] : f32 from vector<16xf32>
        %broadcast_in_dim3A_678 = vector.broadcast %reduce_sum3A_677 : f32 to vector<16xf32>
        %select_n3A_679 = arith.select %eq3A_667, %broadcast_in_dim3A_678, %select_n3A_552 : vector<16xi1>, vector<16xf32>
        %reduce_sum3A_680 = arith.constant true
        %reduce_sum3A_681 = vector.broadcast %reduce_sum3A_680 : i1 to vector<16xi1>
        %reduce_sum3A_682 = tpu.scan <sum>, %add3A_664 masked %reduce_sum3A_681 : vector<16xf32>, vector<16xi1> -> vector<16xf32>
        %reduce_sum3A_683 = vector.extract %reduce_sum3A_682[15] : f32 from vector<16xf32>
        %broadcast_in_dim3A_684 = vector.broadcast %reduce_sum3A_683 : f32 to vector<16xf32>
        %select_n3A_685 = arith.select %eq3A_667, %broadcast_in_dim3A_684, %select_n3A_558 : vector<16xi1>, vector<16xf32>
        %mul3A_686 = arith.constant 16 : i32
        %mul3A_687 = arith.muli %scan3A_48, %mul3A_686 : i32
        %add3A_688 = arith.constant 5 : i32
        %add3A_689 = arith.addi %mul3A_687, %add3A_688 : i32
        %broadcast_in_dim3A_690 = arith.constant 0.000000e+00 : f32
        %broadcast_in_dim3A_691 = vector.broadcast %broadcast_in_dim3A_690 : f32 to vector<16xf32>
        %broadcast_in_dim3A_692 = arith.constant 0.000000e+00 : f32
        %broadcast_in_dim3A_693 = vector.broadcast %broadcast_in_dim3A_692 : f32 to vector<16xf32>
        %broadcast_in_dim3A_694 = arith.constant 0.000000e+00 : f32
        %broadcast_in_dim3A_695 = vector.broadcast %broadcast_in_dim3A_694 : f32 to vector<16xf32>
        %get3A_696 = arith.index_cast %add3A_689 : i32 to index
        %get3A_697 = arith.constant 0 : index
        %get3A_698 = tpu.vector_load %arg11[%get3A_696, %get3A_697] {strides = array<i32>} : memref<128x128xf32, #tpu.memory_space<vmem>>, vector<16xf32>,
        %get3A_699 = arith.index_cast %add3A_689 : i32 to index
        %get3A_700 = arith.constant 0 : index
        %get3A_701 = tpu.vector_load %arg12[%get3A_699, %get3A_700] {strides = array<i32>} : memref<128x128xf32, #tpu.memory_space<vmem>>, vector<16xf32>,
        %mul3A_702 = arith.mulf %get3A_698, %get3A_701 : vector<16xf32>
        %add3A_703 = arith.addf %broadcast_in_dim3A_691, %mul3A_702 : vector<16xf32>
        %mul3A_704 = arith.mulf %get3A_698, %get3A_698 : vector<16xf32>
        %add3A_705 = arith.addf %broadcast_in_dim3A_693, %mul3A_704 : vector<16xf32>
        %mul3A_706 = arith.mulf %get3A_701, %get3A_701 : vector<16xf32>
        %add3A_707 = arith.addf %broadcast_in_dim3A_695, %mul3A_706 : vector<16xf32>
        %get3A_708 = arith.index_cast %add3A_689 : i32 to index
        %get3A_709 = arith.constant 16 : index
        %get3A_710 = tpu.vector_load %arg11[%get3A_708, %get3A_709] {strides = array<i32>} : memref<128x128xf32, #tpu.memory_space<vmem>>, vector<16xf32>,
        %get3A_711 = arith.index_cast %add3A_689 : i32 to index
        %get3A_712 = arith.constant 16 : index
        %get3A_713 = tpu.vector_load %arg12[%get3A_711, %get3A_712] {strides = array<i32>} : memref<128x128xf32, #tpu.memory_space<vmem>>, vector<16xf32>,
        %mul3A_714 = arith.mulf %get3A_710, %get3A_713 : vector<16xf32>
        %add3A_715 = arith.addf %add3A_703, %mul3A_714 : vector<16xf32>
        %mul3A_716 = arith.mulf %get3A_710, %get3A_710 : vector<16xf32>
        %add3A_717 = arith.addf %add3A_705, %mul3A_716 : vector<16xf32>
        %mul3A_718 = arith.mulf %get3A_713, %get3A_713 : vector<16xf32>
        %add3A_719 = arith.addf %add3A_707, %mul3A_718 : vector<16xf32>
        %get3A_720 = arith.index_cast %add3A_689 : i32 to index
        %get3A_721 = arith.constant 32 : index
        %get3A_722 = tpu.vector_load %arg11[%get3A_720, %get3A_721] {strides = array<i32>} : memref<128x128xf32, #tpu.memory_space<vmem>>, vector<16xf32>,
        %get3A_723 = arith.index_cast %add3A_689 : i32 to index
        %get3A_724 = arith.constant 32 : index
        %get3A_725 = tpu.vector_load %arg12[%get3A_723, %get3A_724] {strides = array<i32>} : memref<128x128xf32, #tpu.memory_space<vmem>>, vector<16xf32>,
        %mul3A_726 = arith.mulf %get3A_722, %get3A_725 : vector<16xf32>
        %add3A_727 = arith.addf %add3A_715, %mul3A_726 : vector<16xf32>
        %mul3A_728 = arith.mulf %get3A_722, %get3A_722 : vector<16xf32>
        %add3A_729 = arith.addf %add3A_717, %mul3A_728 : vector<16xf32>
        %mul3A_730 = arith.mulf %get3A_725, %get3A_725 : vector<16xf32>
        %add3A_731 = arith.addf %add3A_719, %mul3A_730 : vector<16xf32>
        %get3A_732 = arith.index_cast %add3A_689 : i32 to index
        %get3A_733 = arith.constant 48 : index
        %get3A_734 = tpu.vector_load %arg11[%get3A_732, %get3A_733] {strides = array<i32>} : memref<128x128xf32, #tpu.memory_space<vmem>>, vector<16xf32>,
        %get3A_735 = arith.index_cast %add3A_689 : i32 to index
        %get3A_736 = arith.constant 48 : index
        %get3A_737 = tpu.vector_load %arg12[%get3A_735, %get3A_736] {strides = array<i32>} : memref<128x128xf32, #tpu.memory_space<vmem>>, vector<16xf32>,
        %mul3A_738 = arith.mulf %get3A_734, %get3A_737 : vector<16xf32>
        %add3A_739 = arith.addf %add3A_727, %mul3A_738 : vector<16xf32>
        %mul3A_740 = arith.mulf %get3A_734, %get3A_734 : vector<16xf32>
        %add3A_741 = arith.addf %add3A_729, %mul3A_740 : vector<16xf32>
        %mul3A_742 = arith.mulf %get3A_737, %get3A_737 : vector<16xf32>
        %add3A_743 = arith.addf %add3A_731, %mul3A_742 : vector<16xf32>
        %get3A_744 = arith.index_cast %add3A_689 : i32 to index
        %get3A_745 = arith.constant 64 : index
        %get3A_746 = tpu.vector_load %arg11[%get3A_744, %get3A_745] {strides = array<i32>} : memref<128x128xf32, #tpu.memory_space<vmem>>, vector<16xf32>,
        %get3A_747 = arith.index_cast %add3A_689 : i32 to index
        %get3A_748 = arith.constant 64 : index
        %get3A_749 = tpu.vector_load %arg12[%get3A_747, %get3A_748] {strides = array<i32>} : memref<128x128xf32, #tpu.memory_space<vmem>>, vector<16xf32>,
        %mul3A_750 = arith.mulf %get3A_746, %get3A_749 : vector<16xf32>
        %add3A_751 = arith.addf %add3A_739, %mul3A_750 : vector<16xf32>
        %mul3A_752 = arith.mulf %get3A_746, %get3A_746 : vector<16xf32>
        %add3A_753 = arith.addf %add3A_741, %mul3A_752 : vector<16xf32>
        %mul3A_754 = arith.mulf %get3A_749, %get3A_749 : vector<16xf32>
        %add3A_755 = arith.addf %add3A_743, %mul3A_754 : vector<16xf32>
        %get3A_756 = arith.index_cast %add3A_689 : i32 to index
        %get3A_757 = arith.constant 80 : index
        %get3A_758 = tpu.vector_load %arg11[%get3A_756, %get3A_757] {strides = array<i32>} : memref<128x128xf32, #tpu.memory_space<vmem>>, vector<16xf32>,
        %get3A_759 = arith.index_cast %add3A_689 : i32 to index
        %get3A_760 = arith.constant 80 : index
        %get3A_761 = tpu.vector_load %arg12[%get3A_759, %get3A_760] {strides = array<i32>} : memref<128x128xf32, #tpu.memory_space<vmem>>, vector<16xf32>,
        %mul3A_762 = arith.mulf %get3A_758, %get3A_761 : vector<16xf32>
        %add3A_763 = arith.addf %add3A_751, %mul3A_762 : vector<16xf32>
        %mul3A_764 = arith.mulf %get3A_758, %get3A_758 : vector<16xf32>
        %add3A_765 = arith.addf %add3A_753, %mul3A_764 : vector<16xf32>
        %mul3A_766 = arith.mulf %get3A_761, %get3A_761 : vector<16xf32>
        %add3A_767 = arith.addf %add3A_755, %mul3A_766 : vector<16xf32>
        %get3A_768 = arith.index_cast %add3A_689 : i32 to index
        %get3A_769 = arith.constant 96 : index
        %get3A_770 = tpu.vector_load %arg11[%get3A_768, %get3A_769] {strides = array<i32>} : memref<128x128xf32, #tpu.memory_space<vmem>>, vector<16xf32>,
        %get3A_771 = arith.index_cast %add3A_689 : i32 to index
        %get3A_772 = arith.constant 96 : index
        %get3A_773 = tpu.vector_load %arg12[%get3A_771, %get3A_772] {strides = array<i32>} : memref<128x128xf32, #tpu.memory_space<vmem>>, vector<16xf32>,
        %mul3A_774 = arith.mulf %get3A_770, %get3A_773 : vector<16xf32>
        %add3A_775 = arith.addf %add3A_763, %mul3A_774 : vector<16xf32>
        %mul3A_776 = arith.mulf %get3A_770, %get3A_770 : vector<16xf32>
        %add3A_777 = arith.addf %add3A_765, %mul3A_776 : vector<16xf32>
        %mul3A_778 = arith.mulf %get3A_773, %get3A_773 : vector<16xf32>
        %add3A_779 = arith.addf %add3A_767, %mul3A_778 : vector<16xf32>
        %get3A_780 = arith.index_cast %add3A_689 : i32 to index
        %get3A_781 = arith.constant 112 : index
        %get3A_782 = tpu.vector_load %arg11[%get3A_780, %get3A_781] {strides = array<i32>} : memref<128x128xf32, #tpu.memory_space<vmem>>, vector<16xf32>,
        %get3A_783 = arith.index_cast %add3A_689 : i32 to index
        %get3A_784 = arith.constant 112 : index
        %get3A_785 = tpu.vector_load %arg12[%get3A_783, %get3A_784] {strides = array<i32>} : memref<128x128xf32, #tpu.memory_space<vmem>>, vector<16xf32>,
        %mul3A_786 = arith.mulf %get3A_782, %get3A_785 : vector<16xf32>
        %add3A_787 = arith.addf %add3A_775, %mul3A_786 : vector<16xf32>
        %mul3A_788 = arith.mulf %get3A_782, %get3A_782 : vector<16xf32>
        %add3A_789 = arith.addf %add3A_777, %mul3A_788 : vector<16xf32>
        %mul3A_790 = arith.mulf %get3A_785, %get3A_785 : vector<16xf32>
        %add3A_791 = arith.addf %add3A_779, %mul3A_790 : vector<16xf32>
        %eq3A_792 = arith.constant 5 : i32
        %eq3A_793 = vector.broadcast %eq3A_792 : i32 to vector<16xi32>
        %eq3A_794 = arith.cmpi eq, %iota3A, %eq3A_793 : vector<16xi32>
        %reduce_sum3A_795 = arith.constant true
        %reduce_sum3A_796 = vector.broadcast %reduce_sum3A_795 : i1 to vector<16xi1>
        %reduce_sum3A_797 = tpu.scan <sum>, %add3A_787 masked %reduce_sum3A_796 : vector<16xf32>, vector<16xi1> -> vector<16xf32>
        %reduce_sum3A_798 = vector.extract %reduce_sum3A_797[15] : f32 from vector<16xf32>
        %broadcast_in_dim3A_799 = vector.broadcast %reduce_sum3A_798 : f32 to vector<16xf32>
        %select_n3A_800 = arith.select %eq3A_794, %broadcast_in_dim3A_799, %select_n3A_673 : vector<16xi1>, vector<16xf32>
        %reduce_sum3A_801 = arith.constant true
        %reduce_sum3A_802 = vector.broadcast %reduce_sum3A_801 : i1 to vector<16xi1>
        %reduce_sum3A_803 = tpu.scan <sum>, %add3A_789 masked %reduce_sum3A_802 : vector<16xf32>, vector<16xi1> -> vector<16xf32>
        %reduce_sum3A_804 = vector.extract %reduce_sum3A_803[15] : f32 from vector<16xf32>
        %broadcast_in_dim3A_805 = vector.broadcast %reduce_sum3A_804 : f32 to vector<16xf32>
        %select_n3A_806 = arith.select %eq3A_794, %broadcast_in_dim3A_805, %select_n3A_679 : vector<16xi1>, vector<16xf32>
        %reduce_sum3A_807 = arith.constant true
        %reduce_sum3A_808 = vector.broadcast %reduce_sum3A_807 : i1 to vector<16xi1>
        %reduce_sum3A_809 = tpu.scan <sum>, %add3A_791 masked %reduce_sum3A_808 : vector<16xf32>, vector<16xi1> -> vector<16xf32>
        %reduce_sum3A_810 = vector.extract %reduce_sum3A_809[15] : f32 from vector<16xf32>
        %broadcast_in_dim3A_811 = vector.broadcast %reduce_sum3A_810 : f32 to vector<16xf32>
        %select_n3A_812 = arith.select %eq3A_794, %broadcast_in_dim3A_811, %select_n3A_685 : vector<16xi1>, vector<16xf32>
        %mul3A_813 = arith.constant 16 : i32
        %mul3A_814 = arith.muli %scan3A_48, %mul3A_813 : i32
        %add3A_815 = arith.constant 6 : i32
        %add3A_816 = arith.addi %mul3A_814, %add3A_815 : i32
        %broadcast_in_dim3A_817 = arith.constant 0.000000e+00 : f32
        %broadcast_in_dim3A_818 = vector.broadcast %broadcast_in_dim3A_817 : f32 to vector<16xf32>
        %broadcast_in_dim3A_819 = arith.constant 0.000000e+00 : f32
        %broadcast_in_dim3A_820 = vector.broadcast %broadcast_in_dim3A_819 : f32 to vector<16xf32>
        %broadcast_in_dim3A_821 = arith.constant 0.000000e+00 : f32
        %broadcast_in_dim3A_822 = vector.broadcast %broadcast_in_dim3A_821 : f32 to vector<16xf32>
        %get3A_823 = arith.index_cast %add3A_816 : i32 to index
        %get3A_824 = arith.constant 0 : index
        %get3A_825 = tpu.vector_load %arg11[%get3A_823, %get3A_824] {strides = array<i32>} : memref<128x128xf32, #tpu.memory_space<vmem>>, vector<16xf32>,
        %get3A_826 = arith.index_cast %add3A_816 : i32 to index
        %get3A_827 = arith.constant 0 : index
        %get3A_828 = tpu.vector_load %arg12[%get3A_826, %get3A_827] {strides = array<i32>} : memref<128x128xf32, #tpu.memory_space<vmem>>, vector<16xf32>,
        %mul3A_829 = arith.mulf %get3A_825, %get3A_828 : vector<16xf32>
        %add3A_830 = arith.addf %broadcast_in_dim3A_818, %mul3A_829 : vector<16xf32>
        %mul3A_831 = arith.mulf %get3A_825, %get3A_825 : vector<16xf32>
        %add3A_832 = arith.addf %broadcast_in_dim3A_820, %mul3A_831 : vector<16xf32>
        %mul3A_833 = arith.mulf %get3A_828, %get3A_828 : vector<16xf32>
        %add3A_834 = arith.addf %broadcast_in_dim3A_822, %mul3A_833 : vector<16xf32>
        %get3A_835 = arith.index_cast %add3A_816 : i32 to index
        %get3A_836 = arith.constant 16 : index
        %get3A_837 = tpu.vector_load %arg11[%get3A_835, %get3A_836] {strides = array<i32>} : memref<128x128xf32, #tpu.memory_space<vmem>>, vector<16xf32>,
        %get3A_838 = arith.index_cast %add3A_816 : i32 to index
        %get3A_839 = arith.constant 16 : index
        %get3A_840 = tpu.vector_load %arg12[%get3A_838, %get3A_839] {strides = array<i32>} : memref<128x128xf32, #tpu.memory_space<vmem>>, vector<16xf32>,
        %mul3A_841 = arith.mulf %get3A_837, %get3A_840 : vector<16xf32>
        %add3A_842 = arith.addf %add3A_830, %mul3A_841 : vector<16xf32>
        %mul3A_843 = arith.mulf %get3A_837, %get3A_837 : vector<16xf32>
        %add3A_844 = arith.addf %add3A_832, %mul3A_843 : vector<16xf32>
        %mul3A_845 = arith.mulf %get3A_840, %get3A_840 : vector<16xf32>
        %add3A_846 = arith.addf %add3A_834, %mul3A_845 : vector<16xf32>
        %get3A_847 = arith.index_cast %add3A_816 : i32 to index
        %get3A_848 = arith.constant 32 : index
        %get3A_849 = tpu.vector_load %arg11[%get3A_847, %get3A_848] {strides = array<i32>} : memref<128x128xf32, #tpu.memory_space<vmem>>, vector<16xf32>,
        %get3A_850 = arith.index_cast %add3A_816 : i32 to index
        %get3A_851 = arith.constant 32 : index
        %get3A_852 = tpu.vector_load %arg12[%get3A_850, %get3A_851] {strides = array<i32>} : memref<128x128xf32, #tpu.memory_space<vmem>>, vector<16xf32>,
        %mul3A_853 = arith.mulf %get3A_849, %get3A_852 : vector<16xf32>
        %add3A_854 = arith.addf %add3A_842, %mul3A_853 : vector<16xf32>
        %mul3A_855 = arith.mulf %get3A_849, %get3A_849 : vector<16xf32>
        %add3A_856 = arith.addf %add3A_844, %mul3A_855 : vector<16xf32>
        %mul3A_857 = arith.mulf %get3A_852, %get3A_852 : vector<16xf32>
        %add3A_858 = arith.addf %add3A_846, %mul3A_857 : vector<16xf32>
        %get3A_859 = arith.index_cast %add3A_816 : i32 to index
        %get3A_860 = arith.constant 48 : index
        %get3A_861 = tpu.vector_load %arg11[%get3A_859, %get3A_860] {strides = array<i32>} : memref<128x128xf32, #tpu.memory_space<vmem>>, vector<16xf32>,
        %get3A_862 = arith.index_cast %add3A_816 : i32 to index
        %get3A_863 = arith.constant 48 : index
        %get3A_864 = tpu.vector_load %arg12[%get3A_862, %get3A_863] {strides = array<i32>} : memref<128x128xf32, #tpu.memory_space<vmem>>, vector<16xf32>,
        %mul3A_865 = arith.mulf %get3A_861, %get3A_864 : vector<16xf32>
        %add3A_866 = arith.addf %add3A_854, %mul3A_865 : vector<16xf32>
        %mul3A_867 = arith.mulf %get3A_861, %get3A_861 : vector<16xf32>
        %add3A_868 = arith.addf %add3A_856, %mul3A_867 : vector<16xf32>
        %mul3A_869 = arith.mulf %get3A_864, %get3A_864 : vector<16xf32>
        %add3A_870 = arith.addf %add3A_858, %mul3A_869 : vector<16xf32>
        %get3A_871 = arith.index_cast %add3A_816 : i32 to index
        %get3A_872 = arith.constant 64 : index
        %get3A_873 = tpu.vector_load %arg11[%get3A_871, %get3A_872] {strides = array<i32>} : memref<128x128xf32, #tpu.memory_space<vmem>>, vector<16xf32>,
        %get3A_874 = arith.index_cast %add3A_816 : i32 to index
        %get3A_875 = arith.constant 64 : index
        %get3A_876 = tpu.vector_load %arg12[%get3A_874, %get3A_875] {strides = array<i32>} : memref<128x128xf32, #tpu.memory_space<vmem>>, vector<16xf32>,
        %mul3A_877 = arith.mulf %get3A_873, %get3A_876 : vector<16xf32>
        %add3A_878 = arith.addf %add3A_866, %mul3A_877 : vector<16xf32>
        %mul3A_879 = arith.mulf %get3A_873, %get3A_873 : vector<16xf32>
        %add3A_880 = arith.addf %add3A_868, %mul3A_879 : vector<16xf32>
        %mul3A_881 = arith.mulf %get3A_876, %get3A_876 : vector<16xf32>
        %add3A_882 = arith.addf %add3A_870, %mul3A_881 : vector<16xf32>
        %get3A_883 = arith.index_cast %add3A_816 : i32 to index
        %get3A_884 = arith.constant 80 : index
        %get3A_885 = tpu.vector_load %arg11[%get3A_883, %get3A_884] {strides = array<i32>} : memref<128x128xf32, #tpu.memory_space<vmem>>, vector<16xf32>,
        %get3A_886 = arith.index_cast %add3A_816 : i32 to index
        %get3A_887 = arith.constant 80 : index
        %get3A_888 = tpu.vector_load %arg12[%get3A_886, %get3A_887] {strides = array<i32>} : memref<128x128xf32, #tpu.memory_space<vmem>>, vector<16xf32>,
        %mul3A_889 = arith.mulf %get3A_885, %get3A_888 : vector<16xf32>
        %add3A_890 = arith.addf %add3A_878, %mul3A_889 : vector<16xf32>
        %mul3A_891 = arith.mulf %get3A_885, %get3A_885 : vector<16xf32>
        %add3A_892 = arith.addf %add3A_880, %mul3A_891 : vector<16xf32>
        %mul3A_893 = arith.mulf %get3A_888, %get3A_888 : vector<16xf32>
        %add3A_894 = arith.addf %add3A_882, %mul3A_893 : vector<16xf32>
        %get3A_895 = arith.index_cast %add3A_816 : i32 to index
        %get3A_896 = arith.constant 96 : index
        %get3A_897 = tpu.vector_load %arg11[%get3A_895, %get3A_896] {strides = array<i32>} : memref<128x128xf32, #tpu.memory_space<vmem>>, vector<16xf32>,
        %get3A_898 = arith.index_cast %add3A_816 : i32 to index
        %get3A_899 = arith.constant 96 : index
        %get3A_900 = tpu.vector_load %arg12[%get3A_898, %get3A_899] {strides = array<i32>} : memref<128x128xf32, #tpu.memory_space<vmem>>, vector<16xf32>,
        %mul3A_901 = arith.mulf %get3A_897, %get3A_900 : vector<16xf32>
        %add3A_902 = arith.addf %add3A_890, %mul3A_901 : vector<16xf32>
        %mul3A_903 = arith.mulf %get3A_897, %get3A_897 : vector<16xf32>
        %add3A_904 = arith.addf %add3A_892, %mul3A_903 : vector<16xf32>
        %mul3A_905 = arith.mulf %get3A_900, %get3A_900 : vector<16xf32>
        %add3A_906 = arith.addf %add3A_894, %mul3A_905 : vector<16xf32>
        %get3A_907 = arith.index_cast %add3A_816 : i32 to index
        %get3A_908 = arith.constant 112 : index
        %get3A_909 = tpu.vector_load %arg11[%get3A_907, %get3A_908] {strides = array<i32>} : memref<128x128xf32, #tpu.memory_space<vmem>>, vector<16xf32>,
        %get3A_910 = arith.index_cast %add3A_816 : i32 to index
        %get3A_911 = arith.constant 112 : index
        %get3A_912 = tpu.vector_load %arg12[%get3A_910, %get3A_911] {strides = array<i32>} : memref<128x128xf32, #tpu.memory_space<vmem>>, vector<16xf32>,
        %mul3A_913 = arith.mulf %get3A_909, %get3A_912 : vector<16xf32>
        %add3A_914 = arith.addf %add3A_902, %mul3A_913 : vector<16xf32>
        %mul3A_915 = arith.mulf %get3A_909, %get3A_909 : vector<16xf32>
        %add3A_916 = arith.addf %add3A_904, %mul3A_915 : vector<16xf32>
        %mul3A_917 = arith.mulf %get3A_912, %get3A_912 : vector<16xf32>
        %add3A_918 = arith.addf %add3A_906, %mul3A_917 : vector<16xf32>
        %eq3A_919 = arith.constant 6 : i32
        %eq3A_920 = vector.broadcast %eq3A_919 : i32 to vector<16xi32>
        %eq3A_921 = arith.cmpi eq, %iota3A, %eq3A_920 : vector<16xi32>
        %reduce_sum3A_922 = arith.constant true
        %reduce_sum3A_923 = vector.broadcast %reduce_sum3A_922 : i1 to vector<16xi1>
        %reduce_sum3A_924 = tpu.scan <sum>, %add3A_914 masked %reduce_sum3A_923 : vector<16xf32>, vector<16xi1> -> vector<16xf32>
        %reduce_sum3A_925 = vector.extract %reduce_sum3A_924[15] : f32 from vector<16xf32>
        %broadcast_in_dim3A_926 = vector.broadcast %reduce_sum3A_925 : f32 to vector<16xf32>
        %select_n3A_927 = arith.select %eq3A_921, %broadcast_in_dim3A_926, %select_n3A_800 : vector<16xi1>, vector<16xf32>
        %reduce_sum3A_928 = arith.constant true
        %reduce_sum3A_929 = vector.broadcast %reduce_sum3A_928 : i1 to vector<16xi1>
        %reduce_sum3A_930 = tpu.scan <sum>, %add3A_916 masked %reduce_sum3A_929 : vector<16xf32>, vector<16xi1> -> vector<16xf32>
        %reduce_sum3A_931 = vector.extract %reduce_sum3A_930[15] : f32 from vector<16xf32>
        %broadcast_in_dim3A_932 = vector.broadcast %reduce_sum3A_931 : f32 to vector<16xf32>
        %select_n3A_933 = arith.select %eq3A_921, %broadcast_in_dim3A_932, %select_n3A_806 : vector<16xi1>, vector<16xf32>
        %reduce_sum3A_934 = arith.constant true
        %reduce_sum3A_935 = vector.broadcast %reduce_sum3A_934 : i1 to vector<16xi1>
        %reduce_sum3A_936 = tpu.scan <sum>, %add3A_918 masked %reduce_sum3A_935 : vector<16xf32>, vector<16xi1> -> vector<16xf32>
        %reduce_sum3A_937 = vector.extract %reduce_sum3A_936[15] : f32 from vector<16xf32>
        %broadcast_in_dim3A_938 = vector.broadcast %reduce_sum3A_937 : f32 to vector<16xf32>
        %select_n3A_939 = arith.select %eq3A_921, %broadcast_in_dim3A_938, %select_n3A_812 : vector<16xi1>, vector<16xf32>
        %mul3A_940 = arith.constant 16 : i32
        %mul3A_941 = arith.muli %scan3A_48, %mul3A_940 : i32
        %add3A_942 = arith.constant 7 : i32
        %add3A_943 = arith.addi %mul3A_941, %add3A_942 : i32
        %broadcast_in_dim3A_944 = arith.constant 0.000000e+00 : f32
        %broadcast_in_dim3A_945 = vector.broadcast %broadcast_in_dim3A_944 : f32 to vector<16xf32>
        %broadcast_in_dim3A_946 = arith.constant 0.000000e+00 : f32
        %broadcast_in_dim3A_947 = vector.broadcast %broadcast_in_dim3A_946 : f32 to vector<16xf32>
        %broadcast_in_dim3A_948 = arith.constant 0.000000e+00 : f32
        %broadcast_in_dim3A_949 = vector.broadcast %broadcast_in_dim3A_948 : f32 to vector<16xf32>
        %get3A_950 = arith.index_cast %add3A_943 : i32 to index
        %get3A_951 = arith.constant 0 : index
        %get3A_952 = tpu.vector_load %arg11[%get3A_950, %get3A_951] {strides = array<i32>} : memref<128x128xf32, #tpu.memory_space<vmem>>, vector<16xf32>,
        %get3A_953 = arith.index_cast %add3A_943 : i32 to index
        %get3A_954 = arith.constant 0 : index
        %get3A_955 = tpu.vector_load %arg12[%get3A_953, %get3A_954] {strides = array<i32>} : memref<128x128xf32, #tpu.memory_space<vmem>>, vector<16xf32>,
        %mul3A_956 = arith.mulf %get3A_952, %get3A_955 : vector<16xf32>
        %add3A_957 = arith.addf %broadcast_in_dim3A_945, %mul3A_956 : vector<16xf32>
        %mul3A_958 = arith.mulf %get3A_952, %get3A_952 : vector<16xf32>
        %add3A_959 = arith.addf %broadcast_in_dim3A_947, %mul3A_958 : vector<16xf32>
        %mul3A_960 = arith.mulf %get3A_955, %get3A_955 : vector<16xf32>
        %add3A_961 = arith.addf %broadcast_in_dim3A_949, %mul3A_960 : vector<16xf32>
        %get3A_962 = arith.index_cast %add3A_943 : i32 to index
        %get3A_963 = arith.constant 16 : index
        %get3A_964 = tpu.vector_load %arg11[%get3A_962, %get3A_963] {strides = array<i32>} : memref<128x128xf32, #tpu.memory_space<vmem>>, vector<16xf32>,
        %get3A_965 = arith.index_cast %add3A_943 : i32 to index
        %get3A_966 = arith.constant 16 : index
        %get3A_967 = tpu.vector_load %arg12[%get3A_965, %get3A_966] {strides = array<i32>} : memref<128x128xf32, #tpu.memory_space<vmem>>, vector<16xf32>,
        %mul3A_968 = arith.mulf %get3A_964, %get3A_967 : vector<16xf32>
        %add3A_969 = arith.addf %add3A_957, %mul3A_968 : vector<16xf32>
        %mul3A_970 = arith.mulf %get3A_964, %get3A_964 : vector<16xf32>
        %add3A_971 = arith.addf %add3A_959, %mul3A_970 : vector<16xf32>
        %mul3A_972 = arith.mulf %get3A_967, %get3A_967 : vector<16xf32>
        %add3A_973 = arith.addf %add3A_961, %mul3A_972 : vector<16xf32>
        %get3A_974 = arith.index_cast %add3A_943 : i32 to index
        %get3A_975 = arith.constant 32 : index
        %get3A_976 = tpu.vector_load %arg11[%get3A_974, %get3A_975] {strides = array<i32>} : memref<128x128xf32, #tpu.memory_space<vmem>>, vector<16xf32>,
        %get3A_977 = arith.index_cast %add3A_943 : i32 to index
        %get3A_978 = arith.constant 32 : index
        %get3A_979 = tpu.vector_load %arg12[%get3A_977, %get3A_978] {strides = array<i32>} : memref<128x128xf32, #tpu.memory_space<vmem>>, vector<16xf32>,
        %mul3A_980 = arith.mulf %get3A_976, %get3A_979 : vector<16xf32>
        %add3A_981 = arith.addf %add3A_969, %mul3A_980 : vector<16xf32>
        %mul3A_982 = arith.mulf %get3A_976, %get3A_976 : vector<16xf32>
        %add3A_983 = arith.addf %add3A_971, %mul3A_982 : vector<16xf32>
        %mul3A_984 = arith.mulf %get3A_979, %get3A_979 : vector<16xf32>
        %add3A_985 = arith.addf %add3A_973, %mul3A_984 : vector<16xf32>
        %get3A_986 = arith.index_cast %add3A_943 : i32 to index
        %get3A_987 = arith.constant 48 : index
        %get3A_988 = tpu.vector_load %arg11[%get3A_986, %get3A_987] {strides = array<i32>} : memref<128x128xf32, #tpu.memory_space<vmem>>, vector<16xf32>,
        %get3A_989 = arith.index_cast %add3A_943 : i32 to index
        %get3A_990 = arith.constant 48 : index
        %get3A_991 = tpu.vector_load %arg12[%get3A_989, %get3A_990] {strides = array<i32>} : memref<128x128xf32, #tpu.memory_space<vmem>>, vector<16xf32>,
        %mul3A_992 = arith.mulf %get3A_988, %get3A_991 : vector<16xf32>
        %add3A_993 = arith.addf %add3A_981, %mul3A_992 : vector<16xf32>
        %mul3A_994 = arith.mulf %get3A_988, %get3A_988 : vector<16xf32>
        %add3A_995 = arith.addf %add3A_983, %mul3A_994 : vector<16xf32>
        %mul3A_996 = arith.mulf %get3A_991, %get3A_991 : vector<16xf32>
        %add3A_997 = arith.addf %add3A_985, %mul3A_996 : vector<16xf32>
        %get3A_998 = arith.index_cast %add3A_943 : i32 to index
        %get3A_999 = arith.constant 64 : index
        %get3A_1000 = tpu.vector_load %arg11[%get3A_998, %get3A_999] {strides = array<i32>} : memref<128x128xf32, #tpu.memory_space<vmem>>, vector<16xf32>,
        %get3A_1001 = arith.index_cast %add3A_943 : i32 to index
        %get3A_1002 = arith.constant 64 : index
        %get3A_1003 = tpu.vector_load %arg12[%get3A_1001, %get3A_1002] {strides = array<i32>} : memref<128x128xf32, #tpu.memory_space<vmem>>, vector<16xf32>,
        %mul3A_1004 = arith.mulf %get3A_1000, %get3A_1003 : vector<16xf32>
        %add3A_1005 = arith.addf %add3A_993, %mul3A_1004 : vector<16xf32>
        %mul3A_1006 = arith.mulf %get3A_1000, %get3A_1000 : vector<16xf32>
        %add3A_1007 = arith.addf %add3A_995, %mul3A_1006 : vector<16xf32>
        %mul3A_1008 = arith.mulf %get3A_1003, %get3A_1003 : vector<16xf32>
        %add3A_1009 = arith.addf %add3A_997, %mul3A_1008 : vector<16xf32>
        %get3A_1010 = arith.index_cast %add3A_943 : i32 to index
        %get3A_1011 = arith.constant 80 : index
        %get3A_1012 = tpu.vector_load %arg11[%get3A_1010, %get3A_1011] {strides = array<i32>} : memref<128x128xf32, #tpu.memory_space<vmem>>, vector<16xf32>,
        %get3A_1013 = arith.index_cast %add3A_943 : i32 to index
        %get3A_1014 = arith.constant 80 : index
        %get3A_1015 = tpu.vector_load %arg12[%get3A_1013, %get3A_1014] {strides = array<i32>} : memref<128x128xf32, #tpu.memory_space<vmem>>, vector<16xf32>,
        %mul3A_1016 = arith.mulf %get3A_1012, %get3A_1015 : vector<16xf32>
        %add3A_1017 = arith.addf %add3A_1005, %mul3A_1016 : vector<16xf32>
        %mul3A_1018 = arith.mulf %get3A_1012, %get3A_1012 : vector<16xf32>
        %add3A_1019 = arith.addf %add3A_1007, %mul3A_1018 : vector<16xf32>
        %mul3A_1020 = arith.mulf %get3A_1015, %get3A_1015 : vector<16xf32>
        %add3A_1021 = arith.addf %add3A_1009, %mul3A_1020 : vector<16xf32>
        %get3A_1022 = arith.index_cast %add3A_943 : i32 to index
        %get3A_1023 = arith.constant 96 : index
        %get3A_1024 = tpu.vector_load %arg11[%get3A_1022, %get3A_1023] {strides = array<i32>} : memref<128x128xf32, #tpu.memory_space<vmem>>, vector<16xf32>,
        %get3A_1025 = arith.index_cast %add3A_943 : i32 to index
        %get3A_1026 = arith.constant 96 : index
        %get3A_1027 = tpu.vector_load %arg12[%get3A_1025, %get3A_1026] {strides = array<i32>} : memref<128x128xf32, #tpu.memory_space<vmem>>, vector<16xf32>,
        %mul3A_1028 = arith.mulf %get3A_1024, %get3A_1027 : vector<16xf32>
        %add3A_1029 = arith.addf %add3A_1017, %mul3A_1028 : vector<16xf32>
        %mul3A_1030 = arith.mulf %get3A_1024, %get3A_1024 : vector<16xf32>
        %add3A_1031 = arith.addf %add3A_1019, %mul3A_1030 : vector<16xf32>
        %mul3A_1032 = arith.mulf %get3A_1027, %get3A_1027 : vector<16xf32>
        %add3A_1033 = arith.addf %add3A_1021, %mul3A_1032 : vector<16xf32>
        %get3A_1034 = arith.index_cast %add3A_943 : i32 to index
        %get3A_1035 = arith.constant 112 : index
        %get3A_1036 = tpu.vector_load %arg11[%get3A_1034, %get3A_1035] {strides = array<i32>} : memref<128x128xf32, #tpu.memory_space<vmem>>, vector<16xf32>,
        %get3A_1037 = arith.index_cast %add3A_943 : i32 to index
        %get3A_1038 = arith.constant 112 : index
        %get3A_1039 = tpu.vector_load %arg12[%get3A_1037, %get3A_1038] {strides = array<i32>} : memref<128x128xf32, #tpu.memory_space<vmem>>, vector<16xf32>,
        %mul3A_1040 = arith.mulf %get3A_1036, %get3A_1039 : vector<16xf32>
        %add3A_1041 = arith.addf %add3A_1029, %mul3A_1040 : vector<16xf32>
        %mul3A_1042 = arith.mulf %get3A_1036, %get3A_1036 : vector<16xf32>
        %add3A_1043 = arith.addf %add3A_1031, %mul3A_1042 : vector<16xf32>
        %mul3A_1044 = arith.mulf %get3A_1039, %get3A_1039 : vector<16xf32>
        %add3A_1045 = arith.addf %add3A_1033, %mul3A_1044 : vector<16xf32>
        %eq3A_1046 = arith.constant 7 : i32
        %eq3A_1047 = vector.broadcast %eq3A_1046 : i32 to vector<16xi32>
        %eq3A_1048 = arith.cmpi eq, %iota3A, %eq3A_1047 : vector<16xi32>
        %reduce_sum3A_1049 = arith.constant true
        %reduce_sum3A_1050 = vector.broadcast %reduce_sum3A_1049 : i1 to vector<16xi1>
        %reduce_sum3A_1051 = tpu.scan <sum>, %add3A_1041 masked %reduce_sum3A_1050 : vector<16xf32>, vector<16xi1> -> vector<16xf32>
        %reduce_sum3A_1052 = vector.extract %reduce_sum3A_1051[15] : f32 from vector<16xf32>
        %broadcast_in_dim3A_1053 = vector.broadcast %reduce_sum3A_1052 : f32 to vector<16xf32>
        %select_n3A_1054 = arith.select %eq3A_1048, %broadcast_in_dim3A_1053, %select_n3A_927 : vector<16xi1>, vector<16xf32>
        %reduce_sum3A_1055 = arith.constant true
        %reduce_sum3A_1056 = vector.broadcast %reduce_sum3A_1055 : i1 to vector<16xi1>
        %reduce_sum3A_1057 = tpu.scan <sum>, %add3A_1043 masked %reduce_sum3A_1056 : vector<16xf32>, vector<16xi1> -> vector<16xf32>
        %reduce_sum3A_1058 = vector.extract %reduce_sum3A_1057[15] : f32 from vector<16xf32>
        %broadcast_in_dim3A_1059 = vector.broadcast %reduce_sum3A_1058 : f32 to vector<16xf32>
        %select_n3A_1060 = arith.select %eq3A_1048, %broadcast_in_dim3A_1059, %select_n3A_933 : vector<16xi1>, vector<16xf32>
        %reduce_sum3A_1061 = arith.constant true
        %reduce_sum3A_1062 = vector.broadcast %reduce_sum3A_1061 : i1 to vector<16xi1>
        %reduce_sum3A_1063 = tpu.scan <sum>, %add3A_1045 masked %reduce_sum3A_1062 : vector<16xf32>, vector<16xi1> -> vector<16xf32>
        %reduce_sum3A_1064 = vector.extract %reduce_sum3A_1063[15] : f32 from vector<16xf32>
        %broadcast_in_dim3A_1065 = vector.broadcast %reduce_sum3A_1064 : f32 to vector<16xf32>
        %select_n3A_1066 = arith.select %eq3A_1048, %broadcast_in_dim3A_1065, %select_n3A_939 : vector<16xi1>, vector<16xf32>
        %mul3A_1067 = arith.constant 16 : i32
        %mul3A_1068 = arith.muli %scan3A_48, %mul3A_1067 : i32
        %add3A_1069 = arith.constant 8 : i32
        %add3A_1070 = arith.addi %mul3A_1068, %add3A_1069 : i32
        %broadcast_in_dim3A_1071 = arith.constant 0.000000e+00 : f32
        %broadcast_in_dim3A_1072 = vector.broadcast %broadcast_in_dim3A_1071 : f32 to vector<16xf32>
        %broadcast_in_dim3A_1073 = arith.constant 0.000000e+00 : f32
        %broadcast_in_dim3A_1074 = vector.broadcast %broadcast_in_dim3A_1073 : f32 to vector<16xf32>
        %broadcast_in_dim3A_1075 = arith.constant 0.000000e+00 : f32
        %broadcast_in_dim3A_1076 = vector.broadcast %broadcast_in_dim3A_1075 : f32 to vector<16xf32>
        %get3A_1077 = arith.index_cast %add3A_1070 : i32 to index
        %get3A_1078 = arith.constant 0 : index
        %get3A_1079 = tpu.vector_load %arg11[%get3A_1077, %get3A_1078] {strides = array<i32>} : memref<128x128xf32, #tpu.memory_space<vmem>>, vector<16xf32>,
        %get3A_1080 = arith.index_cast %add3A_1070 : i32 to index
        %get3A_1081 = arith.constant 0 : index
        %get3A_1082 = tpu.vector_load %arg12[%get3A_1080, %get3A_1081] {strides = array<i32>} : memref<128x128xf32, #tpu.memory_space<vmem>>, vector<16xf32>,
        %mul3A_1083 = arith.mulf %get3A_1079, %get3A_1082 : vector<16xf32>
        %add3A_1084 = arith.addf %broadcast_in_dim3A_1072, %mul3A_1083 : vector<16xf32>
        %mul3A_1085 = arith.mulf %get3A_1079, %get3A_1079 : vector<16xf32>
        %add3A_1086 = arith.addf %broadcast_in_dim3A_1074, %mul3A_1085 : vector<16xf32>
        %mul3A_1087 = arith.mulf %get3A_1082, %get3A_1082 : vector<16xf32>
        %add3A_1088 = arith.addf %broadcast_in_dim3A_1076, %mul3A_1087 : vector<16xf32>
        %get3A_1089 = arith.index_cast %add3A_1070 : i32 to index
        %get3A_1090 = arith.constant 16 : index
        %get3A_1091 = tpu.vector_load %arg11[%get3A_1089, %get3A_1090] {strides = array<i32>} : memref<128x128xf32, #tpu.memory_space<vmem>>, vector<16xf32>,
        %get3A_1092 = arith.index_cast %add3A_1070 : i32 to index
        %get3A_1093 = arith.constant 16 : index
        %get3A_1094 = tpu.vector_load %arg12[%get3A_1092, %get3A_1093] {strides = array<i32>} : memref<128x128xf32, #tpu.memory_space<vmem>>, vector<16xf32>,
        %mul3A_1095 = arith.mulf %get3A_1091, %get3A_1094 : vector<16xf32>
        %add3A_1096 = arith.addf %add3A_1084, %mul3A_1095 : vector<16xf32>
        %mul3A_1097 = arith.mulf %get3A_1091, %get3A_1091 : vector<16xf32>
        %add3A_1098 = arith.addf %add3A_1086, %mul3A_1097 : vector<16xf32>
        %mul3A_1099 = arith.mulf %get3A_1094, %get3A_1094 : vector<16xf32>
        %add3A_1100 = arith.addf %add3A_1088, %mul3A_1099 : vector<16xf32>
        %get3A_1101 = arith.index_cast %add3A_1070 : i32 to index
        %get3A_1102 = arith.constant 32 : index
        %get3A_1103 = tpu.vector_load %arg11[%get3A_1101, %get3A_1102] {strides = array<i32>} : memref<128x128xf32, #tpu.memory_space<vmem>>, vector<16xf32>,
        %get3A_1104 = arith.index_cast %add3A_1070 : i32 to index
        %get3A_1105 = arith.constant 32 : index
        %get3A_1106 = tpu.vector_load %arg12[%get3A_1104, %get3A_1105] {strides = array<i32>} : memref<128x128xf32, #tpu.memory_space<vmem>>, vector<16xf32>,
        %mul3A_1107 = arith.mulf %get3A_1103, %get3A_1106 : vector<16xf32>
        %add3A_1108 = arith.addf %add3A_1096, %mul3A_1107 : vector<16xf32>
        %mul3A_1109 = arith.mulf %get3A_1103, %get3A_1103 : vector<16xf32>
        %add3A_1110 = arith.addf %add3A_1098, %mul3A_1109 : vector<16xf32>
        %mul3A_1111 = arith.mulf %get3A_1106, %get3A_1106 : vector<16xf32>
        %add3A_1112 = arith.addf %add3A_1100, %mul3A_1111 : vector<16xf32>
        %get3A_1113 = arith.index_cast %add3A_1070 : i32 to index
        %get3A_1114 = arith.constant 48 : index
        %get3A_1115 = tpu.vector_load %arg11[%get3A_1113, %get3A_1114] {strides = array<i32>} : memref<128x128xf32, #tpu.memory_space<vmem>>, vector<16xf32>,
        %get3A_1116 = arith.index_cast %add3A_1070 : i32 to index
        %get3A_1117 = arith.constant 48 : index
        %get3A_1118 = tpu.vector_load %arg12[%get3A_1116, %get3A_1117] {strides = array<i32>} : memref<128x128xf32, #tpu.memory_space<vmem>>, vector<16xf32>,
        %mul3A_1119 = arith.mulf %get3A_1115, %get3A_1118 : vector<16xf32>
        %add3A_1120 = arith.addf %add3A_1108, %mul3A_1119 : vector<16xf32>
        %mul3A_1121 = arith.mulf %get3A_1115, %get3A_1115 : vector<16xf32>
        %add3A_1122 = arith.addf %add3A_1110, %mul3A_1121 : vector<16xf32>
        %mul3A_1123 = arith.mulf %get3A_1118, %get3A_1118 : vector<16xf32>
        %add3A_1124 = arith.addf %add3A_1112, %mul3A_1123 : vector<16xf32>
        %get3A_1125 = arith.index_cast %add3A_1070 : i32 to index
        %get3A_1126 = arith.constant 64 : index
        %get3A_1127 = tpu.vector_load %arg11[%get3A_1125, %get3A_1126] {strides = array<i32>} : memref<128x128xf32, #tpu.memory_space<vmem>>, vector<16xf32>,
        %get3A_1128 = arith.index_cast %add3A_1070 : i32 to index
        %get3A_1129 = arith.constant 64 : index
        %get3A_1130 = tpu.vector_load %arg12[%get3A_1128, %get3A_1129] {strides = array<i32>} : memref<128x128xf32, #tpu.memory_space<vmem>>, vector<16xf32>,
        %mul3A_1131 = arith.mulf %get3A_1127, %get3A_1130 : vector<16xf32>
        %add3A_1132 = arith.addf %add3A_1120, %mul3A_1131 : vector<16xf32>
        %mul3A_1133 = arith.mulf %get3A_1127, %get3A_1127 : vector<16xf32>
        %add3A_1134 = arith.addf %add3A_1122, %mul3A_1133 : vector<16xf32>
        %mul3A_1135 = arith.mulf %get3A_1130, %get3A_1130 : vector<16xf32>
        %add3A_1136 = arith.addf %add3A_1124, %mul3A_1135 : vector<16xf32>
        %get3A_1137 = arith.index_cast %add3A_1070 : i32 to index
        %get3A_1138 = arith.constant 80 : index
        %get3A_1139 = tpu.vector_load %arg11[%get3A_1137, %get3A_1138] {strides = array<i32>} : memref<128x128xf32, #tpu.memory_space<vmem>>, vector<16xf32>,
        %get3A_1140 = arith.index_cast %add3A_1070 : i32 to index
        %get3A_1141 = arith.constant 80 : index
        %get3A_1142 = tpu.vector_load %arg12[%get3A_1140, %get3A_1141] {strides = array<i32>} : memref<128x128xf32, #tpu.memory_space<vmem>>, vector<16xf32>,
        %mul3A_1143 = arith.mulf %get3A_1139, %get3A_1142 : vector<16xf32>
        %add3A_1144 = arith.addf %add3A_1132, %mul3A_1143 : vector<16xf32>
        %mul3A_1145 = arith.mulf %get3A_1139, %get3A_1139 : vector<16xf32>
        %add3A_1146 = arith.addf %add3A_1134, %mul3A_1145 : vector<16xf32>
        %mul3A_1147 = arith.mulf %get3A_1142, %get3A_1142 : vector<16xf32>
        %add3A_1148 = arith.addf %add3A_1136, %mul3A_1147 : vector<16xf32>
        %get3A_1149 = arith.index_cast %add3A_1070 : i32 to index
        %get3A_1150 = arith.constant 96 : index
        %get3A_1151 = tpu.vector_load %arg11[%get3A_1149, %get3A_1150] {strides = array<i32>} : memref<128x128xf32, #tpu.memory_space<vmem>>, vector<16xf32>,
        %get3A_1152 = arith.index_cast %add3A_1070 : i32 to index
        %get3A_1153 = arith.constant 96 : index
        %get3A_1154 = tpu.vector_load %arg12[%get3A_1152, %get3A_1153] {strides = array<i32>} : memref<128x128xf32, #tpu.memory_space<vmem>>, vector<16xf32>,
        %mul3A_1155 = arith.mulf %get3A_1151, %get3A_1154 : vector<16xf32>
        %add3A_1156 = arith.addf %add3A_1144, %mul3A_1155 : vector<16xf32>
        %mul3A_1157 = arith.mulf %get3A_1151, %get3A_1151 : vector<16xf32>
        %add3A_1158 = arith.addf %add3A_1146, %mul3A_1157 : vector<16xf32>
        %mul3A_1159 = arith.mulf %get3A_1154, %get3A_1154 : vector<16xf32>
        %add3A_1160 = arith.addf %add3A_1148, %mul3A_1159 : vector<16xf32>
        %get3A_1161 = arith.index_cast %add3A_1070 : i32 to index
        %get3A_1162 = arith.constant 112 : index
        %get3A_1163 = tpu.vector_load %arg11[%get3A_1161, %get3A_1162] {strides = array<i32>} : memref<128x128xf32, #tpu.memory_space<vmem>>, vector<16xf32>,
        %get3A_1164 = arith.index_cast %add3A_1070 : i32 to index
        %get3A_1165 = arith.constant 112 : index
        %get3A_1166 = tpu.vector_load %arg12[%get3A_1164, %get3A_1165] {strides = array<i32>} : memref<128x128xf32, #tpu.memory_space<vmem>>, vector<16xf32>,
        %mul3A_1167 = arith.mulf %get3A_1163, %get3A_1166 : vector<16xf32>
        %add3A_1168 = arith.addf %add3A_1156, %mul3A_1167 : vector<16xf32>
        %mul3A_1169 = arith.mulf %get3A_1163, %get3A_1163 : vector<16xf32>
        %add3A_1170 = arith.addf %add3A_1158, %mul3A_1169 : vector<16xf32>
        %mul3A_1171 = arith.mulf %get3A_1166, %get3A_1166 : vector<16xf32>
        %add3A_1172 = arith.addf %add3A_1160, %mul3A_1171 : vector<16xf32>
        %eq3A_1173 = arith.constant 8 : i32
        %eq3A_1174 = vector.broadcast %eq3A_1173 : i32 to vector<16xi32>
        %eq3A_1175 = arith.cmpi eq, %iota3A, %eq3A_1174 : vector<16xi32>
        %reduce_sum3A_1176 = arith.constant true
        %reduce_sum3A_1177 = vector.broadcast %reduce_sum3A_1176 : i1 to vector<16xi1>
        %reduce_sum3A_1178 = tpu.scan <sum>, %add3A_1168 masked %reduce_sum3A_1177 : vector<16xf32>, vector<16xi1> -> vector<16xf32>
        %reduce_sum3A_1179 = vector.extract %reduce_sum3A_1178[15] : f32 from vector<16xf32>
        %broadcast_in_dim3A_1180 = vector.broadcast %reduce_sum3A_1179 : f32 to vector<16xf32>
        %select_n3A_1181 = arith.select %eq3A_1175, %broadcast_in_dim3A_1180, %select_n3A_1054 : vector<16xi1>, vector<16xf32>
        %reduce_sum3A_1182 = arith.constant true
        %reduce_sum3A_1183 = vector.broadcast %reduce_sum3A_1182 : i1 to vector<16xi1>
        %reduce_sum3A_1184 = tpu.scan <sum>, %add3A_1170 masked %reduce_sum3A_1183 : vector<16xf32>, vector<16xi1> -> vector<16xf32>
        %reduce_sum3A_1185 = vector.extract %reduce_sum3A_1184[15] : f32 from vector<16xf32>
        %broadcast_in_dim3A_1186 = vector.broadcast %reduce_sum3A_1185 : f32 to vector<16xf32>
        %select_n3A_1187 = arith.select %eq3A_1175, %broadcast_in_dim3A_1186, %select_n3A_1060 : vector<16xi1>, vector<16xf32>
        %reduce_sum3A_1188 = arith.constant true
        %reduce_sum3A_1189 = vector.broadcast %reduce_sum3A_1188 : i1 to vector<16xi1>
        %reduce_sum3A_1190 = tpu.scan <sum>, %add3A_1172 masked %reduce_sum3A_1189 : vector<16xf32>, vector<16xi1> -> vector<16xf32>
        %reduce_sum3A_1191 = vector.extract %reduce_sum3A_1190[15] : f32 from vector<16xf32>
        %broadcast_in_dim3A_1192 = vector.broadcast %reduce_sum3A_1191 : f32 to vector<16xf32>
        %select_n3A_1193 = arith.select %eq3A_1175, %broadcast_in_dim3A_1192, %select_n3A_1066 : vector<16xi1>, vector<16xf32>
        %mul3A_1194 = arith.constant 16 : i32
        %mul3A_1195 = arith.muli %scan3A_48, %mul3A_1194 : i32
        %add3A_1196 = arith.constant 9 : i32
        %add3A_1197 = arith.addi %mul3A_1195, %add3A_1196 : i32
        %broadcast_in_dim3A_1198 = arith.constant 0.000000e+00 : f32
        %broadcast_in_dim3A_1199 = vector.broadcast %broadcast_in_dim3A_1198 : f32 to vector<16xf32>
        %broadcast_in_dim3A_1200 = arith.constant 0.000000e+00 : f32
        %broadcast_in_dim3A_1201 = vector.broadcast %broadcast_in_dim3A_1200 : f32 to vector<16xf32>
        %broadcast_in_dim3A_1202 = arith.constant 0.000000e+00 : f32
        %broadcast_in_dim3A_1203 = vector.broadcast %broadcast_in_dim3A_1202 : f32 to vector<16xf32>
        %get3A_1204 = arith.index_cast %add3A_1197 : i32 to index
        %get3A_1205 = arith.constant 0 : index
        %get3A_1206 = tpu.vector_load %arg11[%get3A_1204, %get3A_1205] {strides = array<i32>} : memref<128x128xf32, #tpu.memory_space<vmem>>, vector<16xf32>,
        %get3A_1207 = arith.index_cast %add3A_1197 : i32 to index
        %get3A_1208 = arith.constant 0 : index
        %get3A_1209 = tpu.vector_load %arg12[%get3A_1207, %get3A_1208] {strides = array<i32>} : memref<128x128xf32, #tpu.memory_space<vmem>>, vector<16xf32>,
        %mul3A_1210 = arith.mulf %get3A_1206, %get3A_1209 : vector<16xf32>
        %add3A_1211 = arith.addf %broadcast_in_dim3A_1199, %mul3A_1210 : vector<16xf32>
        %mul3A_1212 = arith.mulf %get3A_1206, %get3A_1206 : vector<16xf32>
        %add3A_1213 = arith.addf %broadcast_in_dim3A_1201, %mul3A_1212 : vector<16xf32>
        %mul3A_1214 = arith.mulf %get3A_1209, %get3A_1209 : vector<16xf32>
        %add3A_1215 = arith.addf %broadcast_in_dim3A_1203, %mul3A_1214 : vector<16xf32>
        %get3A_1216 = arith.index_cast %add3A_1197 : i32 to index
        %get3A_1217 = arith.constant 16 : index
        %get3A_1218 = tpu.vector_load %arg11[%get3A_1216, %get3A_1217] {strides = array<i32>} : memref<128x128xf32, #tpu.memory_space<vmem>>, vector<16xf32>,
        %get3A_1219 = arith.index_cast %add3A_1197 : i32 to index
        %get3A_1220 = arith.constant 16 : index
        %get3A_1221 = tpu.vector_load %arg12[%get3A_1219, %get3A_1220] {strides = array<i32>} : memref<128x128xf32, #tpu.memory_space<vmem>>, vector<16xf32>,
        %mul3A_1222 = arith.mulf %get3A_1218, %get3A_1221 : vector<16xf32>
        %add3A_1223 = arith.addf %add3A_1211, %mul3A_1222 : vector<16xf32>
        %mul3A_1224 = arith.mulf %get3A_1218, %get3A_1218 : vector<16xf32>
        %add3A_1225 = arith.addf %add3A_1213, %mul3A_1224 : vector<16xf32>
        %mul3A_1226 = arith.mulf %get3A_1221, %get3A_1221 : vector<16xf32>
        %add3A_1227 = arith.addf %add3A_1215, %mul3A_1226 : vector<16xf32>
        %get3A_1228 = arith.index_cast %add3A_1197 : i32 to index
        %get3A_1229 = arith.constant 32 : index
        %get3A_1230 = tpu.vector_load %arg11[%get3A_1228, %get3A_1229] {strides = array<i32>} : memref<128x128xf32, #tpu.memory_space<vmem>>, vector<16xf32>,
        %get3A_1231 = arith.index_cast %add3A_1197 : i32 to index
        %get3A_1232 = arith.constant 32 : index
        %get3A_1233 = tpu.vector_load %arg12[%get3A_1231, %get3A_1232] {strides = array<i32>} : memref<128x128xf32, #tpu.memory_space<vmem>>, vector<16xf32>,
        %mul3A_1234 = arith.mulf %get3A_1230, %get3A_1233 : vector<16xf32>
        %add3A_1235 = arith.addf %add3A_1223, %mul3A_1234 : vector<16xf32>
        %mul3A_1236 = arith.mulf %get3A_1230, %get3A_1230 : vector<16xf32>
        %add3A_1237 = arith.addf %add3A_1225, %mul3A_1236 : vector<16xf32>
        %mul3A_1238 = arith.mulf %get3A_1233, %get3A_1233 : vector<16xf32>
        %add3A_1239 = arith.addf %add3A_1227, %mul3A_1238 : vector<16xf32>
        %get3A_1240 = arith.index_cast %add3A_1197 : i32 to index
        %get3A_1241 = arith.constant 48 : index
        %get3A_1242 = tpu.vector_load %arg11[%get3A_1240, %get3A_1241] {strides = array<i32>} : memref<128x128xf32, #tpu.memory_space<vmem>>, vector<16xf32>,
        %get3A_1243 = arith.index_cast %add3A_1197 : i32 to index
        %get3A_1244 = arith.constant 48 : index
        %get3A_1245 = tpu.vector_load %arg12[%get3A_1243, %get3A_1244] {strides = array<i32>} : memref<128x128xf32, #tpu.memory_space<vmem>>, vector<16xf32>,
        %mul3A_1246 = arith.mulf %get3A_1242, %get3A_1245 : vector<16xf32>
        %add3A_1247 = arith.addf %add3A_1235, %mul3A_1246 : vector<16xf32>
        %mul3A_1248 = arith.mulf %get3A_1242, %get3A_1242 : vector<16xf32>
        %add3A_1249 = arith.addf %add3A_1237, %mul3A_1248 : vector<16xf32>
        %mul3A_1250 = arith.mulf %get3A_1245, %get3A_1245 : vector<16xf32>
        %add3A_1251 = arith.addf %add3A_1239, %mul3A_1250 : vector<16xf32>
        %get3A_1252 = arith.index_cast %add3A_1197 : i32 to index
        %get3A_1253 = arith.constant 64 : index
        %get3A_1254 = tpu.vector_load %arg11[%get3A_1252, %get3A_1253] {strides = array<i32>} : memref<128x128xf32, #tpu.memory_space<vmem>>, vector<16xf32>,
        %get3A_1255 = arith.index_cast %add3A_1197 : i32 to index
        %get3A_1256 = arith.constant 64 : index
        %get3A_1257 = tpu.vector_load %arg12[%get3A_1255, %get3A_1256] {strides = array<i32>} : memref<128x128xf32, #tpu.memory_space<vmem>>, vector<16xf32>,
        %mul3A_1258 = arith.mulf %get3A_1254, %get3A_1257 : vector<16xf32>
        %add3A_1259 = arith.addf %add3A_1247, %mul3A_1258 : vector<16xf32>
        %mul3A_1260 = arith.mulf %get3A_1254, %get3A_1254 : vector<16xf32>
        %add3A_1261 = arith.addf %add3A_1249, %mul3A_1260 : vector<16xf32>
        %mul3A_1262 = arith.mulf %get3A_1257, %get3A_1257 : vector<16xf32>
        %add3A_1263 = arith.addf %add3A_1251, %mul3A_1262 : vector<16xf32>
        %get3A_1264 = arith.index_cast %add3A_1197 : i32 to index
        %get3A_1265 = arith.constant 80 : index
        %get3A_1266 = tpu.vector_load %arg11[%get3A_1264, %get3A_1265] {strides = array<i32>} : memref<128x128xf32, #tpu.memory_space<vmem>>, vector<16xf32>,
        %get3A_1267 = arith.index_cast %add3A_1197 : i32 to index
        %get3A_1268 = arith.constant 80 : index
        %get3A_1269 = tpu.vector_load %arg12[%get3A_1267, %get3A_1268] {strides = array<i32>} : memref<128x128xf32, #tpu.memory_space<vmem>>, vector<16xf32>,
        %mul3A_1270 = arith.mulf %get3A_1266, %get3A_1269 : vector<16xf32>
        %add3A_1271 = arith.addf %add3A_1259, %mul3A_1270 : vector<16xf32>
        %mul3A_1272 = arith.mulf %get3A_1266, %get3A_1266 : vector<16xf32>
        %add3A_1273 = arith.addf %add3A_1261, %mul3A_1272 : vector<16xf32>
        %mul3A_1274 = arith.mulf %get3A_1269, %get3A_1269 : vector<16xf32>
        %add3A_1275 = arith.addf %add3A_1263, %mul3A_1274 : vector<16xf32>
        %get3A_1276 = arith.index_cast %add3A_1197 : i32 to index
        %get3A_1277 = arith.constant 96 : index
        %get3A_1278 = tpu.vector_load %arg11[%get3A_1276, %get3A_1277] {strides = array<i32>} : memref<128x128xf32, #tpu.memory_space<vmem>>, vector<16xf32>,
        %get3A_1279 = arith.index_cast %add3A_1197 : i32 to index
        %get3A_1280 = arith.constant 96 : index
        %get3A_1281 = tpu.vector_load %arg12[%get3A_1279, %get3A_1280] {strides = array<i32>} : memref<128x128xf32, #tpu.memory_space<vmem>>, vector<16xf32>,
        %mul3A_1282 = arith.mulf %get3A_1278, %get3A_1281 : vector<16xf32>
        %add3A_1283 = arith.addf %add3A_1271, %mul3A_1282 : vector<16xf32>
        %mul3A_1284 = arith.mulf %get3A_1278, %get3A_1278 : vector<16xf32>
        %add3A_1285 = arith.addf %add3A_1273, %mul3A_1284 : vector<16xf32>
        %mul3A_1286 = arith.mulf %get3A_1281, %get3A_1281 : vector<16xf32>
        %add3A_1287 = arith.addf %add3A_1275, %mul3A_1286 : vector<16xf32>
        %get3A_1288 = arith.index_cast %add3A_1197 : i32 to index
        %get3A_1289 = arith.constant 112 : index
        %get3A_1290 = tpu.vector_load %arg11[%get3A_1288, %get3A_1289] {strides = array<i32>} : memref<128x128xf32, #tpu.memory_space<vmem>>, vector<16xf32>,
        %get3A_1291 = arith.index_cast %add3A_1197 : i32 to index
        %get3A_1292 = arith.constant 112 : index
        %get3A_1293 = tpu.vector_load %arg12[%get3A_1291, %get3A_1292] {strides = array<i32>} : memref<128x128xf32, #tpu.memory_space<vmem>>, vector<16xf32>,
        %mul3A_1294 = arith.mulf %get3A_1290, %get3A_1293 : vector<16xf32>
        %add3A_1295 = arith.addf %add3A_1283, %mul3A_1294 : vector<16xf32>
        %mul3A_1296 = arith.mulf %get3A_1290, %get3A_1290 : vector<16xf32>
        %add3A_1297 = arith.addf %add3A_1285, %mul3A_1296 : vector<16xf32>
        %mul3A_1298 = arith.mulf %get3A_1293, %get3A_1293 : vector<16xf32>
        %add3A_1299 = arith.addf %add3A_1287, %mul3A_1298 : vector<16xf32>
        %eq3A_1300 = arith.constant 9 : i32
        %eq3A_1301 = vector.broadcast %eq3A_1300 : i32 to vector<16xi32>
        %eq3A_1302 = arith.cmpi eq, %iota3A, %eq3A_1301 : vector<16xi32>
        %reduce_sum3A_1303 = arith.constant true
        %reduce_sum3A_1304 = vector.broadcast %reduce_sum3A_1303 : i1 to vector<16xi1>
        %reduce_sum3A_1305 = tpu.scan <sum>, %add3A_1295 masked %reduce_sum3A_1304 : vector<16xf32>, vector<16xi1> -> vector<16xf32>
        %reduce_sum3A_1306 = vector.extract %reduce_sum3A_1305[15] : f32 from vector<16xf32>
        %broadcast_in_dim3A_1307 = vector.broadcast %reduce_sum3A_1306 : f32 to vector<16xf32>
        %select_n3A_1308 = arith.select %eq3A_1302, %broadcast_in_dim3A_1307, %select_n3A_1181 : vector<16xi1>, vector<16xf32>
        %reduce_sum3A_1309 = arith.constant true
        %reduce_sum3A_1310 = vector.broadcast %reduce_sum3A_1309 : i1 to vector<16xi1>
        %reduce_sum3A_1311 = tpu.scan <sum>, %add3A_1297 masked %reduce_sum3A_1310 : vector<16xf32>, vector<16xi1> -> vector<16xf32>
        %reduce_sum3A_1312 = vector.extract %reduce_sum3A_1311[15] : f32 from vector<16xf32>
        %broadcast_in_dim3A_1313 = vector.broadcast %reduce_sum3A_1312 : f32 to vector<16xf32>
        %select_n3A_1314 = arith.select %eq3A_1302, %broadcast_in_dim3A_1313, %select_n3A_1187 : vector<16xi1>, vector<16xf32>
        %reduce_sum3A_1315 = arith.constant true
        %reduce_sum3A_1316 = vector.broadcast %reduce_sum3A_1315 : i1 to vector<16xi1>
        %reduce_sum3A_1317 = tpu.scan <sum>, %add3A_1299 masked %reduce_sum3A_1316 : vector<16xf32>, vector<16xi1> -> vector<16xf32>
        %reduce_sum3A_1318 = vector.extract %reduce_sum3A_1317[15] : f32 from vector<16xf32>
        %broadcast_in_dim3A_1319 = vector.broadcast %reduce_sum3A_1318 : f32 to vector<16xf32>
        %select_n3A_1320 = arith.select %eq3A_1302, %broadcast_in_dim3A_1319, %select_n3A_1193 : vector<16xi1>, vector<16xf32>
        %mul3A_1321 = arith.constant 16 : i32
        %mul3A_1322 = arith.muli %scan3A_48, %mul3A_1321 : i32
        %add3A_1323 = arith.constant 10 : i32
        %add3A_1324 = arith.addi %mul3A_1322, %add3A_1323 : i32
        %broadcast_in_dim3A_1325 = arith.constant 0.000000e+00 : f32
        %broadcast_in_dim3A_1326 = vector.broadcast %broadcast_in_dim3A_1325 : f32 to vector<16xf32>
        %broadcast_in_dim3A_1327 = arith.constant 0.000000e+00 : f32
        %broadcast_in_dim3A_1328 = vector.broadcast %broadcast_in_dim3A_1327 : f32 to vector<16xf32>
        %broadcast_in_dim3A_1329 = arith.constant 0.000000e+00 : f32
        %broadcast_in_dim3A_1330 = vector.broadcast %broadcast_in_dim3A_1329 : f32 to vector<16xf32>
        %get3A_1331 = arith.index_cast %add3A_1324 : i32 to index
        %get3A_1332 = arith.constant 0 : index
        %get3A_1333 = tpu.vector_load %arg11[%get3A_1331, %get3A_1332] {strides = array<i32>} : memref<128x128xf32, #tpu.memory_space<vmem>>, vector<16xf32>,
        %get3A_1334 = arith.index_cast %add3A_1324 : i32 to index
        %get3A_1335 = arith.constant 0 : index
        %get3A_1336 = tpu.vector_load %arg12[%get3A_1334, %get3A_1335] {strides = array<i32>} : memref<128x128xf32, #tpu.memory_space<vmem>>, vector<16xf32>,
        %mul3A_1337 = arith.mulf %get3A_1333, %get3A_1336 : vector<16xf32>
        %add3A_1338 = arith.addf %broadcast_in_dim3A_1326, %mul3A_1337 : vector<16xf32>
        %mul3A_1339 = arith.mulf %get3A_1333, %get3A_1333 : vector<16xf32>
        %add3A_1340 = arith.addf %broadcast_in_dim3A_1328, %mul3A_1339 : vector<16xf32>
        %mul3A_1341 = arith.mulf %get3A_1336, %get3A_1336 : vector<16xf32>
        %add3A_1342 = arith.addf %broadcast_in_dim3A_1330, %mul3A_1341 : vector<16xf32>
        %get3A_1343 = arith.index_cast %add3A_1324 : i32 to index
        %get3A_1344 = arith.constant 16 : index
        %get3A_1345 = tpu.vector_load %arg11[%get3A_1343, %get3A_1344] {strides = array<i32>} : memref<128x128xf32, #tpu.memory_space<vmem>>, vector<16xf32>,
        %get3A_1346 = arith.index_cast %add3A_1324 : i32 to index
        %get3A_1347 = arith.constant 16 : index
        %get3A_1348 = tpu.vector_load %arg12[%get3A_1346, %get3A_1347] {strides = array<i32>} : memref<128x128xf32, #tpu.memory_space<vmem>>, vector<16xf32>,
        %mul3A_1349 = arith.mulf %get3A_1345, %get3A_1348 : vector<16xf32>
        %add3A_1350 = arith.addf %add3A_1338, %mul3A_1349 : vector<16xf32>
        %mul3A_1351 = arith.mulf %get3A_1345, %get3A_1345 : vector<16xf32>
        %add3A_1352 = arith.addf %add3A_1340, %mul3A_1351 : vector<16xf32>
        %mul3A_1353 = arith.mulf %get3A_1348, %get3A_1348 : vector<16xf32>
        %add3A_1354 = arith.addf %add3A_1342, %mul3A_1353 : vector<16xf32>
        %get3A_1355 = arith.index_cast %add3A_1324 : i32 to index
        %get3A_1356 = arith.constant 32 : index
        %get3A_1357 = tpu.vector_load %arg11[%get3A_1355, %get3A_1356] {strides = array<i32>} : memref<128x128xf32, #tpu.memory_space<vmem>>, vector<16xf32>,
        %get3A_1358 = arith.index_cast %add3A_1324 : i32 to index
        %get3A_1359 = arith.constant 32 : index
        %get3A_1360 = tpu.vector_load %arg12[%get3A_1358, %get3A_1359] {strides = array<i32>} : memref<128x128xf32, #tpu.memory_space<vmem>>, vector<16xf32>,
        %mul3A_1361 = arith.mulf %get3A_1357, %get3A_1360 : vector<16xf32>
        %add3A_1362 = arith.addf %add3A_1350, %mul3A_1361 : vector<16xf32>
        %mul3A_1363 = arith.mulf %get3A_1357, %get3A_1357 : vector<16xf32>
        %add3A_1364 = arith.addf %add3A_1352, %mul3A_1363 : vector<16xf32>
        %mul3A_1365 = arith.mulf %get3A_1360, %get3A_1360 : vector<16xf32>
        %add3A_1366 = arith.addf %add3A_1354, %mul3A_1365 : vector<16xf32>
        %get3A_1367 = arith.index_cast %add3A_1324 : i32 to index
        %get3A_1368 = arith.constant 48 : index
        %get3A_1369 = tpu.vector_load %arg11[%get3A_1367, %get3A_1368] {strides = array<i32>} : memref<128x128xf32, #tpu.memory_space<vmem>>, vector<16xf32>,
        %get3A_1370 = arith.index_cast %add3A_1324 : i32 to index
        %get3A_1371 = arith.constant 48 : index
        %get3A_1372 = tpu.vector_load %arg12[%get3A_1370, %get3A_1371] {strides = array<i32>} : memref<128x128xf32, #tpu.memory_space<vmem>>, vector<16xf32>,
        %mul3A_1373 = arith.mulf %get3A_1369, %get3A_1372 : vector<16xf32>
        %add3A_1374 = arith.addf %add3A_1362, %mul3A_1373 : vector<16xf32>
        %mul3A_1375 = arith.mulf %get3A_1369, %get3A_1369 : vector<16xf32>
        %add3A_1376 = arith.addf %add3A_1364, %mul3A_1375 : vector<16xf32>
        %mul3A_1377 = arith.mulf %get3A_1372, %get3A_1372 : vector<16xf32>
        %add3A_1378 = arith.addf %add3A_1366, %mul3A_1377 : vector<16xf32>
        %get3A_1379 = arith.index_cast %add3A_1324 : i32 to index
        %get3A_1380 = arith.constant 64 : index
        %get3A_1381 = tpu.vector_load %arg11[%get3A_1379, %get3A_1380] {strides = array<i32>} : memref<128x128xf32, #tpu.memory_space<vmem>>, vector<16xf32>,
        %get3A_1382 = arith.index_cast %add3A_1324 : i32 to index
        %get3A_1383 = arith.constant 64 : index
        %get3A_1384 = tpu.vector_load %arg12[%get3A_1382, %get3A_1383] {strides = array<i32>} : memref<128x128xf32, #tpu.memory_space<vmem>>, vector<16xf32>,
        %mul3A_1385 = arith.mulf %get3A_1381, %get3A_1384 : vector<16xf32>
        %add3A_1386 = arith.addf %add3A_1374, %mul3A_1385 : vector<16xf32>
        %mul3A_1387 = arith.mulf %get3A_1381, %get3A_1381 : vector<16xf32>
        %add3A_1388 = arith.addf %add3A_1376, %mul3A_1387 : vector<16xf32>
        %mul3A_1389 = arith.mulf %get3A_1384, %get3A_1384 : vector<16xf32>
        %add3A_1390 = arith.addf %add3A_1378, %mul3A_1389 : vector<16xf32>
        %get3A_1391 = arith.index_cast %add3A_1324 : i32 to index
        %get3A_1392 = arith.constant 80 : index
        %get3A_1393 = tpu.vector_load %arg11[%get3A_1391, %get3A_1392] {strides = array<i32>} : memref<128x128xf32, #tpu.memory_space<vmem>>, vector<16xf32>,
        %get3A_1394 = arith.index_cast %add3A_1324 : i32 to index
        %get3A_1395 = arith.constant 80 : index
        %get3A_1396 = tpu.vector_load %arg12[%get3A_1394, %get3A_1395] {strides = array<i32>} : memref<128x128xf32, #tpu.memory_space<vmem>>, vector<16xf32>,
        %mul3A_1397 = arith.mulf %get3A_1393, %get3A_1396 : vector<16xf32>
        %add3A_1398 = arith.addf %add3A_1386, %mul3A_1397 : vector<16xf32>
        %mul3A_1399 = arith.mulf %get3A_1393, %get3A_1393 : vector<16xf32>
        %add3A_1400 = arith.addf %add3A_1388, %mul3A_1399 : vector<16xf32>
        %mul3A_1401 = arith.mulf %get3A_1396, %get3A_1396 : vector<16xf32>
        %add3A_1402 = arith.addf %add3A_1390, %mul3A_1401 : vector<16xf32>
        %get3A_1403 = arith.index_cast %add3A_1324 : i32 to index
        %get3A_1404 = arith.constant 96 : index
        %get3A_1405 = tpu.vector_load %arg11[%get3A_1403, %get3A_1404] {strides = array<i32>} : memref<128x128xf32, #tpu.memory_space<vmem>>, vector<16xf32>,
        %get3A_1406 = arith.index_cast %add3A_1324 : i32 to index
        %get3A_1407 = arith.constant 96 : index
        %get3A_1408 = tpu.vector_load %arg12[%get3A_1406, %get3A_1407] {strides = array<i32>} : memref<128x128xf32, #tpu.memory_space<vmem>>, vector<16xf32>,
        %mul3A_1409 = arith.mulf %get3A_1405, %get3A_1408 : vector<16xf32>
        %add3A_1410 = arith.addf %add3A_1398, %mul3A_1409 : vector<16xf32>
        %mul3A_1411 = arith.mulf %get3A_1405, %get3A_1405 : vector<16xf32>
        %add3A_1412 = arith.addf %add3A_1400, %mul3A_1411 : vector<16xf32>
        %mul3A_1413 = arith.mulf %get3A_1408, %get3A_1408 : vector<16xf32>
        %add3A_1414 = arith.addf %add3A_1402, %mul3A_1413 : vector<16xf32>
        %get3A_1415 = arith.index_cast %add3A_1324 : i32 to index
        %get3A_1416 = arith.constant 112 : index
        %get3A_1417 = tpu.vector_load %arg11[%get3A_1415, %get3A_1416] {strides = array<i32>} : memref<128x128xf32, #tpu.memory_space<vmem>>, vector<16xf32>,
        %get3A_1418 = arith.index_cast %add3A_1324 : i32 to index
        %get3A_1419 = arith.constant 112 : index
        %get3A_1420 = tpu.vector_load %arg12[%get3A_1418, %get3A_1419] {strides = array<i32>} : memref<128x128xf32, #tpu.memory_space<vmem>>, vector<16xf32>,
        %mul3A_1421 = arith.mulf %get3A_1417, %get3A_1420 : vector<16xf32>
        %add3A_1422 = arith.addf %add3A_1410, %mul3A_1421 : vector<16xf32>
        %mul3A_1423 = arith.mulf %get3A_1417, %get3A_1417 : vector<16xf32>
        %add3A_1424 = arith.addf %add3A_1412, %mul3A_1423 : vector<16xf32>
        %mul3A_1425 = arith.mulf %get3A_1420, %get3A_1420 : vector<16xf32>
        %add3A_1426 = arith.addf %add3A_1414, %mul3A_1425 : vector<16xf32>
        %eq3A_1427 = arith.constant 10 : i32
        %eq3A_1428 = vector.broadcast %eq3A_1427 : i32 to vector<16xi32>
        %eq3A_1429 = arith.cmpi eq, %iota3A, %eq3A_1428 : vector<16xi32>
        %reduce_sum3A_1430 = arith.constant true
        %reduce_sum3A_1431 = vector.broadcast %reduce_sum3A_1430 : i1 to vector<16xi1>
        %reduce_sum3A_1432 = tpu.scan <sum>, %add3A_1422 masked %reduce_sum3A_1431 : vector<16xf32>, vector<16xi1> -> vector<16xf32>
        %reduce_sum3A_1433 = vector.extract %reduce_sum3A_1432[15] : f32 from vector<16xf32>
        %broadcast_in_dim3A_1434 = vector.broadcast %reduce_sum3A_1433 : f32 to vector<16xf32>
        %select_n3A_1435 = arith.select %eq3A_1429, %broadcast_in_dim3A_1434, %select_n3A_1308 : vector<16xi1>, vector<16xf32>
        %reduce_sum3A_1436 = arith.constant true
        %reduce_sum3A_1437 = vector.broadcast %reduce_sum3A_1436 : i1 to vector<16xi1>
        %reduce_sum3A_1438 = tpu.scan <sum>, %add3A_1424 masked %reduce_sum3A_1437 : vector<16xf32>, vector<16xi1> -> vector<16xf32>
        %reduce_sum3A_1439 = vector.extract %reduce_sum3A_1438[15] : f32 from vector<16xf32>
        %broadcast_in_dim3A_1440 = vector.broadcast %reduce_sum3A_1439 : f32 to vector<16xf32>
        %select_n3A_1441 = arith.select %eq3A_1429, %broadcast_in_dim3A_1440, %select_n3A_1314 : vector<16xi1>, vector<16xf32>
        %reduce_sum3A_1442 = arith.constant true
        %reduce_sum3A_1443 = vector.broadcast %reduce_sum3A_1442 : i1 to vector<16xi1>
        %reduce_sum3A_1444 = tpu.scan <sum>, %add3A_1426 masked %reduce_sum3A_1443 : vector<16xf32>, vector<16xi1> -> vector<16xf32>
        %reduce_sum3A_1445 = vector.extract %reduce_sum3A_1444[15] : f32 from vector<16xf32>
        %broadcast_in_dim3A_1446 = vector.broadcast %reduce_sum3A_1445 : f32 to vector<16xf32>
        %select_n3A_1447 = arith.select %eq3A_1429, %broadcast_in_dim3A_1446, %select_n3A_1320 : vector<16xi1>, vector<16xf32>
        %mul3A_1448 = arith.constant 16 : i32
        %mul3A_1449 = arith.muli %scan3A_48, %mul3A_1448 : i32
        %add3A_1450 = arith.constant 11 : i32
        %add3A_1451 = arith.addi %mul3A_1449, %add3A_1450 : i32
        %broadcast_in_dim3A_1452 = arith.constant 0.000000e+00 : f32
        %broadcast_in_dim3A_1453 = vector.broadcast %broadcast_in_dim3A_1452 : f32 to vector<16xf32>
        %broadcast_in_dim3A_1454 = arith.constant 0.000000e+00 : f32
        %broadcast_in_dim3A_1455 = vector.broadcast %broadcast_in_dim3A_1454 : f32 to vector<16xf32>
        %broadcast_in_dim3A_1456 = arith.constant 0.000000e+00 : f32
        %broadcast_in_dim3A_1457 = vector.broadcast %broadcast_in_dim3A_1456 : f32 to vector<16xf32>
        %get3A_1458 = arith.index_cast %add3A_1451 : i32 to index
        %get3A_1459 = arith.constant 0 : index
        %get3A_1460 = tpu.vector_load %arg11[%get3A_1458, %get3A_1459] {strides = array<i32>} : memref<128x128xf32, #tpu.memory_space<vmem>>, vector<16xf32>,
        %get3A_1461 = arith.index_cast %add3A_1451 : i32 to index
        %get3A_1462 = arith.constant 0 : index
        %get3A_1463 = tpu.vector_load %arg12[%get3A_1461, %get3A_1462] {strides = array<i32>} : memref<128x128xf32, #tpu.memory_space<vmem>>, vector<16xf32>,
        %mul3A_1464 = arith.mulf %get3A_1460, %get3A_1463 : vector<16xf32>
        %add3A_1465 = arith.addf %broadcast_in_dim3A_1453, %mul3A_1464 : vector<16xf32>
        %mul3A_1466 = arith.mulf %get3A_1460, %get3A_1460 : vector<16xf32>
        %add3A_1467 = arith.addf %broadcast_in_dim3A_1455, %mul3A_1466 : vector<16xf32>
        %mul3A_1468 = arith.mulf %get3A_1463, %get3A_1463 : vector<16xf32>
        %add3A_1469 = arith.addf %broadcast_in_dim3A_1457, %mul3A_1468 : vector<16xf32>
        %get3A_1470 = arith.index_cast %add3A_1451 : i32 to index
        %get3A_1471 = arith.constant 16 : index
        %get3A_1472 = tpu.vector_load %arg11[%get3A_1470, %get3A_1471] {strides = array<i32>} : memref<128x128xf32, #tpu.memory_space<vmem>>, vector<16xf32>,
        %get3A_1473 = arith.index_cast %add3A_1451 : i32 to index
        %get3A_1474 = arith.constant 16 : index
        %get3A_1475 = tpu.vector_load %arg12[%get3A_1473, %get3A_1474] {strides = array<i32>} : memref<128x128xf32, #tpu.memory_space<vmem>>, vector<16xf32>,
        %mul3A_1476 = arith.mulf %get3A_1472, %get3A_1475 : vector<16xf32>
        %add3A_1477 = arith.addf %add3A_1465, %mul3A_1476 : vector<16xf32>
        %mul3A_1478 = arith.mulf %get3A_1472, %get3A_1472 : vector<16xf32>
        %add3A_1479 = arith.addf %add3A_1467, %mul3A_1478 : vector<16xf32>
        %mul3A_1480 = arith.mulf %get3A_1475, %get3A_1475 : vector<16xf32>
        %add3A_1481 = arith.addf %add3A_1469, %mul3A_1480 : vector<16xf32>
        %get3A_1482 = arith.index_cast %add3A_1451 : i32 to index
        %get3A_1483 = arith.constant 32 : index
        %get3A_1484 = tpu.vector_load %arg11[%get3A_1482, %get3A_1483] {strides = array<i32>} : memref<128x128xf32, #tpu.memory_space<vmem>>, vector<16xf32>,
        %get3A_1485 = arith.index_cast %add3A_1451 : i32 to index
        %get3A_1486 = arith.constant 32 : index
        %get3A_1487 = tpu.vector_load %arg12[%get3A_1485, %get3A_1486] {strides = array<i32>} : memref<128x128xf32, #tpu.memory_space<vmem>>, vector<16xf32>,
        %mul3A_1488 = arith.mulf %get3A_1484, %get3A_1487 : vector<16xf32>
        %add3A_1489 = arith.addf %add3A_1477, %mul3A_1488 : vector<16xf32>
        %mul3A_1490 = arith.mulf %get3A_1484, %get3A_1484 : vector<16xf32>
        %add3A_1491 = arith.addf %add3A_1479, %mul3A_1490 : vector<16xf32>
        %mul3A_1492 = arith.mulf %get3A_1487, %get3A_1487 : vector<16xf32>
        %add3A_1493 = arith.addf %add3A_1481, %mul3A_1492 : vector<16xf32>
        %get3A_1494 = arith.index_cast %add3A_1451 : i32 to index
        %get3A_1495 = arith.constant 48 : index
        %get3A_1496 = tpu.vector_load %arg11[%get3A_1494, %get3A_1495] {strides = array<i32>} : memref<128x128xf32, #tpu.memory_space<vmem>>, vector<16xf32>,
        %get3A_1497 = arith.index_cast %add3A_1451 : i32 to index
        %get3A_1498 = arith.constant 48 : index
        %get3A_1499 = tpu.vector_load %arg12[%get3A_1497, %get3A_1498] {strides = array<i32>} : memref<128x128xf32, #tpu.memory_space<vmem>>, vector<16xf32>,
        %mul3A_1500 = arith.mulf %get3A_1496, %get3A_1499 : vector<16xf32>
        %add3A_1501 = arith.addf %add3A_1489, %mul3A_1500 : vector<16xf32>
        %mul3A_1502 = arith.mulf %get3A_1496, %get3A_1496 : vector<16xf32>
        %add3A_1503 = arith.addf %add3A_1491, %mul3A_1502 : vector<16xf32>
        %mul3A_1504 = arith.mulf %get3A_1499, %get3A_1499 : vector<16xf32>
        %add3A_1505 = arith.addf %add3A_1493, %mul3A_1504 : vector<16xf32>
        %get3A_1506 = arith.index_cast %add3A_1451 : i32 to index
        %get3A_1507 = arith.constant 64 : index
        %get3A_1508 = tpu.vector_load %arg11[%get3A_1506, %get3A_1507] {strides = array<i32>} : memref<128x128xf32, #tpu.memory_space<vmem>>, vector<16xf32>,
        %get3A_1509 = arith.index_cast %add3A_1451 : i32 to index
        %get3A_1510 = arith.constant 64 : index
        %get3A_1511 = tpu.vector_load %arg12[%get3A_1509, %get3A_1510] {strides = array<i32>} : memref<128x128xf32, #tpu.memory_space<vmem>>, vector<16xf32>,
        %mul3A_1512 = arith.mulf %get3A_1508, %get3A_1511 : vector<16xf32>
        %add3A_1513 = arith.addf %add3A_1501, %mul3A_1512 : vector<16xf32>
        %mul3A_1514 = arith.mulf %get3A_1508, %get3A_1508 : vector<16xf32>
        %add3A_1515 = arith.addf %add3A_1503, %mul3A_1514 : vector<16xf32>
        %mul3A_1516 = arith.mulf %get3A_1511, %get3A_1511 : vector<16xf32>
        %add3A_1517 = arith.addf %add3A_1505, %mul3A_1516 : vector<16xf32>
        %get3A_1518 = arith.index_cast %add3A_1451 : i32 to index
        %get3A_1519 = arith.constant 80 : index
        %get3A_1520 = tpu.vector_load %arg11[%get3A_1518, %get3A_1519] {strides = array<i32>} : memref<128x128xf32, #tpu.memory_space<vmem>>, vector<16xf32>,
        %get3A_1521 = arith.index_cast %add3A_1451 : i32 to index
        %get3A_1522 = arith.constant 80 : index
        %get3A_1523 = tpu.vector_load %arg12[%get3A_1521, %get3A_1522] {strides = array<i32>} : memref<128x128xf32, #tpu.memory_space<vmem>>, vector<16xf32>,
        %mul3A_1524 = arith.mulf %get3A_1520, %get3A_1523 : vector<16xf32>
        %add3A_1525 = arith.addf %add3A_1513, %mul3A_1524 : vector<16xf32>
        %mul3A_1526 = arith.mulf %get3A_1520, %get3A_1520 : vector<16xf32>
        %add3A_1527 = arith.addf %add3A_1515, %mul3A_1526 : vector<16xf32>
        %mul3A_1528 = arith.mulf %get3A_1523, %get3A_1523 : vector<16xf32>
        %add3A_1529 = arith.addf %add3A_1517, %mul3A_1528 : vector<16xf32>
        %get3A_1530 = arith.index_cast %add3A_1451 : i32 to index
        %get3A_1531 = arith.constant 96 : index
        %get3A_1532 = tpu.vector_load %arg11[%get3A_1530, %get3A_1531] {strides = array<i32>} : memref<128x128xf32, #tpu.memory_space<vmem>>, vector<16xf32>,
        %get3A_1533 = arith.index_cast %add3A_1451 : i32 to index
        %get3A_1534 = arith.constant 96 : index
        %get3A_1535 = tpu.vector_load %arg12[%get3A_1533, %get3A_1534] {strides = array<i32>} : memref<128x128xf32, #tpu.memory_space<vmem>>, vector<16xf32>,
        %mul3A_1536 = arith.mulf %get3A_1532, %get3A_1535 : vector<16xf32>
        %add3A_1537 = arith.addf %add3A_1525, %mul3A_1536 : vector<16xf32>
        %mul3A_1538 = arith.mulf %get3A_1532, %get3A_1532 : vector<16xf32>
        %add3A_1539 = arith.addf %add3A_1527, %mul3A_1538 : vector<16xf32>
        %mul3A_1540 = arith.mulf %get3A_1535, %get3A_1535 : vector<16xf32>
        %add3A_1541 = arith.addf %add3A_1529, %mul3A_1540 : vector<16xf32>
        %get3A_1542 = arith.index_cast %add3A_1451 : i32 to index
        %get3A_1543 = arith.constant 112 : index
        %get3A_1544 = tpu.vector_load %arg11[%get3A_1542, %get3A_1543] {strides = array<i32>} : memref<128x128xf32, #tpu.memory_space<vmem>>, vector<16xf32>,
        %get3A_1545 = arith.index_cast %add3A_1451 : i32 to index
        %get3A_1546 = arith.constant 112 : index
        %get3A_1547 = tpu.vector_load %arg12[%get3A_1545, %get3A_1546] {strides = array<i32>} : memref<128x128xf32, #tpu.memory_space<vmem>>, vector<16xf32>,
        %mul3A_1548 = arith.mulf %get3A_1544, %get3A_1547 : vector<16xf32>
        %add3A_1549 = arith.addf %add3A_1537, %mul3A_1548 : vector<16xf32>
        %mul3A_1550 = arith.mulf %get3A_1544, %get3A_1544 : vector<16xf32>
        %add3A_1551 = arith.addf %add3A_1539, %mul3A_1550 : vector<16xf32>
        %mul3A_1552 = arith.mulf %get3A_1547, %get3A_1547 : vector<16xf32>
        %add3A_1553 = arith.addf %add3A_1541, %mul3A_1552 : vector<16xf32>
        %eq3A_1554 = arith.constant 11 : i32
        %eq3A_1555 = vector.broadcast %eq3A_1554 : i32 to vector<16xi32>
        %eq3A_1556 = arith.cmpi eq, %iota3A, %eq3A_1555 : vector<16xi32>
        %reduce_sum3A_1557 = arith.constant true
        %reduce_sum3A_1558 = vector.broadcast %reduce_sum3A_1557 : i1 to vector<16xi1>
        %reduce_sum3A_1559 = tpu.scan <sum>, %add3A_1549 masked %reduce_sum3A_1558 : vector<16xf32>, vector<16xi1> -> vector<16xf32>
        %reduce_sum3A_1560 = vector.extract %reduce_sum3A_1559[15] : f32 from vector<16xf32>
        %broadcast_in_dim3A_1561 = vector.broadcast %reduce_sum3A_1560 : f32 to vector<16xf32>
        %select_n3A_1562 = arith.select %eq3A_1556, %broadcast_in_dim3A_1561, %select_n3A_1435 : vector<16xi1>, vector<16xf32>
        %reduce_sum3A_1563 = arith.constant true
        %reduce_sum3A_1564 = vector.broadcast %reduce_sum3A_1563 : i1 to vector<16xi1>
        %reduce_sum3A_1565 = tpu.scan <sum>, %add3A_1551 masked %reduce_sum3A_1564 : vector<16xf32>, vector<16xi1> -> vector<16xf32>
        %reduce_sum3A_1566 = vector.extract %reduce_sum3A_1565[15] : f32 from vector<16xf32>
        %broadcast_in_dim3A_1567 = vector.broadcast %reduce_sum3A_1566 : f32 to vector<16xf32>
        %select_n3A_1568 = arith.select %eq3A_1556, %broadcast_in_dim3A_1567, %select_n3A_1441 : vector<16xi1>, vector<16xf32>
        %reduce_sum3A_1569 = arith.constant true
        %reduce_sum3A_1570 = vector.broadcast %reduce_sum3A_1569 : i1 to vector<16xi1>
        %reduce_sum3A_1571 = tpu.scan <sum>, %add3A_1553 masked %reduce_sum3A_1570 : vector<16xf32>, vector<16xi1> -> vector<16xf32>
        %reduce_sum3A_1572 = vector.extract %reduce_sum3A_1571[15] : f32 from vector<16xf32>
        %broadcast_in_dim3A_1573 = vector.broadcast %reduce_sum3A_1572 : f32 to vector<16xf32>
        %select_n3A_1574 = arith.select %eq3A_1556, %broadcast_in_dim3A_1573, %select_n3A_1447 : vector<16xi1>, vector<16xf32>
        %mul3A_1575 = arith.constant 16 : i32
        %mul3A_1576 = arith.muli %scan3A_48, %mul3A_1575 : i32
        %add3A_1577 = arith.constant 12 : i32
        %add3A_1578 = arith.addi %mul3A_1576, %add3A_1577 : i32
        %broadcast_in_dim3A_1579 = arith.constant 0.000000e+00 : f32
        %broadcast_in_dim3A_1580 = vector.broadcast %broadcast_in_dim3A_1579 : f32 to vector<16xf32>
        %broadcast_in_dim3A_1581 = arith.constant 0.000000e+00 : f32
        %broadcast_in_dim3A_1582 = vector.broadcast %broadcast_in_dim3A_1581 : f32 to vector<16xf32>
        %broadcast_in_dim3A_1583 = arith.constant 0.000000e+00 : f32
        %broadcast_in_dim3A_1584 = vector.broadcast %broadcast_in_dim3A_1583 : f32 to vector<16xf32>
        %get3A_1585 = arith.index_cast %add3A_1578 : i32 to index
        %get3A_1586 = arith.constant 0 : index
        %get3A_1587 = tpu.vector_load %arg11[%get3A_1585, %get3A_1586] {strides = array<i32>} : memref<128x128xf32, #tpu.memory_space<vmem>>, vector<16xf32>,
        %get3A_1588 = arith.index_cast %add3A_1578 : i32 to index
        %get3A_1589 = arith.constant 0 : index
        %get3A_1590 = tpu.vector_load %arg12[%get3A_1588, %get3A_1589] {strides = array<i32>} : memref<128x128xf32, #tpu.memory_space<vmem>>, vector<16xf32>,
        %mul3A_1591 = arith.mulf %get3A_1587, %get3A_1590 : vector<16xf32>
        %add3A_1592 = arith.addf %broadcast_in_dim3A_1580, %mul3A_1591 : vector<16xf32>
        %mul3A_1593 = arith.mulf %get3A_1587, %get3A_1587 : vector<16xf32>
        %add3A_1594 = arith.addf %broadcast_in_dim3A_1582, %mul3A_1593 : vector<16xf32>
        %mul3A_1595 = arith.mulf %get3A_1590, %get3A_1590 : vector<16xf32>
        %add3A_1596 = arith.addf %broadcast_in_dim3A_1584, %mul3A_1595 : vector<16xf32>
        %get3A_1597 = arith.index_cast %add3A_1578 : i32 to index
        %get3A_1598 = arith.constant 16 : index
        %get3A_1599 = tpu.vector_load %arg11[%get3A_1597, %get3A_1598] {strides = array<i32>} : memref<128x128xf32, #tpu.memory_space<vmem>>, vector<16xf32>,
        %get3A_1600 = arith.index_cast %add3A_1578 : i32 to index
        %get3A_1601 = arith.constant 16 : index
        %get3A_1602 = tpu.vector_load %arg12[%get3A_1600, %get3A_1601] {strides = array<i32>} : memref<128x128xf32, #tpu.memory_space<vmem>>, vector<16xf32>,
        %mul3A_1603 = arith.mulf %get3A_1599, %get3A_1602 : vector<16xf32>
        %add3A_1604 = arith.addf %add3A_1592, %mul3A_1603 : vector<16xf32>
        %mul3A_1605 = arith.mulf %get3A_1599, %get3A_1599 : vector<16xf32>
        %add3A_1606 = arith.addf %add3A_1594, %mul3A_1605 : vector<16xf32>
        %mul3A_1607 = arith.mulf %get3A_1602, %get3A_1602 : vector<16xf32>
        %add3A_1608 = arith.addf %add3A_1596, %mul3A_1607 : vector<16xf32>
        %get3A_1609 = arith.index_cast %add3A_1578 : i32 to index
        %get3A_1610 = arith.constant 32 : index
        %get3A_1611 = tpu.vector_load %arg11[%get3A_1609, %get3A_1610] {strides = array<i32>} : memref<128x128xf32, #tpu.memory_space<vmem>>, vector<16xf32>,
        %get3A_1612 = arith.index_cast %add3A_1578 : i32 to index
        %get3A_1613 = arith.constant 32 : index
        %get3A_1614 = tpu.vector_load %arg12[%get3A_1612, %get3A_1613] {strides = array<i32>} : memref<128x128xf32, #tpu.memory_space<vmem>>, vector<16xf32>,
        %mul3A_1615 = arith.mulf %get3A_1611, %get3A_1614 : vector<16xf32>
        %add3A_1616 = arith.addf %add3A_1604, %mul3A_1615 : vector<16xf32>
        %mul3A_1617 = arith.mulf %get3A_1611, %get3A_1611 : vector<16xf32>
        %add3A_1618 = arith.addf %add3A_1606, %mul3A_1617 : vector<16xf32>
        %mul3A_1619 = arith.mulf %get3A_1614, %get3A_1614 : vector<16xf32>
        %add3A_1620 = arith.addf %add3A_1608, %mul3A_1619 : vector<16xf32>
        %get3A_1621 = arith.index_cast %add3A_1578 : i32 to index
        %get3A_1622 = arith.constant 48 : index
        %get3A_1623 = tpu.vector_load %arg11[%get3A_1621, %get3A_1622] {strides = array<i32>} : memref<128x128xf32, #tpu.memory_space<vmem>>, vector<16xf32>,
        %get3A_1624 = arith.index_cast %add3A_1578 : i32 to index
        %get3A_1625 = arith.constant 48 : index
        %get3A_1626 = tpu.vector_load %arg12[%get3A_1624, %get3A_1625] {strides = array<i32>} : memref<128x128xf32, #tpu.memory_space<vmem>>, vector<16xf32>,
        %mul3A_1627 = arith.mulf %get3A_1623, %get3A_1626 : vector<16xf32>
        %add3A_1628 = arith.addf %add3A_1616, %mul3A_1627 : vector<16xf32>
        %mul3A_1629 = arith.mulf %get3A_1623, %get3A_1623 : vector<16xf32>
        %add3A_1630 = arith.addf %add3A_1618, %mul3A_1629 : vector<16xf32>
        %mul3A_1631 = arith.mulf %get3A_1626, %get3A_1626 : vector<16xf32>
        %add3A_1632 = arith.addf %add3A_1620, %mul3A_1631 : vector<16xf32>
        %get3A_1633 = arith.index_cast %add3A_1578 : i32 to index
        %get3A_1634 = arith.constant 64 : index
        %get3A_1635 = tpu.vector_load %arg11[%get3A_1633, %get3A_1634] {strides = array<i32>} : memref<128x128xf32, #tpu.memory_space<vmem>>, vector<16xf32>,
        %get3A_1636 = arith.index_cast %add3A_1578 : i32 to index
        %get3A_1637 = arith.constant 64 : index
        %get3A_1638 = tpu.vector_load %arg12[%get3A_1636, %get3A_1637] {strides = array<i32>} : memref<128x128xf32, #tpu.memory_space<vmem>>, vector<16xf32>,
        %mul3A_1639 = arith.mulf %get3A_1635, %get3A_1638 : vector<16xf32>
        %add3A_1640 = arith.addf %add3A_1628, %mul3A_1639 : vector<16xf32>
        %mul3A_1641 = arith.mulf %get3A_1635, %get3A_1635 : vector<16xf32>
        %add3A_1642 = arith.addf %add3A_1630, %mul3A_1641 : vector<16xf32>
        %mul3A_1643 = arith.mulf %get3A_1638, %get3A_1638 : vector<16xf32>
        %add3A_1644 = arith.addf %add3A_1632, %mul3A_1643 : vector<16xf32>
        %get3A_1645 = arith.index_cast %add3A_1578 : i32 to index
        %get3A_1646 = arith.constant 80 : index
        %get3A_1647 = tpu.vector_load %arg11[%get3A_1645, %get3A_1646] {strides = array<i32>} : memref<128x128xf32, #tpu.memory_space<vmem>>, vector<16xf32>,
        %get3A_1648 = arith.index_cast %add3A_1578 : i32 to index
        %get3A_1649 = arith.constant 80 : index
        %get3A_1650 = tpu.vector_load %arg12[%get3A_1648, %get3A_1649] {strides = array<i32>} : memref<128x128xf32, #tpu.memory_space<vmem>>, vector<16xf32>,
        %mul3A_1651 = arith.mulf %get3A_1647, %get3A_1650 : vector<16xf32>
        %add3A_1652 = arith.addf %add3A_1640, %mul3A_1651 : vector<16xf32>
        %mul3A_1653 = arith.mulf %get3A_1647, %get3A_1647 : vector<16xf32>
        %add3A_1654 = arith.addf %add3A_1642, %mul3A_1653 : vector<16xf32>
        %mul3A_1655 = arith.mulf %get3A_1650, %get3A_1650 : vector<16xf32>
        %add3A_1656 = arith.addf %add3A_1644, %mul3A_1655 : vector<16xf32>
        %get3A_1657 = arith.index_cast %add3A_1578 : i32 to index
        %get3A_1658 = arith.constant 96 : index
        %get3A_1659 = tpu.vector_load %arg11[%get3A_1657, %get3A_1658] {strides = array<i32>} : memref<128x128xf32, #tpu.memory_space<vmem>>, vector<16xf32>,
        %get3A_1660 = arith.index_cast %add3A_1578 : i32 to index
        %get3A_1661 = arith.constant 96 : index
        %get3A_1662 = tpu.vector_load %arg12[%get3A_1660, %get3A_1661] {strides = array<i32>} : memref<128x128xf32, #tpu.memory_space<vmem>>, vector<16xf32>,
        %mul3A_1663 = arith.mulf %get3A_1659, %get3A_1662 : vector<16xf32>
        %add3A_1664 = arith.addf %add3A_1652, %mul3A_1663 : vector<16xf32>
        %mul3A_1665 = arith.mulf %get3A_1659, %get3A_1659 : vector<16xf32>
        %add3A_1666 = arith.addf %add3A_1654, %mul3A_1665 : vector<16xf32>
        %mul3A_1667 = arith.mulf %get3A_1662, %get3A_1662 : vector<16xf32>
        %add3A_1668 = arith.addf %add3A_1656, %mul3A_1667 : vector<16xf32>
        %get3A_1669 = arith.index_cast %add3A_1578 : i32 to index
        %get3A_1670 = arith.constant 112 : index
        %get3A_1671 = tpu.vector_load %arg11[%get3A_1669, %get3A_1670] {strides = array<i32>} : memref<128x128xf32, #tpu.memory_space<vmem>>, vector<16xf32>,
        %get3A_1672 = arith.index_cast %add3A_1578 : i32 to index
        %get3A_1673 = arith.constant 112 : index
        %get3A_1674 = tpu.vector_load %arg12[%get3A_1672, %get3A_1673] {strides = array<i32>} : memref<128x128xf32, #tpu.memory_space<vmem>>, vector<16xf32>,
        %mul3A_1675 = arith.mulf %get3A_1671, %get3A_1674 : vector<16xf32>
        %add3A_1676 = arith.addf %add3A_1664, %mul3A_1675 : vector<16xf32>
        %mul3A_1677 = arith.mulf %get3A_1671, %get3A_1671 : vector<16xf32>
        %add3A_1678 = arith.addf %add3A_1666, %mul3A_1677 : vector<16xf32>
        %mul3A_1679 = arith.mulf %get3A_1674, %get3A_1674 : vector<16xf32>
        %add3A_1680 = arith.addf %add3A_1668, %mul3A_1679 : vector<16xf32>
        %eq3A_1681 = arith.constant 12 : i32
        %eq3A_1682 = vector.broadcast %eq3A_1681 : i32 to vector<16xi32>
        %eq3A_1683 = arith.cmpi eq, %iota3A, %eq3A_1682 : vector<16xi32>
        %reduce_sum3A_1684 = arith.constant true
        %reduce_sum3A_1685 = vector.broadcast %reduce_sum3A_1684 : i1 to vector<16xi1>
        %reduce_sum3A_1686 = tpu.scan <sum>, %add3A_1676 masked %reduce_sum3A_1685 : vector<16xf32>, vector<16xi1> -> vector<16xf32>
        %reduce_sum3A_1687 = vector.extract %reduce_sum3A_1686[15] : f32 from vector<16xf32>
        %broadcast_in_dim3A_1688 = vector.broadcast %reduce_sum3A_1687 : f32 to vector<16xf32>
        %select_n3A_1689 = arith.select %eq3A_1683, %broadcast_in_dim3A_1688, %select_n3A_1562 : vector<16xi1>, vector<16xf32>
        %reduce_sum3A_1690 = arith.constant true
        %reduce_sum3A_1691 = vector.broadcast %reduce_sum3A_1690 : i1 to vector<16xi1>
        %reduce_sum3A_1692 = tpu.scan <sum>, %add3A_1678 masked %reduce_sum3A_1691 : vector<16xf32>, vector<16xi1> -> vector<16xf32>
        %reduce_sum3A_1693 = vector.extract %reduce_sum3A_1692[15] : f32 from vector<16xf32>
        %broadcast_in_dim3A_1694 = vector.broadcast %reduce_sum3A_1693 : f32 to vector<16xf32>
        %select_n3A_1695 = arith.select %eq3A_1683, %broadcast_in_dim3A_1694, %select_n3A_1568 : vector<16xi1>, vector<16xf32>
        %reduce_sum3A_1696 = arith.constant true
        %reduce_sum3A_1697 = vector.broadcast %reduce_sum3A_1696 : i1 to vector<16xi1>
        %reduce_sum3A_1698 = tpu.scan <sum>, %add3A_1680 masked %reduce_sum3A_1697 : vector<16xf32>, vector<16xi1> -> vector<16xf32>
        %reduce_sum3A_1699 = vector.extract %reduce_sum3A_1698[15] : f32 from vector<16xf32>
        %broadcast_in_dim3A_1700 = vector.broadcast %reduce_sum3A_1699 : f32 to vector<16xf32>
        %select_n3A_1701 = arith.select %eq3A_1683, %broadcast_in_dim3A_1700, %select_n3A_1574 : vector<16xi1>, vector<16xf32>
        %mul3A_1702 = arith.constant 16 : i32
        %mul3A_1703 = arith.muli %scan3A_48, %mul3A_1702 : i32
        %add3A_1704 = arith.constant 13 : i32
        %add3A_1705 = arith.addi %mul3A_1703, %add3A_1704 : i32
        %broadcast_in_dim3A_1706 = arith.constant 0.000000e+00 : f32
        %broadcast_in_dim3A_1707 = vector.broadcast %broadcast_in_dim3A_1706 : f32 to vector<16xf32>
        %broadcast_in_dim3A_1708 = arith.constant 0.000000e+00 : f32
        %broadcast_in_dim3A_1709 = vector.broadcast %broadcast_in_dim3A_1708 : f32 to vector<16xf32>
        %broadcast_in_dim3A_1710 = arith.constant 0.000000e+00 : f32
        %broadcast_in_dim3A_1711 = vector.broadcast %broadcast_in_dim3A_1710 : f32 to vector<16xf32>
        %get3A_1712 = arith.index_cast %add3A_1705 : i32 to index
        %get3A_1713 = arith.constant 0 : index
        %get3A_1714 = tpu.vector_load %arg11[%get3A_1712, %get3A_1713] {strides = array<i32>} : memref<128x128xf32, #tpu.memory_space<vmem>>, vector<16xf32>,
        %get3A_1715 = arith.index_cast %add3A_1705 : i32 to index
        %get3A_1716 = arith.constant 0 : index
        %get3A_1717 = tpu.vector_load %arg12[%get3A_1715, %get3A_1716] {strides = array<i32>} : memref<128x128xf32, #tpu.memory_space<vmem>>, vector<16xf32>,
        %mul3A_1718 = arith.mulf %get3A_1714, %get3A_1717 : vector<16xf32>
        %add3A_1719 = arith.addf %broadcast_in_dim3A_1707, %mul3A_1718 : vector<16xf32>
        %mul3A_1720 = arith.mulf %get3A_1714, %get3A_1714 : vector<16xf32>
        %add3A_1721 = arith.addf %broadcast_in_dim3A_1709, %mul3A_1720 : vector<16xf32>
        %mul3A_1722 = arith.mulf %get3A_1717, %get3A_1717 : vector<16xf32>
        %add3A_1723 = arith.addf %broadcast_in_dim3A_1711, %mul3A_1722 : vector<16xf32>
        %get3A_1724 = arith.index_cast %add3A_1705 : i32 to index
        %get3A_1725 = arith.constant 16 : index
        %get3A_1726 = tpu.vector_load %arg11[%get3A_1724, %get3A_1725] {strides = array<i32>} : memref<128x128xf32, #tpu.memory_space<vmem>>, vector<16xf32>,
        %get3A_1727 = arith.index_cast %add3A_1705 : i32 to index
        %get3A_1728 = arith.constant 16 : index
        %get3A_1729 = tpu.vector_load %arg12[%get3A_1727, %get3A_1728] {strides = array<i32>} : memref<128x128xf32, #tpu.memory_space<vmem>>, vector<16xf32>,
        %mul3A_1730 = arith.mulf %get3A_1726, %get3A_1729 : vector<16xf32>
        %add3A_1731 = arith.addf %add3A_1719, %mul3A_1730 : vector<16xf32>
        %mul3A_1732 = arith.mulf %get3A_1726, %get3A_1726 : vector<16xf32>
        %add3A_1733 = arith.addf %add3A_1721, %mul3A_1732 : vector<16xf32>
        %mul3A_1734 = arith.mulf %get3A_1729, %get3A_1729 : vector<16xf32>
        %add3A_1735 = arith.addf %add3A_1723, %mul3A_1734 : vector<16xf32>
        %get3A_1736 = arith.index_cast %add3A_1705 : i32 to index
        %get3A_1737 = arith.constant 32 : index
        %get3A_1738 = tpu.vector_load %arg11[%get3A_1736, %get3A_1737] {strides = array<i32>} : memref<128x128xf32, #tpu.memory_space<vmem>>, vector<16xf32>,
        %get3A_1739 = arith.index_cast %add3A_1705 : i32 to index
        %get3A_1740 = arith.constant 32 : index
        %get3A_1741 = tpu.vector_load %arg12[%get3A_1739, %get3A_1740] {strides = array<i32>} : memref<128x128xf32, #tpu.memory_space<vmem>>, vector<16xf32>,
        %mul3A_1742 = arith.mulf %get3A_1738, %get3A_1741 : vector<16xf32>
        %add3A_1743 = arith.addf %add3A_1731, %mul3A_1742 : vector<16xf32>
        %mul3A_1744 = arith.mulf %get3A_1738, %get3A_1738 : vector<16xf32>
        %add3A_1745 = arith.addf %add3A_1733, %mul3A_1744 : vector<16xf32>
        %mul3A_1746 = arith.mulf %get3A_1741, %get3A_1741 : vector<16xf32>
        %add3A_1747 = arith.addf %add3A_1735, %mul3A_1746 : vector<16xf32>
        %get3A_1748 = arith.index_cast %add3A_1705 : i32 to index
        %get3A_1749 = arith.constant 48 : index
        %get3A_1750 = tpu.vector_load %arg11[%get3A_1748, %get3A_1749] {strides = array<i32>} : memref<128x128xf32, #tpu.memory_space<vmem>>, vector<16xf32>,
        %get3A_1751 = arith.index_cast %add3A_1705 : i32 to index
        %get3A_1752 = arith.constant 48 : index
        %get3A_1753 = tpu.vector_load %arg12[%get3A_1751, %get3A_1752] {strides = array<i32>} : memref<128x128xf32, #tpu.memory_space<vmem>>, vector<16xf32>,
        %mul3A_1754 = arith.mulf %get3A_1750, %get3A_1753 : vector<16xf32>
        %add3A_1755 = arith.addf %add3A_1743, %mul3A_1754 : vector<16xf32>
        %mul3A_1756 = arith.mulf %get3A_1750, %get3A_1750 : vector<16xf32>
        %add3A_1757 = arith.addf %add3A_1745, %mul3A_1756 : vector<16xf32>
        %mul3A_1758 = arith.mulf %get3A_1753, %get3A_1753 : vector<16xf32>
        %add3A_1759 = arith.addf %add3A_1747, %mul3A_1758 : vector<16xf32>
        %get3A_1760 = arith.index_cast %add3A_1705 : i32 to index
        %get3A_1761 = arith.constant 64 : index
        %get3A_1762 = tpu.vector_load %arg11[%get3A_1760, %get3A_1761] {strides = array<i32>} : memref<128x128xf32, #tpu.memory_space<vmem>>, vector<16xf32>,
        %get3A_1763 = arith.index_cast %add3A_1705 : i32 to index
        %get3A_1764 = arith.constant 64 : index
        %get3A_1765 = tpu.vector_load %arg12[%get3A_1763, %get3A_1764] {strides = array<i32>} : memref<128x128xf32, #tpu.memory_space<vmem>>, vector<16xf32>,
        %mul3A_1766 = arith.mulf %get3A_1762, %get3A_1765 : vector<16xf32>
        %add3A_1767 = arith.addf %add3A_1755, %mul3A_1766 : vector<16xf32>
        %mul3A_1768 = arith.mulf %get3A_1762, %get3A_1762 : vector<16xf32>
        %add3A_1769 = arith.addf %add3A_1757, %mul3A_1768 : vector<16xf32>
        %mul3A_1770 = arith.mulf %get3A_1765, %get3A_1765 : vector<16xf32>
        %add3A_1771 = arith.addf %add3A_1759, %mul3A_1770 : vector<16xf32>
        %get3A_1772 = arith.index_cast %add3A_1705 : i32 to index
        %get3A_1773 = arith.constant 80 : index
        %get3A_1774 = tpu.vector_load %arg11[%get3A_1772, %get3A_1773] {strides = array<i32>} : memref<128x128xf32, #tpu.memory_space<vmem>>, vector<16xf32>,
        %get3A_1775 = arith.index_cast %add3A_1705 : i32 to index
        %get3A_1776 = arith.constant 80 : index
        %get3A_1777 = tpu.vector_load %arg12[%get3A_1775, %get3A_1776] {strides = array<i32>} : memref<128x128xf32, #tpu.memory_space<vmem>>, vector<16xf32>,
        %mul3A_1778 = arith.mulf %get3A_1774, %get3A_1777 : vector<16xf32>
        %add3A_1779 = arith.addf %add3A_1767, %mul3A_1778 : vector<16xf32>
        %mul3A_1780 = arith.mulf %get3A_1774, %get3A_1774 : vector<16xf32>
        %add3A_1781 = arith.addf %add3A_1769, %mul3A_1780 : vector<16xf32>
        %mul3A_1782 = arith.mulf %get3A_1777, %get3A_1777 : vector<16xf32>
        %add3A_1783 = arith.addf %add3A_1771, %mul3A_1782 : vector<16xf32>
        %get3A_1784 = arith.index_cast %add3A_1705 : i32 to index
        %get3A_1785 = arith.constant 96 : index
        %get3A_1786 = tpu.vector_load %arg11[%get3A_1784, %get3A_1785] {strides = array<i32>} : memref<128x128xf32, #tpu.memory_space<vmem>>, vector<16xf32>,
        %get3A_1787 = arith.index_cast %add3A_1705 : i32 to index
        %get3A_1788 = arith.constant 96 : index
        %get3A_1789 = tpu.vector_load %arg12[%get3A_1787, %get3A_1788] {strides = array<i32>} : memref<128x128xf32, #tpu.memory_space<vmem>>, vector<16xf32>,
        %mul3A_1790 = arith.mulf %get3A_1786, %get3A_1789 : vector<16xf32>
        %add3A_1791 = arith.addf %add3A_1779, %mul3A_1790 : vector<16xf32>
        %mul3A_1792 = arith.mulf %get3A_1786, %get3A_1786 : vector<16xf32>
        %add3A_1793 = arith.addf %add3A_1781, %mul3A_1792 : vector<16xf32>
        %mul3A_1794 = arith.mulf %get3A_1789, %get3A_1789 : vector<16xf32>
        %add3A_1795 = arith.addf %add3A_1783, %mul3A_1794 : vector<16xf32>
        %get3A_1796 = arith.index_cast %add3A_1705 : i32 to index
        %get3A_1797 = arith.constant 112 : index
        %get3A_1798 = tpu.vector_load %arg11[%get3A_1796, %get3A_1797] {strides = array<i32>} : memref<128x128xf32, #tpu.memory_space<vmem>>, vector<16xf32>,
        %get3A_1799 = arith.index_cast %add3A_1705 : i32 to index
        %get3A_1800 = arith.constant 112 : index
        %get3A_1801 = tpu.vector_load %arg12[%get3A_1799, %get3A_1800] {strides = array<i32>} : memref<128x128xf32, #tpu.memory_space<vmem>>, vector<16xf32>,
        %mul3A_1802 = arith.mulf %get3A_1798, %get3A_1801 : vector<16xf32>
        %add3A_1803 = arith.addf %add3A_1791, %mul3A_1802 : vector<16xf32>
        %mul3A_1804 = arith.mulf %get3A_1798, %get3A_1798 : vector<16xf32>
        %add3A_1805 = arith.addf %add3A_1793, %mul3A_1804 : vector<16xf32>
        %mul3A_1806 = arith.mulf %get3A_1801, %get3A_1801 : vector<16xf32>
        %add3A_1807 = arith.addf %add3A_1795, %mul3A_1806 : vector<16xf32>
        %eq3A_1808 = arith.constant 13 : i32
        %eq3A_1809 = vector.broadcast %eq3A_1808 : i32 to vector<16xi32>
        %eq3A_1810 = arith.cmpi eq, %iota3A, %eq3A_1809 : vector<16xi32>
        %reduce_sum3A_1811 = arith.constant true
        %reduce_sum3A_1812 = vector.broadcast %reduce_sum3A_1811 : i1 to vector<16xi1>
        %reduce_sum3A_1813 = tpu.scan <sum>, %add3A_1803 masked %reduce_sum3A_1812 : vector<16xf32>, vector<16xi1> -> vector<16xf32>
        %reduce_sum3A_1814 = vector.extract %reduce_sum3A_1813[15] : f32 from vector<16xf32>
        %broadcast_in_dim3A_1815 = vector.broadcast %reduce_sum3A_1814 : f32 to vector<16xf32>
        %select_n3A_1816 = arith.select %eq3A_1810, %broadcast_in_dim3A_1815, %select_n3A_1689 : vector<16xi1>, vector<16xf32>
        %reduce_sum3A_1817 = arith.constant true
        %reduce_sum3A_1818 = vector.broadcast %reduce_sum3A_1817 : i1 to vector<16xi1>
        %reduce_sum3A_1819 = tpu.scan <sum>, %add3A_1805 masked %reduce_sum3A_1818 : vector<16xf32>, vector<16xi1> -> vector<16xf32>
        %reduce_sum3A_1820 = vector.extract %reduce_sum3A_1819[15] : f32 from vector<16xf32>
        %broadcast_in_dim3A_1821 = vector.broadcast %reduce_sum3A_1820 : f32 to vector<16xf32>
        %select_n3A_1822 = arith.select %eq3A_1810, %broadcast_in_dim3A_1821, %select_n3A_1695 : vector<16xi1>, vector<16xf32>
        %reduce_sum3A_1823 = arith.constant true
        %reduce_sum3A_1824 = vector.broadcast %reduce_sum3A_1823 : i1 to vector<16xi1>
        %reduce_sum3A_1825 = tpu.scan <sum>, %add3A_1807 masked %reduce_sum3A_1824 : vector<16xf32>, vector<16xi1> -> vector<16xf32>
        %reduce_sum3A_1826 = vector.extract %reduce_sum3A_1825[15] : f32 from vector<16xf32>
        %broadcast_in_dim3A_1827 = vector.broadcast %reduce_sum3A_1826 : f32 to vector<16xf32>
        %select_n3A_1828 = arith.select %eq3A_1810, %broadcast_in_dim3A_1827, %select_n3A_1701 : vector<16xi1>, vector<16xf32>
        %mul3A_1829 = arith.constant 16 : i32
        %mul3A_1830 = arith.muli %scan3A_48, %mul3A_1829 : i32
        %add3A_1831 = arith.constant 14 : i32
        %add3A_1832 = arith.addi %mul3A_1830, %add3A_1831 : i32
        %broadcast_in_dim3A_1833 = arith.constant 0.000000e+00 : f32
        %broadcast_in_dim3A_1834 = vector.broadcast %broadcast_in_dim3A_1833 : f32 to vector<16xf32>
        %broadcast_in_dim3A_1835 = arith.constant 0.000000e+00 : f32
        %broadcast_in_dim3A_1836 = vector.broadcast %broadcast_in_dim3A_1835 : f32 to vector<16xf32>
        %broadcast_in_dim3A_1837 = arith.constant 0.000000e+00 : f32
        %broadcast_in_dim3A_1838 = vector.broadcast %broadcast_in_dim3A_1837 : f32 to vector<16xf32>
        %get3A_1839 = arith.index_cast %add3A_1832 : i32 to index
        %get3A_1840 = arith.constant 0 : index
        %get3A_1841 = tpu.vector_load %arg11[%get3A_1839, %get3A_1840] {strides = array<i32>} : memref<128x128xf32, #tpu.memory_space<vmem>>, vector<16xf32>,
        %get3A_1842 = arith.index_cast %add3A_1832 : i32 to index
        %get3A_1843 = arith.constant 0 : index
        %get3A_1844 = tpu.vector_load %arg12[%get3A_1842, %get3A_1843] {strides = array<i32>} : memref<128x128xf32, #tpu.memory_space<vmem>>, vector<16xf32>,
        %mul3A_1845 = arith.mulf %get3A_1841, %get3A_1844 : vector<16xf32>
        %add3A_1846 = arith.addf %broadcast_in_dim3A_1834, %mul3A_1845 : vector<16xf32>
        %mul3A_1847 = arith.mulf %get3A_1841, %get3A_1841 : vector<16xf32>
        %add3A_1848 = arith.addf %broadcast_in_dim3A_1836, %mul3A_1847 : vector<16xf32>
        %mul3A_1849 = arith.mulf %get3A_1844, %get3A_1844 : vector<16xf32>
        %add3A_1850 = arith.addf %broadcast_in_dim3A_1838, %mul3A_1849 : vector<16xf32>
        %get3A_1851 = arith.index_cast %add3A_1832 : i32 to index
        %get3A_1852 = arith.constant 16 : index
        %get3A_1853 = tpu.vector_load %arg11[%get3A_1851, %get3A_1852] {strides = array<i32>} : memref<128x128xf32, #tpu.memory_space<vmem>>, vector<16xf32>,
        %get3A_1854 = arith.index_cast %add3A_1832 : i32 to index
        %get3A_1855 = arith.constant 16 : index
        %get3A_1856 = tpu.vector_load %arg12[%get3A_1854, %get3A_1855] {strides = array<i32>} : memref<128x128xf32, #tpu.memory_space<vmem>>, vector<16xf32>,
        %mul3A_1857 = arith.mulf %get3A_1853, %get3A_1856 : vector<16xf32>
        %add3A_1858 = arith.addf %add3A_1846, %mul3A_1857 : vector<16xf32>
        %mul3A_1859 = arith.mulf %get3A_1853, %get3A_1853 : vector<16xf32>
        %add3A_1860 = arith.addf %add3A_1848, %mul3A_1859 : vector<16xf32>
        %mul3A_1861 = arith.mulf %get3A_1856, %get3A_1856 : vector<16xf32>
        %add3A_1862 = arith.addf %add3A_1850, %mul3A_1861 : vector<16xf32>
        %get3A_1863 = arith.index_cast %add3A_1832 : i32 to index
        %get3A_1864 = arith.constant 32 : index
        %get3A_1865 = tpu.vector_load %arg11[%get3A_1863, %get3A_1864] {strides = array<i32>} : memref<128x128xf32, #tpu.memory_space<vmem>>, vector<16xf32>,
        %get3A_1866 = arith.index_cast %add3A_1832 : i32 to index
        %get3A_1867 = arith.constant 32 : index
        %get3A_1868 = tpu.vector_load %arg12[%get3A_1866, %get3A_1867] {strides = array<i32>} : memref<128x128xf32, #tpu.memory_space<vmem>>, vector<16xf32>,
        %mul3A_1869 = arith.mulf %get3A_1865, %get3A_1868 : vector<16xf32>
        %add3A_1870 = arith.addf %add3A_1858, %mul3A_1869 : vector<16xf32>
        %mul3A_1871 = arith.mulf %get3A_1865, %get3A_1865 : vector<16xf32>
        %add3A_1872 = arith.addf %add3A_1860, %mul3A_1871 : vector<16xf32>
        %mul3A_1873 = arith.mulf %get3A_1868, %get3A_1868 : vector<16xf32>
        %add3A_1874 = arith.addf %add3A_1862, %mul3A_1873 : vector<16xf32>
        %get3A_1875 = arith.index_cast %add3A_1832 : i32 to index
        %get3A_1876 = arith.constant 48 : index
        %get3A_1877 = tpu.vector_load %arg11[%get3A_1875, %get3A_1876] {strides = array<i32>} : memref<128x128xf32, #tpu.memory_space<vmem>>, vector<16xf32>,
        %get3A_1878 = arith.index_cast %add3A_1832 : i32 to index
        %get3A_1879 = arith.constant 48 : index
        %get3A_1880 = tpu.vector_load %arg12[%get3A_1878, %get3A_1879] {strides = array<i32>} : memref<128x128xf32, #tpu.memory_space<vmem>>, vector<16xf32>,
        %mul3A_1881 = arith.mulf %get3A_1877, %get3A_1880 : vector<16xf32>
        %add3A_1882 = arith.addf %add3A_1870, %mul3A_1881 : vector<16xf32>
        %mul3A_1883 = arith.mulf %get3A_1877, %get3A_1877 : vector<16xf32>
        %add3A_1884 = arith.addf %add3A_1872, %mul3A_1883 : vector<16xf32>
        %mul3A_1885 = arith.mulf %get3A_1880, %get3A_1880 : vector<16xf32>
        %add3A_1886 = arith.addf %add3A_1874, %mul3A_1885 : vector<16xf32>
        %get3A_1887 = arith.index_cast %add3A_1832 : i32 to index
        %get3A_1888 = arith.constant 64 : index
        %get3A_1889 = tpu.vector_load %arg11[%get3A_1887, %get3A_1888] {strides = array<i32>} : memref<128x128xf32, #tpu.memory_space<vmem>>, vector<16xf32>,
        %get3A_1890 = arith.index_cast %add3A_1832 : i32 to index
        %get3A_1891 = arith.constant 64 : index
        %get3A_1892 = tpu.vector_load %arg12[%get3A_1890, %get3A_1891] {strides = array<i32>} : memref<128x128xf32, #tpu.memory_space<vmem>>, vector<16xf32>,
        %mul3A_1893 = arith.mulf %get3A_1889, %get3A_1892 : vector<16xf32>
        %add3A_1894 = arith.addf %add3A_1882, %mul3A_1893 : vector<16xf32>
        %mul3A_1895 = arith.mulf %get3A_1889, %get3A_1889 : vector<16xf32>
        %add3A_1896 = arith.addf %add3A_1884, %mul3A_1895 : vector<16xf32>
        %mul3A_1897 = arith.mulf %get3A_1892, %get3A_1892 : vector<16xf32>
        %add3A_1898 = arith.addf %add3A_1886, %mul3A_1897 : vector<16xf32>
        %get3A_1899 = arith.index_cast %add3A_1832 : i32 to index
        %get3A_1900 = arith.constant 80 : index
        %get3A_1901 = tpu.vector_load %arg11[%get3A_1899, %get3A_1900] {strides = array<i32>} : memref<128x128xf32, #tpu.memory_space<vmem>>, vector<16xf32>,
        %get3A_1902 = arith.index_cast %add3A_1832 : i32 to index
        %get3A_1903 = arith.constant 80 : index
        %get3A_1904 = tpu.vector_load %arg12[%get3A_1902, %get3A_1903] {strides = array<i32>} : memref<128x128xf32, #tpu.memory_space<vmem>>, vector<16xf32>,
        %mul3A_1905 = arith.mulf %get3A_1901, %get3A_1904 : vector<16xf32>
        %add3A_1906 = arith.addf %add3A_1894, %mul3A_1905 : vector<16xf32>
        %mul3A_1907 = arith.mulf %get3A_1901, %get3A_1901 : vector<16xf32>
        %add3A_1908 = arith.addf %add3A_1896, %mul3A_1907 : vector<16xf32>
        %mul3A_1909 = arith.mulf %get3A_1904, %get3A_1904 : vector<16xf32>
        %add3A_1910 = arith.addf %add3A_1898, %mul3A_1909 : vector<16xf32>
        %get3A_1911 = arith.index_cast %add3A_1832 : i32 to index
        %get3A_1912 = arith.constant 96 : index
        %get3A_1913 = tpu.vector_load %arg11[%get3A_1911, %get3A_1912] {strides = array<i32>} : memref<128x128xf32, #tpu.memory_space<vmem>>, vector<16xf32>,
        %get3A_1914 = arith.index_cast %add3A_1832 : i32 to index
        %get3A_1915 = arith.constant 96 : index
        %get3A_1916 = tpu.vector_load %arg12[%get3A_1914, %get3A_1915] {strides = array<i32>} : memref<128x128xf32, #tpu.memory_space<vmem>>, vector<16xf32>,
        %mul3A_1917 = arith.mulf %get3A_1913, %get3A_1916 : vector<16xf32>
        %add3A_1918 = arith.addf %add3A_1906, %mul3A_1917 : vector<16xf32>
        %mul3A_1919 = arith.mulf %get3A_1913, %get3A_1913 : vector<16xf32>
        %add3A_1920 = arith.addf %add3A_1908, %mul3A_1919 : vector<16xf32>
        %mul3A_1921 = arith.mulf %get3A_1916, %get3A_1916 : vector<16xf32>
        %add3A_1922 = arith.addf %add3A_1910, %mul3A_1921 : vector<16xf32>
        %get3A_1923 = arith.index_cast %add3A_1832 : i32 to index
        %get3A_1924 = arith.constant 112 : index
        %get3A_1925 = tpu.vector_load %arg11[%get3A_1923, %get3A_1924] {strides = array<i32>} : memref<128x128xf32, #tpu.memory_space<vmem>>, vector<16xf32>,
        %get3A_1926 = arith.index_cast %add3A_1832 : i32 to index
        %get3A_1927 = arith.constant 112 : index
        %get3A_1928 = tpu.vector_load %arg12[%get3A_1926, %get3A_1927] {strides = array<i32>} : memref<128x128xf32, #tpu.memory_space<vmem>>, vector<16xf32>,
        %mul3A_1929 = arith.mulf %get3A_1925, %get3A_1928 : vector<16xf32>
        %add3A_1930 = arith.addf %add3A_1918, %mul3A_1929 : vector<16xf32>
        %mul3A_1931 = arith.mulf %get3A_1925, %get3A_1925 : vector<16xf32>
        %add3A_1932 = arith.addf %add3A_1920, %mul3A_1931 : vector<16xf32>
        %mul3A_1933 = arith.mulf %get3A_1928, %get3A_1928 : vector<16xf32>
        %add3A_1934 = arith.addf %add3A_1922, %mul3A_1933 : vector<16xf32>
        %eq3A_1935 = arith.constant 14 : i32
        %eq3A_1936 = vector.broadcast %eq3A_1935 : i32 to vector<16xi32>
        %eq3A_1937 = arith.cmpi eq, %iota3A, %eq3A_1936 : vector<16xi32>
        %reduce_sum3A_1938 = arith.constant true
        %reduce_sum3A_1939 = vector.broadcast %reduce_sum3A_1938 : i1 to vector<16xi1>
        %reduce_sum3A_1940 = tpu.scan <sum>, %add3A_1930 masked %reduce_sum3A_1939 : vector<16xf32>, vector<16xi1> -> vector<16xf32>
        %reduce_sum3A_1941 = vector.extract %reduce_sum3A_1940[15] : f32 from vector<16xf32>
        %broadcast_in_dim3A_1942 = vector.broadcast %reduce_sum3A_1941 : f32 to vector<16xf32>
        %select_n3A_1943 = arith.select %eq3A_1937, %broadcast_in_dim3A_1942, %select_n3A_1816 : vector<16xi1>, vector<16xf32>
        %reduce_sum3A_1944 = arith.constant true
        %reduce_sum3A_1945 = vector.broadcast %reduce_sum3A_1944 : i1 to vector<16xi1>
        %reduce_sum3A_1946 = tpu.scan <sum>, %add3A_1932 masked %reduce_sum3A_1945 : vector<16xf32>, vector<16xi1> -> vector<16xf32>
        %reduce_sum3A_1947 = vector.extract %reduce_sum3A_1946[15] : f32 from vector<16xf32>
        %broadcast_in_dim3A_1948 = vector.broadcast %reduce_sum3A_1947 : f32 to vector<16xf32>
        %select_n3A_1949 = arith.select %eq3A_1937, %broadcast_in_dim3A_1948, %select_n3A_1822 : vector<16xi1>, vector<16xf32>
        %reduce_sum3A_1950 = arith.constant true
        %reduce_sum3A_1951 = vector.broadcast %reduce_sum3A_1950 : i1 to vector<16xi1>
        %reduce_sum3A_1952 = tpu.scan <sum>, %add3A_1934 masked %reduce_sum3A_1951 : vector<16xf32>, vector<16xi1> -> vector<16xf32>
        %reduce_sum3A_1953 = vector.extract %reduce_sum3A_1952[15] : f32 from vector<16xf32>
        %broadcast_in_dim3A_1954 = vector.broadcast %reduce_sum3A_1953 : f32 to vector<16xf32>
        %select_n3A_1955 = arith.select %eq3A_1937, %broadcast_in_dim3A_1954, %select_n3A_1828 : vector<16xi1>, vector<16xf32>
        %mul3A_1956 = arith.constant 16 : i32
        %mul3A_1957 = arith.muli %scan3A_48, %mul3A_1956 : i32
        %add3A_1958 = arith.constant 15 : i32
        %add3A_1959 = arith.addi %mul3A_1957, %add3A_1958 : i32
        %broadcast_in_dim3A_1960 = arith.constant 0.000000e+00 : f32
        %broadcast_in_dim3A_1961 = vector.broadcast %broadcast_in_dim3A_1960 : f32 to vector<16xf32>
        %broadcast_in_dim3A_1962 = arith.constant 0.000000e+00 : f32
        %broadcast_in_dim3A_1963 = vector.broadcast %broadcast_in_dim3A_1962 : f32 to vector<16xf32>
        %broadcast_in_dim3A_1964 = arith.constant 0.000000e+00 : f32
        %broadcast_in_dim3A_1965 = vector.broadcast %broadcast_in_dim3A_1964 : f32 to vector<16xf32>
        %get3A_1966 = arith.index_cast %add3A_1959 : i32 to index
        %get3A_1967 = arith.constant 0 : index
        %get3A_1968 = tpu.vector_load %arg11[%get3A_1966, %get3A_1967] {strides = array<i32>} : memref<128x128xf32, #tpu.memory_space<vmem>>, vector<16xf32>,
        %get3A_1969 = arith.index_cast %add3A_1959 : i32 to index
        %get3A_1970 = arith.constant 0 : index
        %get3A_1971 = tpu.vector_load %arg12[%get3A_1969, %get3A_1970] {strides = array<i32>} : memref<128x128xf32, #tpu.memory_space<vmem>>, vector<16xf32>,
        %mul3A_1972 = arith.mulf %get3A_1968, %get3A_1971 : vector<16xf32>
        %add3A_1973 = arith.addf %broadcast_in_dim3A_1961, %mul3A_1972 : vector<16xf32>
        %mul3A_1974 = arith.mulf %get3A_1968, %get3A_1968 : vector<16xf32>
        %add3A_1975 = arith.addf %broadcast_in_dim3A_1963, %mul3A_1974 : vector<16xf32>
        %mul3A_1976 = arith.mulf %get3A_1971, %get3A_1971 : vector<16xf32>
        %add3A_1977 = arith.addf %broadcast_in_dim3A_1965, %mul3A_1976 : vector<16xf32>
        %get3A_1978 = arith.index_cast %add3A_1959 : i32 to index
        %get3A_1979 = arith.constant 16 : index
        %get3A_1980 = tpu.vector_load %arg11[%get3A_1978, %get3A_1979] {strides = array<i32>} : memref<128x128xf32, #tpu.memory_space<vmem>>, vector<16xf32>,
        %get3A_1981 = arith.index_cast %add3A_1959 : i32 to index
        %get3A_1982 = arith.constant 16 : index
        %get3A_1983 = tpu.vector_load %arg12[%get3A_1981, %get3A_1982] {strides = array<i32>} : memref<128x128xf32, #tpu.memory_space<vmem>>, vector<16xf32>,
        %mul3A_1984 = arith.mulf %get3A_1980, %get3A_1983 : vector<16xf32>
        %add3A_1985 = arith.addf %add3A_1973, %mul3A_1984 : vector<16xf32>
        %mul3A_1986 = arith.mulf %get3A_1980, %get3A_1980 : vector<16xf32>
        %add3A_1987 = arith.addf %add3A_1975, %mul3A_1986 : vector<16xf32>
        %mul3A_1988 = arith.mulf %get3A_1983, %get3A_1983 : vector<16xf32>
        %add3A_1989 = arith.addf %add3A_1977, %mul3A_1988 : vector<16xf32>
        %get3A_1990 = arith.index_cast %add3A_1959 : i32 to index
        %get3A_1991 = arith.constant 32 : index
        %get3A_1992 = tpu.vector_load %arg11[%get3A_1990, %get3A_1991] {strides = array<i32>} : memref<128x128xf32, #tpu.memory_space<vmem>>, vector<16xf32>,
        %get3A_1993 = arith.index_cast %add3A_1959 : i32 to index
        %get3A_1994 = arith.constant 32 : index
        %get3A_1995 = tpu.vector_load %arg12[%get3A_1993, %get3A_1994] {strides = array<i32>} : memref<128x128xf32, #tpu.memory_space<vmem>>, vector<16xf32>,
        %mul3A_1996 = arith.mulf %get3A_1992, %get3A_1995 : vector<16xf32>
        %add3A_1997 = arith.addf %add3A_1985, %mul3A_1996 : vector<16xf32>
        %mul3A_1998 = arith.mulf %get3A_1992, %get3A_1992 : vector<16xf32>
        %add3A_1999 = arith.addf %add3A_1987, %mul3A_1998 : vector<16xf32>
        %mul3A_2000 = arith.mulf %get3A_1995, %get3A_1995 : vector<16xf32>
        %add3A_2001 = arith.addf %add3A_1989, %mul3A_2000 : vector<16xf32>
        %get3A_2002 = arith.index_cast %add3A_1959 : i32 to index
        %get3A_2003 = arith.constant 48 : index
        %get3A_2004 = tpu.vector_load %arg11[%get3A_2002, %get3A_2003] {strides = array<i32>} : memref<128x128xf32, #tpu.memory_space<vmem>>, vector<16xf32>,
        %get3A_2005 = arith.index_cast %add3A_1959 : i32 to index
        %get3A_2006 = arith.constant 48 : index
        %get3A_2007 = tpu.vector_load %arg12[%get3A_2005, %get3A_2006] {strides = array<i32>} : memref<128x128xf32, #tpu.memory_space<vmem>>, vector<16xf32>,
        %mul3A_2008 = arith.mulf %get3A_2004, %get3A_2007 : vector<16xf32>
        %add3A_2009 = arith.addf %add3A_1997, %mul3A_2008 : vector<16xf32>
        %mul3A_2010 = arith.mulf %get3A_2004, %get3A_2004 : vector<16xf32>
        %add3A_2011 = arith.addf %add3A_1999, %mul3A_2010 : vector<16xf32>
        %mul3A_2012 = arith.mulf %get3A_2007, %get3A_2007 : vector<16xf32>
        %add3A_2013 = arith.addf %add3A_2001, %mul3A_2012 : vector<16xf32>
        %get3A_2014 = arith.index_cast %add3A_1959 : i32 to index
        %get3A_2015 = arith.constant 64 : index
        %get3A_2016 = tpu.vector_load %arg11[%get3A_2014, %get3A_2015] {strides = array<i32>} : memref<128x128xf32, #tpu.memory_space<vmem>>, vector<16xf32>,
        %get3A_2017 = arith.index_cast %add3A_1959 : i32 to index
        %get3A_2018 = arith.constant 64 : index
        %get3A_2019 = tpu.vector_load %arg12[%get3A_2017, %get3A_2018] {strides = array<i32>} : memref<128x128xf32, #tpu.memory_space<vmem>>, vector<16xf32>,
        %mul3A_2020 = arith.mulf %get3A_2016, %get3A_2019 : vector<16xf32>
        %add3A_2021 = arith.addf %add3A_2009, %mul3A_2020 : vector<16xf32>
        %mul3A_2022 = arith.mulf %get3A_2016, %get3A_2016 : vector<16xf32>
        %add3A_2023 = arith.addf %add3A_2011, %mul3A_2022 : vector<16xf32>
        %mul3A_2024 = arith.mulf %get3A_2019, %get3A_2019 : vector<16xf32>
        %add3A_2025 = arith.addf %add3A_2013, %mul3A_2024 : vector<16xf32>
        %get3A_2026 = arith.index_cast %add3A_1959 : i32 to index
        %get3A_2027 = arith.constant 80 : index
        %get3A_2028 = tpu.vector_load %arg11[%get3A_2026, %get3A_2027] {strides = array<i32>} : memref<128x128xf32, #tpu.memory_space<vmem>>, vector<16xf32>,
        %get3A_2029 = arith.index_cast %add3A_1959 : i32 to index
        %get3A_2030 = arith.constant 80 : index
        %get3A_2031 = tpu.vector_load %arg12[%get3A_2029, %get3A_2030] {strides = array<i32>} : memref<128x128xf32, #tpu.memory_space<vmem>>, vector<16xf32>,
        %mul3A_2032 = arith.mulf %get3A_2028, %get3A_2031 : vector<16xf32>
        %add3A_2033 = arith.addf %add3A_2021, %mul3A_2032 : vector<16xf32>
        %mul3A_2034 = arith.mulf %get3A_2028, %get3A_2028 : vector<16xf32>
        %add3A_2035 = arith.addf %add3A_2023, %mul3A_2034 : vector<16xf32>
        %mul3A_2036 = arith.mulf %get3A_2031, %get3A_2031 : vector<16xf32>
        %add3A_2037 = arith.addf %add3A_2025, %mul3A_2036 : vector<16xf32>
        %get3A_2038 = arith.index_cast %add3A_1959 : i32 to index
        %get3A_2039 = arith.constant 96 : index
        %get3A_2040 = tpu.vector_load %arg11[%get3A_2038, %get3A_2039] {strides = array<i32>} : memref<128x128xf32, #tpu.memory_space<vmem>>, vector<16xf32>,
        %get3A_2041 = arith.index_cast %add3A_1959 : i32 to index
        %get3A_2042 = arith.constant 96 : index
        %get3A_2043 = tpu.vector_load %arg12[%get3A_2041, %get3A_2042] {strides = array<i32>} : memref<128x128xf32, #tpu.memory_space<vmem>>, vector<16xf32>,
        %mul3A_2044 = arith.mulf %get3A_2040, %get3A_2043 : vector<16xf32>
        %add3A_2045 = arith.addf %add3A_2033, %mul3A_2044 : vector<16xf32>
        %mul3A_2046 = arith.mulf %get3A_2040, %get3A_2040 : vector<16xf32>
        %add3A_2047 = arith.addf %add3A_2035, %mul3A_2046 : vector<16xf32>
        %mul3A_2048 = arith.mulf %get3A_2043, %get3A_2043 : vector<16xf32>
        %add3A_2049 = arith.addf %add3A_2037, %mul3A_2048 : vector<16xf32>
        %get3A_2050 = arith.index_cast %add3A_1959 : i32 to index
        %get3A_2051 = arith.constant 112 : index
        %get3A_2052 = tpu.vector_load %arg11[%get3A_2050, %get3A_2051] {strides = array<i32>} : memref<128x128xf32, #tpu.memory_space<vmem>>, vector<16xf32>,
        %get3A_2053 = arith.index_cast %add3A_1959 : i32 to index
        %get3A_2054 = arith.constant 112 : index
        %get3A_2055 = tpu.vector_load %arg12[%get3A_2053, %get3A_2054] {strides = array<i32>} : memref<128x128xf32, #tpu.memory_space<vmem>>, vector<16xf32>,
        %mul3A_2056 = arith.mulf %get3A_2052, %get3A_2055 : vector<16xf32>
        %add3A_2057 = arith.addf %add3A_2045, %mul3A_2056 : vector<16xf32>
        %mul3A_2058 = arith.mulf %get3A_2052, %get3A_2052 : vector<16xf32>
        %add3A_2059 = arith.addf %add3A_2047, %mul3A_2058 : vector<16xf32>
        %mul3A_2060 = arith.mulf %get3A_2055, %get3A_2055 : vector<16xf32>
        %add3A_2061 = arith.addf %add3A_2049, %mul3A_2060 : vector<16xf32>
        %eq3A_2062 = arith.constant 15 : i32
        %eq3A_2063 = vector.broadcast %eq3A_2062 : i32 to vector<16xi32>
        %eq3A_2064 = arith.cmpi eq, %iota3A, %eq3A_2063 : vector<16xi32>
        %reduce_sum3A_2065 = arith.constant true
        %reduce_sum3A_2066 = vector.broadcast %reduce_sum3A_2065 : i1 to vector<16xi1>
        %reduce_sum3A_2067 = tpu.scan <sum>, %add3A_2057 masked %reduce_sum3A_2066 : vector<16xf32>, vector<16xi1> -> vector<16xf32>
        %reduce_sum3A_2068 = vector.extract %reduce_sum3A_2067[15] : f32 from vector<16xf32>
        %broadcast_in_dim3A_2069 = vector.broadcast %reduce_sum3A_2068 : f32 to vector<16xf32>
        %select_n3A_2070 = arith.select %eq3A_2064, %broadcast_in_dim3A_2069, %select_n3A_1943 : vector<16xi1>, vector<16xf32>
        %reduce_sum3A_2071 = arith.constant true
        %reduce_sum3A_2072 = vector.broadcast %reduce_sum3A_2071 : i1 to vector<16xi1>
        %reduce_sum3A_2073 = tpu.scan <sum>, %add3A_2059 masked %reduce_sum3A_2072 : vector<16xf32>, vector<16xi1> -> vector<16xf32>
        %reduce_sum3A_2074 = vector.extract %reduce_sum3A_2073[15] : f32 from vector<16xf32>
        %broadcast_in_dim3A_2075 = vector.broadcast %reduce_sum3A_2074 : f32 to vector<16xf32>
        %select_n3A_2076 = arith.select %eq3A_2064, %broadcast_in_dim3A_2075, %select_n3A_1949 : vector<16xi1>, vector<16xf32>
        %reduce_sum3A_2077 = arith.constant true
        %reduce_sum3A_2078 = vector.broadcast %reduce_sum3A_2077 : i1 to vector<16xi1>
        %reduce_sum3A_2079 = tpu.scan <sum>, %add3A_2061 masked %reduce_sum3A_2078 : vector<16xf32>, vector<16xi1> -> vector<16xf32>
        %reduce_sum3A_2080 = vector.extract %reduce_sum3A_2079[15] : f32 from vector<16xf32>
        %broadcast_in_dim3A_2081 = vector.broadcast %reduce_sum3A_2080 : f32 to vector<16xf32>
        %select_n3A_2082 = arith.select %eq3A_2064, %broadcast_in_dim3A_2081, %select_n3A_1955 : vector<16xi1>, vector<16xf32>
        %mul3A_2083 = arith.mulf %select_n3A_2076, %select_n3A_2082 : vector<16xf32>
        %lt3A = arith.constant 9.99999996E-13 : f32
        %lt3A_2084 = vector.broadcast %lt3A : f32 to vector<16xf32>
        %lt3A_2085 = arith.cmpf olt, %mul3A_2083, %lt3A_2084 : vector<16xf32>
        %mul3A_2086 = arith.constant 1.000000e+06 : f32
        %mul3A_2087 = vector.broadcast %mul3A_2086 : f32 to vector<16xf32>
        %mul3A_2088 = arith.mulf %select_n3A_2070, %mul3A_2087 : vector<16xf32>
        %bitcast_convert_type3A = tpu.bitcast %mul3A_2083 : vector<16xf32> -> vector<16xi32>
        %broadcast_in_dim3A_2089 = arith.constant 1 : i32
        %broadcast_in_dim3A_2090 = vector.broadcast %broadcast_in_dim3A_2089 : i32 to vector<16xi32>
        %shift_right_arithmetic3A = arith.shrsi %bitcast_convert_type3A, %broadcast_in_dim3A_2090 : vector<16xi32>
        %sub3A = arith.constant 1597463007 : i32
        %sub3A_2091 = vector.broadcast %sub3A : i32 to vector<16xi32>
        %sub3A_2092 = arith.subi %sub3A_2091, %shift_right_arithmetic3A : vector<16xi32>
        %bitcast_convert_type3A_2093 = tpu.bitcast %sub3A_2092 : vector<16xi32> -> vector<16xf32>
        %mul3A_2094 = arith.constant 5.000000e-01 : f32
        %mul3A_2095 = vector.broadcast %mul3A_2094 : f32 to vector<16xf32>
        %mul3A_2096 = arith.mulf %mul3A_2095, %mul3A_2083 : vector<16xf32>
        %mul3A_2097 = arith.mulf %mul3A_2096, %bitcast_convert_type3A_2093 : vector<16xf32>
        %mul3A_2098 = arith.mulf %mul3A_2097, %bitcast_convert_type3A_2093 : vector<16xf32>
        %sub3A_2099 = arith.constant 1.500000e+00 : f32
        %sub3A_2100 = vector.broadcast %sub3A_2099 : f32 to vector<16xf32>
        %sub3A_2101 = arith.subf %sub3A_2100, %mul3A_2098 : vector<16xf32>
        %mul3A_2102 = arith.mulf %bitcast_convert_type3A_2093, %sub3A_2101 : vector<16xf32>
        %mul3A_2103 = arith.constant 5.000000e-01 : f32
        %mul3A_2104 = vector.broadcast %mul3A_2103 : f32 to vector<16xf32>
        %mul3A_2105 = arith.mulf %mul3A_2104, %mul3A_2083 : vector<16xf32>
        %mul3A_2106 = arith.mulf %mul3A_2105, %mul3A_2102 : vector<16xf32>
        %mul3A_2107 = arith.mulf %mul3A_2106, %mul3A_2102 : vector<16xf32>
        %sub3A_2108 = arith.constant 1.500000e+00 : f32
        %sub3A_2109 = vector.broadcast %sub3A_2108 : f32 to vector<16xf32>
        %sub3A_2110 = arith.subf %sub3A_2109, %mul3A_2107 : vector<16xf32>
        %mul3A_2111 = arith.mulf %mul3A_2102, %sub3A_2110 : vector<16xf32>
        %mul3A_2112 = arith.constant 5.000000e-01 : f32
        %mul3A_2113 = vector.broadcast %mul3A_2112 : f32 to vector<16xf32>
        %mul3A_2114 = arith.mulf %mul3A_2113, %mul3A_2083 : vector<16xf32>
        %mul3A_2115 = arith.mulf %mul3A_2114, %mul3A_2111 : vector<16xf32>
        %mul3A_2116 = arith.mulf %mul3A_2115, %mul3A_2111 : vector<16xf32>
        %sub3A_2117 = arith.constant 1.500000e+00 : f32
        %sub3A_2118 = vector.broadcast %sub3A_2117 : f32 to vector<16xf32>
        %sub3A_2119 = arith.subf %sub3A_2118, %mul3A_2116 : vector<16xf32>
        %mul3A_2120 = arith.mulf %mul3A_2111, %sub3A_2119 : vector<16xf32>
        %mul3A_2121 = arith.constant 5.000000e-01 : f32
        %mul3A_2122 = vector.broadcast %mul3A_2121 : f32 to vector<16xf32>
        %mul3A_2123 = arith.mulf %mul3A_2122, %mul3A_2083 : vector<16xf32>
        %mul3A_2124 = arith.mulf %mul3A_2123, %mul3A_2120 : vector<16xf32>
        %mul3A_2125 = arith.mulf %mul3A_2124, %mul3A_2120 : vector<16xf32>
        %sub3A_2126 = arith.constant 1.500000e+00 : f32
        %sub3A_2127 = vector.broadcast %sub3A_2126 : f32 to vector<16xf32>
        %sub3A_2128 = arith.subf %sub3A_2127, %mul3A_2125 : vector<16xf32>
        %mul3A_2129 = arith.mulf %mul3A_2120, %sub3A_2128 : vector<16xf32>
        %mul3A_2130 = arith.mulf %select_n3A_2070, %mul3A_2129 : vector<16xf32>
        %select_n3A_2131 = arith.select %lt3A_2085, %mul3A_2088, %mul3A_2130 : vector<16xi1>, vector<16xf32>
        %mul3A_2132 = arith.constant 16 : i32
        %mul3A_2133 = arith.muli %scan3A_48, %mul3A_2132 : i32
        %swap3A = arith.index_cast %scan3A_16 : i32 to index
        %swap3A_2134 = arith.index_cast %mul3A_2133 : i32 to index
        %swap3A_2135 = tpu.vector_load %arg13[%swap3A, %swap3A_2134] {strides = array<i32>} : memref<80x128xf32, #tpu.memory_space<vmem>>, vector<16xf32>,
        tpu.vector_store %arg13[%swap3A, %swap3A_2134], %select_n3A_2131 {strides = array<i32>} : memref<80x128xf32, #tpu.memory_space<vmem>>, vector<16xf32>,
        %scan3A_2136 = arith.constant 0 : i32
        scf.yield %scan3A_2136 : i32
      }
      %scan3A_46 = arith.constant 8 : i32
      %scan3A_47 = arith.constant 0 : i32
      scf.yield %scan3A_47 : i32
    }
    %scan3A_15 = arith.constant 80 : i32
    "tpu.region"() ({
      %run_scoped3A = tpu.sem_alloc : memref<!tpu.dma_semaphore, #tpu.memory_space<semaphore_mem>>
      %dma_start3A = arith.constant 0 : i32
      %dma_start3A_16 = tpu.memref_slice %arg8[%mul3A_2, %dma_start3A] : memref<2560x128xf32, #tpu.memory_space<hbm>> -> memref<80x128xf32, #tpu.memory_space<hbm>>
      %dma_start3A_17 = arith.constant 0 : i32
      %dma_start3A_18 = tpu.memref_slice %arg8[%mul3A_2, %dma_start3A_17] : memref<2560x128xf32, #tpu.memory_space<hbm>> -> memref<80x128xf32, #tpu.memory_space<hbm>>
      tpu.enqueue_dma source(%arg13 : memref<80x128xf32, #tpu.memory_space<vmem>>) target(%dma_start3A_18 : memref<80x128xf32, #tpu.memory_space<hbm>>) target_semaphore(%run_scoped3A : memref<!tpu.dma_semaphore, #tpu.memory_space<semaphore_mem>>)
      %dma_wait3A = arith.constant 0 : i32
      %dma_wait3A_19 = tpu.memref_slice %arg8[%mul3A_2, %dma_wait3A] : memref<2560x128xf32, #tpu.memory_space<hbm>> -> memref<80x128xf32, #tpu.memory_space<hbm>>
      %dma_wait3A_20 = arith.constant 0 : i32
      %dma_wait3A_21 = tpu.memref_slice %arg8[%mul3A_2, %dma_wait3A_20] : memref<2560x128xf32, #tpu.memory_space<hbm>> -> memref<80x128xf32, #tpu.memory_space<hbm>>
      tpu.wait_dma2 semaphore(%run_scoped3A : memref<!tpu.dma_semaphore, #tpu.memory_space<semaphore_mem>>) src(%arg13 : memref<80x128xf32, #tpu.memory_space<vmem>>) dst(%dma_wait3A_21 : memref<80x128xf32, #tpu.memory_space<hbm>>)
      tpu.yield
    }) : () -> ()
    return
  }
}

</mosaic_0001>

<sc_bundles>
// kernel: kernel.3.cloned.1.call-start
scs
__scs_entry_jumppad:
0x0: {  	(pc) =	sbr.rel $0x88, $3  }
0x1: {  	(tag) =	ssettag $0x0;
	lr =	simm.s32 $0x1  }
0x2: {  	[smem:$0x3F9E] =	sst lr;
	_ =	strace $0xD0000000  }
0x3: {  	_ = 	snop  }
0x4: {  	_ = 	snop  }
0x5: {  	_ = 	snop  }
0x6: {  	_ = 	snop  }
0x7: {  	_ = 	snop  }
__scs_overlays_trampoline_lowered:
0x8: {  	[smem:$0x3FAD] =	sst s0  }
0x9: {  	[smem:$0x3FAE] =	sst s1  }
0xa: {  	[smem:$0x3FAF] =	sst s2  }
0xb: {  	[smem:$0x3FB0] =	sst s3  }
0xc: {  	[smem:$0x3FB1] =	sst s4  }
0xd: {  	[smem:$0x3FB2] =	sst s5  }
0xe: {  	[smem:$0x3FB3] =	sst s6  }
0xf: {  	[smem:$0x3FB4] =	sst s7  }
0x10: {  	[smem:$0x3FB5] =	sst s8  }
0x11: {  	[smem:$0x3FB6] =	sst s9;
	s0 =	simm.s32 @!p0 $0x0  }
0x12: {  	s1 =	sld [smem:$0x3F9C];
	s0 =	simm.s32 @p0 $0x1  }
0x13: {  	[smem:$0x3FB7] =	sst s0;
	s0 =	simm.s32 @!p1 $0x0  }
0x14: {  	s2 =	sld [smem:$0x3F9B];
	s0 =	simm.s32 @p1 $0x1  }
0x15: {  	[smem:$0x3FB8] =	sst s0;
	s0 =	simm.s32 @!p2 $0x0  }
0x16: {  	s3 =	sld [smem:$0x3FDB];
	s0 =	simm.s32 @p2 $0x1  }
0x17: {  	s4 =	simm.s32 $0x1BF5;
	[smem:$0x3FBA] =	sst s0  }
0x18: {  	s0 =	sld [smem:$0x3F9D];
	_ =	swait.ge [sflag:s4], $0x0  }
0x19: {  	s7 =	sld [smem:$0x3F9E]  }
0x1a: {  	s8 =	sadd.s32 $0xFFFFE003, lr  }
0x1b: {  	s9 =	sadd.s32 $0xFFFFFEF7, lr;
	s5 =	simm.s32 $0xFFFFFFFF;
	p2 =	slt.u32 s8, $0xFFFFF086  }
0x1c: {  	p1 =	slt.u32 s9, $0xF7A;
	s5 =	simm.s32 @!p2 $0x0  }
0x1d: {  	s5 =	simm.s32 @p1 $0x1;
	p0 =	seq.s32 s7, s2  }
0x1e: {  	s7 =	smul.u32 @!p0 $0xF7A, s2;
	p2 =	seq.s32 @!p0 s5, $0x0  }
0x1f: {  	s9 =	smul.u32 $0xF7A, s1;
	s8 =	simm.s32 @!p0 $0x1BF5;
	p2 =	por !p2, p0  }
0x20: {  	[sflag:s8] =	ssyncset.s32 @!p0 $0xFFFFF086;
	s6 =	sadd.s32 @!p0 s3, s7;
	s7 =	simm.s32 @!p0 $0x108  }
0x21: {  	s3 =	sadd.s32 s3, s9;
	s6 =	sadd.s32 @!p0 $0x88, s6;
	s7 =	simm.s32 @p2 $0x1082  }
0x22: {  	[simem:s7], [sflag:s8] =	dma.local @!p0 [hbm:s6], $0xF7A  }
0x23: {  	s9 =	sor.u32 $0xD0000000, s2;
	s6 =	simm.s32 $0x108;
	_ =	swait.ge @!p0 [sflag:s8], $0x0  }
0x24: {  	s3 =	sadd.s32 $0x88, s3;
	s6 =	simm.s32 @!p1 $0x1082;
	[sflag:s4] =	ssyncset.s32 $0xFFFFF086  }
0x25: {  	[simem:s6], [sflag:s4] =	dma.local [hbm:s3], $0xF7A  }
0x26: {  	[smem:$0x3F9E] =	sst s1;
	(tag) =	ssettag s2;
	_ =	strace s9  }
0x27: {  	s1 =	sld [smem:$0x3FAE]  }
0x28: {  	s2 =	sld [smem:$0x3FAF]  }
0x29: {  	s4 =	sld [smem:$0x3FB1]  }
0x2a: {  	p0 =	seq.s32 s5, $0x0;
	s5 =	sld [smem:$0x3FB2]  }
0x2b: {  	s6 =	sld [smem:$0x3FB3]  }
0x2c: {  	s7 =	sld [smem:$0x3FB4]  }
0x2d: {  	s3 =	simm.s32 $0x108;
	s8 =	sld [smem:$0x3FB5]  }
0x2e: {  	s3 =	simm.s32 @!p0 $0x1082;
	s9 =	sld [smem:$0x3FB6]  }
0x2f: {  	lr =	sadd.s32 s0, s3;
	s0 =	sld [smem:$0x3FAD]  }
0x30: {  	s3 =	sld [smem:$0x3FB0]  }
0x31: {  	[smem:$0x3FB9] =	sst s10  }
0x32: {  	s10 =	sld [smem:$0x3FB7];
	_ =	sdelay $0x3  }
0x33: {  	p0 =	seq.s32 s10, $0x1;
	s10 =	sld [smem:$0x3FB9];
	_ =	sdelay $0x3  }
0x34: {  	[smem:$0x3FB9] =	sst s10  }
0x35: {  	s10 =	sld [smem:$0x3FB8];
	_ =	sdelay $0x3  }
0x36: {  	p1 =	seq.s32 s10, $0x1;
	s10 =	sld [smem:$0x3FB9];
	_ =	sdelay $0x3  }
0x37: {  	[smem:$0x3FB9] =	sst s10  }
0x38: {  	s10 =	sld [smem:$0x3FBA]  }
0x39: {  	_ = 	snop;
	(pc) =	sbr.ind lr, $3  }
0x3a: {  	_ = 	snop  }
0x3b: {  	_ = 	snop  }
0x3c: {  	p2 =	seq.s32 s10, $0x1;
	s10 =	sld [smem:$0x3FB9]  }
0x3d: {  	_ =	shalt  }
0x3e: {  	_ =	shalt  }
0x3f: {  	_ =	shalt  }
0x40: {  	_ =	shalt  }
0x41: {  	_ =	shalt  }
0x42: {  	_ =	shalt  }
0x43: {  	_ =	shalt  }
0x44: {  	_ =	shalt  }
0x45: {  	_ =	shalt  }
0x46: {  	_ =	shalt  }
0x47: {  	_ =	shalt  }
0x48: {  	_ =	shalt  }
0x49: {  	_ =	shalt  }
0x4a: {  	_ =	shalt  }
0x4b: {  	_ =	shalt  }
0x4c: {  	_ =	shalt  }
0x4d: {  	_ =	shalt  }
0x4e: {  	_ =	shalt  }
0x4f: {  	_ =	shalt  }
0x50: {  	_ =	shalt  }
0x51: {  	_ =	shalt  }
0x52: {  	_ =	shalt  }
0x53: {  	_ =	shalt  }
0x54: {  	_ =	shalt  }
0x55: {  	_ =	shalt  }
0x56: {  	_ =	shalt  }
0x57: {  	_ =	shalt  }
0x58: {  	_ =	shalt  }
0x59: {  	_ =	shalt  }
0x5a: {  	_ =	shalt  }
0x5b: {  	_ =	shalt  }
0x5c: {  	_ =	shalt  }
0x5d: {  	_ =	shalt  }
0x5e: {  	_ =	shalt  }
0x5f: {  	_ =	shalt  }
0x60: {  	_ =	shalt  }
0x61: {  	_ =	shalt  }
0x62: {  	_ =	shalt  }
0x63: {  	_ =	shalt  }
0x64: {  	_ =	shalt  }
0x65: {  	_ =	shalt  }
0x66: {  	_ =	shalt  }
0x67: {  	_ =	shalt  }
0x68: {  	_ =	shalt  }
0x69: {  	_ =	shalt  }
0x6a: {  	_ =	shalt  }
0x6b: {  	_ =	shalt  }
0x6c: {  	_ =	shalt  }
0x6d: {  	_ =	shalt  }
0x6e: {  	_ =	shalt  }
0x6f: {  	_ =	shalt  }
0x70: {  	_ =	shalt  }
0x71: {  	_ =	shalt  }
0x72: {  	_ =	shalt  }
0x73: {  	_ =	shalt  }
0x74: {  	_ =	shalt  }
0x75: {  	_ =	shalt  }
0x76: {  	_ =	shalt  }
0x77: {  	_ =	shalt  }
0x78: {  	_ =	shalt  }
0x79: {  	_ =	shalt  }
0x7a: {  	_ =	shalt  }
0x7b: {  	_ =	shalt  }
0x7c: {  	_ =	shalt  }
0x7d: {  	_ =	shalt  }
0x7e: {  	_ =	shalt  }
0x7f: {  	_ =	shalt  }
0x80: {  	_ =	shalt  }
0x81: {  	_ =	shalt  }
0x82: {  	_ =	shalt  }
0x83: {  	_ =	shalt  }
0x84: {  	_ =	shalt  }
0x85: {  	_ =	shalt  }
0x86: {  	_ =	shalt  }
0x87: {  	_ =	shalt  }
.Lfunc_end0:
.L_simem_size_0:
called_computation_lowered:
.L_overlay_start_0:
0x88: {  	s2 =	sld [smem:$0x3FD9]  }
0x89: {  	s3 =	sld [smem:$0x3FFE];
	_ =	sdelay $0x1  }
0x8a: {  	s1 =	srdreg.scid  }
0x8b: {  	s0 =	sand.u32 $0x1, s1  }
0x8c: {  	s17 =	sshll.u32 s0, $0xA;
	s2 =	sadd.s32 s3, s2  }
0x8d: {  	s2 =	sadd.s32 s2, s17  }
0x8e: {  	[smem:$0x3FC5] =	sst s2  }
0x8f: {  	_ = 	snop  }
0x90: {  	s2 =	sld [smem:$0x3FC9];
	(tm) =	ssettm $0x1  }
0x91: {  	s18 =	sld [smem:$0x3FFB];
	_ =	sdelay $0x3  }
0x92: {  	_ =	strace s18  }
0x93: {  	s3 =	sld [smem:$0x3FFC];
	_ =	sdelay $0x3  }
0x94: {  	_ =	strace s3  }
0x95: {  	s3 =	sld [smem:$0x3FFD];
	_ =	sdelay $0x3  }
0x96: {  	_ =	strace s3  }
0x97: {  	_ =	strace $0x8FFFFFFF  }
0x98: {  	s19 =	sld [smem:$0x3FDB];
	_ =	sdelay $0x1  }
0x99: {  	s4 =	simm.s32 $_scs_section_size  }
0x9a: {  	s5 =	simm.s32 $_size__tile_overlayer_lowered;
	s6 =	simm.s32 $_tile_overlayer_lowered  }
0x9b: {  	s22 =	simm.s32 $0x1BFF;
	s21 =	sshll.u32 s6, $0x1;
	s3 =	sadd.s32 s4, s19  }
0x9c: {  	s7 =	simm.s32 $0x0;
	s20 =	sshll.u32 s5, $0x1;
	s5 =	sadd.s32 s21, s3  }
0x9d: {  	[timem:s7], [sflag:s22] =	dma.local [hbm:s5], s20  }
0x9e: {  	_ =	swait.ge [sflag:s22], s20  }
0x9f: {  	s4 =	ssub.s32 $0x0, s20;
	[sflag:s22] =	ssyncset.done $0x0  }
0xa0: {  	[sflag:s22] =	ssyncadd.s32 s4;
	_ =	sdelay $0x1  }
0xa1: {  	s23 =	simm.s32 $0x1B8B  }
0xa2: {  	_ =	swait.ge [sflag:s23], $0x1  }
0xa3: {  	[sflag:s23] =	ssyncset.done $0x0  }
0xa4: {  	s25 =	simm.s32 $0x1B8E;
	s24 =	sld [smem:$0x3FFE];
	[sflag:s23] =	ssyncadd.s32 $0xFFFFFFFF  }
0xa5: {  	s26 =	simm.s32 $execute0_lowered;
	[smem:$0x3FD2] =	sst s25  }
0xa6: {  	s5 =	sshll.u32 s26, $0x1;
	_ =	strace $0x80000046;
	[dreg:$0x1] =	wrdreg $0xFFFFFFFF  }
0xa7: {  	s28 =	simm.s32 $_size_execute0_lowered;
	s3 =	sadd.s32 s3, s5;
	[dreg:$0x0] =	wrdreg $0x0  }
0xa8: {  	s5 =	sshll.u32 s28, $0x1;
	[dreg:$0x2] =	wrdreg s3  }
0xa9: {  	[dreg:$0x3] =	wrdreg s5  }
0xaa: {  	[dreg:$0x4] =	wrdreg $0xC0  }
0xab: {  	_ =	task [dreg:s7], $0x5FFFF  }
0xac: {  	[dreg:$0x1] =	wrdreg $0xFFFFFFFF  }
0xad: {  	[dreg:$0x0] =	wrdreg $0x60  }
0xae: {  	[dreg:$0x2] =	wrdreg s2  }
0xaf: {  	[dreg:$0x3] =	wrdreg s24  }
0xb0: {  	[dreg:$0x4] =	wrdreg $0x9  }
0xb1: {  	_ =	task.clear_ibuf [dreg:s7], $0x5FFFF;
	_ =	strace $0x90000046  }
0xb2: {  	s29 =	simm.s32 $0x9;
	_ =	strace $0x80000048  }
0xb3: {  	_ =	swait.ge [sflag:s29], $0x1  }
0xb4: {  	[sflag:s29] =	ssyncadd.s32 $0xFFFFFFFF  }
0xb5: {  	_ =	strace $0x90000048  }
0xb6: {  	_ =	sfence  }
0xb7: {  	s30 =	sld [smem:$0x0];
	_ =	sdelay $0x2  }
0xb8: {  	s31 =	sshll.u32 s1, $0xD;
	s1 =	sshrl.u32 s1, $0x2  }
0xb9: {  	s3 =	sand.u32 $0x4000, s31;
	s1 =	sadd.s32 s1, s30  }
0xba: {  	s0 =	sor.u32 s3, s0;
	s1 =	sshll.u32 s1, $0x11  }
0xbb: {  	s0 =	sor.u32 s1, s0  }
0xbc: {  	s0 =	sadd.s32 $0x8F2B, s0  }
0xbd: {  	[sflag:s0] =	ssyncadd.remote.s32 $0x1  }
0xbe: {  	_ =	sfence.sel $0xFFFF  }
0xbf: {  	[dreg:$0x0] =	wrdreg $0xFFFFFFFF;
	(pc) =	sbr.abs _section_cstart, $3  }
0xc0: {  	[dreg:$0x1] =	wrdreg $0xFFFFFFFF  }
0xc1: {  	_ =	task.clear_ibuf [dreg:s7], $0x2FFFF;
	_ =	strace $0x9FFFFFFF  }
0xc2: {  	(tm) =	ssettm $0x7FFFFFFF  }
0xc3: {  	_ =	shalt  }
tec
execute0_lowered:
.L_overlay_start_1:
0x0: {  	(tag) =	ssettag $0x1  }
0x1: {  	s2 =	rddreg [dreg:$0x0];
	s1 =	srdreg.scid  }
0x2: {  	s0 =	stileid.u32;
	s4 =	rddreg [dreg:$0x1]  }
0x3: {  	s11 =	simm.s32 $0x3;
	s12 =	simm.s32 $0x2800;
	s13 =	simm.s32 $0x80  }
0x4: {  	s14 =	simm.s32 $0x5000;
	s15 =	simm.s32 $0x9000;
	s16 =	simm.s32 $0x1  }
0x5: {  	s17 =	simm.s32 $0x2;
	s5 =	sand.u32 $0x1, s1;
	s3 =	sshll.u32 s0, $0x1  }
0x6: {  	s18 =	simm.s32 $0xD000;
	s1 =	rddreg [dreg:$0x2];
	s6 =	sor.u32 s5, s3  }
0x7: {  	vm0 =	vmmov $0x1;
	vm1 =	vmmov $0x3;
	vm2 =	vmmov $0x7;
	s3 =	simm.s32 $0x0;
	s5 =	ssub.s32 $0x2, s5;
	s6 =	smul.u32 $0x500, s6  }
0x8: {  	vm3 =	vmmov $0xf;
	vm4 =	vmmov $0x1f;
	vm5 =	vmmov $0x3f;
	s19 =	simm.s32 $0x0;
	[smem:$0x7FF] =	sst s3;
	s7 =	sshrl.u32 s5, $0x1  }
0x9: {  	vm6 =	vmmov $0x7f;
	vm7 =	vmmov $0xff;
	vm8 =	vmmov $0x1ff;
	_ =	strace $0x80000047;
	s10 =	ssub.s32 s5, s7;
	s4 =	sadd.s32 s4, s6  }
0xa: {  	vm9 =	vmmov $0x3ff;
	vm10 =	vmmov $0x7ff;
	vm11 =	vmmov $0xfff;
	s10 =	smax.u32 s10, $0x1;
	s5 =	sadd.s32 $0xA000, s4;
	s6 =	sadd.s32 $0x28000, s4  }
0xb: {  	vm12 =	vmmov $0x1fff;
	vm13 =	vmmov $0x3fff;
	vm14 =	vmmov $0x7fff;
	s7 =	sadd.s32 $0x1E000, s4;
	s8 =	sadd.s32 $0x14000, s4;
	s9 =	sadd.s32 $0x32000, s4  }
.LBB2_1:
0xc: {  	[tilespmem:s3], [sflag:$0x3] =	stream.linear.gather [hbm4b:s5+s3], $0x2800, $0x38;
	[tilespmem:$0xF800] =	vst v63  }
0xd: {  	_ =	swait.ge [sflag:s11], $0x2800  }
0xe: {  	[sflag:s11] =	ssyncset.done $0x0  }
0xf: {  	[sflag:s11] =	ssyncadd.s32 $0xFFFFD800  }
0x10: {  	[tilespmem:s12], [sflag:$0x3] =	stream.linear.gather [hbm4b:s4+s3], $0x2800, $0x38;
	[tilespmem:$0xF800] =	vst v63  }
0x11: {  	_ =	swait.ge [sflag:s11], $0x2800  }
0x12: {  	[sflag:s11] =	ssyncset.done $0x0  }
0x13: {  	s20 =	simm.s32 $0x0;
	[sflag:s11] =	ssyncadd.s32 $0xFFFFD800  }
.LBB2_2:
0x14: {  	s21 =	sshll.u32 s20, $0x7  }
0x15: {  	[tilespmem:s14], [sflag:$0x1] =	stream.indirect.gather [hbm4b:s2+s13], $0x80, s21, s13, $0xb8;
	[tilespmem:$0xF800] =	vst v63  }
0x16: {  	s22 =	sadd.s32 $0x2800, s21  }
0x17: {  	[tilespmem:s15], [sflag:$0x2] =	stream.indirect.gather [hbm4b:s2+s13], $0x80, s22, s13, $0xb8;
	[tilespmem:$0xF800] =	vst v63  }
0x18: {  	_ =	swait.ge [sflag:s16], $0x4000  }
0x19: {  	[sflag:s16] =	ssyncset.done $0x0  }
0x1a: {  	[sflag:s16] =	ssyncadd.s32 $0xFFFFC000  }
0x1b: {  	_ =	swait.ge [sflag:s17], $0x4000  }
0x1c: {  	s31 =	sadd.s32 $0xD000, s21;
	[sflag:s17] =	ssyncset.done $0x0  }
0x1d: {  	s21 =	simm.s32 $0x0;
	v0 =	vmov s31;
	[sflag:s17] =	ssyncadd.s32 $0xFFFFC000  }
.LBB2_3:
0x1e: {  	s22 =	sshll.u32 s21, $0xB  }
0x1f: {  	v1 =	vld [tilespmem:s22+$0x5000]  }
0x20: {  	v2 =	vld [tilespmem:s22+$0x9000]  }
0x21: {  	v3 =	vld [tilespmem:s22+$0x5010]  }
0x22: {  	v4 =	vld [tilespmem:s22+$0x9010]  }
0x23: {  	v5 =	vld [tilespmem:s22+$0x5020]  }
0x24: {  	v6 =	vld [tilespmem:s22+$0x9020]  }
0x25: {  	v7 =	vld [tilespmem:s22+$0x5030]  }
0x26: {  	v8 =	vld [tilespmem:s22+$0x9030]  }
0x27: {  	v9 =	vld [tilespmem:s22+$0x5040]  }
0x28: {  	v10 =	vld [tilespmem:s22+$0x9040]  }
0x29: {  	v12 =	vld [tilespmem:s22+$0x5050]  }
0x2a: {  	v13 =	vld [tilespmem:s22+$0x9050]  }
0x2b: {  	v15 =	vld [tilespmem:s22+$0x5060]  }
0x2c: {  	v16 =	vld [tilespmem:s22+$0x9060]  }
0x2d: {  	v17 =	vld [tilespmem:s22+$0x5080]  }
0x2e: {  	v41 =	vld [tilespmem:s22+$0x9080];
	v11 =	vmul.f32 v2, v1  }
0x2f: {  	v44 =	vld [tilespmem:s22+$0x5090];
	v1 =	vmul.f32 v1, v1;
	v14 =	vmul.f32 v4, v3  }
0x30: {  	v46 =	vld [tilespmem:s22+$0x9090];
	v3 =	vmul.f32 v3, v3;
	v2 =	vmul.f32 v2, v2  }
0x31: {  	v48 =	vld [tilespmem:s22+$0x50A0];
	v4 =	vmul.f32 v4, v4;
	v36 =	vmul.f32 v5, v5  }
0x32: {  	v51 =	vld [tilespmem:s22+$0x90A0];
	v37 =	vmul.f32 v6, v6;
	v39 =	vmul.f32 v8, v7  }
0x33: {  	v53 =	vld [tilespmem:s22+$0x50B0];
	v40 =	vmul.f32 v7, v7;
	v42 =	vmul.f32 v8, v8  }
0x34: {  	v55 =	vld [tilespmem:s22+$0x90B0];
	v43 =	vmul.f32 v10, v9;
	v45 =	vmul.f32 v9, v9  }
0x35: {  	v58 =	vld [tilespmem:s22+$0x50C0];
	v47 =	vmul.f32 v10, v10;
	v49 =	vmul.f32 v13, v12  }
0x36: {  	v18 =	vld [tilespmem:s22+$0x90C0];
	v50 =	vmul.f32 v12, v12;
	v52 =	vmul.f32 v13, v13  }
0x37: {  	v19 =	vld [tilespmem:s22+$0x50D0];
	v54 =	vmul.f32 v16, v15;
	v56 =	vmul.f32 v15, v15  }
0x38: {  	v20 =	vld [tilespmem:s22+$0x90D0];
	v57 =	vmul.f32 v16, v16;
	v59 =	vmul.f32 v41, v17  }
0x39: {  	v26 =	vld [tilespmem:s22+$0x9100];
	v60 =	vmul.f32 v46, v44;
	v9 =	vmul.f32 v46, v46  }
0x3a: {  	v30 =	vld [tilespmem:s22+$0x9110];
	v63 =	vmul.f32 v51, v48;
	v8 =	vmul.f32 v48, v48  }
0x3b: {  	v22 =	vmul.f32 v51, v51;
	v23 =	vmul.f32 v55, v53  }
0x3c: {  	v35 =	vld [tilespmem:s22+$0x5070];
	v25 =	vmul.f32 v53, v53;
	v10 =	vmul.f32 v55, v55  }
0x3d: {  	v38 =	vld [tilespmem:s22+$0x9070];
	v27 =	vmul.f32 v18, v58;
	v29 =	vmul.f32 v58, v58  }
0x3e: {  	v28 =	vld [tilespmem:s22+$0x5110];
	v31 =	vmul.f32 v18, v18;
	v32 =	vmul.f32 v20, v19  }
0x3f: {  	v24 =	vld [tilespmem:s22+$0x5100];
	v12 =	vmul.f32 v26, v26;
	v51 =	vmul.f32 v30, v30;
	v11 =	vadd.f32 $0.0e+00, v11  }
0x40: {  	v61 =	vld [tilespmem:s22+$0x50E0];
	v34 =	vmul.f32 v19, v19;
	v1 =	vadd.f32 v3, v1;
	v2 =	vadd.f32 v4, v2  }
0x41: {  	v62 =	vld [tilespmem:s22+$0x90E0];
	v3 =	vmul.f32 v6, v5;
	v4 =	vadd.f32 $0.0e+00, v59;
	v12 =	vadd.f32 v51, v12  }
0x42: {  	v21 =	vld [tilespmem:s22+$0x50F0];
	v5 =	vmul.f32 v41, v41;
	v11 =	vadd.f32 v14, v11;
	v1 =	vadd.f32 v36, v1  }
0x43: {  	v46 =	vmul.f32 v30, v28;
	v59 =	vld [tilespmem:s22+$0x5180];
	v2 =	vadd.f32 v37, v2;
	v4 =	vadd.f32 v60, v4  }
0x44: {  	v48 =	vmul.f32 v24, v24;
	v5 =	vadd.f32 v9, v5;
	v9 =	vld [tilespmem:s22+$0x90F0];
	v3 =	vadd.f32 v3, v11  }
0x45: {  	v6 =	vmul.f32 v38, v38;
	v37 =	vld [tilespmem:s22+$0x5130];
	v1 =	vadd.f32 v40, v1;
	v2 =	vadd.f32 v42, v2  }
0x46: {  	v41 =	vmul.f32 v26, v24;
	v4 =	vadd.f32 v63, v4;
	v5 =	vadd.f32 v22, v5;
	v22 =	vld [tilespmem:s22+$0x5120]  }
0x47: {  	v36 =	vmul.f32 v20, v20;
	v42 =	vld [tilespmem:s22+$0x5140];
	v3 =	vadd.f32 v39, v3;
	v1 =	vadd.f32 v45, v1  }
0x48: {  	v11 =	vmul.f32 v44, v44;
	v44 =	vld [tilespmem:s22+$0x9140];
	v2 =	vadd.f32 v47, v2;
	v4 =	vadd.f32 v23, v4  }
0x49: {  	v40 =	vmul.f32 v62, v62;
	v63 =	vld [tilespmem:s22+$0x5190];
	v5 =	vadd.f32 v10, v5;
	v45 =	vadd.f32 $0.0e+00, v41  }
0x4a: {  	v18 =	vmul.f32 v59, v59;
	v39 =	vld [tilespmem:s22+$0x9130];
	v3 =	vadd.f32 v43, v3;
	v1 =	vadd.f32 v50, v1  }
0x4b: {  	v47 =	vld [tilespmem:s22+$0x5150];
	v2 =	vadd.f32 v52, v2;
	v4 =	vadd.f32 v27, v4;
	v43 =	vmul.f32 v9, v21  }
0x4c: {  	v23 =	vld [tilespmem:s22+$0x9160];
	v5 =	vadd.f32 v31, v5;
	v21 =	vmul.f32 v21, v21;
	v9 =	vmul.f32 v9, v9  }
0x4d: {  	v50 =	vld [tilespmem:s22+$0x9150];
	v60 =	vmul.f32 v44, v42;
	v27 =	vmul.f32 v44, v44;
	v7 =	vadd.f32 v56, v1  }
0x4e: {  	v52 =	vld [tilespmem:s22+$0x5160];
	v15 =	vadd.f32 v57, v2;
	v1 =	vmul.f32 v38, v35;
	v2 =	vmul.f32 v35, v35  }
0x4f: {  	v31 =	vld [tilespmem:s22+$0x51A0];
	v3 =	vadd.f32 v49, v3;
	v38 =	vmul.f32 v62, v61;
	v49 =	vmul.f32 v28, v28  }
0x50: {  	v35 =	vld [tilespmem:s22+$0x9120];
	v4 =	vadd.f32 v32, v4;
	v57 =	vmul.f32 v37, v37;
	v62 =	vmul.f32 v42, v42  }
0x51: {  	v5 =	vadd.f32 v36, v5;
	v56 =	vld [tilespmem:s22+$0x9170];
	v55 =	vmul.f32 v39, v37;
	v58 =	vmul.f32 v39, v39  }
0x52: {  	v42 =	vld [tilespmem:s22+$0x91C0];
	v30 =	vmul.f32 v47, v47;
	v37 =	vmul.f32 v23, v23;
	v3 =	vadd.f32 v54, v3  }
0x53: {  	v2 =	vadd.f32 v2, v7;
	v4 =	vadd.f32 v38, v4;
	v54 =	vld [tilespmem:s22+$0x5170];
	v28 =	vmul.f32 v50, v47  }
0x54: {  	v5 =	vadd.f32 v40, v5;
	v38 =	vld [tilespmem:s22+$0x91B0];
	v32 =	vmul.f32 v50, v50;
	v16 =	vmul.f32 v52, v52  }
0x55: {  	v47 =	vmul.f32 v31, v31;
	v50 =	vld [tilespmem:s22+$0x51F0];
	v1 =	vadd.f32 v1, v3;
	v3 =	vmul.f32 v17, v17  }
0x56: {  	v17 =	vmul.f32 v61, v61;
	v4 =	vadd.f32 v43, v4;
	v61 =	vld [tilespmem:s22+$0x9180];
	v10 =	vmul.f32 v35, v35  }
0x57: {  	v5 =	vadd.f32 v9, v5;
	v53 =	vmul.f32 v35, v22;
	v35 =	vld [tilespmem:s22+$0x51B0];
	v3 =	vadd.f32 v11, v3  }
0x58: {  	v40 =	vld [tilespmem:s22+$0x51C0];
	v43 =	vmul.f32 v63, v63;
	v22 =	vmul.f32 v22, v22;
	v10 =	vadd.f32 v10, v12  }
0x59: {  	v41 =	vmul.f32 v56, v54;
	v14 =	vmul.f32 v54, v54;
	v3 =	vadd.f32 v8, v3  }
0x5a: {  	(xrf2) =	vadd.scan.msk.f32 $0xffff, v1;
	v11 =	vmul.f32 v38, v38;
	v8 =	vadd.f32 v46, v45;
	v1 =	vmul.f32 v50, v50  }
0x5b: {  	v54 =	vld [tilespmem:s22+$0x9200];
	v10 =	vadd.f32 v58, v10;
	v39 =	vmul.f32 v61, v59;
	v7 =	vadd.f32 v25, v3  }
0x5c: {  	v45 =	vld [tilespmem:s22+$0x91D0];
	v3 =	vadd.f32 v6, v15;
	v8 =	vadd.f32 v53, v8;
	v51 =	vmul.f32 v35, v35  }
0x5d: {  	v59 =	vld [tilespmem:s22+$0x9210];
	v53 =	vmul.f32 v42, v40;
	v10 =	vadd.f32 v27, v10;
	v12 =	vadd.f32 $0.0e+00, v39  }
0x5e: {  	v25 =	vld [tilespmem:s22+$0x51D0];
	v33 =	vadd.f32 v29, v7;
	v7 =	vadd.f32 v49, v48;
	v49 =	vmul.f32 v38, v35  }
0x5f: {  	v26 =	vld [tilespmem:s22+$0x51E0];
	v8 =	vadd.f32 v55, v8;
	v55 =	vmul.f32 v56, v56;
	v56 =	vmul.f32 v42, v42  }
0x60: {  	(xrf2) =	vadd.scan.msk.f32 $0xffff, v2;
	v29 =	vld [tilespmem:s22+$0x9190];
	v2 =	vmul.f32 v54, v54;
	v36 =	vadd.f32 v32, v10;
	v10 =	vadd.f32 v43, v18  }
0x61: {  	v48 =	vld [tilespmem:s22+$0x91E0];
	v19 =	vmul.f32 v45, v45;
	v6 =	vadd.f32 v34, v33;
	v7 =	vadd.f32 v22, v7  }
0x62: {  	v38 =	vld [tilespmem:s22+$0x9240];
	(xrf2) =	vadd.scan.msk.f32 $0xffff, v3;
	v8 =	vadd.f32 v60, v8;
	v34 =	vmul.f32 v23, v52;
	v3 =	vmul.f32 v59, v59  }
0x63: {  	v32 =	vld [tilespmem:s22+$0x5230];
	v9 =	vadd.f32 v37, v36;
	v10 =	vadd.f32 v47, v10;
	v58 =	vmul.f32 v45, v25  }
0x64: {  	v33 =	vld [tilespmem:s22+$0x91A0];
	v60 =	vmul.f32 v25, v25;
	v6 =	vadd.f32 v17, v6;
	v7 =	vadd.f32 v57, v7  }
0x65: {  	v52 =	vld [tilespmem:s22+$0x5200];
	v8 =	vadd.f32 v28, v8;
	v2 =	vadd.f32 v3, v2;
	v24 =	vmul.f32 v29, v63  }
0x66: {  	v17 =	vld [tilespmem:s22+$0x91F0];
	v44 =	vmul.f32 v29, v29;
	v10 =	vadd.f32 v51, v10;
	v9 =	vadd.f32 v55, v9  }
0x67: {  	v57 =	vld [tilespmem:s22+$0x5210];
	v20 =	vmul.f32 v48, v48;
	v6 =	vadd.f32 v21, v6;
	v21 =	vmul.f32 v61, v61  }
0x68: {  	v28 =	vld [tilespmem:s22+$0x5240];
	v7 =	vadd.f32 v62, v7;
	v62 =	vmul.f32 v48, v26;
	v45 =	vmul.f32 v32, v32  }
0x69: {  	v63 =	vld [tilespmem:s22+$0x9220];
	v8 =	vadd.f32 v34, v8;
	v46 =	vmul.f32 v33, v31;
	v13 =	vmul.f32 v33, v33  }
0x6a: {  	v51 =	vld [tilespmem:s22+$0x9270];
	v12 =	vadd.f32 v24, v12;
	v31 =	vmul.f32 v54, v52;
	v33 =	vmul.f32 v26, v26  }
0x6b: {  	v61 =	vld [tilespmem:s22+$0x5220];
	v36 =	vmul.f32 v52, v52;
	v7 =	vadd.f32 v30, v7;
	v8 =	vadd.f32 v41, v8  }
0x6c: {  	v34 =	vld [tilespmem:s22+$0x9230];
	v15 =	vadd.f32 v44, v21;
	v35 =	vmul.f32 v17, v50;
	v27 =	vmul.f32 v59, v57  }
0x6d: {  	v48 =	vld [tilespmem:s22+$0x5270];
	v12 =	vadd.f32 v46, v12;
	v37 =	vmul.f32 v57, v57;
	v47 =	vmul.f32 v38, v28  }
0x6e: {  	v50 =	vmul.f32 v28, v28;
	v55 =	vmul.f32 v17, v17;
	v7 =	vadd.f32 v16, v7  }
0x6f: {  	v44 =	vld [tilespmem:s22+$0x5260];
	v13 =	vadd.f32 v13, v15;
	v16 =	vmul.f32 v40, v40;
	v12 =	vadd.f32 v49, v12  }
0x70: {  	v46 =	vld [tilespmem:s22+$0x9260];
	v39 =	vmul.f32 v63, v61;
	v41 =	vmul.f32 v61, v61;
	v7 =	vadd.f32 v14, v7  }
0x71: {  	v43 =	vmul.f32 v34, v32;
	v11 =	vadd.f32 v11, v13;
	v10 =	vadd.f32 v16, v10  }
0x72: {  	v59 =	vmul.f32 v51, v48;
	v13 =	vadd.f32 $0.0e+00, v31;
	v14 =	vadd.f32 v37, v36  }
0x73: {  	v42 =	vld [tilespmem:s22+$0x9250];
	v12 =	vadd.f32 v53, v12;
	v53 =	vmul.f32 v63, v63;
	v11 =	vadd.f32 v56, v11  }
0x74: {  	v40 =	vld [tilespmem:s22+$0x5250];
	v57 =	vmul.f32 v44, v44;
	v10 =	vadd.f32 v60, v10;
	v13 =	vadd.f32 v27, v13  }
0x75: {  	v14 =	vadd.f32 v41, v14;
	v56 =	vmul.f32 v46, v44;
	v60 =	vmul.f32 v48, v48  }
0x76: {  	v23 =	vld [tilespmem:s22+$0x52F0];
	v37 =	vmul.f32 v46, v46;
	v12 =	vadd.f32 v58, v12;
	v2 =	vadd.f32 v53, v2  }
0x77: {  	v29 =	vld [tilespmem:s22+$0x5310];
	v58 =	vmul.f32 v34, v34;
	v11 =	vadd.f32 v19, v11;
	v10 =	vadd.f32 v33, v10  }
0x78: {  	v63 =	vld [tilespmem:s22+$0x9280];
	v41 =	vmul.f32 v51, v51;
	v13 =	vadd.f32 v39, v13;
	v12 =	vadd.f32 v62, v12  }
0x79: {  	(xrf2) =	vadd.scan.msk.f32 $0xffff, v4;
	v61 =	vld [tilespmem:s22+$0x5280];
	v52 =	vmul.f32 v42, v40;
	v2 =	vadd.f32 v58, v2;
	v11 =	vadd.f32 v20, v11  }
0x7a: {  	(xrf2) =	vadd.scan.msk.f32 $0xffff, v6;
	v34 =	vld [tilespmem:s22+$0x9290];
	v62 =	vmul.f32 v38, v38;
	v49 =	vadd.f32 v1, v10;
	v1 =	vadd.f32 v45, v14  }
0x7b: {  	(xrf2) =	vadd.scan.msk.f32 $0xffff, v5;
	v33 =	vmul.f32 v42, v42;
	v42 =	vld [tilespmem:s22+$0x92B0];
	v13 =	vadd.f32 v43, v13;
	v12 =	vadd.f32 v35, v12  }
0x7c: {  	(xrf2) =	vadd.scan.msk.f32 $0xffff, v8;
	v31 =	vld [tilespmem:s22+$0x5290];
	v54 =	vmul.f32 v40, v40;
	v4 =	vadd.f32 v62, v2;
	v1 =	vadd.f32 v50, v1  }
0x7d: {  	(xrf2) =	vadd.scan.msk.f32 $0xffff, v7;
	v35 =	vld [tilespmem:s22+$0x52A0];
	v62 =	vmul.f32 v63, v63;
	v3 =	vadd.f32 v47, v13;
	v8 =	vadd.f32 v55, v11  }
0x7e: {  	(xrf2) =	vadd.scan.msk.f32 $0xffff, v9;
	v55 =	vmul.f32 v63, v61;
	v63 =	vld [tilespmem:s22+$0x9300];
	v4 =	vadd.f32 v33, v4;
	v1 =	vadd.f32 v54, v1  }
0x7f: {  	v38 =	vld [tilespmem:s22+$0x92A0];
	v10 =	vmul.f32 v61, v61;
	(xrf2) =	vadd.scan.msk.f32 $0xffff, v12;
	v12 =	vmul.f32 v34, v34  }
0x80: {  	v44 =	vld [tilespmem:s22+$0x52C0];
	v14 =	vmul.f32 v42, v42;
	v3 =	vadd.f32 v52, v3;
	v4 =	vadd.f32 v37, v4  }
0x81: {  	v46 =	vld [tilespmem:s22+$0x92C0];
	v33 =	vadd.f32 v12, v62;
	v62 =	vmul.f32 v29, v29;
	v5 =	vadd.f32 v57, v1  }
0x82: {  	v3 =	vadd.f32 v56, v3;
	v13 =	vmul.f32 v35, v35;
	v11 =	vadd.f32 v41, v4;
	v41 =	vld [tilespmem:s22+$0x9320];
	v1, _, _ =	vpop (xrf2)  }
0x83: {  	v40 =	vld [tilespmem:s22+$0x52B0];
	(xrf2) =	vadd.scan.msk.f32 $0xffff, v49;
	v26 =	vmul.f32 v63, v63;
	v5 =	vadd.f32 v60, v5;
	v60 =	vmul.f32 v34, v31;
	v30, _, _ =	vpop (xrf2)  }
0x84: {  	v47 =	vld [tilespmem:s22+$0x52D0];
	v3 =	vadd.f32 v59, v3;
	v34 =	vmul.f32 v38, v38;
	(xrf2) =	vadd.scan.msk.f32 $0xffff, v8;
	v8 =	vmul.f32 v31, v31;
	v32, _, _ =	vpop (xrf2)  }
0x85: {  	v49 =	vld [tilespmem:s22+$0x92D0];
	v7 =	vbroadcast v30, $0xF;
	v2, _, _ =	vpop (xrf2);
	v9 =	vbroadcast v32, $0xF  }
0x86: {  	(xrf2) =	vadd.scan.msk.f32 $0xffff, v3;
	v8 =	vadd.f32 v8, v10;
	v32 =	vmul.f32 v38, v35;
	v35 =	vld [tilespmem:s22+$0x9310];
	v38 =	vmul.f32 v44, v44;
	v36, _, _ =	vpop (xrf2)  }
0x87: {  	v27 =	vld [tilespmem:s22+$0x92F0];
	(xrf2) =	vadd.scan.msk.f32 $0xffff, v5;
	v17 =	vmul.f32 v41, v41;
	v39, _, _ =	vpop (xrf2);
	v5 =	vbroadcast v36, $0xF  }
0x88: {  	v53 =	vld [tilespmem:s22+$0x52E0];
	v8 =	vadd.f32 v13, v8;
	v36 =	vmul.f32 v42, v40;
	v40 =	vmul.f32 v40, v40;
	v3, _, _ =	vpop (xrf2)  }
0x89: {  	v61 =	vld [tilespmem:s22+$0x5300];
	v42 =	vmul.f32 v46, v46;
	v16 =	vbroadcast v39, $0xF;
	v43, _, _ =	vpop (xrf2);
	v5 =	vsel vm0, v7, v5  }
0x8a: {  	v37 =	vld [tilespmem:s22+$0x5320];
	v8 =	vadd.f32 v40, v8;
	v45, _, _ =	vpop (xrf2);
	v18 =	vbroadcast v43, $0xF;
	v43 =	vmul.f32 v49, v47  }
0x8b: {  	v56 =	vld [tilespmem:s22+$0x92E0];
	v9 =	vsel vm0, v9, v16;
	v15 =	vmul.f32 v35, v35;
	v50 =	vbroadcast v45, $0xF  }
0x8c: {  	v31 =	vld [tilespmem:s22+$0x9380];
	v4, _, _ =	vpop (xrf2);
	v8 =	vadd.f32 v38, v8;
	v45 =	vmul.f32 v47, v47;
	v54 =	vsel vm1, v5, v18  }
0x8d: {  	v30 =	vld [tilespmem:s22+$0x5370];
	v48, _, _ =	vpop (xrf2);
	(xrf2) =	vadd.scan.msk.f32 $0xffff, v11;
	v18 =	vadd.f32 $0.0e+00, v55;
	v11 =	vmul.f32 v49, v49;
	v49 =	vmul.f32 v53, v53  }
0x8e: {  	v47 =	vld [tilespmem:s22+$0x5350];
	v55 =	vmul.f32 v27, v23;
	v23 =	vmul.f32 v23, v23;
	v15 =	vadd.f32 v15, v26  }
0x8f: {  	v51 =	vbroadcast v48, $0xF;
	v52, _, _ =	vpop (xrf2);
	v7 =	vsel vm1, v9, v50;
	v9 =	vadd.f32 v34, v33;
	v50 =	vld [tilespmem:s22+$0x9350]  }
0x90: {  	v8 =	vadd.f32 v45, v8;
	v48 =	vmul.f32 v56, v53;
	v53 =	vld [tilespmem:s22+$0x5360];
	v58 =	vbroadcast v52, $0xF  }
0x91: {  	v33 =	vld [tilespmem:s22+$0x53F0];
	v5, _, _ =	vpop (xrf2);
	v18 =	vadd.f32 v60, v18;
	v52 =	vmul.f32 v63, v61;
	v60 =	vmul.f32 v35, v29  }
0x92: {  	v61 =	vmul.f32 v61, v61;
	v29 =	vld [tilespmem:s22+$0x9370];
	v57 =	vsel vm2, v54, v51;
	v59, _, _ =	vpop (xrf2);
	v9 =	vadd.f32 v14, v9  }
0x93: {  	v63 =	vld [tilespmem:s22+$0x5380];
	v51 =	vmul.f32 v56, v56;
	v54 =	vadd.f32 v49, v8;
	v20 =	vbroadcast v59, $0xF  }
0x94: {  	v7 =	vsel vm2, v7, v58;
	v10 =	vadd.f32 v32, v18;
	v58 =	vld [tilespmem:s22+$0x5330];
	v59 =	vadd.f32 $0.0e+00, v52  }
0x95: {  	v18 =	vmul.f32 v37, v37;
	v13 =	vmul.f32 v47, v47;
	v9 =	vadd.f32 v42, v9;
	v42 =	vld [tilespmem:s22+$0x53A0]  }
0x96: {  	v6 =	vsel vm3, v57, v20;
	v10 =	vadd.f32 v36, v10;
	v57 =	vmul.f32 v46, v44;
	v44 =	vld [tilespmem:s22+$0x5340]  }
0x97: {  	v46 =	vld [tilespmem:s22+$0x9340];
	v36 =	vmul.f32 v41, v37;
	v45 =	vmul.f32 v50, v50;
	v9 =	vadd.f32 v11, v9  }
0x98: {  	v37 =	vld [tilespmem:s22+$0x5390];
	v25 =	vmul.f32 v53, v53;
	v52 =	vmul.f32 v31, v63;
	v10 =	vadd.f32 v57, v10  }
0x99: {  	v32 =	vld [tilespmem:s22+$0x9390];
	v11 =	vadd.f32 v51, v9;
	v9 =	vadd.f32 v60, v59;
	v41 =	vmul.f32 v58, v58  }
0x9a: {  	v34 =	vld [tilespmem:s22+$0x5410];
	v19 =	vadd.f32 $0.0e+00, v52;
	v39, _, _ =	vpop (xrf2);
	v10 =	vadd.f32 v43, v10;
	v43 =	vmul.f32 v27, v27  }
0x9b: {  	v59 =	vld [tilespmem:s22+$0x93A0];
	v28 =	vmul.f32 v42, v42;
	v20 =	vbroadcast v39, $0xF;
	v16 =	vadd.f32 v36, v9  }
0x9c: {  	v39 =	vld [tilespmem:s22+$0x9330];
	v60 =	vmul.f32 v44, v44;
	v38 =	vmul.f32 v46, v46;
	v10 =	vadd.f32 v48, v10  }
0x9d: {  	v56 =	vld [tilespmem:s22+$0x9360];
	v9 =	vadd.f32 v23, v54;
	v54 =	vmul.f32 v29, v30;
	v26 =	vmul.f32 v37, v37  }
0x9e: {  	v51 =	vld [tilespmem:s22+$0x93D0];
	v36 =	vmul.f32 v32, v32;
	v30 =	vmul.f32 v30, v30;
	v8 =	vadd.f32 v55, v10  }
0x9f: {  	v52 =	vld [tilespmem:s22+$0x9450];
	v10 =	vadd.f32 v62, v61;
	v55 =	vmul.f32 v63, v63;
	v62 =	vmul.f32 v32, v37  }
0xa0: {  	v48 =	vld [tilespmem:s22+$0x53D0];
	v63 =	vmul.f32 v31, v31;
	v37 =	vmul.f32 v59, v42  }
0xa1: {  	v15 =	vadd.f32 v17, v15;
	v61 =	vld [tilespmem:s22+$0x53B0];
	v40 =	vmul.f32 v39, v58;
	v14 =	vmul.f32 v39, v39  }
0xa2: {  	v7 =	vsel vm3, v7, v20;
	v42 =	vld [tilespmem:s22+$0x9410];
	v58 =	vmul.f32 v46, v44;
	v39 =	vmul.f32 v50, v47  }
0xa3: {  	v10 =	vadd.f32 v18, v10;
	v44 =	vld [tilespmem:s22+$0x53C0];
	v47 =	vmul.f32 v56, v53;
	v50 =	vmul.f32 v56, v56  }
0xa4: {  	v46 =	vld [tilespmem:s22+$0x93C0];
	v19 =	vadd.f32 v62, v19;
	v23 =	vadd.f32 v26, v55;
	v18 =	vmul.f32 v59, v59  }
0xa5: {  	v59 =	vld [tilespmem:s22+$0x9420];
	v55 =	vmul.f32 v33, v33;
	v57 =	vadd.f32 v40, v16;
	v10 =	vadd.f32 v41, v10  }
0xa6: {  	v53 =	vld [tilespmem:s22+$0x53E0];
	v62 =	vmul.f32 v48, v48;
	v14 =	vadd.f32 v14, v15;
	v19 =	vadd.f32 v37, v19  }
0xa7: {  	v56 =	vld [tilespmem:s22+$0x93E0];
	v23 =	vadd.f32 v28, v23;
	v16 =	vmul.f32 v51, v51;
	v17 =	vmul.f32 v61, v61  }
0xa8: {  	v40 =	vld [tilespmem:s22+$0x93B0];
	v28 =	vmul.f32 v42, v42;
	v12 =	vadd.f32 v58, v57;
	v10 =	vadd.f32 v60, v10  }
0xa9: {  	v35 =	vld [tilespmem:s22+$0x5420];
	v14 =	vadd.f32 v38, v14;
	v57 =	vmul.f32 v46, v44;
	v15 =	vmul.f32 v44, v44  }
0xaa: {  	v27 =	vld [tilespmem:s22+$0x9480];
	v58 =	vadd.f32 v17, v23;
	v20 =	vmul.f32 v46, v46;
	v17 =	vmul.f32 v59, v59  }
0xab: {  	v32 =	vld [tilespmem:s22+$0x93F0];
	v23 =	vmul.f32 v52, v52;
	v13 =	vadd.f32 v13, v10;
	v10 =	vadd.f32 v43, v11  }
0xac: {  	v37 =	vld [tilespmem:s22+$0x5480];
	v49 =	vadd.f32 v45, v14;
	v43 =	vmul.f32 v29, v29;
	v45 =	vmul.f32 v56, v53  }
0xad: {  	v38 =	vld [tilespmem:s22+$0x5400];
	v12 =	vadd.f32 v39, v12;
	v41 =	vmul.f32 v40, v61;
	v21 =	vmul.f32 v40, v40  }
0xae: {  	v60 =	vld [tilespmem:s22+$0x5430];
	v61 =	vmul.f32 v51, v48;
	v48 =	vmul.f32 v56, v56  }
0xaf: {  	v46 =	vld [tilespmem:s22+$0x9440];
	v56 =	vmul.f32 v42, v34;
	v12 =	vadd.f32 v47, v12;
	v13 =	vadd.f32 v25, v13  }
0xb0: {  	v39 =	vld [tilespmem:s22+$0x9400];
	v42 =	vmul.f32 v59, v35;
	v14 =	vadd.f32 v50, v49;
	v19 =	vadd.f32 v41, v19  }
0xb1: {  	v47 =	vmul.f32 v53, v53;
	v49 =	vld [tilespmem:s22+$0x5450];
	v11 =	vadd.f32 v54, v12;
	v12 =	vadd.f32 v36, v63  }
0xb2: {  	v53 =	vmul.f32 v32, v33;
	v33 =	vld [tilespmem:s22+$0x9580];
	v40 =	vmul.f32 v38, v38;
	v19 =	vadd.f32 v57, v19  }
0xb3: {  	v41 =	vmul.f32 v34, v34;
	v63 =	vld [tilespmem:s22+$0x9430];
	v18 =	vadd.f32 v18, v12;
	v12 =	vadd.f32 v30, v13  }
0xb4: {  	v35 =	vmul.f32 v35, v35;
	v54 =	vld [tilespmem:s22+$0x5460];
	v13 =	vadd.f32 v15, v58;
	v15 =	vadd.f32 v61, v19  }
0xb5: {  	v57 =	vld [tilespmem:s22+$0x9460];
	v31 =	vmul.f32 v39, v39;
	v19 =	vadd.f32 v41, v40;
	v18 =	vadd.f32 v21, v18  }
0xb6: {  	v34 =	vld [tilespmem:s22+$0x5470];
	v51 =	vmul.f32 v39, v38;
	v44 =	vadd.f32 v62, v13;
	v13 =	vadd.f32 v43, v14  }
0xb7: {  	v36 =	vld [tilespmem:s22+$0x9470];
	v58 =	vmul.f32 v60, v60;
	v43 =	vadd.f32 v28, v31;
	v50 =	vadd.f32 v45, v15  }
0xb8: {  	v38 =	vld [tilespmem:s22+$0x54E0];
	v61 =	vmul.f32 v32, v32;
	v15 =	vadd.f32 $0.0e+00, v51;
	v19 =	vadd.f32 v35, v19  }
0xb9: {  	v45 =	vld [tilespmem:s22+$0x5490];
	v59 =	vmul.f32 v63, v63;
	v22 =	vmul.f32 v54, v54;
	v18 =	vadd.f32 v20, v18  }
0xba: {  	v20 =	vld [tilespmem:s22+$0x5440];
	v17 =	vadd.f32 v17, v43;
	v43 =	vmul.f32 v52, v49;
	v51 =	vmul.f32 v57, v57  }
0xbb: {  	v40 =	vld [tilespmem:s22+$0x94A0];
	v52 =	vmul.f32 v27, v37;
	v14 =	vadd.f32 v53, v50;
	v30 =	vadd.f32 v56, v15  }
0xbc: {  	v35 =	vld [tilespmem:s22+$0x54F0];
	v27 =	vmul.f32 v27, v27;
	v16 =	vadd.f32 v16, v18;
	v18 =	vadd.f32 v47, v44  }
0xbd: {  	v50 =	vld [tilespmem:s22+$0x94C0];
	v44 =	vmul.f32 v63, v60;
	v17 =	vadd.f32 v59, v17;
	v31 =	vadd.f32 $0.0e+00, v52  }
0xbe: {  	v60 =	vld [tilespmem:s22+$0x9490];
	v26 =	vadd.f32 v42, v30;
	v42 =	vmul.f32 v46, v46;
	v15 =	vadd.f32 v55, v18  }
0xbf: {  	v63 =	vld [tilespmem:s22+$0x54A0];
	v18 =	vadd.f32 v58, v19;
	v58 =	vmul.f32 v45, v45;
	v62 =	vmul.f32 v46, v20  }
0xc0: {  	v47 =	vld [tilespmem:s22+$0x94B0];
	v16 =	vadd.f32 v48, v16;
	v39 =	vmul.f32 v20, v20;
	v46 =	vmul.f32 v49, v49  }
0xc1: {  	v52 =	vld [tilespmem:s22+$0x9530];
	v26 =	vadd.f32 v44, v26;
	v49 =	vmul.f32 v57, v54;
	v54 =	vmul.f32 v36, v34  }
0xc2: {  	v48 =	vld [tilespmem:s22+$0x54C0];
	v17 =	vadd.f32 v42, v17;
	v57 =	vmul.f32 v37, v37;
	v34 =	vmul.f32 v34, v34  }
0xc3: {  	v44 =	vld [tilespmem:s22+$0x54B0];
	v20 =	vmul.f32 v40, v40;
	v36 =	vmul.f32 v36, v36;
	v16 =	vadd.f32 v61, v16  }
0xc4: {  	v53 =	vld [tilespmem:s22+$0x54D0];
	v41 =	vadd.f32 v62, v26;
	v56 =	vmul.f32 v60, v45;
	v25 =	vmul.f32 v60, v60  }
0xc5: {  	v55 =	vld [tilespmem:s22+$0x94D0];
	v18 =	vadd.f32 v39, v18;
	v42 =	vmul.f32 v40, v63;
	v32 =	vmul.f32 v63, v63  }
0xc6: {  	v59 =	vld [tilespmem:s22+$0x94E0];
	v17 =	vadd.f32 v23, v17;
	v24 =	vmul.f32 v47, v47;
	v26 =	vmul.f32 v52, v52  }
0xc7: {  	v37 =	vld [tilespmem:s22+$0x94F0];
	v21 =	vadd.f32 v43, v41;
	v18 =	vadd.f32 v46, v18;
	v62 =	vmul.f32 v50, v48  }
0xc8: {  	v61 =	vld [tilespmem:s22+$0x5510];
	v23 =	vadd.f32 v51, v17;
	v45 =	vmul.f32 v47, v44;
	v60 =	vmul.f32 v44, v44  }
0xc9: {  	v63 =	vld [tilespmem:s22+$0x9510];
	v31 =	vadd.f32 v56, v31;
	v44 =	vmul.f32 v48, v48;
	v47 =	vmul.f32 v50, v50  }
0xca: {  	v25 =	vadd.f32 v25, v27;
	v43 =	vld [tilespmem:s22+$0x5500];
	v48 =	vmul.f32 v55, v53;
	v50 =	vmul.f32 v53, v53  }
0xcb: {  	v46 =	vld [tilespmem:s22+$0x9500];
	v53 =	vmul.f32 v59, v38;
	v19 =	vadd.f32 v49, v21;
	v18 =	vadd.f32 v22, v18  }
0xcc: {  	v39 =	vld [tilespmem:s22+$0x5540];
	v38 =	vmul.f32 v38, v38;
	v21 =	vadd.f32 v42, v31;
	v20 =	vadd.f32 v20, v25  }
0xcd: {  	v51 =	vld [tilespmem:s22+$0x5530];
	v22 =	vmul.f32 v55, v55;
	v29 =	vmul.f32 v61, v61;
	v17 =	vadd.f32 v54, v19  }
0xce: {  	v40 =	vld [tilespmem:s22+$0x5560];
	v19 =	vadd.f32 v58, v57;
	v18 =	vadd.f32 v34, v18;
	v54 =	vmul.f32 v59, v59  }
0xcf: {  	v49 =	vld [tilespmem:s22+$0x9520];
	v21 =	vadd.f32 v45, v21;
	v58 =	vmul.f32 v37, v35;
	v35 =	vmul.f32 v35, v35  }
0xd0: {  	v41 =	vld [tilespmem:s22+$0x5580];
	v20 =	vadd.f32 v24, v20;
	v56 =	vmul.f32 v46, v43;
	v27 =	vmul.f32 v43, v43  }
0xd1: {  	v45 =	vld [tilespmem:s22+$0x5520];
	v43 =	vmul.f32 v37, v37;
	v19 =	vadd.f32 v32, v19;
	v21 =	vadd.f32 v62, v21  }
0xd2: {  	v57 =	vld [tilespmem:s22+$0x5550];
	v20 =	vadd.f32 v47, v20;
	v62 =	vmul.f32 v63, v63;
	v47 =	vmul.f32 v52, v51  }
0xd3: {  	v59 =	vld [tilespmem:s22+$0x9550];
	v52 =	vmul.f32 v39, v39;
	v28 =	vadd.f32 $0.0e+00, v56;
	v27 =	vadd.f32 v29, v27  }
0xd4: {  	v55 =	vld [tilespmem:s22+$0x9540];
	v31 =	vmul.f32 v49, v49;
	v19 =	vadd.f32 v60, v19;
	v21 =	vadd.f32 v48, v21  }
0xd5: {  	v42 =	vld [tilespmem:s22+$0x5590];
	v20 =	vadd.f32 v22, v20;
	v60 =	vmul.f32 v63, v61;
	v61 =	vmul.f32 v46, v46  }
0xd6: {  	v37 =	vld [tilespmem:s22+$0x9610];
	v46 =	vmul.f32 v49, v45;
	v25 =	vmul.f32 v45, v45;
	v19 =	vadd.f32 v44, v19  }
0xd7: {  	v32 =	vld [tilespmem:s22+$0x9570];
	v49 =	vmul.f32 v51, v51;
	v21 =	vadd.f32 v53, v21;
	v22 =	vadd.f32 v54, v20  }
0xd8: {  	v56 =	vld [tilespmem:s22+$0x95A0];
	v28 =	vadd.f32 v60, v28;
	v54 =	vmul.f32 v59, v57;
	v44 =	vmul.f32 v59, v59  }
0xd9: {  	v63 =	vld [tilespmem:s22+$0x9560];
	v59 =	vmul.f32 v33, v41;
	v25 =	vadd.f32 v25, v27;
	v24 =	vadd.f32 v50, v19  }
0xda: {  	v45 =	vld [tilespmem:s22+$0x55B0];
	v33 =	vmul.f32 v33, v33;
	v19 =	vadd.f32 v36, v23;
	v20 =	vadd.f32 v58, v21  }
0xdb: {  	v60 =	vld [tilespmem:s22+$0x95C0];
	v21 =	vadd.f32 v62, v61;
	v28 =	vadd.f32 v46, v28;
	v50 =	vmul.f32 v55, v39  }
0xdc: {  	v23 =	vmul.f32 v55, v55;
	v55 =	vmul.f32 v57, v57;
	v58 =	vld [tilespmem:s22+$0x55C0];
	v22 =	vadd.f32 v43, v22  }
0xdd: {  	v57 =	vmul.f32 v40, v40;
	v27 =	vadd.f32 $0.0e+00, v59;
	v24 =	vadd.f32 v38, v24;
	v38 =	vld [tilespmem:s22+$0x5570]  }
0xde: {  	v30 =	vmul.f32 v56, v56;
	v51 =	vadd.f32 v49, v25;
	v48 =	vadd.f32 v31, v21;
	v31 =	vld [tilespmem:s22+$0x9590]  }
0xdf: {  	v46 =	vmul.f32 v63, v40;
	v34 =	vmul.f32 v63, v63;
	v28 =	vadd.f32 v47, v28;
	v47 =	vld [tilespmem:s22+$0x95B0]  }
0xe0: {  	v43 =	vld [tilespmem:s22+$0x55F0];
	v59 =	vmul.f32 v60, v60;
	v21 =	vadd.f32 v35, v24;
	v26 =	vadd.f32 v26, v48  }
0xe1: {  	v63 =	vld [tilespmem:s22+$0x55D0];
	v53 =	vadd.f32 v50, v28;
	v24 =	vadd.f32 v52, v51;
	v50 =	vmul.f32 v41, v41  }
0xe2: {  	v49 =	vld [tilespmem:s22+$0x95D0];
	v51 =	vmul.f32 v42, v42;
	v23 =	vadd.f32 v23, v26;
	v62 =	vmul.f32 v32, v38  }
0xe3: {  	v28 =	vld [tilespmem:s22+$0x55A0];
	v25 =	vadd.f32 v54, v53;
	v38 =	vmul.f32 v38, v38;
	v48 =	vmul.f32 v31, v42  }
0xe4: {  	v36 =	vld [tilespmem:s22+$0x9600];
	v24 =	vadd.f32 v55, v24;
	v31 =	vmul.f32 v31, v31;
	v55 =	vmul.f32 v47, v45  }
0xe5: {  	v52 =	vld [tilespmem:s22+$0x55E0];
	v29 =	vmul.f32 v47, v47;
	v32 =	vmul.f32 v32, v32;
	v23 =	vadd.f32 v44, v23  }
0xe6: {  	v41 =	vld [tilespmem:s22+$0x5610];
	v24 =	vadd.f32 v57, v24;
	v57 =	vmul.f32 v60, v58;
	v58 =	vmul.f32 v58, v58  }
0xe7: {  	v53 =	vld [tilespmem:s22+$0x95E0];
	v25 =	vadd.f32 v46, v25;
	v60 =	vmul.f32 v49, v63;
	v46 =	vmul.f32 v49, v49  }
0xe8: {  	v49 =	vld [tilespmem:s22+$0x9630];
	v27 =	vadd.f32 v48, v27;
	v54 =	vmul.f32 v56, v28;
	v31 =	vadd.f32 v31, v33  }
0xe9: {  	v28 =	vmul.f32 v28, v28;
	v33 =	vld [tilespmem:s22+$0x95F0];
	v61 =	vadd.f32 v34, v23;
	v23 =	vadd.f32 v62, v25  }
0xea: {  	v42 =	vld [tilespmem:s22+$0x56A0];
	v56 =	vmul.f32 v45, v45;
	v25 =	vadd.f32 v51, v50;
	v24 =	vadd.f32 v38, v24  }
0xeb: {  	v48 =	vmul.f32 v52, v52;
	v38 =	vld [tilespmem:s22+$0x5600];
	v27 =	vadd.f32 v54, v27;
	v30 =	vadd.f32 v30, v31  }
0xec: {  	v44 =	vld [tilespmem:s22+$0x5620];
	v62 =	vmul.f32 v63, v63;
	v47 =	vmul.f32 v53, v52;
	v25 =	vadd.f32 v28, v25  }
0xed: {  	v45 =	vld [tilespmem:s22+$0x9660];
	v51 =	vmul.f32 v53, v53;
	v27 =	vadd.f32 v55, v27;
	v29 =	vadd.f32 v29, v30  }
0xee: {  	v63 =	vld [tilespmem:s22+$0x9620];
	v35 =	vmul.f32 v49, v49;
	v31 =	vadd.f32 v56, v25;
	v55 =	vmul.f32 v33, v43  }
0xef: {  	v53 =	vld [tilespmem:s22+$0x5640];
	v25 =	vadd.f32 v32, v61;
	v43 =	vmul.f32 v43, v43;
	v33 =	vmul.f32 v33, v33  }
0xf0: {  	v32 =	vld [tilespmem:s22+$0x5630];
	v27 =	vadd.f32 v57, v27;
	v28 =	vadd.f32 v59, v29;
	v52 =	vmul.f32 v36, v38  }
0xf1: {  	v56 =	vld [tilespmem:s22+$0x9640];
	v57 =	vmul.f32 v38, v38;
	v36 =	vmul.f32 v36, v36;
	v61 =	vadd.f32 v58, v31  }
0xf2: {  	v59 =	vld [tilespmem:s22+$0x9650];
	v58 =	vmul.f32 v41, v41;
	v27 =	vadd.f32 v60, v27;
	v28 =	vadd.f32 v46, v28  }
0xf3: {  	v31 =	vmul.f32 v63, v63;
	v50 =	vadd.f32 $0.0e+00, v52;
	v52 =	vld [tilespmem:s22+$0x5650];
	v26 =	vadd.f32 v62, v61  }
0xf4: {  	v60 =	vld [tilespmem:s22+$0x5660];
	v61 =	vmul.f32 v63, v44;
	v44 =	vmul.f32 v44, v44;
	v27 =	vadd.f32 v47, v27  }
0xf5: {  	v46 =	vld [tilespmem:s22+$0x9670];
	v28 =	vadd.f32 v51, v28;
	v51 =	vmul.f32 v37, v41;
	v37 =	vmul.f32 v37, v37  }
0xf6: {  	v63 =	vmul.f32 v49, v32;
	v32 =	vmul.f32 v32, v32;
	v41 =	vld [tilespmem:s22+$0x56B0];
	v54 =	vadd.f32 v48, v26  }
0xf7: {  	v49 =	vmul.f32 v56, v53;
	v48 =	vld [tilespmem:s22+$0x5680];
	v26 =	vadd.f32 v55, v27;
	v29 =	vadd.f32 v51, v50  }
0xf8: {  	v53 =	vmul.f32 v53, v53;
	v27 =	vadd.f32 v58, v57;
	v36 =	vadd.f32 v37, v36;
	v37 =	vld [tilespmem:s22+$0x5670]  }
0xf9: {  	v50 =	vld [tilespmem:s22+$0x9680];
	v55 =	vmul.f32 v56, v56;
	v28 =	vadd.f32 v33, v28;
	v56 =	vmul.f32 v59, v52  }
0xfa: {  	v57 =	vld [tilespmem:s22+$0x9690];
	v58 =	vmul.f32 v45, v60;
	v29 =	vadd.f32 v61, v29;
	v62 =	vadd.f32 v44, v27  }
0xfb: {  	v39 =	vmul.f32 v60, v60;
	v60 =	vld [tilespmem:s22+$0x96B0];
	v31 =	vadd.f32 v31, v36;
	v27 =	vadd.f32 v43, v54  }
0xfc: {  	v54 =	vld [tilespmem:s22+$0x5690];
	v61 =	vmul.f32 v52, v52;
	v32 =	vadd.f32 v32, v62;
	v62 =	vmul.f32 v59, v59  }
0xfd: {  	v47 =	vld [tilespmem:s22+$0x56D0];
	v29 =	vadd.f32 v63, v29;
	v59 =	vmul.f32 v45, v45;
	v36 =	vmul.f32 v48, v48  }
0xfe: {  	v31 =	vadd.f32 v35, v31;
	v63 =	vld [tilespmem:s22+$0x96A0];
	v51 =	vmul.f32 v46, v37;
	v43 =	vmul.f32 v50, v50  }
0xff: {  	v52 =	vld [tilespmem:s22+$0x96C0];
	v37 =	vmul.f32 v37, v37;
	v29 =	vadd.f32 v49, v29;
	v32 =	vadd.f32 v53, v32  }
0x100: {  	v44 =	vld [tilespmem:s22+$0x5750];
	v30 =	vadd.f32 v55, v31;
	v55 =	vmul.f32 v57, v57;
	v33 =	vmul.f32 v60, v60  }
0x101: {  	v45 =	vld [tilespmem:s22+$0x5720];
	v53 =	vmul.f32 v57, v54;
	v54 =	vmul.f32 v54, v54;
	v29 =	vadd.f32 v56, v29  }
0x102: {  	v49 =	vld [tilespmem:s22+$0x56F0];
	v32 =	vadd.f32 v61, v32;
	v30 =	vadd.f32 v62, v30;
	v61 =	vmul.f32 v50, v48  }
0x103: {  	v62 =	vld [tilespmem:s22+$0x56C0];
	v38 =	vadd.f32 v55, v43;
	v50 =	vmul.f32 v41, v41;
	v57 =	vmul.f32 v63, v42  }
0x104: {  	v56 =	vld [tilespmem:s22+$0x96D0];
	v36 =	vadd.f32 v54, v36;
	v42 =	vmul.f32 v42, v42;
	v29 =	vadd.f32 v58, v29  }
0x105: {  	v48 =	vld [tilespmem:s22+$0x56E0];
	v34 =	vmul.f32 v63, v63;
	v32 =	vadd.f32 v39, v32;
	v31 =	vadd.f32 v59, v30  }
0x106: {  	v63 =	vmul.f32 v60, v41;
	v60 =	vld [tilespmem:s22+$0x9700];
	v35 =	vadd.f32 $0.0e+00, v61;
	v42 =	vadd.f32 v42, v36  }
0x107: {  	v54 =	vmul.f32 v47, v47;
	v58 =	vld [tilespmem:s22+$0x96E0];
	v34 =	vadd.f32 v34, v38;
	v29 =	vadd.f32 v51, v29  }
0x108: {  	v61 =	vmul.f32 v46, v46;
	v46 =	vld [tilespmem:s22+$0x9730];
	v35 =	vadd.f32 v53, v35;
	v30 =	vadd.f32 v37, v32  }
0x109: {  	v37 =	vld [tilespmem:s22+$0x96F0];
	v32 =	vadd.f32 v50, v42;
	v59 =	vmul.f32 v52, v62;
	v39 =	vmul.f32 v62, v62  }
0x10a: {  	v51 =	vld [tilespmem:s22+$0x5700];
	v33 =	vadd.f32 v33, v34;
	v62 =	vmul.f32 v52, v52;
	v35 =	vadd.f32 v57, v35  }
0x10b: {  	v53 =	vld [tilespmem:s22+$0x9710];
	v52 =	vmul.f32 v56, v47;
	v40 =	vmul.f32 v56, v56;
	v32 =	vadd.f32 v39, v32  }
0x10c: {  	v56 =	vmul.f32 v48, v48;
	v33 =	vadd.f32 v62, v33;
	v35 =	vadd.f32 v63, v35;
	v63 =	vld [tilespmem:s22+$0x5710]  }
0x10d: {  	v36 =	vld [tilespmem:s22+$0x9770];
	v31 =	vadd.f32 v61, v31;
	v41 =	vmul.f32 v60, v60;
	v55 =	vmul.f32 v58, v48  }
0x10e: {  	v42 =	vld [tilespmem:s22+$0x9720];
	v57 =	vmul.f32 v58, v58;
	v32 =	vadd.f32 v54, v32;
	v33 =	vadd.f32 v40, v33  }
0x10f: {  	v40 =	vld [tilespmem:s22+$0x5730];
	v58 =	vmul.f32 v60, v51;
	v38 =	vmul.f32 v51, v51;
	v35 =	vadd.f32 v59, v35  }
0x110: {  	v47 =	vld [tilespmem:s22+$0x5740];
	v39 =	vmul.f32 v53, v53;
	v59 =	vmul.f32 v37, v49;
	v34 =	vadd.f32 v56, v32  }
0x111: {  	v50 =	vld [tilespmem:s22+$0x9740];
	v43 =	vadd.f32 $0.0e+00, v58;
	v35 =	vadd.f32 v52, v35;
	v60 =	vmul.f32 v53, v63  }
0x112: {  	v33 =	vadd.f32 v57, v33;
	v56 =	vld [tilespmem:s22+$0x5760];
	v57 =	vmul.f32 v49, v49;
	v61 =	vmul.f32 v63, v63  }
0x113: {  	v52 =	vld [tilespmem:s22+$0x9750];
	v35 =	vadd.f32 v55, v35;
	v55 =	vmul.f32 v45, v45;
	v62 =	vadd.f32 v60, v43  }
0x114: {  	(xrf2) =	vadd.scan.msk.f32 $0xffff, v8;
	v53 =	vadd.f32 v61, v38;
	v60 =	vmul.f32 v46, v40;
	v61 =	vmul.f32 v40, v40;
	v40 =	vld [tilespmem:s22+$0x5770]  }
0x115: {  	(xrf2) =	vadd.scan.msk.f32 $0xffff, v9;
	v54 =	vadd.f32 v39, v41;
	v58 =	vmul.f32 v42, v42;
	v63 =	vmul.f32 v42, v45;
	v43 =	vld [tilespmem:s22+$0x5780]  }
0x116: {  	(xrf2) =	vadd.scan.msk.f32 $0xffff, v10;
	v41 =	vmul.f32 v50, v47;
	v32 =	vadd.f32 v59, v35;
	v59 =	vld [tilespmem:s22+$0x9760];
	v8 =	vadd.f32 v55, v53  }
0x117: {  	(xrf2) =	vadd.scan.msk.f32 $0xffff, v11;
	v35 =	vadd.f32 v63, v62;
	v62 =	vadd.f32 v58, v54;
	v63 =	vmul.f32 v46, v46;
	v53 =	vld [tilespmem:s22+$0x57A0]  }
0x118: {  	(xrf2) =	vadd.scan.msk.f32 $0xffff, v12;
	v49 =	vmul.f32 v44, v44;
	v55 =	vld [tilespmem:s22+$0x97A0];
	v8 =	vadd.f32 v61, v8;
	v61 =	vmul.f32 v47, v47  }
0x119: {  	(xrf2) =	vadd.scan.msk.f32 $0xffff, v13;
	v42 =	vmul.f32 v36, v36;
	v45 =	vmul.f32 v37, v37;
	v9 =	vadd.f32 v63, v62;
	v63 =	vld [tilespmem:s22+$0x9780]  }
0x11a: {  	(xrf2) =	vadd.scan.msk.f32 $0xffff, v14;
	v46 =	vmul.f32 v52, v44;
	v10 =	vadd.f32 v60, v35;
	v47 =	vld [tilespmem:s22+$0x5790];
	v8 =	vadd.f32 v61, v8  }
0x11b: {  	(xrf2) =	vadd.scan.msk.f32 $0xffff, v15;
	v34 =	vadd.f32 v57, v34;
	v51 =	vmul.f32 v52, v52;
	v62 =	vmul.f32 v50, v50;
	v50 =	vld [tilespmem:s22+$0x9790]  }
0x11c: {  	(xrf2) =	vadd.scan.msk.f32 $0xffff, v16;
	v54 =	vmul.f32 v56, v56;
	v58 =	vmul.f32 v36, v40;
	v10 =	vadd.f32 v41, v10  }
0x11d: {  	(xrf2) =	vadd.scan.msk.f32 $0xffff, v17;
	v35 =	vmul.f32 v43, v43;
	v9 =	vadd.f32 v62, v9;
	v52 =	vmul.f32 v59, v56  }
0x11e: {  	v57 =	vmul.f32 v59, v59;
	v10 =	vadd.f32 v46, v10;
	v11 =	vadd.f32 v49, v8;
	v8, _, _ =	vpop (xrf2);
	(xrf2) =	vadd.scan.msk.f32 $0xffff, v18  }
0x11f: {  	v59 =	vld [tilespmem:s22+$0x57B0];
	v16 =	vmul.f32 v53, v53;
	v12 =	vadd.f32 v51, v9;
	v51 =	vmul.f32 v55, v55;
	v15, _, _ =	vpop (xrf2);
	(xrf2) =	vadd.scan.msk.f32 $0xffff, v19  }
0x120: {  	v62 =	vld [tilespmem:s22+$0x97B0];
	v56 =	vmul.f32 v63, v43;
	v61 =	vmul.f32 v50, v47;
	v10 =	vadd.f32 v52, v10;
	v39, _, _ =	vpop (xrf2);
	(xrf2) =	vadd.scan.msk.f32 $0xffff, v20  }
0x121: {  	v14 =	vadd.f32 v45, v33;
	v63 =	vmul.f32 v63, v63;
	v13 =	vmul.f32 v50, v50;
	v9, _, _ =	vpop (xrf2);
	(xrf2) =	vadd.scan.msk.f32 $0xffff, v21  }
0x122: {  	v48 =	vld [tilespmem:s22+$0x97C0];
	v45 =	vmul.f32 v47, v47;
	v17 =	vadd.f32 v54, v11;
	v60 =	vadd.f32 $0.0e+00, v56;
	v38, _, _ =	vpop (xrf2);
	(xrf2) =	vadd.scan.msk.f32 $0xffff, v22  }
0x123: {  	v46 =	vld [tilespmem:s22+$0x57C0];
	v12 =	vadd.f32 v57, v12;
	v54 =	vmul.f32 v40, v40;
	v11 =	vadd.f32 v13, v63;
	v43, _, _ =	vpop (xrf2);
	(xrf2) =	vadd.scan.msk.f32 $0xffff, v23  }
0x124: {  	v49 =	vld [tilespmem:s22+$0x57D0];
	v47 =	vmul.f32 v55, v53;
	v18 =	vadd.f32 v58, v10;
	v20 =	vadd.f32 v61, v60;
	v10, _, _ =	vpop (xrf2);
	(xrf2) =	vadd.scan.msk.f32 $0xffff, v24  }
0x125: {  	v52 =	vld [tilespmem:s22+$0x97D0];
	v53 =	vmul.f32 v62, v59;
	v17 =	vadd.f32 v54, v17;
	v21 =	vadd.f32 v45, v35;
	v24, _, _ =	vpop (xrf2);
	(xrf2) =	vadd.scan.msk.f32 $0xffff, v25  }
0x126: {  	v19 =	vmul.f32 v59, v59;
	v56 =	vld [tilespmem:s22+$0x57E0];
	v12 =	vadd.f32 v42, v12;
	v50 =	vadd.f32 v47, v20;
	v25, _, _ =	vpop (xrf2);
	(xrf2) =	vadd.scan.msk.f32 $0xffff, v26  }
0x127: {  	v55 =	vmul.f32 v62, v62;
	v58 =	vld [tilespmem:s22+$0x97E0];
	v16 =	vadd.f32 v16, v21;
	v20 =	vadd.f32 v51, v11;
	v11, _, _ =	vpop (xrf2);
	(xrf2) =	vadd.scan.msk.f32 $0xffff, v27  }
0x128: {  	v63 =	vld [tilespmem:s22+$0x97F0];
	v15 =	vbroadcast v15, $0xF;
	v57 =	vmul.f32 v48, v46;
	v13 =	vadd.f32 v53, v50;
	v27, _, _ =	vpop (xrf2);
	(xrf2) =	vadd.scan.msk.f32 $0xffff, v28  }
0x129: {  	v59 =	vmul.f32 v46, v46;
	v60 =	vmul.f32 v48, v48;
	v61 =	vld [tilespmem:s22+$0x57F0];
	v16 =	vadd.f32 v19, v16;
	v40, _, _ =	vpop (xrf2);
	(xrf2) =	vadd.scan.msk.f32 $0xffff, v29  }
0x12a: {  	v62 =	vmul.f32 v52, v49;
	v20 =	vadd.f32 v55, v20;
	v13 =	vadd.f32 v57, v13;
	v29, _, _ =	vpop (xrf2);
	(xrf2) =	vadd.scan.msk.f32 $0xffff, v30  }
0x12b: {  	v23 =	vmul.f32 v49, v49;
	v44 =	vmul.f32 v52, v52;
	v16 =	vadd.f32 v59, v16;
	v41, _, _ =	vpop (xrf2);
	(xrf2) =	vadd.scan.msk.f32 $0xffff, v31  }
0x12c: {  	v46 =	vmul.f32 v58, v56;
	v20 =	vadd.f32 v60, v20;
	v13 =	vadd.f32 v62, v13;
	v45, _, _ =	vpop (xrf2);
	(xrf2) =	vadd.scan.msk.f32 $0xffff, v32  }
0x12d: {  	v47 =	vmul.f32 v56, v56;
	v48 =	vmul.f32 v58, v58;
	v16 =	vadd.f32 v23, v16;
	v32, _, _ =	vpop (xrf2);
	(xrf2) =	vadd.scan.msk.f32 $0xffff, v34  }
0x12e: {  	v51 =	vmul.f32 v63, v61;
	v19 =	vadd.f32 v44, v20;
	v13 =	vadd.f32 v46, v13;
	v49, _, _ =	vpop (xrf2);
	(xrf2) =	vadd.scan.msk.f32 $0xffff, v14  }
0x12f: {  	v6 =	vsel vm4, v6, v15;
	v54 =	vmul.f32 v61, v61;
	v50 =	vadd.f32 v47, v16;
	v52, _, _ =	vpop (xrf2);
	(xrf2) =	vadd.scan.msk.f32 $0xffff, v18  }
0x130: {  	v56 =	vmul.f32 v63, v63;
	v53 =	vadd.f32 v48, v19;
	v13 =	vadd.f32 v51, v13;
	v20, _, _ =	vpop (xrf2);
	(xrf2) =	vadd.scan.msk.f32 $0xffff, v17  }
0x131: {  	v55 =	vbroadcast v39, $0xF;
	v59 =	vbroadcast v38, $0xF;
	v58 =	vadd.f32 v54, v50;
	v57, _, _ =	vpop (xrf2);
	(xrf2) =	vadd.scan.msk.f32 $0xffff, v12  }
0x132: {  	v63 =	vbroadcast v24, $0xF;
	v62 =	vbroadcast v43, $0xF;
	v60 =	vadd.f32 v56, v53;
	v61, _, _ =	vpop (xrf2);
	(xrf2) =	vadd.scan.msk.f32 $0xffff, v13  }
0x133: {  	v7 =	vsel vm4, v7, v55;
	v6 =	vsel vm5, v6, v59;
	v30 =	vbroadcast v25, $0xF;
	v14, _, _ =	vpop (xrf2);
	(xrf2) =	vadd.scan.msk.f32 $0xffff, v58  }
0x134: {  	v33 =	vbroadcast v40, $0xF;
	v7 =	vsel vm5, v7, v62;
	v31 =	vbroadcast v27, $0xF;
	v34, _, _ =	vpop (xrf2);
	(xrf2) =	vadd.scan.msk.f32 $0xffff, v60  }
0x135: {  	v6 =	vsel vm6, v6, v63;
	v7 =	vsel vm6, v7, v30;
	v36 =	vbroadcast v41, $0xF;
	v35, _, _ =	vpop (xrf2)  }
0x136: {  	v6 =	vsel vm7, v6, v31;
	v7 =	vsel vm7, v7, v33;
	v38 =	vbroadcast v45, $0xF;
	v37, _, _ =	vpop (xrf2)  }
0x137: {  	v6 =	vsel vm8, v6, v36;
	v40 =	vbroadcast v49, $0xF;
	v41 =	vbroadcast v52, $0xF;
	v39, _, _ =	vpop (xrf2)  }
0x138: {  	v7 =	vsel vm8, v7, v38;
	v43 =	vbroadcast v57, $0xF;
	v44 =	vbroadcast v61, $0xF;
	v42, _, _ =	vpop (xrf2)  }
0x139: {  	v6 =	vsel vm9, v6, v40;
	v7 =	vsel vm9, v7, v41;
	v46 =	vbroadcast v34, $0xF;
	v45, _, _ =	vpop (xrf2)  }
0x13a: {  	v6 =	vsel vm10, v6, v43;
	v7 =	vsel vm10, v7, v44;
	v48 =	vbroadcast v35, $0xF;
	v47, _, _ =	vpop (xrf2)  }
0x13b: {  	v6 =	vsel vm11, v6, v46;
	v50 =	vbroadcast v39, $0xF;
	v51 =	vbroadcast v42, $0xF;
	v49, _, _ =	vpop (xrf2)  }
0x13c: {  	v7 =	vsel vm11, v7, v48;
	v53 =	vbroadcast v47, $0xF;
	v52, _, _ =	vpop (xrf2);
	v15 =	vbroadcast v49, $0xF  }
0x13d: {  	v6 =	vsel vm12, v6, v50;
	v7 =	vsel vm12, v7, v51;
	v54, _, _ =	vpop (xrf2)  }
0x13e: {  	v6 =	vsel vm13, v6, v53;
	v7 =	vsel vm13, v7, v15;
	v55, _, _ =	vpop (xrf2)  }
0x13f: {  	v6 =	vsel vm14, v6, v54;
	v7 =	vsel vm14, v7, v55  }
0x140: {  	v6 =	vmul.f32 v7, v6;
	_ =	sdelay $0x1  }
0x141: {  	v7 =	vshra.s32 v6, $0x1;
	v56 =	vmul.f32 $5.000000000e-01, v6  }
0x142: {  	v7 =	vsub.s32 $0x5F3759DF, v7  }
0x143: {  	v57 =	vmul.f32 v7, v56;
	_ =	sdelay $0x1  }
0x144: {  	v13 =	vmul.f32 v7, v57;
	_ =	sdelay $0x1  }
0x145: {  	v13 =	vsub.f32 $1.500000000e+00, v13;
	_ =	sdelay $0x1  }
0x146: {  	v7 =	vmul.f32 v7, v13;
	_ =	sdelay $0x1  }
0x147: {  	v13 =	vmul.f32 v7, v56;
	_ =	sdelay $0x1  }
0x148: {  	v13 =	vmul.f32 v13, v7;
	_ =	sdelay $0x1  }
0x149: {  	v13 =	vsub.f32 $1.500000000e+00, v13;
	_ =	sdelay $0x1  }
0x14a: {  	v7 =	vmul.f32 v13, v7  }
0x14b: {  	v1 =	vbroadcast v1, $0xF  }
0x14c: {  	v2 =	vbroadcast v2, $0xF;
	v13 =	vmul.f32 v7, v56  }
0x14d: {  	v3 =	vbroadcast v3, $0xF  }
0x14e: {  	v1 =	vsel vm0, v1, v2;
	v2 =	vbroadcast v4, $0xF;
	v58 =	vmul.f32 v13, v7  }
0x14f: {  	v1 =	vsel vm1, v1, v3;
	v3 =	vbroadcast v5, $0xF  }
0x150: {  	v1 =	vsel vm2, v1, v2;
	v2 =	vbroadcast v8, $0xF;
	v4 =	vsub.f32 $1.500000000e+00, v58  }
0x151: {  	v1 =	vsel vm3, v1, v3;
	v3 =	vbroadcast v9, $0xF  }
0x152: {  	v1 =	vsel vm4, v1, v2;
	v59 =	vbroadcast v10, $0xF;
	v2 =	vmul.f32 v4, v7  }
0x153: {  	v1 =	vsel vm5, v1, v3;
	v3 =	vbroadcast v11, $0xF  }
0x154: {  	v1 =	vsel vm6, v1, v59;
	v60 =	vbroadcast v29, $0xF;
	v61 =	vmul.f32 v2, v56  }
0x155: {  	v1 =	vsel vm7, v1, v3;
	v3 =	vbroadcast v32, $0xF  }
0x156: {  	v62 =	vbroadcast v20, $0xF;
	v1 =	vsel vm8, v1, v60;
	v5 =	vmul.f32 v61, v2  }
0x157: {  	v1 =	vsel vm9, v1, v3;
	v3 =	vbroadcast v14, $0xF  }
0x158: {  	v63 =	vbroadcast v37, $0xF;
	v1 =	vsel vm10, v1, v62;
	v5 =	vsub.f32 $1.500000000e+00, v5  }
0x159: {  	v1 =	vsel vm11, v1, v3;
	v3 =	vbroadcast v45, $0xF  }
0x15a: {  	p0 =	sne.s32 s21, $0x7;
	v1 =	vsel vm12, v1, v63;
	v2 =	vmul.f32 v5, v2  }
.Ltmp0:
0x15b: {  	v1 =	vsel vm13, v1, v3;
	vm15 =	vlt.f32 v6, $9.999999960e-13;
	(pc) =	sbr.rel @p0 .LBB2_3-.Ltmp0, $4  }
0x15c: {  	v1 =	vsel vm14, v1, v52;
	v2 =	vsel vm15, $0x49742400, v2  }
0x15d: {  	s31 =	sshll.u32 s21, $0x4;
	v1 =	vmul.f32 v2, v1  }
0x15e: {  	s22 =	sand.u32 $0x3FFFFFF0, s31  }
0x15f: {  	s21 =	sadd.s32 $0x1, s21;
	[tilespmem:v0+s22+$0x0 ss:$0x1] =	vst.idx.msk $0xffff, v1  }
0x160: {  	s20 =	sadd.s32 $0x1, s20  }
0x161: {  	p0 =	sne.s32 s20, $0x50  }
.Ltmp1:
0x162: {  	_ = 	snop;
	(pc) =	sbr.rel @p0 .LBB2_2-.Ltmp1, $1  }
0x163: {  	_ =	sdelay $0x3  }
0x164: {  	s20 =	simm.s32 $0x0  }
0x165: {  	[hbm4b:s6+s20] =	stream.linear.scatter [tilespmem:s18], [sflag:$0x3], $0x2800, $0x38;
	[tilespmem:$0xF800] =	vst v63  }
0x166: {  	_ =	swait.ge [sflag:s11], $0x2800  }
0x167: {  	[sflag:s11] =	ssyncset.done $0x0  }
0x168: {  	[sflag:s11] =	ssyncadd.s32 $0xFFFFD800  }
0x169: {  	[tilespmem:s20], [sflag:$0x3] =	stream.linear.gather [hbm4b:s7+s20], $0x2800, $0x38;
	[tilespmem:$0xF800] =	vst v63  }
0x16a: {  	_ =	swait.ge [sflag:s11], $0x2800  }
0x16b: {  	[sflag:s11] =	ssyncset.done $0x0  }
0x16c: {  	[sflag:s11] =	ssyncadd.s32 $0xFFFFD800  }
0x16d: {  	[tilespmem:s12], [sflag:$0x3] =	stream.linear.gather [hbm4b:s8+s20], $0x2800, $0x38;
	[tilespmem:$0xF800] =	vst v63  }
0x16e: {  	_ =	swait.ge [sflag:s11], $0x2800  }
0x16f: {  	[sflag:s11] =	ssyncset.done $0x0  }
0x170: {  	[sflag:s11] =	ssyncadd.s32 $0xFFFFD800  }
.LBB2_6:
0x171: {  	s21 =	sshll.u32 s20, $0x7  }
0x172: {  	[tilespmem:s14], [sflag:$0x1] =	stream.indirect.gather [hbm4b:s2+s13], $0x80, s21, s13, $0xb8;
	[tilespmem:$0xF800] =	vst v63  }
0x173: {  	s22 =	sadd.s32 $0x2800, s21  }
0x174: {  	[tilespmem:s15], [sflag:$0x2] =	stream.indirect.gather [hbm4b:s2+s13], $0x80, s22, s13, $0xb8;
	[tilespmem:$0xF800] =	vst v63  }
0x175: {  	_ =	swait.ge [sflag:s16], $0x4000  }
0x176: {  	[sflag:s16] =	ssyncset.done $0x0  }
0x177: {  	[sflag:s16] =	ssyncadd.s32 $0xFFFFC000  }
0x178: {  	_ =	swait.ge [sflag:s17], $0x4000  }
0x179: {  	s21 =	sadd.s32 $0xD000, s21;
	[sflag:s17] =	ssyncset.done $0x0  }
0x17a: {  	v0 =	vmov s21;
	s21 =	simm.s32 $0x0;
	[sflag:s17] =	ssyncadd.s32 $0xFFFFC000  }
.LBB2_7:
0x17b: {  	s22 =	sshll.u32 s21, $0xB  }
0x17c: {  	v1 =	vld [tilespmem:s22+$0x5000]  }
0x17d: {  	v2 =	vld [tilespmem:s22+$0x9000]  }
0x17e: {  	v3 =	vld [tilespmem:s22+$0x5010]  }
0x17f: {  	v4 =	vld [tilespmem:s22+$0x9010]  }
0x180: {  	v5 =	vld [tilespmem:s22+$0x5020]  }
0x181: {  	v6 =	vld [tilespmem:s22+$0x9020]  }
0x182: {  	v7 =	vld [tilespmem:s22+$0x5030]  }
0x183: {  	v8 =	vld [tilespmem:s22+$0x9030]  }
0x184: {  	v9 =	vld [tilespmem:s22+$0x5040]  }
0x185: {  	v10 =	vld [tilespmem:s22+$0x9040]  }
0x186: {  	v12 =	vld [tilespmem:s22+$0x5050]  }
0x187: {  	v13 =	vld [tilespmem:s22+$0x9050]  }
0x188: {  	v15 =	vld [tilespmem:s22+$0x5060]  }
0x189: {  	v16 =	vld [tilespmem:s22+$0x9060]  }
0x18a: {  	v17 =	vld [tilespmem:s22+$0x5080]  }
0x18b: {  	v41 =	vld [tilespmem:s22+$0x9080];
	v11 =	vmul.f32 v2, v1  }
0x18c: {  	v44 =	vld [tilespmem:s22+$0x5090];
	v1 =	vmul.f32 v1, v1;
	v14 =	vmul.f32 v4, v3  }
0x18d: {  	v46 =	vld [tilespmem:s22+$0x9090];
	v3 =	vmul.f32 v3, v3;
	v2 =	vmul.f32 v2, v2  }
0x18e: {  	v48 =	vld [tilespmem:s22+$0x50A0];
	v4 =	vmul.f32 v4, v4;
	v36 =	vmul.f32 v5, v5  }
0x18f: {  	v51 =	vld [tilespmem:s22+$0x90A0];
	v37 =	vmul.f32 v6, v6;
	v39 =	vmul.f32 v8, v7  }
0x190: {  	v53 =	vld [tilespmem:s22+$0x50B0];
	v40 =	vmul.f32 v7, v7;
	v42 =	vmul.f32 v8, v8  }
0x191: {  	v55 =	vld [tilespmem:s22+$0x90B0];
	v43 =	vmul.f32 v10, v9;
	v45 =	vmul.f32 v9, v9  }
0x192: {  	v58 =	vld [tilespmem:s22+$0x50C0];
	v47 =	vmul.f32 v10, v10;
	v49 =	vmul.f32 v13, v12  }
0x193: {  	v18 =	vld [tilespmem:s22+$0x90C0];
	v50 =	vmul.f32 v12, v12;
	v52 =	vmul.f32 v13, v13  }
0x194: {  	v19 =	vld [tilespmem:s22+$0x50D0];
	v54 =	vmul.f32 v16, v15;
	v56 =	vmul.f32 v15, v15  }
0x195: {  	v20 =	vld [tilespmem:s22+$0x90D0];
	v57 =	vmul.f32 v16, v16;
	v59 =	vmul.f32 v41, v17  }
0x196: {  	v26 =	vld [tilespmem:s22+$0x9100];
	v60 =	vmul.f32 v46, v44;
	v9 =	vmul.f32 v46, v46  }
0x197: {  	v30 =	vld [tilespmem:s22+$0x9110];
	v63 =	vmul.f32 v51, v48;
	v8 =	vmul.f32 v48, v48  }
0x198: {  	v22 =	vmul.f32 v51, v51;
	v23 =	vmul.f32 v55, v53  }
0x199: {  	v35 =	vld [tilespmem:s22+$0x5070];
	v25 =	vmul.f32 v53, v53;
	v10 =	vmul.f32 v55, v55  }
0x19a: {  	v38 =	vld [tilespmem:s22+$0x9070];
	v27 =	vmul.f32 v18, v58;
	v29 =	vmul.f32 v58, v58  }
0x19b: {  	v28 =	vld [tilespmem:s22+$0x5110];
	v31 =	vmul.f32 v18, v18;
	v32 =	vmul.f32 v20, v19  }
0x19c: {  	v24 =	vld [tilespmem:s22+$0x5100];
	v12 =	vmul.f32 v26, v26;
	v51 =	vmul.f32 v30, v30;
	v11 =	vadd.f32 $0.0e+00, v11  }
0x19d: {  	v61 =	vld [tilespmem:s22+$0x50E0];
	v34 =	vmul.f32 v19, v19;
	v1 =	vadd.f32 v3, v1;
	v2 =	vadd.f32 v4, v2  }
0x19e: {  	v62 =	vld [tilespmem:s22+$0x90E0];
	v3 =	vmul.f32 v6, v5;
	v4 =	vadd.f32 $0.0e+00, v59;
	v12 =	vadd.f32 v51, v12  }
0x19f: {  	v21 =	vld [tilespmem:s22+$0x50F0];
	v5 =	vmul.f32 v41, v41;
	v11 =	vadd.f32 v14, v11;
	v1 =	vadd.f32 v36, v1  }
0x1a0: {  	v46 =	vmul.f32 v30, v28;
	v59 =	vld [tilespmem:s22+$0x5180];
	v2 =	vadd.f32 v37, v2;
	v4 =	vadd.f32 v60, v4  }
0x1a1: {  	v48 =	vmul.f32 v24, v24;
	v5 =	vadd.f32 v9, v5;
	v9 =	vld [tilespmem:s22+$0x90F0];
	v3 =	vadd.f32 v3, v11  }
0x1a2: {  	v6 =	vmul.f32 v38, v38;
	v37 =	vld [tilespmem:s22+$0x5130];
	v1 =	vadd.f32 v40, v1;
	v2 =	vadd.f32 v42, v2  }
0x1a3: {  	v41 =	vmul.f32 v26, v24;
	v4 =	vadd.f32 v63, v4;
	v5 =	vadd.f32 v22, v5;
	v22 =	vld [tilespmem:s22+$0x5120]  }
0x1a4: {  	v36 =	vmul.f32 v20, v20;
	v42 =	vld [tilespmem:s22+$0x5140];
	v3 =	vadd.f32 v39, v3;
	v1 =	vadd.f32 v45, v1  }
0x1a5: {  	v11 =	vmul.f32 v44, v44;
	v44 =	vld [tilespmem:s22+$0x9140];
	v2 =	vadd.f32 v47, v2;
	v4 =	vadd.f32 v23, v4  }
0x1a6: {  	v40 =	vmul.f32 v62, v62;
	v63 =	vld [tilespmem:s22+$0x5190];
	v5 =	vadd.f32 v10, v5;
	v45 =	vadd.f32 $0.0e+00, v41  }
0x1a7: {  	v18 =	vmul.f32 v59, v59;
	v39 =	vld [tilespmem:s22+$0x9130];
	v3 =	vadd.f32 v43, v3;
	v1 =	vadd.f32 v50, v1  }
0x1a8: {  	v47 =	vld [tilespmem:s22+$0x5150];
	v2 =	vadd.f32 v52, v2;
	v4 =	vadd.f32 v27, v4;
	v43 =	vmul.f32 v9, v21  }
0x1a9: {  	v23 =	vld [tilespmem:s22+$0x9160];
	v5 =	vadd.f32 v31, v5;
	v21 =	vmul.f32 v21, v21;
	v9 =	vmul.f32 v9, v9  }
0x1aa: {  	v50 =	vld [tilespmem:s22+$0x9150];
	v60 =	vmul.f32 v44, v42;
	v27 =	vmul.f32 v44, v44;
	v7 =	vadd.f32 v56, v1  }
0x1ab: {  	v52 =	vld [tilespmem:s22+$0x5160];
	v15 =	vadd.f32 v57, v2;
	v1 =	vmul.f32 v38, v35;
	v2 =	vmul.f32 v35, v35  }
0x1ac: {  	v31 =	vld [tilespmem:s22+$0x51A0];
	v3 =	vadd.f32 v49, v3;
	v38 =	vmul.f32 v62, v61;
	v49 =	vmul.f32 v28, v28  }
0x1ad: {  	v35 =	vld [tilespmem:s22+$0x9120];
	v4 =	vadd.f32 v32, v4;
	v57 =	vmul.f32 v37, v37;
	v62 =	vmul.f32 v42, v42  }
0x1ae: {  	v5 =	vadd.f32 v36, v5;
	v56 =	vld [tilespmem:s22+$0x9170];
	v55 =	vmul.f32 v39, v37;
	v58 =	vmul.f32 v39, v39  }
0x1af: {  	v42 =	vld [tilespmem:s22+$0x91C0];
	v30 =	vmul.f32 v47, v47;
	v37 =	vmul.f32 v23, v23;
	v3 =	vadd.f32 v54, v3  }
0x1b0: {  	v2 =	vadd.f32 v2, v7;
	v4 =	vadd.f32 v38, v4;
	v54 =	vld [tilespmem:s22+$0x5170];
	v28 =	vmul.f32 v50, v47  }
0x1b1: {  	v5 =	vadd.f32 v40, v5;
	v38 =	vld [tilespmem:s22+$0x91B0];
	v32 =	vmul.f32 v50, v50;
	v16 =	vmul.f32 v52, v52  }
0x1b2: {  	v47 =	vmul.f32 v31, v31;
	v50 =	vld [tilespmem:s22+$0x51F0];
	v1 =	vadd.f32 v1, v3;
	v3 =	vmul.f32 v17, v17  }
0x1b3: {  	v17 =	vmul.f32 v61, v61;
	v4 =	vadd.f32 v43, v4;
	v61 =	vld [tilespmem:s22+$0x9180];
	v10 =	vmul.f32 v35, v35  }
0x1b4: {  	v5 =	vadd.f32 v9, v5;
	v53 =	vmul.f32 v35, v22;
	v35 =	vld [tilespmem:s22+$0x51B0];
	v3 =	vadd.f32 v11, v3  }
0x1b5: {  	v40 =	vld [tilespmem:s22+$0x51C0];
	v43 =	vmul.f32 v63, v63;
	v22 =	vmul.f32 v22, v22;
	v10 =	vadd.f32 v10, v12  }
0x1b6: {  	v41 =	vmul.f32 v56, v54;
	v14 =	vmul.f32 v54, v54;
	v3 =	vadd.f32 v8, v3  }
0x1b7: {  	(xrf2) =	vadd.scan.msk.f32 $0xffff, v1;
	v11 =	vmul.f32 v38, v38;
	v8 =	vadd.f32 v46, v45;
	v1 =	vmul.f32 v50, v50  }
0x1b8: {  	v54 =	vld [tilespmem:s22+$0x9200];
	v10 =	vadd.f32 v58, v10;
	v39 =	vmul.f32 v61, v59;
	v7 =	vadd.f32 v25, v3  }
0x1b9: {  	v45 =	vld [tilespmem:s22+$0x91D0];
	v3 =	vadd.f32 v6, v15;
	v8 =	vadd.f32 v53, v8;
	v51 =	vmul.f32 v35, v35  }
0x1ba: {  	v59 =	vld [tilespmem:s22+$0x9210];
	v53 =	vmul.f32 v42, v40;
	v10 =	vadd.f32 v27, v10;
	v12 =	vadd.f32 $0.0e+00, v39  }
0x1bb: {  	v25 =	vld [tilespmem:s22+$0x51D0];
	v33 =	vadd.f32 v29, v7;
	v7 =	vadd.f32 v49, v48;
	v49 =	vmul.f32 v38, v35  }
0x1bc: {  	v26 =	vld [tilespmem:s22+$0x51E0];
	v8 =	vadd.f32 v55, v8;
	v55 =	vmul.f32 v56, v56;
	v56 =	vmul.f32 v42, v42  }
0x1bd: {  	(xrf2) =	vadd.scan.msk.f32 $0xffff, v2;
	v29 =	vld [tilespmem:s22+$0x9190];
	v2 =	vmul.f32 v54, v54;
	v36 =	vadd.f32 v32, v10;
	v10 =	vadd.f32 v43, v18  }
0x1be: {  	v48 =	vld [tilespmem:s22+$0x91E0];
	v19 =	vmul.f32 v45, v45;
	v6 =	vadd.f32 v34, v33;
	v7 =	vadd.f32 v22, v7  }
0x1bf: {  	v38 =	vld [tilespmem:s22+$0x9240];
	(xrf2) =	vadd.scan.msk.f32 $0xffff, v3;
	v8 =	vadd.f32 v60, v8;
	v34 =	vmul.f32 v23, v52;
	v3 =	vmul.f32 v59, v59  }
0x1c0: {  	v32 =	vld [tilespmem:s22+$0x5230];
	v9 =	vadd.f32 v37, v36;
	v10 =	vadd.f32 v47, v10;
	v58 =	vmul.f32 v45, v25  }
0x1c1: {  	v33 =	vld [tilespmem:s22+$0x91A0];
	v60 =	vmul.f32 v25, v25;
	v6 =	vadd.f32 v17, v6;
	v7 =	vadd.f32 v57, v7  }
0x1c2: {  	v52 =	vld [tilespmem:s22+$0x5200];
	v8 =	vadd.f32 v28, v8;
	v2 =	vadd.f32 v3, v2;
	v24 =	vmul.f32 v29, v63  }
0x1c3: {  	v17 =	vld [tilespmem:s22+$0x91F0];
	v44 =	vmul.f32 v29, v29;
	v10 =	vadd.f32 v51, v10;
	v9 =	vadd.f32 v55, v9  }
0x1c4: {  	v57 =	vld [tilespmem:s22+$0x5210];
	v20 =	vmul.f32 v48, v48;
	v6 =	vadd.f32 v21, v6;
	v21 =	vmul.f32 v61, v61  }
0x1c5: {  	v28 =	vld [tilespmem:s22+$0x5240];
	v7 =	vadd.f32 v62, v7;
	v62 =	vmul.f32 v48, v26;
	v45 =	vmul.f32 v32, v32  }
0x1c6: {  	v63 =	vld [tilespmem:s22+$0x9220];
	v8 =	vadd.f32 v34, v8;
	v46 =	vmul.f32 v33, v31;
	v13 =	vmul.f32 v33, v33  }
0x1c7: {  	v51 =	vld [tilespmem:s22+$0x9270];
	v12 =	vadd.f32 v24, v12;
	v31 =	vmul.f32 v54, v52;
	v33 =	vmul.f32 v26, v26  }
0x1c8: {  	v61 =	vld [tilespmem:s22+$0x5220];
	v36 =	vmul.f32 v52, v52;
	v7 =	vadd.f32 v30, v7;
	v8 =	vadd.f32 v41, v8  }
0x1c9: {  	v34 =	vld [tilespmem:s22+$0x9230];
	v15 =	vadd.f32 v44, v21;
	v35 =	vmul.f32 v17, v50;
	v27 =	vmul.f32 v59, v57  }
0x1ca: {  	v48 =	vld [tilespmem:s22+$0x5270];
	v12 =	vadd.f32 v46, v12;
	v37 =	vmul.f32 v57, v57;
	v47 =	vmul.f32 v38, v28  }
0x1cb: {  	v50 =	vmul.f32 v28, v28;
	v55 =	vmul.f32 v17, v17;
	v7 =	vadd.f32 v16, v7  }
0x1cc: {  	v44 =	vld [tilespmem:s22+$0x5260];
	v13 =	vadd.f32 v13, v15;
	v16 =	vmul.f32 v40, v40;
	v12 =	vadd.f32 v49, v12  }
0x1cd: {  	v46 =	vld [tilespmem:s22+$0x9260];
	v39 =	vmul.f32 v63, v61;
	v41 =	vmul.f32 v61, v61;
	v7 =	vadd.f32 v14, v7  }
0x1ce: {  	v43 =	vmul.f32 v34, v32;
	v11 =	vadd.f32 v11, v13;
	v10 =	vadd.f32 v16, v10  }
0x1cf: {  	v59 =	vmul.f32 v51, v48;
	v13 =	vadd.f32 $0.0e+00, v31;
	v14 =	vadd.f32 v37, v36  }
0x1d0: {  	v42 =	vld [tilespmem:s22+$0x9250];
	v12 =	vadd.f32 v53, v12;
	v53 =	vmul.f32 v63, v63;
	v11 =	vadd.f32 v56, v11  }
0x1d1: {  	v40 =	vld [tilespmem:s22+$0x5250];
	v57 =	vmul.f32 v44, v44;
	v10 =	vadd.f32 v60, v10;
	v13 =	vadd.f32 v27, v13  }
0x1d2: {  	v14 =	vadd.f32 v41, v14;
	v56 =	vmul.f32 v46, v44;
	v60 =	vmul.f32 v48, v48  }
0x1d3: {  	v23 =	vld [tilespmem:s22+$0x52F0];
	v37 =	vmul.f32 v46, v46;
	v12 =	vadd.f32 v58, v12;
	v2 =	vadd.f32 v53, v2  }
0x1d4: {  	v29 =	vld [tilespmem:s22+$0x5310];
	v58 =	vmul.f32 v34, v34;
	v11 =	vadd.f32 v19, v11;
	v10 =	vadd.f32 v33, v10  }
0x1d5: {  	v63 =	vld [tilespmem:s22+$0x9280];
	v41 =	vmul.f32 v51, v51;
	v13 =	vadd.f32 v39, v13;
	v12 =	vadd.f32 v62, v12  }
0x1d6: {  	(xrf2) =	vadd.scan.msk.f32 $0xffff, v4;
	v61 =	vld [tilespmem:s22+$0x5280];
	v52 =	vmul.f32 v42, v40;
	v2 =	vadd.f32 v58, v2;
	v11 =	vadd.f32 v20, v11  }
0x1d7: {  	(xrf2) =	vadd.scan.msk.f32 $0xffff, v6;
	v34 =	vld [tilespmem:s22+$0x9290];
	v62 =	vmul.f32 v38, v38;
	v49 =	vadd.f32 v1, v10;
	v1 =	vadd.f32 v45, v14  }
0x1d8: {  	(xrf2) =	vadd.scan.msk.f32 $0xffff, v5;
	v33 =	vmul.f32 v42, v42;
	v42 =	vld [tilespmem:s22+$0x92B0];
	v13 =	vadd.f32 v43, v13;
	v12 =	vadd.f32 v35, v12  }
0x1d9: {  	(xrf2) =	vadd.scan.msk.f32 $0xffff, v8;
	v31 =	vld [tilespmem:s22+$0x5290];
	v54 =	vmul.f32 v40, v40;
	v4 =	vadd.f32 v62, v2;
	v1 =	vadd.f32 v50, v1  }
0x1da: {  	(xrf2) =	vadd.scan.msk.f32 $0xffff, v7;
	v35 =	vld [tilespmem:s22+$0x52A0];
	v62 =	vmul.f32 v63, v63;
	v3 =	vadd.f32 v47, v13;
	v8 =	vadd.f32 v55, v11  }
0x1db: {  	(xrf2) =	vadd.scan.msk.f32 $0xffff, v9;
	v55 =	vmul.f32 v63, v61;
	v63 =	vld [tilespmem:s22+$0x9300];
	v4 =	vadd.f32 v33, v4;
	v1 =	vadd.f32 v54, v1  }
0x1dc: {  	v38 =	vld [tilespmem:s22+$0x92A0];
	v10 =	vmul.f32 v61, v61;
	(xrf2) =	vadd.scan.msk.f32 $0xffff, v12;
	v12 =	vmul.f32 v34, v34  }
0x1dd: {  	v44 =	vld [tilespmem:s22+$0x52C0];
	v14 =	vmul.f32 v42, v42;
	v3 =	vadd.f32 v52, v3;
	v4 =	vadd.f32 v37, v4  }
0x1de: {  	v46 =	vld [tilespmem:s22+$0x92C0];
	v33 =	vadd.f32 v12, v62;
	v62 =	vmul.f32 v29, v29;
	v5 =	vadd.f32 v57, v1  }
0x1df: {  	v3 =	vadd.f32 v56, v3;
	v13 =	vmul.f32 v35, v35;
	v11 =	vadd.f32 v41, v4;
	v41 =	vld [tilespmem:s22+$0x9320];
	v1, _, _ =	vpop (xrf2)  }
0x1e0: {  	v40 =	vld [tilespmem:s22+$0x52B0];
	(xrf2) =	vadd.scan.msk.f32 $0xffff, v49;
	v26 =	vmul.f32 v63, v63;
	v5 =	vadd.f32 v60, v5;
	v60 =	vmul.f32 v34, v31;
	v30, _, _ =	vpop (xrf2)  }
0x1e1: {  	v47 =	vld [tilespmem:s22+$0x52D0];
	v3 =	vadd.f32 v59, v3;
	v34 =	vmul.f32 v38, v38;
	(xrf2) =	vadd.scan.msk.f32 $0xffff, v8;
	v8 =	vmul.f32 v31, v31;
	v32, _, _ =	vpop (xrf2)  }
0x1e2: {  	v49 =	vld [tilespmem:s22+$0x92D0];
	v7 =	vbroadcast v30, $0xF;
	v2, _, _ =	vpop (xrf2);
	v9 =	vbroadcast v32, $0xF  }
0x1e3: {  	(xrf2) =	vadd.scan.msk.f32 $0xffff, v3;
	v8 =	vadd.f32 v8, v10;
	v32 =	vmul.f32 v38, v35;
	v35 =	vld [tilespmem:s22+$0x9310];
	v38 =	vmul.f32 v44, v44;
	v36, _, _ =	vpop (xrf2)  }
0x1e4: {  	v27 =	vld [tilespmem:s22+$0x92F0];
	(xrf2) =	vadd.scan.msk.f32 $0xffff, v5;
	v17 =	vmul.f32 v41, v41;
	v39, _, _ =	vpop (xrf2);
	v5 =	vbroadcast v36, $0xF  }
0x1e5: {  	v53 =	vld [tilespmem:s22+$0x52E0];
	v8 =	vadd.f32 v13, v8;
	v36 =	vmul.f32 v42, v40;
	v40 =	vmul.f32 v40, v40;
	v3, _, _ =	vpop (xrf2)  }
0x1e6: {  	v61 =	vld [tilespmem:s22+$0x5300];
	v42 =	vmul.f32 v46, v46;
	v16 =	vbroadcast v39, $0xF;
	v43, _, _ =	vpop (xrf2);
	v5 =	vsel vm0, v7, v5  }
0x1e7: {  	v37 =	vld [tilespmem:s22+$0x5320];
	v8 =	vadd.f32 v40, v8;
	v45, _, _ =	vpop (xrf2);
	v18 =	vbroadcast v43, $0xF;
	v43 =	vmul.f32 v49, v47  }
0x1e8: {  	v56 =	vld [tilespmem:s22+$0x92E0];
	v9 =	vsel vm0, v9, v16;
	v15 =	vmul.f32 v35, v35;
	v50 =	vbroadcast v45, $0xF  }
0x1e9: {  	v31 =	vld [tilespmem:s22+$0x9380];
	v4, _, _ =	vpop (xrf2);
	v8 =	vadd.f32 v38, v8;
	v45 =	vmul.f32 v47, v47;
	v54 =	vsel vm1, v5, v18  }
0x1ea: {  	v30 =	vld [tilespmem:s22+$0x5370];
	v48, _, _ =	vpop (xrf2);
	(xrf2) =	vadd.scan.msk.f32 $0xffff, v11;
	v18 =	vadd.f32 $0.0e+00, v55;
	v11 =	vmul.f32 v49, v49;
	v49 =	vmul.f32 v53, v53  }
0x1eb: {  	v47 =	vld [tilespmem:s22+$0x5350];
	v55 =	vmul.f32 v27, v23;
	v23 =	vmul.f32 v23, v23;
	v15 =	vadd.f32 v15, v26  }
0x1ec: {  	v51 =	vbroadcast v48, $0xF;
	v52, _, _ =	vpop (xrf2);
	v7 =	vsel vm1, v9, v50;
	v9 =	vadd.f32 v34, v33;
	v50 =	vld [tilespmem:s22+$0x9350]  }
0x1ed: {  	v8 =	vadd.f32 v45, v8;
	v48 =	vmul.f32 v56, v53;
	v53 =	vld [tilespmem:s22+$0x5360];
	v58 =	vbroadcast v52, $0xF  }
0x1ee: {  	v33 =	vld [tilespmem:s22+$0x53F0];
	v5, _, _ =	vpop (xrf2);
	v18 =	vadd.f32 v60, v18;
	v52 =	vmul.f32 v63, v61;
	v60 =	vmul.f32 v35, v29  }
0x1ef: {  	v61 =	vmul.f32 v61, v61;
	v29 =	vld [tilespmem:s22+$0x9370];
	v57 =	vsel vm2, v54, v51;
	v59, _, _ =	vpop (xrf2);
	v9 =	vadd.f32 v14, v9  }
0x1f0: {  	v63 =	vld [tilespmem:s22+$0x5380];
	v51 =	vmul.f32 v56, v56;
	v54 =	vadd.f32 v49, v8;
	v20 =	vbroadcast v59, $0xF  }
0x1f1: {  	v7 =	vsel vm2, v7, v58;
	v10 =	vadd.f32 v32, v18;
	v58 =	vld [tilespmem:s22+$0x5330];
	v59 =	vadd.f32 $0.0e+00, v52  }
0x1f2: {  	v18 =	vmul.f32 v37, v37;
	v13 =	vmul.f32 v47, v47;
	v9 =	vadd.f32 v42, v9;
	v42 =	vld [tilespmem:s22+$0x53A0]  }
0x1f3: {  	v6 =	vsel vm3, v57, v20;
	v10 =	vadd.f32 v36, v10;
	v57 =	vmul.f32 v46, v44;
	v44 =	vld [tilespmem:s22+$0x5340]  }
0x1f4: {  	v46 =	vld [tilespmem:s22+$0x9340];
	v36 =	vmul.f32 v41, v37;
	v45 =	vmul.f32 v50, v50;
	v9 =	vadd.f32 v11, v9  }
0x1f5: {  	v37 =	vld [tilespmem:s22+$0x5390];
	v25 =	vmul.f32 v53, v53;
	v52 =	vmul.f32 v31, v63;
	v10 =	vadd.f32 v57, v10  }
0x1f6: {  	v32 =	vld [tilespmem:s22+$0x9390];
	v11 =	vadd.f32 v51, v9;
	v9 =	vadd.f32 v60, v59;
	v41 =	vmul.f32 v58, v58  }
0x1f7: {  	v34 =	vld [tilespmem:s22+$0x5410];
	v19 =	vadd.f32 $0.0e+00, v52;
	v39, _, _ =	vpop (xrf2);
	v10 =	vadd.f32 v43, v10;
	v43 =	vmul.f32 v27, v27  }
0x1f8: {  	v59 =	vld [tilespmem:s22+$0x93A0];
	v28 =	vmul.f32 v42, v42;
	v20 =	vbroadcast v39, $0xF;
	v16 =	vadd.f32 v36, v9  }
0x1f9: {  	v39 =	vld [tilespmem:s22+$0x9330];
	v60 =	vmul.f32 v44, v44;
	v38 =	vmul.f32 v46, v46;
	v10 =	vadd.f32 v48, v10  }
0x1fa: {  	v56 =	vld [tilespmem:s22+$0x9360];
	v9 =	vadd.f32 v23, v54;
	v54 =	vmul.f32 v29, v30;
	v26 =	vmul.f32 v37, v37  }
0x1fb: {  	v51 =	vld [tilespmem:s22+$0x93D0];
	v36 =	vmul.f32 v32, v32;
	v30 =	vmul.f32 v30, v30;
	v8 =	vadd.f32 v55, v10  }
0x1fc: {  	v52 =	vld [tilespmem:s22+$0x9450];
	v10 =	vadd.f32 v62, v61;
	v55 =	vmul.f32 v63, v63;
	v62 =	vmul.f32 v32, v37  }
0x1fd: {  	v48 =	vld [tilespmem:s22+$0x53D0];
	v63 =	vmul.f32 v31, v31;
	v37 =	vmul.f32 v59, v42  }
0x1fe: {  	v15 =	vadd.f32 v17, v15;
	v61 =	vld [tilespmem:s22+$0x53B0];
	v40 =	vmul.f32 v39, v58;
	v14 =	vmul.f32 v39, v39  }
0x1ff: {  	v7 =	vsel vm3, v7, v20;
	v42 =	vld [tilespmem:s22+$0x9410];
	v58 =	vmul.f32 v46, v44;
	v39 =	vmul.f32 v50, v47  }
0x200: {  	v10 =	vadd.f32 v18, v10;
	v44 =	vld [tilespmem:s22+$0x53C0];
	v47 =	vmul.f32 v56, v53;
	v50 =	vmul.f32 v56, v56  }
0x201: {  	v46 =	vld [tilespmem:s22+$0x93C0];
	v19 =	vadd.f32 v62, v19;
	v23 =	vadd.f32 v26, v55;
	v18 =	vmul.f32 v59, v59  }
0x202: {  	v59 =	vld [tilespmem:s22+$0x9420];
	v55 =	vmul.f32 v33, v33;
	v57 =	vadd.f32 v40, v16;
	v10 =	vadd.f32 v41, v10  }
0x203: {  	v53 =	vld [tilespmem:s22+$0x53E0];
	v62 =	vmul.f32 v48, v48;
	v14 =	vadd.f32 v14, v15;
	v19 =	vadd.f32 v37, v19  }
0x204: {  	v56 =	vld [tilespmem:s22+$0x93E0];
	v23 =	vadd.f32 v28, v23;
	v16 =	vmul.f32 v51, v51;
	v17 =	vmul.f32 v61, v61  }
0x205: {  	v40 =	vld [tilespmem:s22+$0x93B0];
	v28 =	vmul.f32 v42, v42;
	v12 =	vadd.f32 v58, v57;
	v10 =	vadd.f32 v60, v10  }
0x206: {  	v35 =	vld [tilespmem:s22+$0x5420];
	v14 =	vadd.f32 v38, v14;
	v57 =	vmul.f32 v46, v44;
	v15 =	vmul.f32 v44, v44  }
0x207: {  	v27 =	vld [tilespmem:s22+$0x9480];
	v58 =	vadd.f32 v17, v23;
	v20 =	vmul.f32 v46, v46;
	v17 =	vmul.f32 v59, v59  }
0x208: {  	v32 =	vld [tilespmem:s22+$0x93F0];
	v23 =	vmul.f32 v52, v52;
	v13 =	vadd.f32 v13, v10;
	v10 =	vadd.f32 v43, v11  }
0x209: {  	v37 =	vld [tilespmem:s22+$0x5480];
	v49 =	vadd.f32 v45, v14;
	v43 =	vmul.f32 v29, v29;
	v45 =	vmul.f32 v56, v53  }
0x20a: {  	v38 =	vld [tilespmem:s22+$0x5400];
	v12 =	vadd.f32 v39, v12;
	v41 =	vmul.f32 v40, v61;
	v21 =	vmul.f32 v40, v40  }
0x20b: {  	v60 =	vld [tilespmem:s22+$0x5430];
	v61 =	vmul.f32 v51, v48;
	v48 =	vmul.f32 v56, v56  }
0x20c: {  	v46 =	vld [tilespmem:s22+$0x9440];
	v56 =	vmul.f32 v42, v34;
	v12 =	vadd.f32 v47, v12;
	v13 =	vadd.f32 v25, v13  }
0x20d: {  	v39 =	vld [tilespmem:s22+$0x9400];
	v42 =	vmul.f32 v59, v35;
	v14 =	vadd.f32 v50, v49;
	v19 =	vadd.f32 v41, v19  }
0x20e: {  	v47 =	vmul.f32 v53, v53;
	v49 =	vld [tilespmem:s22+$0x5450];
	v11 =	vadd.f32 v54, v12;
	v12 =	vadd.f32 v36, v63  }
0x20f: {  	v53 =	vmul.f32 v32, v33;
	v33 =	vld [tilespmem:s22+$0x9580];
	v40 =	vmul.f32 v38, v38;
	v19 =	vadd.f32 v57, v19  }
0x210: {  	v41 =	vmul.f32 v34, v34;
	v63 =	vld [tilespmem:s22+$0x9430];
	v18 =	vadd.f32 v18, v12;
	v12 =	vadd.f32 v30, v13  }
0x211: {  	v35 =	vmul.f32 v35, v35;
	v54 =	vld [tilespmem:s22+$0x5460];
	v13 =	vadd.f32 v15, v58;
	v15 =	vadd.f32 v61, v19  }
0x212: {  	v57 =	vld [tilespmem:s22+$0x9460];
	v31 =	vmul.f32 v39, v39;
	v19 =	vadd.f32 v41, v40;
	v18 =	vadd.f32 v21, v18  }
0x213: {  	v34 =	vld [tilespmem:s22+$0x5470];
	v51 =	vmul.f32 v39, v38;
	v44 =	vadd.f32 v62, v13;
	v13 =	vadd.f32 v43, v14  }
0x214: {  	v36 =	vld [tilespmem:s22+$0x9470];
	v58 =	vmul.f32 v60, v60;
	v43 =	vadd.f32 v28, v31;
	v50 =	vadd.f32 v45, v15  }
0x215: {  	v38 =	vld [tilespmem:s22+$0x54E0];
	v61 =	vmul.f32 v32, v32;
	v15 =	vadd.f32 $0.0e+00, v51;
	v19 =	vadd.f32 v35, v19  }
0x216: {  	v45 =	vld [tilespmem:s22+$0x5490];
	v59 =	vmul.f32 v63, v63;
	v22 =	vmul.f32 v54, v54;
	v18 =	vadd.f32 v20, v18  }
0x217: {  	v20 =	vld [tilespmem:s22+$0x5440];
	v17 =	vadd.f32 v17, v43;
	v43 =	vmul.f32 v52, v49;
	v51 =	vmul.f32 v57, v57  }
0x218: {  	v40 =	vld [tilespmem:s22+$0x94A0];
	v52 =	vmul.f32 v27, v37;
	v14 =	vadd.f32 v53, v50;
	v30 =	vadd.f32 v56, v15  }
0x219: {  	v35 =	vld [tilespmem:s22+$0x54F0];
	v27 =	vmul.f32 v27, v27;
	v16 =	vadd.f32 v16, v18;
	v18 =	vadd.f32 v47, v44  }
0x21a: {  	v50 =	vld [tilespmem:s22+$0x94C0];
	v44 =	vmul.f32 v63, v60;
	v17 =	vadd.f32 v59, v17;
	v31 =	vadd.f32 $0.0e+00, v52  }
0x21b: {  	v60 =	vld [tilespmem:s22+$0x9490];
	v26 =	vadd.f32 v42, v30;
	v42 =	vmul.f32 v46, v46;
	v15 =	vadd.f32 v55, v18  }
0x21c: {  	v63 =	vld [tilespmem:s22+$0x54A0];
	v18 =	vadd.f32 v58, v19;
	v58 =	vmul.f32 v45, v45;
	v62 =	vmul.f32 v46, v20  }
0x21d: {  	v47 =	vld [tilespmem:s22+$0x94B0];
	v16 =	vadd.f32 v48, v16;
	v39 =	vmul.f32 v20, v20;
	v46 =	vmul.f32 v49, v49  }
0x21e: {  	v52 =	vld [tilespmem:s22+$0x9530];
	v26 =	vadd.f32 v44, v26;
	v49 =	vmul.f32 v57, v54;
	v54 =	vmul.f32 v36, v34  }
0x21f: {  	v48 =	vld [tilespmem:s22+$0x54C0];
	v17 =	vadd.f32 v42, v17;
	v57 =	vmul.f32 v37, v37;
	v34 =	vmul.f32 v34, v34  }
0x220: {  	v44 =	vld [tilespmem:s22+$0x54B0];
	v20 =	vmul.f32 v40, v40;
	v36 =	vmul.f32 v36, v36;
	v16 =	vadd.f32 v61, v16  }
0x221: {  	v53 =	vld [tilespmem:s22+$0x54D0];
	v41 =	vadd.f32 v62, v26;
	v56 =	vmul.f32 v60, v45;
	v25 =	vmul.f32 v60, v60  }
0x222: {  	v55 =	vld [tilespmem:s22+$0x94D0];
	v18 =	vadd.f32 v39, v18;
	v42 =	vmul.f32 v40, v63;
	v32 =	vmul.f32 v63, v63  }
0x223: {  	v59 =	vld [tilespmem:s22+$0x94E0];
	v17 =	vadd.f32 v23, v17;
	v24 =	vmul.f32 v47, v47;
	v26 =	vmul.f32 v52, v52  }
0x224: {  	v37 =	vld [tilespmem:s22+$0x94F0];
	v21 =	vadd.f32 v43, v41;
	v18 =	vadd.f32 v46, v18;
	v62 =	vmul.f32 v50, v48  }
0x225: {  	v61 =	vld [tilespmem:s22+$0x5510];
	v23 =	vadd.f32 v51, v17;
	v45 =	vmul.f32 v47, v44;
	v60 =	vmul.f32 v44, v44  }
0x226: {  	v63 =	vld [tilespmem:s22+$0x9510];
	v31 =	vadd.f32 v56, v31;
	v44 =	vmul.f32 v48, v48;
	v47 =	vmul.f32 v50, v50  }
0x227: {  	v25 =	vadd.f32 v25, v27;
	v43 =	vld [tilespmem:s22+$0x5500];
	v48 =	vmul.f32 v55, v53;
	v50 =	vmul.f32 v53, v53  }
0x228: {  	v46 =	vld [tilespmem:s22+$0x9500];
	v53 =	vmul.f32 v59, v38;
	v19 =	vadd.f32 v49, v21;
	v18 =	vadd.f32 v22, v18  }
0x229: {  	v39 =	vld [tilespmem:s22+$0x5540];
	v38 =	vmul.f32 v38, v38;
	v21 =	vadd.f32 v42, v31;
	v20 =	vadd.f32 v20, v25  }
0x22a: {  	v51 =	vld [tilespmem:s22+$0x5530];
	v22 =	vmul.f32 v55, v55;
	v29 =	vmul.f32 v61, v61;
	v17 =	vadd.f32 v54, v19  }
0x22b: {  	v40 =	vld [tilespmem:s22+$0x5560];
	v19 =	vadd.f32 v58, v57;
	v18 =	vadd.f32 v34, v18;
	v54 =	vmul.f32 v59, v59  }
0x22c: {  	v49 =	vld [tilespmem:s22+$0x9520];
	v21 =	vadd.f32 v45, v21;
	v58 =	vmul.f32 v37, v35;
	v35 =	vmul.f32 v35, v35  }
0x22d: {  	v41 =	vld [tilespmem:s22+$0x5580];
	v20 =	vadd.f32 v24, v20;
	v56 =	vmul.f32 v46, v43;
	v27 =	vmul.f32 v43, v43  }
0x22e: {  	v45 =	vld [tilespmem:s22+$0x5520];
	v43 =	vmul.f32 v37, v37;
	v19 =	vadd.f32 v32, v19;
	v21 =	vadd.f32 v62, v21  }
0x22f: {  	v57 =	vld [tilespmem:s22+$0x5550];
	v20 =	vadd.f32 v47, v20;
	v62 =	vmul.f32 v63, v63;
	v47 =	vmul.f32 v52, v51  }
0x230: {  	v59 =	vld [tilespmem:s22+$0x9550];
	v52 =	vmul.f32 v39, v39;
	v28 =	vadd.f32 $0.0e+00, v56;
	v27 =	vadd.f32 v29, v27  }
0x231: {  	v55 =	vld [tilespmem:s22+$0x9540];
	v31 =	vmul.f32 v49, v49;
	v19 =	vadd.f32 v60, v19;
	v21 =	vadd.f32 v48, v21  }
0x232: {  	v42 =	vld [tilespmem:s22+$0x5590];
	v20 =	vadd.f32 v22, v20;
	v60 =	vmul.f32 v63, v61;
	v61 =	vmul.f32 v46, v46  }
0x233: {  	v37 =	vld [tilespmem:s22+$0x9610];
	v46 =	vmul.f32 v49, v45;
	v25 =	vmul.f32 v45, v45;
	v19 =	vadd.f32 v44, v19  }
0x234: {  	v32 =	vld [tilespmem:s22+$0x9570];
	v49 =	vmul.f32 v51, v51;
	v21 =	vadd.f32 v53, v21;
	v22 =	vadd.f32 v54, v20  }
0x235: {  	v56 =	vld [tilespmem:s22+$0x95A0];
	v28 =	vadd.f32 v60, v28;
	v54 =	vmul.f32 v59, v57;
	v44 =	vmul.f32 v59, v59  }
0x236: {  	v63 =	vld [tilespmem:s22+$0x9560];
	v59 =	vmul.f32 v33, v41;
	v25 =	vadd.f32 v25, v27;
	v24 =	vadd.f32 v50, v19  }
0x237: {  	v45 =	vld [tilespmem:s22+$0x55B0];
	v33 =	vmul.f32 v33, v33;
	v19 =	vadd.f32 v36, v23;
	v20 =	vadd.f32 v58, v21  }
0x238: {  	v60 =	vld [tilespmem:s22+$0x95C0];
	v21 =	vadd.f32 v62, v61;
	v28 =	vadd.f32 v46, v28;
	v50 =	vmul.f32 v55, v39  }
0x239: {  	v23 =	vmul.f32 v55, v55;
	v55 =	vmul.f32 v57, v57;
	v58 =	vld [tilespmem:s22+$0x55C0];
	v22 =	vadd.f32 v43, v22  }
0x23a: {  	v57 =	vmul.f32 v40, v40;
	v27 =	vadd.f32 $0.0e+00, v59;
	v24 =	vadd.f32 v38, v24;
	v38 =	vld [tilespmem:s22+$0x5570]  }
0x23b: {  	v30 =	vmul.f32 v56, v56;
	v51 =	vadd.f32 v49, v25;
	v48 =	vadd.f32 v31, v21;
	v31 =	vld [tilespmem:s22+$0x9590]  }
0x23c: {  	v46 =	vmul.f32 v63, v40;
	v34 =	vmul.f32 v63, v63;
	v28 =	vadd.f32 v47, v28;
	v47 =	vld [tilespmem:s22+$0x95B0]  }
0x23d: {  	v43 =	vld [tilespmem:s22+$0x55F0];
	v59 =	vmul.f32 v60, v60;
	v21 =	vadd.f32 v35, v24;
	v26 =	vadd.f32 v26, v48  }
0x23e: {  	v63 =	vld [tilespmem:s22+$0x55D0];
	v53 =	vadd.f32 v50, v28;
	v24 =	vadd.f32 v52, v51;
	v50 =	vmul.f32 v41, v41  }
0x23f: {  	v49 =	vld [tilespmem:s22+$0x95D0];
	v51 =	vmul.f32 v42, v42;
	v23 =	vadd.f32 v23, v26;
	v62 =	vmul.f32 v32, v38  }
0x240: {  	v28 =	vld [tilespmem:s22+$0x55A0];
	v25 =	vadd.f32 v54, v53;
	v38 =	vmul.f32 v38, v38;
	v48 =	vmul.f32 v31, v42  }
0x241: {  	v36 =	vld [tilespmem:s22+$0x9600];
	v24 =	vadd.f32 v55, v24;
	v31 =	vmul.f32 v31, v31;
	v55 =	vmul.f32 v47, v45  }
0x242: {  	v52 =	vld [tilespmem:s22+$0x55E0];
	v29 =	vmul.f32 v47, v47;
	v32 =	vmul.f32 v32, v32;
	v23 =	vadd.f32 v44, v23  }
0x243: {  	v41 =	vld [tilespmem:s22+$0x5610];
	v24 =	vadd.f32 v57, v24;
	v57 =	vmul.f32 v60, v58;
	v58 =	vmul.f32 v58, v58  }
0x244: {  	v53 =	vld [tilespmem:s22+$0x95E0];
	v25 =	vadd.f32 v46, v25;
	v60 =	vmul.f32 v49, v63;
	v46 =	vmul.f32 v49, v49  }
0x245: {  	v49 =	vld [tilespmem:s22+$0x9630];
	v27 =	vadd.f32 v48, v27;
	v54 =	vmul.f32 v56, v28;
	v31 =	vadd.f32 v31, v33  }
0x246: {  	v28 =	vmul.f32 v28, v28;
	v33 =	vld [tilespmem:s22+$0x95F0];
	v61 =	vadd.f32 v34, v23;
	v23 =	vadd.f32 v62, v25  }
0x247: {  	v42 =	vld [tilespmem:s22+$0x56A0];
	v56 =	vmul.f32 v45, v45;
	v25 =	vadd.f32 v51, v50;
	v24 =	vadd.f32 v38, v24  }
0x248: {  	v48 =	vmul.f32 v52, v52;
	v38 =	vld [tilespmem:s22+$0x5600];
	v27 =	vadd.f32 v54, v27;
	v30 =	vadd.f32 v30, v31  }
0x249: {  	v44 =	vld [tilespmem:s22+$0x5620];
	v62 =	vmul.f32 v63, v63;
	v47 =	vmul.f32 v53, v52;
	v25 =	vadd.f32 v28, v25  }
0x24a: {  	v45 =	vld [tilespmem:s22+$0x9660];
	v51 =	vmul.f32 v53, v53;
	v27 =	vadd.f32 v55, v27;
	v29 =	vadd.f32 v29, v30  }
0x24b: {  	v63 =	vld [tilespmem:s22+$0x9620];
	v35 =	vmul.f32 v49, v49;
	v31 =	vadd.f32 v56, v25;
	v55 =	vmul.f32 v33, v43  }
0x24c: {  	v53 =	vld [tilespmem:s22+$0x5640];
	v25 =	vadd.f32 v32, v61;
	v43 =	vmul.f32 v43, v43;
	v33 =	vmul.f32 v33, v33  }
0x24d: {  	v32 =	vld [tilespmem:s22+$0x5630];
	v27 =	vadd.f32 v57, v27;
	v28 =	vadd.f32 v59, v29;
	v52 =	vmul.f32 v36, v38  }
0x24e: {  	v56 =	vld [tilespmem:s22+$0x9640];
	v57 =	vmul.f32 v38, v38;
	v36 =	vmul.f32 v36, v36;
	v61 =	vadd.f32 v58, v31  }
0x24f: {  	v59 =	vld [tilespmem:s22+$0x9650];
	v58 =	vmul.f32 v41, v41;
	v27 =	vadd.f32 v60, v27;
	v28 =	vadd.f32 v46, v28  }
0x250: {  	v31 =	vmul.f32 v63, v63;
	v50 =	vadd.f32 $0.0e+00, v52;
	v52 =	vld [tilespmem:s22+$0x5650];
	v26 =	vadd.f32 v62, v61  }
0x251: {  	v60 =	vld [tilespmem:s22+$0x5660];
	v61 =	vmul.f32 v63, v44;
	v44 =	vmul.f32 v44, v44;
	v27 =	vadd.f32 v47, v27  }
0x252: {  	v46 =	vld [tilespmem:s22+$0x9670];
	v28 =	vadd.f32 v51, v28;
	v51 =	vmul.f32 v37, v41;
	v37 =	vmul.f32 v37, v37  }
0x253: {  	v63 =	vmul.f32 v49, v32;
	v32 =	vmul.f32 v32, v32;
	v41 =	vld [tilespmem:s22+$0x56B0];
	v54 =	vadd.f32 v48, v26  }
0x254: {  	v49 =	vmul.f32 v56, v53;
	v48 =	vld [tilespmem:s22+$0x5680];
	v26 =	vadd.f32 v55, v27;
	v29 =	vadd.f32 v51, v50  }
0x255: {  	v53 =	vmul.f32 v53, v53;
	v27 =	vadd.f32 v58, v57;
	v36 =	vadd.f32 v37, v36;
	v37 =	vld [tilespmem:s22+$0x5670]  }
0x256: {  	v50 =	vld [tilespmem:s22+$0x9680];
	v55 =	vmul.f32 v56, v56;
	v28 =	vadd.f32 v33, v28;
	v56 =	vmul.f32 v59, v52  }
0x257: {  	v57 =	vld [tilespmem:s22+$0x9690];
	v58 =	vmul.f32 v45, v60;
	v29 =	vadd.f32 v61, v29;
	v62 =	vadd.f32 v44, v27  }
0x258: {  	v39 =	vmul.f32 v60, v60;
	v60 =	vld [tilespmem:s22+$0x96B0];
	v31 =	vadd.f32 v31, v36;
	v27 =	vadd.f32 v43, v54  }
0x259: {  	v54 =	vld [tilespmem:s22+$0x5690];
	v61 =	vmul.f32 v52, v52;
	v32 =	vadd.f32 v32, v62;
	v62 =	vmul.f32 v59, v59  }
0x25a: {  	v47 =	vld [tilespmem:s22+$0x56D0];
	v29 =	vadd.f32 v63, v29;
	v59 =	vmul.f32 v45, v45;
	v36 =	vmul.f32 v48, v48  }
0x25b: {  	v31 =	vadd.f32 v35, v31;
	v63 =	vld [tilespmem:s22+$0x96A0];
	v51 =	vmul.f32 v46, v37;
	v43 =	vmul.f32 v50, v50  }
0x25c: {  	v52 =	vld [tilespmem:s22+$0x96C0];
	v37 =	vmul.f32 v37, v37;
	v29 =	vadd.f32 v49, v29;
	v32 =	vadd.f32 v53, v32  }
0x25d: {  	v44 =	vld [tilespmem:s22+$0x5750];
	v30 =	vadd.f32 v55, v31;
	v55 =	vmul.f32 v57, v57;
	v33 =	vmul.f32 v60, v60  }
0x25e: {  	v45 =	vld [tilespmem:s22+$0x5720];
	v53 =	vmul.f32 v57, v54;
	v54 =	vmul.f32 v54, v54;
	v29 =	vadd.f32 v56, v29  }
0x25f: {  	v49 =	vld [tilespmem:s22+$0x56F0];
	v32 =	vadd.f32 v61, v32;
	v30 =	vadd.f32 v62, v30;
	v61 =	vmul.f32 v50, v48  }
0x260: {  	v62 =	vld [tilespmem:s22+$0x56C0];
	v38 =	vadd.f32 v55, v43;
	v50 =	vmul.f32 v41, v41;
	v57 =	vmul.f32 v63, v42  }
0x261: {  	v56 =	vld [tilespmem:s22+$0x96D0];
	v36 =	vadd.f32 v54, v36;
	v42 =	vmul.f32 v42, v42;
	v29 =	vadd.f32 v58, v29  }
0x262: {  	v48 =	vld [tilespmem:s22+$0x56E0];
	v34 =	vmul.f32 v63, v63;
	v32 =	vadd.f32 v39, v32;
	v31 =	vadd.f32 v59, v30  }
0x263: {  	v63 =	vmul.f32 v60, v41;
	v60 =	vld [tilespmem:s22+$0x9700];
	v35 =	vadd.f32 $0.0e+00, v61;
	v42 =	vadd.f32 v42, v36  }
0x264: {  	v54 =	vmul.f32 v47, v47;
	v58 =	vld [tilespmem:s22+$0x96E0];
	v34 =	vadd.f32 v34, v38;
	v29 =	vadd.f32 v51, v29  }
0x265: {  	v61 =	vmul.f32 v46, v46;
	v46 =	vld [tilespmem:s22+$0x9730];
	v35 =	vadd.f32 v53, v35;
	v30 =	vadd.f32 v37, v32  }
0x266: {  	v37 =	vld [tilespmem:s22+$0x96F0];
	v32 =	vadd.f32 v50, v42;
	v59 =	vmul.f32 v52, v62;
	v39 =	vmul.f32 v62, v62  }
0x267: {  	v51 =	vld [tilespmem:s22+$0x5700];
	v33 =	vadd.f32 v33, v34;
	v62 =	vmul.f32 v52, v52;
	v35 =	vadd.f32 v57, v35  }
0x268: {  	v53 =	vld [tilespmem:s22+$0x9710];
	v52 =	vmul.f32 v56, v47;
	v40 =	vmul.f32 v56, v56;
	v32 =	vadd.f32 v39, v32  }
0x269: {  	v56 =	vmul.f32 v48, v48;
	v33 =	vadd.f32 v62, v33;
	v35 =	vadd.f32 v63, v35;
	v63 =	vld [tilespmem:s22+$0x5710]  }
0x26a: {  	v36 =	vld [tilespmem:s22+$0x9770];
	v31 =	vadd.f32 v61, v31;
	v41 =	vmul.f32 v60, v60;
	v55 =	vmul.f32 v58, v48  }
0x26b: {  	v42 =	vld [tilespmem:s22+$0x9720];
	v57 =	vmul.f32 v58, v58;
	v32 =	vadd.f32 v54, v32;
	v33 =	vadd.f32 v40, v33  }
0x26c: {  	v40 =	vld [tilespmem:s22+$0x5730];
	v58 =	vmul.f32 v60, v51;
	v38 =	vmul.f32 v51, v51;
	v35 =	vadd.f32 v59, v35  }
0x26d: {  	v47 =	vld [tilespmem:s22+$0x5740];
	v39 =	vmul.f32 v53, v53;
	v59 =	vmul.f32 v37, v49;
	v34 =	vadd.f32 v56, v32  }
0x26e: {  	v50 =	vld [tilespmem:s22+$0x9740];
	v43 =	vadd.f32 $0.0e+00, v58;
	v35 =	vadd.f32 v52, v35;
	v60 =	vmul.f32 v53, v63  }
0x26f: {  	v33 =	vadd.f32 v57, v33;
	v56 =	vld [tilespmem:s22+$0x5760];
	v57 =	vmul.f32 v49, v49;
	v61 =	vmul.f32 v63, v63  }
0x270: {  	v52 =	vld [tilespmem:s22+$0x9750];
	v35 =	vadd.f32 v55, v35;
	v55 =	vmul.f32 v45, v45;
	v62 =	vadd.f32 v60, v43  }
0x271: {  	(xrf2) =	vadd.scan.msk.f32 $0xffff, v8;
	v53 =	vadd.f32 v61, v38;
	v60 =	vmul.f32 v46, v40;
	v61 =	vmul.f32 v40, v40;
	v40 =	vld [tilespmem:s22+$0x5770]  }
0x272: {  	(xrf2) =	vadd.scan.msk.f32 $0xffff, v9;
	v54 =	vadd.f32 v39, v41;
	v58 =	vmul.f32 v42, v42;
	v63 =	vmul.f32 v42, v45;
	v43 =	vld [tilespmem:s22+$0x5780]  }
0x273: {  	(xrf2) =	vadd.scan.msk.f32 $0xffff, v10;
	v41 =	vmul.f32 v50, v47;
	v32 =	vadd.f32 v59, v35;
	v59 =	vld [tilespmem:s22+$0x9760];
	v8 =	vadd.f32 v55, v53  }
0x274: {  	(xrf2) =	vadd.scan.msk.f32 $0xffff, v11;
	v35 =	vadd.f32 v63, v62;
	v62 =	vadd.f32 v58, v54;
	v63 =	vmul.f32 v46, v46;
	v53 =	vld [tilespmem:s22+$0x57A0]  }
0x275: {  	(xrf2) =	vadd.scan.msk.f32 $0xffff, v12;
	v49 =	vmul.f32 v44, v44;
	v55 =	vld [tilespmem:s22+$0x97A0];
	v8 =	vadd.f32 v61, v8;
	v61 =	vmul.f32 v47, v47  }
0x276: {  	(xrf2) =	vadd.scan.msk.f32 $0xffff, v13;
	v42 =	vmul.f32 v36, v36;
	v45 =	vmul.f32 v37, v37;
	v9 =	vadd.f32 v63, v62;
	v63 =	vld [tilespmem:s22+$0x9780]  }
0x277: {  	(xrf2) =	vadd.scan.msk.f32 $0xffff, v14;
	v46 =	vmul.f32 v52, v44;
	v10 =	vadd.f32 v60, v35;
	v47 =	vld [tilespmem:s22+$0x5790];
	v8 =	vadd.f32 v61, v8  }
0x278: {  	(xrf2) =	vadd.scan.msk.f32 $0xffff, v15;
	v34 =	vadd.f32 v57, v34;
	v51 =	vmul.f32 v52, v52;
	v62 =	vmul.f32 v50, v50;
	v50 =	vld [tilespmem:s22+$0x9790]  }
0x279: {  	(xrf2) =	vadd.scan.msk.f32 $0xffff, v16;
	v54 =	vmul.f32 v56, v56;
	v58 =	vmul.f32 v36, v40;
	v10 =	vadd.f32 v41, v10  }
0x27a: {  	(xrf2) =	vadd.scan.msk.f32 $0xffff, v17;
	v35 =	vmul.f32 v43, v43;
	v9 =	vadd.f32 v62, v9;
	v52 =	vmul.f32 v59, v56  }
0x27b: {  	v57 =	vmul.f32 v59, v59;
	v10 =	vadd.f32 v46, v10;
	v11 =	vadd.f32 v49, v8;
	v8, _, _ =	vpop (xrf2);
	(xrf2) =	vadd.scan.msk.f32 $0xffff, v18  }
0x27c: {  	v59 =	vld [tilespmem:s22+$0x57B0];
	v16 =	vmul.f32 v53, v53;
	v12 =	vadd.f32 v51, v9;
	v51 =	vmul.f32 v55, v55;
	v15, _, _ =	vpop (xrf2);
	(xrf2) =	vadd.scan.msk.f32 $0xffff, v19  }
0x27d: {  	v62 =	vld [tilespmem:s22+$0x97B0];
	v56 =	vmul.f32 v63, v43;
	v61 =	vmul.f32 v50, v47;
	v10 =	vadd.f32 v52, v10;
	v39, _, _ =	vpop (xrf2);
	(xrf2) =	vadd.scan.msk.f32 $0xffff, v20  }
0x27e: {  	v14 =	vadd.f32 v45, v33;
	v63 =	vmul.f32 v63, v63;
	v13 =	vmul.f32 v50, v50;
	v9, _, _ =	vpop (xrf2);
	(xrf2) =	vadd.scan.msk.f32 $0xffff, v21  }
0x27f: {  	v48 =	vld [tilespmem:s22+$0x97C0];
	v45 =	vmul.f32 v47, v47;
	v17 =	vadd.f32 v54, v11;
	v60 =	vadd.f32 $0.0e+00, v56;
	v38, _, _ =	vpop (xrf2);
	(xrf2) =	vadd.scan.msk.f32 $0xffff, v22  }
0x280: {  	v46 =	vld [tilespmem:s22+$0x57C0];
	v12 =	vadd.f32 v57, v12;
	v54 =	vmul.f32 v40, v40;
	v11 =	vadd.f32 v13, v63;
	v43, _, _ =	vpop (xrf2);
	(xrf2) =	vadd.scan.msk.f32 $0xffff, v23  }
0x281: {  	v49 =	vld [tilespmem:s22+$0x57D0];
	v47 =	vmul.f32 v55, v53;
	v18 =	vadd.f32 v58, v10;
	v20 =	vadd.f32 v61, v60;
	v10, _, _ =	vpop (xrf2);
	(xrf2) =	vadd.scan.msk.f32 $0xffff, v24  }
0x282: {  	v52 =	vld [tilespmem:s22+$0x97D0];
	v53 =	vmul.f32 v62, v59;
	v17 =	vadd.f32 v54, v17;
	v21 =	vadd.f32 v45, v35;
	v24, _, _ =	vpop (xrf2);
	(xrf2) =	vadd.scan.msk.f32 $0xffff, v25  }
0x283: {  	v19 =	vmul.f32 v59, v59;
	v56 =	vld [tilespmem:s22+$0x57E0];
	v12 =	vadd.f32 v42, v12;
	v50 =	vadd.f32 v47, v20;
	v25, _, _ =	vpop (xrf2);
	(xrf2) =	vadd.scan.msk.f32 $0xffff, v26  }
0x284: {  	v55 =	vmul.f32 v62, v62;
	v58 =	vld [tilespmem:s22+$0x97E0];
	v16 =	vadd.f32 v16, v21;
	v20 =	vadd.f32 v51, v11;
	v11, _, _ =	vpop (xrf2);
	(xrf2) =	vadd.scan.msk.f32 $0xffff, v27  }
0x285: {  	v63 =	vld [tilespmem:s22+$0x97F0];
	v15 =	vbroadcast v15, $0xF;
	v57 =	vmul.f32 v48, v46;
	v13 =	vadd.f32 v53, v50;
	v27, _, _ =	vpop (xrf2);
	(xrf2) =	vadd.scan.msk.f32 $0xffff, v28  }
0x286: {  	v59 =	vmul.f32 v46, v46;
	v60 =	vmul.f32 v48, v48;
	v61 =	vld [tilespmem:s22+$0x57F0];
	v16 =	vadd.f32 v19, v16;
	v40, _, _ =	vpop (xrf2);
	(xrf2) =	vadd.scan.msk.f32 $0xffff, v29  }
0x287: {  	v62 =	vmul.f32 v52, v49;
	v20 =	vadd.f32 v55, v20;
	v13 =	vadd.f32 v57, v13;
	v29, _, _ =	vpop (xrf2);
	(xrf2) =	vadd.scan.msk.f32 $0xffff, v30  }
0x288: {  	v23 =	vmul.f32 v49, v49;
	v44 =	vmul.f32 v52, v52;
	v16 =	vadd.f32 v59, v16;
	v41, _, _ =	vpop (xrf2);
	(xrf2) =	vadd.scan.msk.f32 $0xffff, v31  }
0x289: {  	v46 =	vmul.f32 v58, v56;
	v20 =	vadd.f32 v60, v20;
	v13 =	vadd.f32 v62, v13;
	v45, _, _ =	vpop (xrf2);
	(xrf2) =	vadd.scan.msk.f32 $0xffff, v32  }
0x28a: {  	v47 =	vmul.f32 v56, v56;
	v48 =	vmul.f32 v58, v58;
	v16 =	vadd.f32 v23, v16;
	v32, _, _ =	vpop (xrf2);
	(xrf2) =	vadd.scan.msk.f32 $0xffff, v34  }
0x28b: {  	v51 =	vmul.f32 v63, v61;
	v19 =	vadd.f32 v44, v20;
	v13 =	vadd.f32 v46, v13;
	v49, _, _ =	vpop (xrf2);
	(xrf2) =	vadd.scan.msk.f32 $0xffff, v14  }
0x28c: {  	v6 =	vsel vm4, v6, v15;
	v54 =	vmul.f32 v61, v61;
	v50 =	vadd.f32 v47, v16;
	v52, _, _ =	vpop (xrf2);
	(xrf2) =	vadd.scan.msk.f32 $0xffff, v18  }
0x28d: {  	v56 =	vmul.f32 v63, v63;
	v53 =	vadd.f32 v48, v19;
	v13 =	vadd.f32 v51, v13;
	v20, _, _ =	vpop (xrf2);
	(xrf2) =	vadd.scan.msk.f32 $0xffff, v17  }
0x28e: {  	v55 =	vbroadcast v39, $0xF;
	v59 =	vbroadcast v38, $0xF;
	v58 =	vadd.f32 v54, v50;
	v57, _, _ =	vpop (xrf2);
	(xrf2) =	vadd.scan.msk.f32 $0xffff, v12  }
0x28f: {  	v63 =	vbroadcast v24, $0xF;
	v62 =	vbroadcast v43, $0xF;
	v60 =	vadd.f32 v56, v53;
	v61, _, _ =	vpop (xrf2);
	(xrf2) =	vadd.scan.msk.f32 $0xffff, v13  }
0x290: {  	v7 =	vsel vm4, v7, v55;
	v6 =	vsel vm5, v6, v59;
	v30 =	vbroadcast v25, $0xF;
	v14, _, _ =	vpop (xrf2);
	(xrf2) =	vadd.scan.msk.f32 $0xffff, v58  }
0x291: {  	v33 =	vbroadcast v40, $0xF;
	v7 =	vsel vm5, v7, v62;
	v31 =	vbroadcast v27, $0xF;
	v34, _, _ =	vpop (xrf2);
	(xrf2) =	vadd.scan.msk.f32 $0xffff, v60  }
0x292: {  	v6 =	vsel vm6, v6, v63;
	v7 =	vsel vm6, v7, v30;
	v36 =	vbroadcast v41, $0xF;
	v35, _, _ =	vpop (xrf2)  }
0x293: {  	v6 =	vsel vm7, v6, v31;
	v7 =	vsel vm7, v7, v33;
	v38 =	vbroadcast v45, $0xF;
	v37, _, _ =	vpop (xrf2)  }
0x294: {  	v6 =	vsel vm8, v6, v36;
	v40 =	vbroadcast v49, $0xF;
	v41 =	vbroadcast v52, $0xF;
	v39, _, _ =	vpop (xrf2)  }
0x295: {  	v7 =	vsel vm8, v7, v38;
	v43 =	vbroadcast v57, $0xF;
	v44 =	vbroadcast v61, $0xF;
	v42, _, _ =	vpop (xrf2)  }
0x296: {  	v6 =	vsel vm9, v6, v40;
	v7 =	vsel vm9, v7, v41;
	v46 =	vbroadcast v34, $0xF;
	v45, _, _ =	vpop (xrf2)  }
0x297: {  	v6 =	vsel vm10, v6, v43;
	v7 =	vsel vm10, v7, v44;
	v48 =	vbroadcast v35, $0xF;
	v47, _, _ =	vpop (xrf2)  }
0x298: {  	v6 =	vsel vm11, v6, v46;
	v50 =	vbroadcast v39, $0xF;
	v51 =	vbroadcast v42, $0xF;
	v49, _, _ =	vpop (xrf2)  }
0x299: {  	v7 =	vsel vm11, v7, v48;
	v53 =	vbroadcast v47, $0xF;
	v52, _, _ =	vpop (xrf2);
	v15 =	vbroadcast v49, $0xF  }
0x29a: {  	v6 =	vsel vm12, v6, v50;
	v7 =	vsel vm12, v7, v51;
	v54, _, _ =	vpop (xrf2)  }
0x29b: {  	v6 =	vsel vm13, v6, v53;
	v7 =	vsel vm13, v7, v15;
	v55, _, _ =	vpop (xrf2)  }
0x29c: {  	v6 =	vsel vm14, v6, v54;
	v7 =	vsel vm14, v7, v55  }
0x29d: {  	v6 =	vmul.f32 v7, v6;
	_ =	sdelay $0x1  }
0x29e: {  	v7 =	vshra.s32 v6, $0x1;
	v56 =	vmul.f32 $5.000000000e-01, v6  }
0x29f: {  	v7 =	vsub.s32 $0x5F3759DF, v7  }
0x2a0: {  	v57 =	vmul.f32 v7, v56;
	_ =	sdelay $0x1  }
0x2a1: {  	v13 =	vmul.f32 v7, v57;
	_ =	sdelay $0x1  }
0x2a2: {  	v13 =	vsub.f32 $1.500000000e+00, v13;
	_ =	sdelay $0x1  }
0x2a3: {  	v7 =	vmul.f32 v7, v13;
	_ =	sdelay $0x1  }
0x2a4: {  	v13 =	vmul.f32 v7, v56;
	_ =	sdelay $0x1  }
0x2a5: {  	v13 =	vmul.f32 v13, v7;
	_ =	sdelay $0x1  }
0x2a6: {  	v13 =	vsub.f32 $1.500000000e+00, v13;
	_ =	sdelay $0x1  }
0x2a7: {  	v7 =	vmul.f32 v13, v7  }
0x2a8: {  	v1 =	vbroadcast v1, $0xF  }
0x2a9: {  	v2 =	vbroadcast v2, $0xF;
	v13 =	vmul.f32 v7, v56  }
0x2aa: {  	v3 =	vbroadcast v3, $0xF  }
0x2ab: {  	v1 =	vsel vm0, v1, v2;
	v2 =	vbroadcast v4, $0xF;
	v58 =	vmul.f32 v13, v7  }
0x2ac: {  	v1 =	vsel vm1, v1, v3;
	v3 =	vbroadcast v5, $0xF  }
0x2ad: {  	v1 =	vsel vm2, v1, v2;
	v2 =	vbroadcast v8, $0xF;
	v4 =	vsub.f32 $1.500000000e+00, v58  }
0x2ae: {  	v1 =	vsel vm3, v1, v3;
	v3 =	vbroadcast v9, $0xF  }
0x2af: {  	v1 =	vsel vm4, v1, v2;
	v59 =	vbroadcast v10, $0xF;
	v2 =	vmul.f32 v4, v7  }
0x2b0: {  	v1 =	vsel vm5, v1, v3;
	v3 =	vbroadcast v11, $0xF  }
0x2b1: {  	v1 =	vsel vm6, v1, v59;
	v60 =	vbroadcast v29, $0xF;
	v61 =	vmul.f32 v2, v56  }
0x2b2: {  	v1 =	vsel vm7, v1, v3;
	v3 =	vbroadcast v32, $0xF  }
0x2b3: {  	v62 =	vbroadcast v20, $0xF;
	v1 =	vsel vm8, v1, v60;
	v5 =	vmul.f32 v61, v2  }
0x2b4: {  	v1 =	vsel vm9, v1, v3;
	v3 =	vbroadcast v14, $0xF  }
0x2b5: {  	v63 =	vbroadcast v37, $0xF;
	v1 =	vsel vm10, v1, v62;
	v5 =	vsub.f32 $1.500000000e+00, v5  }
0x2b6: {  	v1 =	vsel vm11, v1, v3;
	v3 =	vbroadcast v45, $0xF  }
0x2b7: {  	p0 =	sne.s32 s21, $0x7;
	v1 =	vsel vm12, v1, v63;
	v2 =	vmul.f32 v5, v2  }
.Ltmp2:
0x2b8: {  	v1 =	vsel vm13, v1, v3;
	vm15 =	vlt.f32 v6, $9.999999960e-13;
	(pc) =	sbr.rel @p0 .LBB2_7-.Ltmp2, $4  }
0x2b9: {  	v1 =	vsel vm14, v1, v52;
	v2 =	vsel vm15, $0x49742400, v2  }
0x2ba: {  	s31 =	sshll.u32 s21, $0x4;
	v1 =	vmul.f32 v2, v1  }
0x2bb: {  	s22 =	sand.u32 $0x3FFFFFF0, s31  }
0x2bc: {  	s21 =	sadd.s32 $0x1, s21;
	[tilespmem:v0+s22+$0x0 ss:$0x1] =	vst.idx.msk $0xffff, v1  }
0x2bd: {  	s20 =	sadd.s32 $0x1, s20  }
0x2be: {  	p0 =	sne.s32 s20, $0x50  }
.Ltmp3:
0x2bf: {  	_ = 	snop;
	(pc) =	sbr.rel @p0 .LBB2_6-.Ltmp3, $1  }
0x2c0: {  	_ =	sdelay $0x3  }
0x2c1: {  	s19 =	sadd.s32 $0x1, s19  }
0x2c2: {  	p0 =	sne.s32 s19, s10  }
.Ltmp4:
0x2c3: {  	_ = 	snop;
	(pc) =	sbr.rel @p0 .LBB2_1-.Ltmp4, $4  }
0x2c4: {  	[hbm4b:s9+s3] =	stream.linear.scatter [tilespmem:s18], [sflag:$0x3], $0x2800, $0x38;
	[tilespmem:$0xF800] =	vst v63  }
0x2c5: {  	_ =	swait.ge [sflag:s11], $0x2800  }
0x2c6: {  	[sflag:s11] =	ssyncset.done $0x0  }
0x2c7: {  	[sflag:s11] =	ssyncadd.s32 $0xFFFFD800  }
0x2c8: {  	_ =	sfence.sel $0x180000  }
0x2c9: {  	[bflag:$0x0] =	sbarrier.arrive $0xFFFF  }
0x2ca: {  	p0 =	sne.s32 s0, $0x0;
	_ =	strace $0x90000047  }
0x2cb: {  	s0 =	sadd.s32 @!p0 $0x100000, s1;
	[bflag:$0x2] =	sbarrier.arrive $0xFFFF  }
0x2cc: {  	[sflag:s0] =	ssyncadd.tile.s32 @!p0 $0x1;
	_ =	shalt  }
.Lfunc_end2:
_tile_overlayer_lowered:
.L_overlay_start_2:
0x2cd: {  	(tag) =	ssettag $0x2  }
0x2ce: {  	s0 =	rddreg [dreg:$0x0];
	s2 =	stileid.u32  }
0x2cf: {  	s1 =	rddreg [dreg:$0x1];
	p0 =	sne.s32 s2, $0x0  }
0x2d0: {  	s3 =	rddreg [dreg:$0x2];
	[bflag:$0x3] =	sbarrier.arrive $0xFFFF;
	s2 =	simm.s32 @!p0 $0x1C03  }
0x2d1: {  	[timem:s3], [sflag:s2] =	dma.local @!p0 [hbm:s0], s1  }
0x2d2: {  	s0 =	simm.s32 @!p0 $0x3  }
0x2d3: {  	_ =	swait.ge @!p0 [sflag:s0], s1  }
0x2d4: {  	s1 =	ssub.s32 @!p0 $0x0, s1;
	[sflag:s0] =	ssyncset.done @!p0 $0x0  }
0x2d5: {  	[sflag:s0] =	ssyncadd.s32 @!p0 s1  }
0x2d6: {  	[bflag:$0x3] =	sbarrier.arrive $0xFFFF  }
0x2d7: {  	_ =	shalt  }

</sc_bundles>
